<compile_context>
chip_gen: v7x
topology: tpu7x:2x2x1
jax: 0.10.2.dev20260603
libtpu: 0.0.44.dev20260713+nightly
codegen_flags: <defaults>
</compile_context>

<pallas_src>
import functools

import jax
import jax.numpy as jnp
from jax import lax
from jax.experimental import pallas as pl
from jax.experimental.pallas import tpu as pltpu
from jax.experimental.pallas import tpu_sc as plsc

N_P = 16
PATCH = 96
HS = 128
WS = 128
HH = 1024
WH = 1024
CH = 3
NF = HS * WS
LANE = 16

TROW = 128
TPIMROW = WH * CH // TROW
WTAB = 4
PCHW = CH * PATCH * PATCH
SLAB_ROWS = PATCH * WTAB
ZROW = SLAB_ROWS


def _topk_kernel(att_ref, gum_ref, idx_ref, sa_ref, v_ref):
    att = att_ref[...]
    v_ref[...] = att + gum_ref[...]
    iota = jax.lax.broadcasted_iota(jnp.int32, att.shape, 1)
    for k in range(N_P):
        v = v_ref[...]
        m = jnp.max(v, axis=1, keepdims=True)
        idx = jnp.min(jnp.where(v == m, iota, NF), axis=1, keepdims=True)
        hit = iota == idx
        sa = jnp.sum(jnp.where(hit, att, 0.0), axis=1, keepdims=True)
        idx_ref[:, k : k + 1] = idx
        sa_ref[:, k : k + 1] = sa
        v_ref[...] = jnp.where(hit, -jnp.inf, v)


def _sc_patch_body(nc, pw, xh2, sflat, out_hbm, sidx_v, slab_v, out_v, sem):
    wid = lax.axis_index("s") * nc + lax.axis_index("c")
    lane = lax.iota(jnp.int32, LANE)

    zeros = jnp.zeros((LANE,), jnp.float32)
    for z in range(TROW // LANE):
        slab_v[ZROW, pl.ds(z * LANE, LANE)] = zeros

    base = pl.multiple_of((wid * pw // LANE) * LANE, 8)
    pltpu.sync_copy(sflat.at[pl.ds(base, LANE)], sidx_v)
    q = wid * pw - base

    for k in range(pw):
        pflat = wid * pw + k
        b = pflat // N_P
        sv = plsc.load_gather(sidx_v, [jnp.broadcast_to(q + k, (LANE,))])
        sxv = sv // WS
        syv = sv - sxv * WS
        r0v = sxv * 8 - 44
        c0v = syv * 8 - 44
        f0av = jnp.minimum(
            (3 * jnp.clip(c0v, 0, 928)) // TROW * TROW, WH * CH - WTAB * TROW
        )

        tcolv = f0av // TROW
        lrow = lane >> 2
        ltab = lane & (WTAB - 1)


        o0s = []
        cvs = []
        for jb in range(PATCH // LANE):
            col = c0v + jb * LANE + lane
            cvs.append((col >= 0) & (col < WH))
            o0s.append(jnp.clip(3 * col - f0av, 0, WTAB * TROW - 3))

        @plsc.parallel_loop(0, PATCH, unroll=2)
        def _row(i):
            riv = r0v + i
            rvv = (riv >= 0) & (riv < HH)
            for jb in range(PATCH // LANE):
                valid = cvs[jb] & rvv
                for ch in range(CH):
                    o = o0s[jb] + ch
                    idxr = jnp.where(valid, (o >> 7) + i * WTAB, ZROW)
                    idxc = o & (TROW - 1)
                    val = idxr.astype(jnp.float32) + idxc.astype(jnp.float32)
                    off = ch * PATCH * PATCH + i * PATCH + jb * LANE
                    out_v[pl.ds(pl.multiple_of(off, 8), LANE)] = val
        pltpu.sync_copy(
            out_v, out_hbm.at[pl.ds(pl.multiple_of(pflat * PCHW, 8), PCHW)]
        )


def kernel(x_low, x_high, attention):
    B = attention.shape[0]
    att2 = attention.reshape(B, NF)
    u = jax.random.uniform(jax.random.key(42), (B, NF), minval=1e-8, maxval=1.0)
    gum = -jnp.log(-jnp.log(u))

    sflat, sampled_att = pl.pallas_call(
        _topk_kernel,
        out_shape=[
            jax.ShapeDtypeStruct((B, N_P), jnp.int32),
            jax.ShapeDtypeStruct((B, N_P), jnp.float32),
        ],
        scratch_shapes=[pltpu.VMEM((B, NF), jnp.float32)],
    )(att2, gum)

    mesh = plsc.VectorSubcoreMesh(core_axis_name="c", subcore_axis_name="s")
    nw = mesh.num_cores * mesh.num_subcores
    pw = (B * N_P) // nw
    xh2 = jnp.zeros((B * HH * WH * CH // TROW, TROW), jnp.float32)

    sc_patches = pl.kernel(
        functools.partial(_sc_patch_body, mesh.num_cores, pw),
        out_type=jax.ShapeDtypeStruct((B * N_P * PCHW,), jnp.float32),
        mesh=mesh,
        scratch_types=[
            pltpu.VMEM((LANE,), jnp.int32),
            pltpu.VMEM((SLAB_ROWS + 1, TROW), jnp.float32),
            pltpu.VMEM((PCHW,), jnp.float32),
            pltpu.SemaphoreType.DMA,
        ],
        compiler_params=pltpu.CompilerParams(needs_layout_passes=False),
    )
    patches = sc_patches(xh2, sflat.reshape(-1))
    return patches.reshape(B, N_P, CH, PATCH, PATCH), sampled_att

# --- scband reference (transcript-rebuilt; emitter-appended) ---
"""Pipeline reference for scband-sample-patches-21706764714731 (READ-ONLY COPY).

The authoritative reference and input builder live on the scoring server;
editing this copy changes nothing except your own understanding.
"""

import jax, jax.numpy as jnp
import numpy as np

N_PATCHES = 16
PATCH = 96

def setup_inputs(seed: int = 0):
    key = jax.random.key(seed)
    k1, k2, k3 = jax.random.split(key, 3)
    x_low = jax.random.normal(k1, (8, 128, 128, 3), dtype=jnp.float32)
    x_high = jax.random.normal(k2, (8, 1024, 1024, 3), dtype=jnp.float32)
    attention = jax.random.normal(k3, (8, 128, 128), dtype=jnp.float32)
    return {"x_low": x_low, "x_high": x_high, "attention": attention}

def _forward(x_low, x_high, attention, gumbel):
    B = attention.shape[0]
    Hs, Ws = attention.shape[1], attention.shape[2]
    # sample without replacement via gumbel-max trick (use_logits=True)
    logits = attention.reshape(B, Hs * Ws)
    samples_flat = jax.lax.top_k(logits + gumbel, N_PATCHES)[1]  # [B, n_patches] int32
    # gather sampled attention values
    att_flat = attention.reshape(B, Hs * Ws)
    sampled_attention = jnp.take_along_axis(att_flat, samples_flat, axis=1)  # [B, n_patches]
    # unravel_index: (row, col)
    sx = samples_flat // Ws
    sy = samples_flat % Ws
    samples = jnp.stack([sx, sy], axis=-1)  # [B, n_patches, 2]
    # FromTensors.patches with offsets = 0, receptive_field = 0, fromlevel=0, tolevel=1
    shape_from = jnp.array([x_low.shape[1], x_low.shape[2]], jnp.float32)
    shape_to = jnp.array([x_high.shape[1], x_high.shape[2]], jnp.float32)
    scale_offsets = shape_to / shape_from
    previous_patch_size = shape_from  # x_low spatial shape minus rf(=0)
    space_available = previous_patch_size * scale_offsets
    steps = space_available / jnp.array([Hs, Ws], jnp.float32)
    patch_size = jnp.array([PATCH, PATCH], jnp.float32)
    offs = jnp.round(samples.astype(jnp.float32) * steps[None, None, :] + (steps / 2.0)[None, None, :] - (patch_size / 2.0)[None, None, :]).astype(jnp.int32)
    # extract_patches: NHWC -> NCHW, pad by patch/2, slice
    pad = PATCH // 2
    img = jnp.transpose(x_high, (0, 3, 1, 2))
    img = jnp.pad(img, ((0, 0), (0, 0), (pad, pad), (pad, pad)))
    offs = offs + pad
    C = img.shape[1]
    def one_patch(img_b, off):
        return jax.lax.dynamic_slice(img_b, (0, off[0], off[1]), (C, PATCH, PATCH))
    def per_batch(img_b, offs_b):
        return jax.vmap(lambda o: one_patch(img_b, o))(offs_b)
    patches = jax.vmap(per_batch)(img, offs)  # [B, n_patches, C, PATCH, PATCH]
    return patches, sampled_attention

def reference(x_low, x_high, attention):
    B = attention.shape[0]
    n_flat = attention.shape[1] * attention.shape[2]
    u = jax.random.uniform(jax.random.key(42), (B, n_flat), minval=1e-8, maxval=1.0)
    gumbel = -jnp.log(-jnp.log(u))
    return _forward(x_low, x_high, attention, gumbel)

if __name__ == "__main__":
    import jax
    _d = setup_inputs()
    print(jax.jit(kernel)(*tuple(_d.values())))

</pallas_src>

<mosaic_0001>
#map = affine_map<(d0, d1) -> (0, 0)>
#map1 = affine_map<(d0, d1) -> (0)>
module attributes {stable_mosaic.version = 14 : i64} {
  func.func @_sc_patch_body(%arg0: i32, %arg1: i32, %arg2: memref<196608x128xf32, #tpu.memory_space<hbm>>, %arg3: memref<128xi32, #tpu.memory_space<hbm>>, %arg4: memref<3538944xf32, #tpu.memory_space<hbm>>, %arg5: memref<16xi32, #tpu.memory_space<vmem>>, %arg6: memref<385x128xf32, #tpu.memory_space<vmem>>, %arg7: memref<27648xf32, #tpu.memory_space<vmem>>, %arg8: memref<!tpu.dma_semaphore, #tpu.memory_space<semaphore_mem>>) attributes {dimension_semantics = [#tpu.dimension_semantics<core_parallel>, #tpu.dimension_semantics<subcore_parallel>], iteration_bounds = array<i64: 2, 16>, scalar_prefetch = 0 : i64, scratch_operands = 4 : i64, tpu.core_type = #tpu.core_type<sc_vector_subcore>, window_params = [{transform_indices = #map}, {transform_indices = #map1}, {transform_indices = #map1}]} {
    %mul3A = arith.constant 2 : i32
    %mul3A_0 = arith.muli %arg1, %mul3A : i32
    %add3A = arith.addi %mul3A_0, %arg0 : i32
    %iota3A = tpu.iota {dimensions = array<i32: 0>} : vector<16xi32>
    %broadcast_in_dim3A = arith.constant 0.000000e+00 : f32
    %broadcast_in_dim3A_1 = vector.broadcast %broadcast_in_dim3A : f32 to vector<16xf32>
    %swap3A = arith.constant 384 : i32
    %swap3A_2 = arith.index_cast %swap3A : i32 to index
    %swap3A_3 = arith.constant 0 : index
    %swap3A_4 = tpu.vector_load %arg6[%swap3A_2, %swap3A_3] {strides = array<i32>} : memref<385x128xf32, #tpu.memory_space<vmem>>, vector<16xf32>,
    tpu.vector_store %arg6[%swap3A_2, %swap3A_3], %broadcast_in_dim3A_1 {strides = array<i32>} : memref<385x128xf32, #tpu.memory_space<vmem>>, vector<16xf32>,
    %swap3A_5 = arith.constant 384 : i32
    %swap3A_6 = arith.index_cast %swap3A_5 : i32 to index
    %swap3A_7 = arith.constant 16 : index
    %swap3A_8 = tpu.vector_load %arg6[%swap3A_6, %swap3A_7] {strides = array<i32>} : memref<385x128xf32, #tpu.memory_space<vmem>>, vector<16xf32>,
    tpu.vector_store %arg6[%swap3A_6, %swap3A_7], %broadcast_in_dim3A_1 {strides = array<i32>} : memref<385x128xf32, #tpu.memory_space<vmem>>, vector<16xf32>,
    %swap3A_9 = arith.constant 384 : i32
    %swap3A_10 = arith.index_cast %swap3A_9 : i32 to index
    %swap3A_11 = arith.constant 32 : index
    %swap3A_12 = tpu.vector_load %arg6[%swap3A_10, %swap3A_11] {strides = array<i32>} : memref<385x128xf32, #tpu.memory_space<vmem>>, vector<16xf32>,
    tpu.vector_store %arg6[%swap3A_10, %swap3A_11], %broadcast_in_dim3A_1 {strides = array<i32>} : memref<385x128xf32, #tpu.memory_space<vmem>>, vector<16xf32>,
    %swap3A_13 = arith.constant 384 : i32
    %swap3A_14 = arith.index_cast %swap3A_13 : i32 to index
    %swap3A_15 = arith.constant 48 : index
    %swap3A_16 = tpu.vector_load %arg6[%swap3A_14, %swap3A_15] {strides = array<i32>} : memref<385x128xf32, #tpu.memory_space<vmem>>, vector<16xf32>,
    tpu.vector_store %arg6[%swap3A_14, %swap3A_15], %broadcast_in_dim3A_1 {strides = array<i32>} : memref<385x128xf32, #tpu.memory_space<vmem>>, vector<16xf32>,
    %swap3A_17 = arith.constant 384 : i32
    %swap3A_18 = arith.index_cast %swap3A_17 : i32 to index
    %swap3A_19 = arith.constant 64 : index
    %swap3A_20 = tpu.vector_load %arg6[%swap3A_18, %swap3A_19] {strides = array<i32>} : memref<385x128xf32, #tpu.memory_space<vmem>>, vector<16xf32>,
    tpu.vector_store %arg6[%swap3A_18, %swap3A_19], %broadcast_in_dim3A_1 {strides = array<i32>} : memref<385x128xf32, #tpu.memory_space<vmem>>, vector<16xf32>,
    %swap3A_21 = arith.constant 384 : i32
    %swap3A_22 = arith.index_cast %swap3A_21 : i32 to index
    %swap3A_23 = arith.constant 80 : index
    %swap3A_24 = tpu.vector_load %arg6[%swap3A_22, %swap3A_23] {strides = array<i32>} : memref<385x128xf32, #tpu.memory_space<vmem>>, vector<16xf32>,
    tpu.vector_store %arg6[%swap3A_22, %swap3A_23], %broadcast_in_dim3A_1 {strides = array<i32>} : memref<385x128xf32, #tpu.memory_space<vmem>>, vector<16xf32>,
    %swap3A_25 = arith.constant 384 : i32
    %swap3A_26 = arith.index_cast %swap3A_25 : i32 to index
    %swap3A_27 = arith.constant 96 : index
    %swap3A_28 = tpu.vector_load %arg6[%swap3A_26, %swap3A_27] {strides = array<i32>} : memref<385x128xf32, #tpu.memory_space<vmem>>, vector<16xf32>,
    tpu.vector_store %arg6[%swap3A_26, %swap3A_27], %broadcast_in_dim3A_1 {strides = array<i32>} : memref<385x128xf32, #tpu.memory_space<vmem>>, vector<16xf32>,
    %swap3A_29 = arith.constant 384 : i32
    %swap3A_30 = arith.index_cast %swap3A_29 : i32 to index
    %swap3A_31 = arith.constant 112 : index
    %swap3A_32 = tpu.vector_load %arg6[%swap3A_30, %swap3A_31] {strides = array<i32>} : memref<385x128xf32, #tpu.memory_space<vmem>>, vector<16xf32>,
    tpu.vector_store %arg6[%swap3A_30, %swap3A_31], %broadcast_in_dim3A_1 {strides = array<i32>} : memref<385x128xf32, #tpu.memory_space<vmem>>, vector<16xf32>,
    %mul3A_33 = arith.constant 4 : i32
    %mul3A_34 = arith.muli %add3A, %mul3A_33 : i32
    %jit3A = arith.constant 16 : i32
    %div3A = arith.divsi %mul3A_34, %jit3A : i32
    %sign3A = arith.constant 0 : i32
    %sign3A_35 = arith.cmpi sgt, %mul3A_34, %sign3A : i32
    %sign3A_36 = arith.extui %sign3A_35 : i1 to i32
    %sign3A_37 = arith.constant 0 : i32
    %sign3A_38 = arith.cmpi slt, %mul3A_34, %sign3A_37 : i32
    %sign3A_39 = arith.extui %sign3A_38 : i1 to i32
    %sign3A_40 = arith.subi %sign3A_36, %sign3A_39 : i32
    %sign3A_41 = arith.constant 0 : i32
    %sign3A_42 = arith.cmpi sgt, %jit3A, %sign3A_41 : i32
    %sign3A_43 = arith.extui %sign3A_42 : i1 to i32
    %sign3A_44 = arith.constant 0 : i32
    %sign3A_45 = arith.cmpi slt, %jit3A, %sign3A_44 : i32
    %sign3A_46 = arith.extui %sign3A_45 : i1 to i32
    %sign3A_47 = arith.subi %sign3A_43, %sign3A_46 : i32
    %ne3A = arith.cmpi ne, %sign3A_40, %sign3A_47 : i32
    %rem3A = arith.remsi %mul3A_34, %jit3A : i32
    %ne3A_48 = arith.constant 0 : i32
    %ne3A_49 = arith.cmpi ne, %rem3A, %ne3A_48 : i32
    %and3A = arith.andi %ne3A, %ne3A_49 : i1
    %sub3A = arith.constant 1 : i32
    %sub3A_50 = arith.subi %div3A, %sub3A : i32
    %select_n3A = arith.select %and3A, %sub3A_50, %div3A : i32
    %mul3A_51 = arith.constant 16 : i32
    %mul3A_52 = arith.muli %select_n3A, %mul3A_51 : i32
    %multiple_of3A = tpu.assume_multiple %mul3A_52, 8 : i32
    "tpu.region"() ({
      %run_scoped3A = tpu.sem_alloc : memref<!tpu.dma_semaphore, #tpu.memory_space<semaphore_mem>>
      %dma_start3A = tpu.memref_slice %arg3[%multiple_of3A] : memref<128xi32, #tpu.memory_space<hbm>> -> memref<16xi32, #tpu.memory_space<hbm>>
      %dma_start3A_1225 = tpu.memref_slice %arg3[%multiple_of3A] : memref<128xi32, #tpu.memory_space<hbm>> -> memref<16xi32, #tpu.memory_space<hbm>>
      tpu.enqueue_dma source(%dma_start3A_1225 : memref<16xi32, #tpu.memory_space<hbm>>) target(%arg5 : memref<16xi32, #tpu.memory_space<vmem>>) target_semaphore(%run_scoped3A : memref<!tpu.dma_semaphore, #tpu.memory_space<semaphore_mem>>)
      %dma_wait3A = tpu.memref_slice %arg3[%multiple_of3A] : memref<128xi32, #tpu.memory_space<hbm>> -> memref<16xi32, #tpu.memory_space<hbm>>
      %dma_wait3A_1226 = tpu.memref_slice %arg3[%multiple_of3A] : memref<128xi32, #tpu.memory_space<hbm>> -> memref<16xi32, #tpu.memory_space<hbm>>
      tpu.wait_dma2 semaphore(%run_scoped3A : memref<!tpu.dma_semaphore, #tpu.memory_space<semaphore_mem>>) src(%dma_wait3A_1226 : memref<16xi32, #tpu.memory_space<hbm>>) dst(%arg5 : memref<16xi32, #tpu.memory_space<vmem>>)
      tpu.yield
    }) : () -> ()
    %mul3A_53 = arith.constant 4 : i32
    %mul3A_54 = arith.muli %add3A, %mul3A_53 : i32
    %sub3A_55 = arith.subi %mul3A_54, %multiple_of3A : i32
    %mul3A_56 = arith.constant 4 : i32
    %mul3A_57 = arith.muli %add3A, %mul3A_56 : i32
    %add3A_58 = arith.constant 0 : i32
    %add3A_59 = arith.addi %mul3A_57, %add3A_58 : i32
    %jit3A_60 = arith.constant 16 : i32
    %div3A_61 = arith.divsi %add3A_59, %jit3A_60 : i32
    %sign3A_62 = arith.constant 0 : i32
    %sign3A_63 = arith.cmpi sgt, %add3A_59, %sign3A_62 : i32
    %sign3A_64 = arith.extui %sign3A_63 : i1 to i32
    %sign3A_65 = arith.constant 0 : i32
    %sign3A_66 = arith.cmpi slt, %add3A_59, %sign3A_65 : i32
    %sign3A_67 = arith.extui %sign3A_66 : i1 to i32
    %sign3A_68 = arith.subi %sign3A_64, %sign3A_67 : i32
    %sign3A_69 = arith.constant 0 : i32
    %sign3A_70 = arith.cmpi sgt, %jit3A_60, %sign3A_69 : i32
    %sign3A_71 = arith.extui %sign3A_70 : i1 to i32
    %sign3A_72 = arith.constant 0 : i32
    %sign3A_73 = arith.cmpi slt, %jit3A_60, %sign3A_72 : i32
    %sign3A_74 = arith.extui %sign3A_73 : i1 to i32
    %sign3A_75 = arith.subi %sign3A_71, %sign3A_74 : i32
    %ne3A_76 = arith.cmpi ne, %sign3A_68, %sign3A_75 : i32
    %rem3A_77 = arith.remsi %add3A_59, %jit3A_60 : i32
    %ne3A_78 = arith.constant 0 : i32
    %ne3A_79 = arith.cmpi ne, %rem3A_77, %ne3A_78 : i32
    %and3A_80 = arith.andi %ne3A_76, %ne3A_79 : i1
    %sub3A_81 = arith.constant 1 : i32
    %sub3A_82 = arith.subi %div3A_61, %sub3A_81 : i32
    %select_n3A_83 = arith.select %and3A_80, %sub3A_82, %div3A_61 : i32
    %add3A_84 = arith.constant 0 : i32
    %add3A_85 = arith.addi %sub3A_55, %add3A_84 : i32
    %broadcast_in_dim3A_86 = vector.broadcast %add3A_85 : i32 to vector<16xi32>
    %gather3A = tpu.vector_load_idx %arg5[%broadcast_in_dim3A_86] : memref<16xi32, #tpu.memory_space<vmem>>[vector<16xi32>], vector<16xi32>,
    %jit3A_87 = arith.constant 128 : i32
    %div3A_88 = vector.broadcast %jit3A_87 : i32 to vector<16xi32>
    %div3A_89 = arith.divsi %gather3A, %div3A_88 : vector<16xi32>
    %sign3A_90 = arith.constant 0 : i32
    %sign3A_91 = vector.broadcast %sign3A_90 : i32 to vector<16xi32>
    %sign3A_92 = arith.cmpi sgt, %gather3A, %sign3A_91 : vector<16xi32>
    %sign3A_93 = arith.extui %sign3A_92 : vector<16xi1> to vector<16xi32>
    %sign3A_94 = arith.constant 0 : i32
    %sign3A_95 = vector.broadcast %sign3A_94 : i32 to vector<16xi32>
    %sign3A_96 = arith.cmpi slt, %gather3A, %sign3A_95 : vector<16xi32>
    %sign3A_97 = arith.extui %sign3A_96 : vector<16xi1> to vector<16xi32>
    %sign3A_98 = arith.subi %sign3A_93, %sign3A_97 : vector<16xi32>
    %sign3A_99 = arith.constant 0 : i32
    %sign3A_100 = arith.cmpi sgt, %jit3A_87, %sign3A_99 : i32
    %sign3A_101 = arith.extui %sign3A_100 : i1 to i32
    %sign3A_102 = arith.constant 0 : i32
    %sign3A_103 = arith.cmpi slt, %jit3A_87, %sign3A_102 : i32
    %sign3A_104 = arith.extui %sign3A_103 : i1 to i32
    %sign3A_105 = arith.subi %sign3A_101, %sign3A_104 : i32
    %ne3A_106 = vector.broadcast %sign3A_105 : i32 to vector<16xi32>
    %ne3A_107 = arith.cmpi ne, %sign3A_98, %ne3A_106 : vector<16xi32>
    %rem3A_108 = vector.broadcast %jit3A_87 : i32 to vector<16xi32>
    %rem3A_109 = arith.remsi %gather3A, %rem3A_108 : vector<16xi32>
    %ne3A_110 = arith.constant 0 : i32
    %ne3A_111 = vector.broadcast %ne3A_110 : i32 to vector<16xi32>
    %ne3A_112 = arith.cmpi ne, %rem3A_109, %ne3A_111 : vector<16xi32>
    %and3A_113 = arith.andi %ne3A_107, %ne3A_112 : vector<16xi1>
    %sub3A_114 = arith.constant 1 : i32
    %sub3A_115 = vector.broadcast %sub3A_114 : i32 to vector<16xi32>
    %sub3A_116 = arith.subi %div3A_89, %sub3A_115 : vector<16xi32>
    %select_n3A_117 = arith.select %and3A_113, %sub3A_116, %div3A_89 : vector<16xi1>, vector<16xi32>
    %mul3A_118 = arith.constant 128 : i32
    %mul3A_119 = vector.broadcast %mul3A_118 : i32 to vector<16xi32>
    %mul3A_120 = arith.muli %select_n3A_117, %mul3A_119 : vector<16xi32>
    %sub3A_121 = arith.subi %gather3A, %mul3A_120 : vector<16xi32>
    %mul3A_122 = arith.constant 8 : i32
    %mul3A_123 = vector.broadcast %mul3A_122 : i32 to vector<16xi32>
    %mul3A_124 = arith.muli %select_n3A_117, %mul3A_123 : vector<16xi32>
    %sub3A_125 = arith.constant 44 : i32
    %sub3A_126 = vector.broadcast %sub3A_125 : i32 to vector<16xi32>
    %sub3A_127 = arith.subi %mul3A_124, %sub3A_126 : vector<16xi32>
    %mul3A_128 = arith.constant 8 : i32
    %mul3A_129 = vector.broadcast %mul3A_128 : i32 to vector<16xi32>
    %mul3A_130 = arith.muli %sub3A_121, %mul3A_129 : vector<16xi32>
    %sub3A_131 = arith.constant 44 : i32
    %sub3A_132 = vector.broadcast %sub3A_131 : i32 to vector<16xi32>
    %sub3A_133 = arith.subi %mul3A_130, %sub3A_132 : vector<16xi32>
    %jit3A_134 = arith.constant 0 : i32
    %jit3A_135 = arith.constant 928 : i32
    %max3A = vector.broadcast %jit3A_134 : i32 to vector<16xi32>
    %max3A_136 = arith.maxsi %max3A, %sub3A_133 : vector<16xi32>
    %min3A = vector.broadcast %jit3A_135 : i32 to vector<16xi32>
    %min3A_137 = arith.minsi %min3A, %max3A_136 : vector<16xi32>
    %mul3A_138 = arith.constant 3 : i32
    %mul3A_139 = vector.broadcast %mul3A_138 : i32 to vector<16xi32>
    %mul3A_140 = arith.muli %mul3A_139, %min3A_137 : vector<16xi32>
    %jit3A_141 = arith.constant 128 : i32
    %div3A_142 = vector.broadcast %jit3A_141 : i32 to vector<16xi32>
    %div3A_143 = arith.divsi %mul3A_140, %div3A_142 : vector<16xi32>
    %sign3A_144 = arith.constant 0 : i32
    %sign3A_145 = vector.broadcast %sign3A_144 : i32 to vector<16xi32>
    %sign3A_146 = arith.cmpi sgt, %mul3A_140, %sign3A_145 : vector<16xi32>
    %sign3A_147 = arith.extui %sign3A_146 : vector<16xi1> to vector<16xi32>
    %sign3A_148 = arith.constant 0 : i32
    %sign3A_149 = vector.broadcast %sign3A_148 : i32 to vector<16xi32>
    %sign3A_150 = arith.cmpi slt, %mul3A_140, %sign3A_149 : vector<16xi32>
    %sign3A_151 = arith.extui %sign3A_150 : vector<16xi1> to vector<16xi32>
    %sign3A_152 = arith.subi %sign3A_147, %sign3A_151 : vector<16xi32>
    %sign3A_153 = arith.constant 0 : i32
    %sign3A_154 = arith.cmpi sgt, %jit3A_141, %sign3A_153 : i32
    %sign3A_155 = arith.extui %sign3A_154 : i1 to i32
    %sign3A_156 = arith.constant 0 : i32
    %sign3A_157 = arith.cmpi slt, %jit3A_141, %sign3A_156 : i32
    %sign3A_158 = arith.extui %sign3A_157 : i1 to i32
    %sign3A_159 = arith.subi %sign3A_155, %sign3A_158 : i32
    %ne3A_160 = vector.broadcast %sign3A_159 : i32 to vector<16xi32>
    %ne3A_161 = arith.cmpi ne, %sign3A_152, %ne3A_160 : vector<16xi32>
    %rem3A_162 = vector.broadcast %jit3A_141 : i32 to vector<16xi32>
    %rem3A_163 = arith.remsi %mul3A_140, %rem3A_162 : vector<16xi32>
    %ne3A_164 = arith.constant 0 : i32
    %ne3A_165 = vector.broadcast %ne3A_164 : i32 to vector<16xi32>
    %ne3A_166 = arith.cmpi ne, %rem3A_163, %ne3A_165 : vector<16xi32>
    %and3A_167 = arith.andi %ne3A_161, %ne3A_166 : vector<16xi1>
    %sub3A_168 = arith.constant 1 : i32
    %sub3A_169 = vector.broadcast %sub3A_168 : i32 to vector<16xi32>
    %sub3A_170 = arith.subi %div3A_143, %sub3A_169 : vector<16xi32>
    %select_n3A_171 = arith.select %and3A_167, %sub3A_170, %div3A_143 : vector<16xi1>, vector<16xi32>
    %mul3A_172 = arith.constant 128 : i32
    %mul3A_173 = vector.broadcast %mul3A_172 : i32 to vector<16xi32>
    %mul3A_174 = arith.muli %select_n3A_171, %mul3A_173 : vector<16xi32>
    %min3A_175 = arith.constant 2560 : i32
    %min3A_176 = vector.broadcast %min3A_175 : i32 to vector<16xi32>
    %min3A_177 = arith.minsi %mul3A_174, %min3A_176 : vector<16xi32>
    %jit3A_178 = arith.constant 128 : i32
    %div3A_179 = vector.broadcast %jit3A_178 : i32 to vector<16xi32>
    %div3A_180 = arith.divsi %min3A_177, %div3A_179 : vector<16xi32>
    %sign3A_181 = arith.constant 0 : i32
    %sign3A_182 = vector.broadcast %sign3A_181 : i32 to vector<16xi32>
    %sign3A_183 = arith.cmpi sgt, %min3A_177, %sign3A_182 : vector<16xi32>
    %sign3A_184 = arith.extui %sign3A_183 : vector<16xi1> to vector<16xi32>
    %sign3A_185 = arith.constant 0 : i32
    %sign3A_186 = vector.broadcast %sign3A_185 : i32 to vector<16xi32>
    %sign3A_187 = arith.cmpi slt, %min3A_177, %sign3A_186 : vector<16xi32>
    %sign3A_188 = arith.extui %sign3A_187 : vector<16xi1> to vector<16xi32>
    %sign3A_189 = arith.subi %sign3A_184, %sign3A_188 : vector<16xi32>
    %sign3A_190 = arith.constant 0 : i32
    %sign3A_191 = arith.cmpi sgt, %jit3A_178, %sign3A_190 : i32
    %sign3A_192 = arith.extui %sign3A_191 : i1 to i32
    %sign3A_193 = arith.constant 0 : i32
    %sign3A_194 = arith.cmpi slt, %jit3A_178, %sign3A_193 : i32
    %sign3A_195 = arith.extui %sign3A_194 : i1 to i32
    %sign3A_196 = arith.subi %sign3A_192, %sign3A_195 : i32
    %ne3A_197 = vector.broadcast %sign3A_196 : i32 to vector<16xi32>
    %ne3A_198 = arith.cmpi ne, %sign3A_189, %ne3A_197 : vector<16xi32>
    %rem3A_199 = vector.broadcast %jit3A_178 : i32 to vector<16xi32>
    %rem3A_200 = arith.remsi %min3A_177, %rem3A_199 : vector<16xi32>
    %ne3A_201 = arith.constant 0 : i32
    %ne3A_202 = vector.broadcast %ne3A_201 : i32 to vector<16xi32>
    %ne3A_203 = arith.cmpi ne, %rem3A_200, %ne3A_202 : vector<16xi32>
    %and3A_204 = arith.andi %ne3A_198, %ne3A_203 : vector<16xi1>
    %sub3A_205 = arith.constant 1 : i32
    %sub3A_206 = vector.broadcast %sub3A_205 : i32 to vector<16xi32>
    %sub3A_207 = arith.subi %div3A_180, %sub3A_206 : vector<16xi32>
    %select_n3A_208 = arith.select %and3A_204, %sub3A_207, %div3A_180 : vector<16xi1>, vector<16xi32>
    %shift_right_arithmetic3A = arith.constant 2 : i32
    %shift_right_arithmetic3A_209 = vector.broadcast %shift_right_arithmetic3A : i32 to vector<16xi32>
    %shift_right_arithmetic3A_210 = arith.shrsi %iota3A, %shift_right_arithmetic3A_209 : vector<16xi32>
    %and3A_211 = arith.constant 3 : i32
    %and3A_212 = vector.broadcast %and3A_211 : i32 to vector<16xi32>
    %and3A_213 = arith.andi %iota3A, %and3A_212 : vector<16xi32>
    %add3A_214 = arith.constant 0 : i32
    %add3A_215 = vector.broadcast %add3A_214 : i32 to vector<16xi32>
    %add3A_216 = arith.addi %sub3A_133, %add3A_215 : vector<16xi32>
    %add3A_217 = arith.addi %add3A_216, %iota3A : vector<16xi32>
    %ge3A = arith.constant 0 : i32
    %ge3A_218 = vector.broadcast %ge3A : i32 to vector<16xi32>
    %ge3A_219 = arith.cmpi sge, %add3A_217, %ge3A_218 : vector<16xi32>
    %lt3A = arith.constant 1024 : i32
    %lt3A_220 = vector.broadcast %lt3A : i32 to vector<16xi32>
    %lt3A_221 = arith.cmpi slt, %add3A_217, %lt3A_220 : vector<16xi32>
    %and3A_222 = arith.andi %ge3A_219, %lt3A_221 : vector<16xi1>
    %mul3A_223 = arith.constant 3 : i32
    %mul3A_224 = vector.broadcast %mul3A_223 : i32 to vector<16xi32>
    %mul3A_225 = arith.muli %mul3A_224, %add3A_217 : vector<16xi32>
    %sub3A_226 = arith.subi %mul3A_225, %min3A_177 : vector<16xi32>
    %jit3A_227 = arith.constant 0 : i32
    %jit3A_228 = arith.constant 509 : i32
    %max3A_229 = vector.broadcast %jit3A_227 : i32 to vector<16xi32>
    %max3A_230 = arith.maxsi %max3A_229, %sub3A_226 : vector<16xi32>
    %min3A_231 = vector.broadcast %jit3A_228 : i32 to vector<16xi32>
    %min3A_232 = arith.minsi %min3A_231, %max3A_230 : vector<16xi32>
    %add3A_233 = arith.constant 16 : i32
    %add3A_234 = vector.broadcast %add3A_233 : i32 to vector<16xi32>
    %add3A_235 = arith.addi %sub3A_133, %add3A_234 : vector<16xi32>
    %add3A_236 = arith.addi %add3A_235, %iota3A : vector<16xi32>
    %ge3A_237 = arith.constant 0 : i32
    %ge3A_238 = vector.broadcast %ge3A_237 : i32 to vector<16xi32>
    %ge3A_239 = arith.cmpi sge, %add3A_236, %ge3A_238 : vector<16xi32>
    %lt3A_240 = arith.constant 1024 : i32
    %lt3A_241 = vector.broadcast %lt3A_240 : i32 to vector<16xi32>
    %lt3A_242 = arith.cmpi slt, %add3A_236, %lt3A_241 : vector<16xi32>
    %and3A_243 = arith.andi %ge3A_239, %lt3A_242 : vector<16xi1>
    %mul3A_244 = arith.constant 3 : i32
    %mul3A_245 = vector.broadcast %mul3A_244 : i32 to vector<16xi32>
    %mul3A_246 = arith.muli %mul3A_245, %add3A_236 : vector<16xi32>
    %sub3A_247 = arith.subi %mul3A_246, %min3A_177 : vector<16xi32>
    %jit3A_248 = arith.constant 0 : i32
    %jit3A_249 = arith.constant 509 : i32
    %max3A_250 = vector.broadcast %jit3A_248 : i32 to vector<16xi32>
    %max3A_251 = arith.maxsi %max3A_250, %sub3A_247 : vector<16xi32>
    %min3A_252 = vector.broadcast %jit3A_249 : i32 to vector<16xi32>
    %min3A_253 = arith.minsi %min3A_252, %max3A_251 : vector<16xi32>
    %add3A_254 = arith.constant 32 : i32
    %add3A_255 = vector.broadcast %add3A_254 : i32 to vector<16xi32>
    %add3A_256 = arith.addi %sub3A_133, %add3A_255 : vector<16xi32>
    %add3A_257 = arith.addi %add3A_256, %iota3A : vector<16xi32>
    %ge3A_258 = arith.constant 0 : i32
    %ge3A_259 = vector.broadcast %ge3A_258 : i32 to vector<16xi32>
    %ge3A_260 = arith.cmpi sge, %add3A_257, %ge3A_259 : vector<16xi32>
    %lt3A_261 = arith.constant 1024 : i32
    %lt3A_262 = vector.broadcast %lt3A_261 : i32 to vector<16xi32>
    %lt3A_263 = arith.cmpi slt, %add3A_257, %lt3A_262 : vector<16xi32>
    %and3A_264 = arith.andi %ge3A_260, %lt3A_263 : vector<16xi1>
    %mul3A_265 = arith.constant 3 : i32
    %mul3A_266 = vector.broadcast %mul3A_265 : i32 to vector<16xi32>
    %mul3A_267 = arith.muli %mul3A_266, %add3A_257 : vector<16xi32>
    %sub3A_268 = arith.subi %mul3A_267, %min3A_177 : vector<16xi32>
    %jit3A_269 = arith.constant 0 : i32
    %jit3A_270 = arith.constant 509 : i32
    %max3A_271 = vector.broadcast %jit3A_269 : i32 to vector<16xi32>
    %max3A_272 = arith.maxsi %max3A_271, %sub3A_268 : vector<16xi32>
    %min3A_273 = vector.broadcast %jit3A_270 : i32 to vector<16xi32>
    %min3A_274 = arith.minsi %min3A_273, %max3A_272 : vector<16xi32>
    %add3A_275 = arith.constant 48 : i32
    %add3A_276 = vector.broadcast %add3A_275 : i32 to vector<16xi32>
    %add3A_277 = arith.addi %sub3A_133, %add3A_276 : vector<16xi32>
    %add3A_278 = arith.addi %add3A_277, %iota3A : vector<16xi32>
    %ge3A_279 = arith.constant 0 : i32
    %ge3A_280 = vector.broadcast %ge3A_279 : i32 to vector<16xi32>
    %ge3A_281 = arith.cmpi sge, %add3A_278, %ge3A_280 : vector<16xi32>
    %lt3A_282 = arith.constant 1024 : i32
    %lt3A_283 = vector.broadcast %lt3A_282 : i32 to vector<16xi32>
    %lt3A_284 = arith.cmpi slt, %add3A_278, %lt3A_283 : vector<16xi32>
    %and3A_285 = arith.andi %ge3A_281, %lt3A_284 : vector<16xi1>
    %mul3A_286 = arith.constant 3 : i32
    %mul3A_287 = vector.broadcast %mul3A_286 : i32 to vector<16xi32>
    %mul3A_288 = arith.muli %mul3A_287, %add3A_278 : vector<16xi32>
    %sub3A_289 = arith.subi %mul3A_288, %min3A_177 : vector<16xi32>
    %jit3A_290 = arith.constant 0 : i32
    %jit3A_291 = arith.constant 509 : i32
    %max3A_292 = vector.broadcast %jit3A_290 : i32 to vector<16xi32>
    %max3A_293 = arith.maxsi %max3A_292, %sub3A_289 : vector<16xi32>
    %min3A_294 = vector.broadcast %jit3A_291 : i32 to vector<16xi32>
    %min3A_295 = arith.minsi %min3A_294, %max3A_293 : vector<16xi32>
    %add3A_296 = arith.constant 64 : i32
    %add3A_297 = vector.broadcast %add3A_296 : i32 to vector<16xi32>
    %add3A_298 = arith.addi %sub3A_133, %add3A_297 : vector<16xi32>
    %add3A_299 = arith.addi %add3A_298, %iota3A : vector<16xi32>
    %ge3A_300 = arith.constant 0 : i32
    %ge3A_301 = vector.broadcast %ge3A_300 : i32 to vector<16xi32>
    %ge3A_302 = arith.cmpi sge, %add3A_299, %ge3A_301 : vector<16xi32>
    %lt3A_303 = arith.constant 1024 : i32
    %lt3A_304 = vector.broadcast %lt3A_303 : i32 to vector<16xi32>
    %lt3A_305 = arith.cmpi slt, %add3A_299, %lt3A_304 : vector<16xi32>
    %and3A_306 = arith.andi %ge3A_302, %lt3A_305 : vector<16xi1>
    %mul3A_307 = arith.constant 3 : i32
    %mul3A_308 = vector.broadcast %mul3A_307 : i32 to vector<16xi32>
    %mul3A_309 = arith.muli %mul3A_308, %add3A_299 : vector<16xi32>
    %sub3A_310 = arith.subi %mul3A_309, %min3A_177 : vector<16xi32>
    %jit3A_311 = arith.constant 0 : i32
    %jit3A_312 = arith.constant 509 : i32
    %max3A_313 = vector.broadcast %jit3A_311 : i32 to vector<16xi32>
    %max3A_314 = arith.maxsi %max3A_313, %sub3A_310 : vector<16xi32>
    %min3A_315 = vector.broadcast %jit3A_312 : i32 to vector<16xi32>
    %min3A_316 = arith.minsi %min3A_315, %max3A_314 : vector<16xi32>
    %add3A_317 = arith.constant 80 : i32
    %add3A_318 = vector.broadcast %add3A_317 : i32 to vector<16xi32>
    %add3A_319 = arith.addi %sub3A_133, %add3A_318 : vector<16xi32>
    %add3A_320 = arith.addi %add3A_319, %iota3A : vector<16xi32>
    %ge3A_321 = arith.constant 0 : i32
    %ge3A_322 = vector.broadcast %ge3A_321 : i32 to vector<16xi32>
    %ge3A_323 = arith.cmpi sge, %add3A_320, %ge3A_322 : vector<16xi32>
    %lt3A_324 = arith.constant 1024 : i32
    %lt3A_325 = vector.broadcast %lt3A_324 : i32 to vector<16xi32>
    %lt3A_326 = arith.cmpi slt, %add3A_320, %lt3A_325 : vector<16xi32>
    %and3A_327 = arith.andi %ge3A_323, %lt3A_326 : vector<16xi1>
    %mul3A_328 = arith.constant 3 : i32
    %mul3A_329 = vector.broadcast %mul3A_328 : i32 to vector<16xi32>
    %mul3A_330 = arith.muli %mul3A_329, %add3A_320 : vector<16xi32>
    %sub3A_331 = arith.subi %mul3A_330, %min3A_177 : vector<16xi32>
    %jit3A_332 = arith.constant 0 : i32
    %jit3A_333 = arith.constant 509 : i32
    %max3A_334 = vector.broadcast %jit3A_332 : i32 to vector<16xi32>
    %max3A_335 = arith.maxsi %max3A_334, %sub3A_331 : vector<16xi32>
    %min3A_336 = vector.broadcast %jit3A_333 : i32 to vector<16xi32>
    %min3A_337 = arith.minsi %min3A_336, %max3A_335 : vector<16xi32>
    %parallel_loop3A = arith.constant 0 : i32
    %parallel_loop3A_338 = arith.constant 96 : i32
    %parallel_loop3A_339 = arith.constant 1 : i32
    scf.for %parallel_loop3A_1225 = %parallel_loop3A to %parallel_loop3A_338 step %parallel_loop3A_339  : i32 {
      %parallel_loop3A_1226 = vector.broadcast %parallel_loop3A_1225 : i32 to vector<16xi32>
      %parallel_loop3A_1227 = arith.addi %sub3A_127, %parallel_loop3A_1226 : vector<16xi32>
      %parallel_loop3A_1228 = arith.constant 0 : i32
      %parallel_loop3A_1229 = vector.broadcast %parallel_loop3A_1228 : i32 to vector<16xi32>
      %parallel_loop3A_1230 = arith.cmpi sge, %parallel_loop3A_1227, %parallel_loop3A_1229 : vector<16xi32>
      %parallel_loop3A_1231 = arith.constant 1024 : i32
      %parallel_loop3A_1232 = vector.broadcast %parallel_loop3A_1231 : i32 to vector<16xi32>
      %parallel_loop3A_1233 = arith.cmpi slt, %parallel_loop3A_1227, %parallel_loop3A_1232 : vector<16xi32>
      %parallel_loop3A_1234 = arith.andi %parallel_loop3A_1230, %parallel_loop3A_1233 : vector<16xi1>
      %parallel_loop3A_1235 = arith.andi %and3A_222, %parallel_loop3A_1234 : vector<16xi1>
      %parallel_loop3A_1236 = arith.constant 0 : i32
      %parallel_loop3A_1237 = vector.broadcast %parallel_loop3A_1236 : i32 to vector<16xi32>
      %parallel_loop3A_1238 = arith.addi %min3A_232, %parallel_loop3A_1237 : vector<16xi32>
      %parallel_loop3A_1239 = arith.constant 7 : i32
      %parallel_loop3A_1240 = vector.broadcast %parallel_loop3A_1239 : i32 to vector<16xi32>
      %parallel_loop3A_1241 = arith.shrsi %parallel_loop3A_1238, %parallel_loop3A_1240 : vector<16xi32>
      %parallel_loop3A_1242 = arith.constant 4 : i32
      %parallel_loop3A_1243 = arith.muli %parallel_loop3A_1225, %parallel_loop3A_1242 : i32
      %parallel_loop3A_1244 = vector.broadcast %parallel_loop3A_1243 : i32 to vector<16xi32>
      %parallel_loop3A_1245 = arith.addi %parallel_loop3A_1241, %parallel_loop3A_1244 : vector<16xi32>
      %parallel_loop3A_1246 = arith.constant 384 : i32
      %parallel_loop3A_1247 = vector.broadcast %parallel_loop3A_1246 : i32 to vector<16xi32>
      %parallel_loop3A_1248 = arith.select %parallel_loop3A_1235, %parallel_loop3A_1245, %parallel_loop3A_1247 : vector<16xi1>, vector<16xi32>
      %parallel_loop3A_1249 = arith.constant 127 : i32
      %parallel_loop3A_1250 = vector.broadcast %parallel_loop3A_1249 : i32 to vector<16xi32>
      %parallel_loop3A_1251 = arith.andi %parallel_loop3A_1238, %parallel_loop3A_1250 : vector<16xi32>
      %parallel_loop3A_1252 = arith.sitofp %parallel_loop3A_1248 : vector<16xi32> to vector<16xf32>
      %parallel_loop3A_1253 = arith.sitofp %parallel_loop3A_1251 : vector<16xi32> to vector<16xf32>
      %parallel_loop3A_1254 = arith.addf %parallel_loop3A_1252, %parallel_loop3A_1253 : vector<16xf32>
      %parallel_loop3A_1255 = arith.constant 96 : i32
      %parallel_loop3A_1256 = arith.muli %parallel_loop3A_1225, %parallel_loop3A_1255 : i32
      %parallel_loop3A_1257 = arith.constant 0 : i32
      %parallel_loop3A_1258 = arith.addi %parallel_loop3A_1257, %parallel_loop3A_1256 : i32
      %parallel_loop3A_1259 = arith.constant 0 : i32
      %parallel_loop3A_1260 = arith.addi %parallel_loop3A_1258, %parallel_loop3A_1259 : i32
      %parallel_loop3A_1261 = tpu.assume_multiple %parallel_loop3A_1260, 8 : i32
      %parallel_loop3A_1262 = arith.index_cast %parallel_loop3A_1261 : i32 to index
      %parallel_loop3A_1263 = tpu.vector_load %arg7[%parallel_loop3A_1262] {strides = array<i32>} : memref<27648xf32, #tpu.memory_space<vmem>>, vector<16xf32>,
      tpu.vector_store %arg7[%parallel_loop3A_1262], %parallel_loop3A_1254 {strides = array<i32>} : memref<27648xf32, #tpu.memory_space<vmem>>, vector<16xf32>,
      %parallel_loop3A_1264 = arith.constant 1 : i32
      %parallel_loop3A_1265 = vector.broadcast %parallel_loop3A_1264 : i32 to vector<16xi32>
      %parallel_loop3A_1266 = arith.addi %min3A_232, %parallel_loop3A_1265 : vector<16xi32>
      %parallel_loop3A_1267 = arith.constant 7 : i32
      %parallel_loop3A_1268 = vector.broadcast %parallel_loop3A_1267 : i32 to vector<16xi32>
      %parallel_loop3A_1269 = arith.shrsi %parallel_loop3A_1266, %parallel_loop3A_1268 : vector<16xi32>
      %parallel_loop3A_1270 = arith.constant 4 : i32
      %parallel_loop3A_1271 = arith.muli %parallel_loop3A_1225, %parallel_loop3A_1270 : i32
      %parallel_loop3A_1272 = vector.broadcast %parallel_loop3A_1271 : i32 to vector<16xi32>
      %parallel_loop3A_1273 = arith.addi %parallel_loop3A_1269, %parallel_loop3A_1272 : vector<16xi32>
      %parallel_loop3A_1274 = arith.constant 384 : i32
      %parallel_loop3A_1275 = vector.broadcast %parallel_loop3A_1274 : i32 to vector<16xi32>
      %parallel_loop3A_1276 = arith.select %parallel_loop3A_1235, %parallel_loop3A_1273, %parallel_loop3A_1275 : vector<16xi1>, vector<16xi32>
      %parallel_loop3A_1277 = arith.constant 127 : i32
      %parallel_loop3A_1278 = vector.broadcast %parallel_loop3A_1277 : i32 to vector<16xi32>
      %parallel_loop3A_1279 = arith.andi %parallel_loop3A_1266, %parallel_loop3A_1278 : vector<16xi32>
      %parallel_loop3A_1280 = arith.sitofp %parallel_loop3A_1276 : vector<16xi32> to vector<16xf32>
      %parallel_loop3A_1281 = arith.sitofp %parallel_loop3A_1279 : vector<16xi32> to vector<16xf32>
      %parallel_loop3A_1282 = arith.addf %parallel_loop3A_1280, %parallel_loop3A_1281 : vector<16xf32>
      %parallel_loop3A_1283 = arith.constant 96 : i32
      %parallel_loop3A_1284 = arith.muli %parallel_loop3A_1225, %parallel_loop3A_1283 : i32
      %parallel_loop3A_1285 = arith.constant 9216 : i32
      %parallel_loop3A_1286 = arith.addi %parallel_loop3A_1285, %parallel_loop3A_1284 : i32
      %parallel_loop3A_1287 = arith.constant 0 : i32
      %parallel_loop3A_1288 = arith.addi %parallel_loop3A_1286, %parallel_loop3A_1287 : i32
      %parallel_loop3A_1289 = tpu.assume_multiple %parallel_loop3A_1288, 8 : i32
      %parallel_loop3A_1290 = arith.index_cast %parallel_loop3A_1289 : i32 to index
      %parallel_loop3A_1291 = tpu.vector_load %arg7[%parallel_loop3A_1290] {strides = array<i32>} : memref<27648xf32, #tpu.memory_space<vmem>>, vector<16xf32>,
      tpu.vector_store %arg7[%parallel_loop3A_1290], %parallel_loop3A_1282 {strides = array<i32>} : memref<27648xf32, #tpu.memory_space<vmem>>, vector<16xf32>,
      %parallel_loop3A_1292 = arith.constant 2 : i32
      %parallel_loop3A_1293 = vector.broadcast %parallel_loop3A_1292 : i32 to vector<16xi32>
      %parallel_loop3A_1294 = arith.addi %min3A_232, %parallel_loop3A_1293 : vector<16xi32>
      %parallel_loop3A_1295 = arith.constant 7 : i32
      %parallel_loop3A_1296 = vector.broadcast %parallel_loop3A_1295 : i32 to vector<16xi32>
      %parallel_loop3A_1297 = arith.shrsi %parallel_loop3A_1294, %parallel_loop3A_1296 : vector<16xi32>
      %parallel_loop3A_1298 = arith.constant 4 : i32
      %parallel_loop3A_1299 = arith.muli %parallel_loop3A_1225, %parallel_loop3A_1298 : i32
      %parallel_loop3A_1300 = vector.broadcast %parallel_loop3A_1299 : i32 to vector<16xi32>
      %parallel_loop3A_1301 = arith.addi %parallel_loop3A_1297, %parallel_loop3A_1300 : vector<16xi32>
      %parallel_loop3A_1302 = arith.constant 384 : i32
      %parallel_loop3A_1303 = vector.broadcast %parallel_loop3A_1302 : i32 to vector<16xi32>
      %parallel_loop3A_1304 = arith.select %parallel_loop3A_1235, %parallel_loop3A_1301, %parallel_loop3A_1303 : vector<16xi1>, vector<16xi32>
      %parallel_loop3A_1305 = arith.constant 127 : i32
      %parallel_loop3A_1306 = vector.broadcast %parallel_loop3A_1305 : i32 to vector<16xi32>
      %parallel_loop3A_1307 = arith.andi %parallel_loop3A_1294, %parallel_loop3A_1306 : vector<16xi32>
      %parallel_loop3A_1308 = arith.sitofp %parallel_loop3A_1304 : vector<16xi32> to vector<16xf32>
      %parallel_loop3A_1309 = arith.sitofp %parallel_loop3A_1307 : vector<16xi32> to vector<16xf32>
      %parallel_loop3A_1310 = arith.addf %parallel_loop3A_1308, %parallel_loop3A_1309 : vector<16xf32>
      %parallel_loop3A_1311 = arith.constant 96 : i32
      %parallel_loop3A_1312 = arith.muli %parallel_loop3A_1225, %parallel_loop3A_1311 : i32
      %parallel_loop3A_1313 = arith.constant 18432 : i32
      %parallel_loop3A_1314 = arith.addi %parallel_loop3A_1313, %parallel_loop3A_1312 : i32
      %parallel_loop3A_1315 = arith.constant 0 : i32
      %parallel_loop3A_1316 = arith.addi %parallel_loop3A_1314, %parallel_loop3A_1315 : i32
      %parallel_loop3A_1317 = tpu.assume_multiple %parallel_loop3A_1316, 8 : i32
      %parallel_loop3A_1318 = arith.index_cast %parallel_loop3A_1317 : i32 to index
      %parallel_loop3A_1319 = tpu.vector_load %arg7[%parallel_loop3A_1318] {strides = array<i32>} : memref<27648xf32, #tpu.memory_space<vmem>>, vector<16xf32>,
      tpu.vector_store %arg7[%parallel_loop3A_1318], %parallel_loop3A_1310 {strides = array<i32>} : memref<27648xf32, #tpu.memory_space<vmem>>, vector<16xf32>,
      %parallel_loop3A_1320 = arith.andi %and3A_243, %parallel_loop3A_1234 : vector<16xi1>
      %parallel_loop3A_1321 = arith.constant 0 : i32
      %parallel_loop3A_1322 = vector.broadcast %parallel_loop3A_1321 : i32 to vector<16xi32>
      %parallel_loop3A_1323 = arith.addi %min3A_253, %parallel_loop3A_1322 : vector<16xi32>
      %parallel_loop3A_1324 = arith.constant 7 : i32
      %parallel_loop3A_1325 = vector.broadcast %parallel_loop3A_1324 : i32 to vector<16xi32>
      %parallel_loop3A_1326 = arith.shrsi %parallel_loop3A_1323, %parallel_loop3A_1325 : vector<16xi32>
      %parallel_loop3A_1327 = arith.constant 4 : i32
      %parallel_loop3A_1328 = arith.muli %parallel_loop3A_1225, %parallel_loop3A_1327 : i32
      %parallel_loop3A_1329 = vector.broadcast %parallel_loop3A_1328 : i32 to vector<16xi32>
      %parallel_loop3A_1330 = arith.addi %parallel_loop3A_1326, %parallel_loop3A_1329 : vector<16xi32>
      %parallel_loop3A_1331 = arith.constant 384 : i32
      %parallel_loop3A_1332 = vector.broadcast %parallel_loop3A_1331 : i32 to vector<16xi32>
      %parallel_loop3A_1333 = arith.select %parallel_loop3A_1320, %parallel_loop3A_1330, %parallel_loop3A_1332 : vector<16xi1>, vector<16xi32>
      %parallel_loop3A_1334 = arith.constant 127 : i32
      %parallel_loop3A_1335 = vector.broadcast %parallel_loop3A_1334 : i32 to vector<16xi32>
      %parallel_loop3A_1336 = arith.andi %parallel_loop3A_1323, %parallel_loop3A_1335 : vector<16xi32>
      %parallel_loop3A_1337 = arith.sitofp %parallel_loop3A_1333 : vector<16xi32> to vector<16xf32>
      %parallel_loop3A_1338 = arith.sitofp %parallel_loop3A_1336 : vector<16xi32> to vector<16xf32>
      %parallel_loop3A_1339 = arith.addf %parallel_loop3A_1337, %parallel_loop3A_1338 : vector<16xf32>
      %parallel_loop3A_1340 = arith.constant 96 : i32
      %parallel_loop3A_1341 = arith.muli %parallel_loop3A_1225, %parallel_loop3A_1340 : i32
      %parallel_loop3A_1342 = arith.constant 0 : i32
      %parallel_loop3A_1343 = arith.addi %parallel_loop3A_1342, %parallel_loop3A_1341 : i32
      %parallel_loop3A_1344 = arith.constant 16 : i32
      %parallel_loop3A_1345 = arith.addi %parallel_loop3A_1343, %parallel_loop3A_1344 : i32
      %parallel_loop3A_1346 = tpu.assume_multiple %parallel_loop3A_1345, 8 : i32
      %parallel_loop3A_1347 = arith.index_cast %parallel_loop3A_1346 : i32 to index
      %parallel_loop3A_1348 = tpu.vector_load %arg7[%parallel_loop3A_1347] {strides = array<i32>} : memref<27648xf32, #tpu.memory_space<vmem>>, vector<16xf32>,
      tpu.vector_store %arg7[%parallel_loop3A_1347], %parallel_loop3A_1339 {strides = array<i32>} : memref<27648xf32, #tpu.memory_space<vmem>>, vector<16xf32>,
      %parallel_loop3A_1349 = arith.constant 1 : i32
      %parallel_loop3A_1350 = vector.broadcast %parallel_loop3A_1349 : i32 to vector<16xi32>
      %parallel_loop3A_1351 = arith.addi %min3A_253, %parallel_loop3A_1350 : vector<16xi32>
      %parallel_loop3A_1352 = arith.constant 7 : i32
      %parallel_loop3A_1353 = vector.broadcast %parallel_loop3A_1352 : i32 to vector<16xi32>
      %parallel_loop3A_1354 = arith.shrsi %parallel_loop3A_1351, %parallel_loop3A_1353 : vector<16xi32>
      %parallel_loop3A_1355 = arith.constant 4 : i32
      %parallel_loop3A_1356 = arith.muli %parallel_loop3A_1225, %parallel_loop3A_1355 : i32
      %parallel_loop3A_1357 = vector.broadcast %parallel_loop3A_1356 : i32 to vector<16xi32>
      %parallel_loop3A_1358 = arith.addi %parallel_loop3A_1354, %parallel_loop3A_1357 : vector<16xi32>
      %parallel_loop3A_1359 = arith.constant 384 : i32
      %parallel_loop3A_1360 = vector.broadcast %parallel_loop3A_1359 : i32 to vector<16xi32>
      %parallel_loop3A_1361 = arith.select %parallel_loop3A_1320, %parallel_loop3A_1358, %parallel_loop3A_1360 : vector<16xi1>, vector<16xi32>
      %parallel_loop3A_1362 = arith.constant 127 : i32
      %parallel_loop3A_1363 = vector.broadcast %parallel_loop3A_1362 : i32 to vector<16xi32>
      %parallel_loop3A_1364 = arith.andi %parallel_loop3A_1351, %parallel_loop3A_1363 : vector<16xi32>
      %parallel_loop3A_1365 = arith.sitofp %parallel_loop3A_1361 : vector<16xi32> to vector<16xf32>
      %parallel_loop3A_1366 = arith.sitofp %parallel_loop3A_1364 : vector<16xi32> to vector<16xf32>
      %parallel_loop3A_1367 = arith.addf %parallel_loop3A_1365, %parallel_loop3A_1366 : vector<16xf32>
      %parallel_loop3A_1368 = arith.constant 96 : i32
      %parallel_loop3A_1369 = arith.muli %parallel_loop3A_1225, %parallel_loop3A_1368 : i32
      %parallel_loop3A_1370 = arith.constant 9216 : i32
      %parallel_loop3A_1371 = arith.addi %parallel_loop3A_1370, %parallel_loop3A_1369 : i32
      %parallel_loop3A_1372 = arith.constant 16 : i32
      %parallel_loop3A_1373 = arith.addi %parallel_loop3A_1371, %parallel_loop3A_1372 : i32
      %parallel_loop3A_1374 = tpu.assume_multiple %parallel_loop3A_1373, 8 : i32
      %parallel_loop3A_1375 = arith.index_cast %parallel_loop3A_1374 : i32 to index
      %parallel_loop3A_1376 = tpu.vector_load %arg7[%parallel_loop3A_1375] {strides = array<i32>} : memref<27648xf32, #tpu.memory_space<vmem>>, vector<16xf32>,
      tpu.vector_store %arg7[%parallel_loop3A_1375], %parallel_loop3A_1367 {strides = array<i32>} : memref<27648xf32, #tpu.memory_space<vmem>>, vector<16xf32>,
      %parallel_loop3A_1377 = arith.constant 2 : i32
      %parallel_loop3A_1378 = vector.broadcast %parallel_loop3A_1377 : i32 to vector<16xi32>
      %parallel_loop3A_1379 = arith.addi %min3A_253, %parallel_loop3A_1378 : vector<16xi32>
      %parallel_loop3A_1380 = arith.constant 7 : i32
      %parallel_loop3A_1381 = vector.broadcast %parallel_loop3A_1380 : i32 to vector<16xi32>
      %parallel_loop3A_1382 = arith.shrsi %parallel_loop3A_1379, %parallel_loop3A_1381 : vector<16xi32>
      %parallel_loop3A_1383 = arith.constant 4 : i32
      %parallel_loop3A_1384 = arith.muli %parallel_loop3A_1225, %parallel_loop3A_1383 : i32
      %parallel_loop3A_1385 = vector.broadcast %parallel_loop3A_1384 : i32 to vector<16xi32>
      %parallel_loop3A_1386 = arith.addi %parallel_loop3A_1382, %parallel_loop3A_1385 : vector<16xi32>
      %parallel_loop3A_1387 = arith.constant 384 : i32
      %parallel_loop3A_1388 = vector.broadcast %parallel_loop3A_1387 : i32 to vector<16xi32>
      %parallel_loop3A_1389 = arith.select %parallel_loop3A_1320, %parallel_loop3A_1386, %parallel_loop3A_1388 : vector<16xi1>, vector<16xi32>
      %parallel_loop3A_1390 = arith.constant 127 : i32
      %parallel_loop3A_1391 = vector.broadcast %parallel_loop3A_1390 : i32 to vector<16xi32>
      %parallel_loop3A_1392 = arith.andi %parallel_loop3A_1379, %parallel_loop3A_1391 : vector<16xi32>
      %parallel_loop3A_1393 = arith.sitofp %parallel_loop3A_1389 : vector<16xi32> to vector<16xf32>
      %parallel_loop3A_1394 = arith.sitofp %parallel_loop3A_1392 : vector<16xi32> to vector<16xf32>
      %parallel_loop3A_1395 = arith.addf %parallel_loop3A_1393, %parallel_loop3A_1394 : vector<16xf32>
      %parallel_loop3A_1396 = arith.constant 96 : i32
      %parallel_loop3A_1397 = arith.muli %parallel_loop3A_1225, %parallel_loop3A_1396 : i32
      %parallel_loop3A_1398 = arith.constant 18432 : i32
      %parallel_loop3A_1399 = arith.addi %parallel_loop3A_1398, %parallel_loop3A_1397 : i32
      %parallel_loop3A_1400 = arith.constant 16 : i32
      %parallel_loop3A_1401 = arith.addi %parallel_loop3A_1399, %parallel_loop3A_1400 : i32
      %parallel_loop3A_1402 = tpu.assume_multiple %parallel_loop3A_1401, 8 : i32
      %parallel_loop3A_1403 = arith.index_cast %parallel_loop3A_1402 : i32 to index
      %parallel_loop3A_1404 = tpu.vector_load %arg7[%parallel_loop3A_1403] {strides = array<i32>} : memref<27648xf32, #tpu.memory_space<vmem>>, vector<16xf32>,
      tpu.vector_store %arg7[%parallel_loop3A_1403], %parallel_loop3A_1395 {strides = array<i32>} : memref<27648xf32, #tpu.memory_space<vmem>>, vector<16xf32>,
      %parallel_loop3A_1405 = arith.andi %and3A_264, %parallel_loop3A_1234 : vector<16xi1>
      %parallel_loop3A_1406 = arith.constant 0 : i32
      %parallel_loop3A_1407 = vector.broadcast %parallel_loop3A_1406 : i32 to vector<16xi32>
      %parallel_loop3A_1408 = arith.addi %min3A_274, %parallel_loop3A_1407 : vector<16xi32>
      %parallel_loop3A_1409 = arith.constant 7 : i32
      %parallel_loop3A_1410 = vector.broadcast %parallel_loop3A_1409 : i32 to vector<16xi32>
      %parallel_loop3A_1411 = arith.shrsi %parallel_loop3A_1408, %parallel_loop3A_1410 : vector<16xi32>
      %parallel_loop3A_1412 = arith.constant 4 : i32
      %parallel_loop3A_1413 = arith.muli %parallel_loop3A_1225, %parallel_loop3A_1412 : i32
      %parallel_loop3A_1414 = vector.broadcast %parallel_loop3A_1413 : i32 to vector<16xi32>
      %parallel_loop3A_1415 = arith.addi %parallel_loop3A_1411, %parallel_loop3A_1414 : vector<16xi32>
      %parallel_loop3A_1416 = arith.constant 384 : i32
      %parallel_loop3A_1417 = vector.broadcast %parallel_loop3A_1416 : i32 to vector<16xi32>
      %parallel_loop3A_1418 = arith.select %parallel_loop3A_1405, %parallel_loop3A_1415, %parallel_loop3A_1417 : vector<16xi1>, vector<16xi32>
      %parallel_loop3A_1419 = arith.constant 127 : i32
      %parallel_loop3A_1420 = vector.broadcast %parallel_loop3A_1419 : i32 to vector<16xi32>
      %parallel_loop3A_1421 = arith.andi %parallel_loop3A_1408, %parallel_loop3A_1420 : vector<16xi32>
      %parallel_loop3A_1422 = arith.sitofp %parallel_loop3A_1418 : vector<16xi32> to vector<16xf32>
      %parallel_loop3A_1423 = arith.sitofp %parallel_loop3A_1421 : vector<16xi32> to vector<16xf32>
      %parallel_loop3A_1424 = arith.addf %parallel_loop3A_1422, %parallel_loop3A_1423 : vector<16xf32>
      %parallel_loop3A_1425 = arith.constant 96 : i32
      %parallel_loop3A_1426 = arith.muli %parallel_loop3A_1225, %parallel_loop3A_1425 : i32
      %parallel_loop3A_1427 = arith.constant 0 : i32
      %parallel_loop3A_1428 = arith.addi %parallel_loop3A_1427, %parallel_loop3A_1426 : i32
      %parallel_loop3A_1429 = arith.constant 32 : i32
      %parallel_loop3A_1430 = arith.addi %parallel_loop3A_1428, %parallel_loop3A_1429 : i32
      %parallel_loop3A_1431 = tpu.assume_multiple %parallel_loop3A_1430, 8 : i32
      %parallel_loop3A_1432 = arith.index_cast %parallel_loop3A_1431 : i32 to index
      %parallel_loop3A_1433 = tpu.vector_load %arg7[%parallel_loop3A_1432] {strides = array<i32>} : memref<27648xf32, #tpu.memory_space<vmem>>, vector<16xf32>,
      tpu.vector_store %arg7[%parallel_loop3A_1432], %parallel_loop3A_1424 {strides = array<i32>} : memref<27648xf32, #tpu.memory_space<vmem>>, vector<16xf32>,
      %parallel_loop3A_1434 = arith.constant 1 : i32
      %parallel_loop3A_1435 = vector.broadcast %parallel_loop3A_1434 : i32 to vector<16xi32>
      %parallel_loop3A_1436 = arith.addi %min3A_274, %parallel_loop3A_1435 : vector<16xi32>
      %parallel_loop3A_1437 = arith.constant 7 : i32
      %parallel_loop3A_1438 = vector.broadcast %parallel_loop3A_1437 : i32 to vector<16xi32>
      %parallel_loop3A_1439 = arith.shrsi %parallel_loop3A_1436, %parallel_loop3A_1438 : vector<16xi32>
      %parallel_loop3A_1440 = arith.constant 4 : i32
      %parallel_loop3A_1441 = arith.muli %parallel_loop3A_1225, %parallel_loop3A_1440 : i32
      %parallel_loop3A_1442 = vector.broadcast %parallel_loop3A_1441 : i32 to vector<16xi32>
      %parallel_loop3A_1443 = arith.addi %parallel_loop3A_1439, %parallel_loop3A_1442 : vector<16xi32>
      %parallel_loop3A_1444 = arith.constant 384 : i32
      %parallel_loop3A_1445 = vector.broadcast %parallel_loop3A_1444 : i32 to vector<16xi32>
      %parallel_loop3A_1446 = arith.select %parallel_loop3A_1405, %parallel_loop3A_1443, %parallel_loop3A_1445 : vector<16xi1>, vector<16xi32>
      %parallel_loop3A_1447 = arith.constant 127 : i32
      %parallel_loop3A_1448 = vector.broadcast %parallel_loop3A_1447 : i32 to vector<16xi32>
      %parallel_loop3A_1449 = arith.andi %parallel_loop3A_1436, %parallel_loop3A_1448 : vector<16xi32>
      %parallel_loop3A_1450 = arith.sitofp %parallel_loop3A_1446 : vector<16xi32> to vector<16xf32>
      %parallel_loop3A_1451 = arith.sitofp %parallel_loop3A_1449 : vector<16xi32> to vector<16xf32>
      %parallel_loop3A_1452 = arith.addf %parallel_loop3A_1450, %parallel_loop3A_1451 : vector<16xf32>
      %parallel_loop3A_1453 = arith.constant 96 : i32
      %parallel_loop3A_1454 = arith.muli %parallel_loop3A_1225, %parallel_loop3A_1453 : i32
      %parallel_loop3A_1455 = arith.constant 9216 : i32
      %parallel_loop3A_1456 = arith.addi %parallel_loop3A_1455, %parallel_loop3A_1454 : i32
      %parallel_loop3A_1457 = arith.constant 32 : i32
      %parallel_loop3A_1458 = arith.addi %parallel_loop3A_1456, %parallel_loop3A_1457 : i32
      %parallel_loop3A_1459 = tpu.assume_multiple %parallel_loop3A_1458, 8 : i32
      %parallel_loop3A_1460 = arith.index_cast %parallel_loop3A_1459 : i32 to index
      %parallel_loop3A_1461 = tpu.vector_load %arg7[%parallel_loop3A_1460] {strides = array<i32>} : memref<27648xf32, #tpu.memory_space<vmem>>, vector<16xf32>,
      tpu.vector_store %arg7[%parallel_loop3A_1460], %parallel_loop3A_1452 {strides = array<i32>} : memref<27648xf32, #tpu.memory_space<vmem>>, vector<16xf32>,
      %parallel_loop3A_1462 = arith.constant 2 : i32
      %parallel_loop3A_1463 = vector.broadcast %parallel_loop3A_1462 : i32 to vector<16xi32>
      %parallel_loop3A_1464 = arith.addi %min3A_274, %parallel_loop3A_1463 : vector<16xi32>
      %parallel_loop3A_1465 = arith.constant 7 : i32
      %parallel_loop3A_1466 = vector.broadcast %parallel_loop3A_1465 : i32 to vector<16xi32>
      %parallel_loop3A_1467 = arith.shrsi %parallel_loop3A_1464, %parallel_loop3A_1466 : vector<16xi32>
      %parallel_loop3A_1468 = arith.constant 4 : i32
      %parallel_loop3A_1469 = arith.muli %parallel_loop3A_1225, %parallel_loop3A_1468 : i32
      %parallel_loop3A_1470 = vector.broadcast %parallel_loop3A_1469 : i32 to vector<16xi32>
      %parallel_loop3A_1471 = arith.addi %parallel_loop3A_1467, %parallel_loop3A_1470 : vector<16xi32>
      %parallel_loop3A_1472 = arith.constant 384 : i32
      %parallel_loop3A_1473 = vector.broadcast %parallel_loop3A_1472 : i32 to vector<16xi32>
      %parallel_loop3A_1474 = arith.select %parallel_loop3A_1405, %parallel_loop3A_1471, %parallel_loop3A_1473 : vector<16xi1>, vector<16xi32>
      %parallel_loop3A_1475 = arith.constant 127 : i32
      %parallel_loop3A_1476 = vector.broadcast %parallel_loop3A_1475 : i32 to vector<16xi32>
      %parallel_loop3A_1477 = arith.andi %parallel_loop3A_1464, %parallel_loop3A_1476 : vector<16xi32>
      %parallel_loop3A_1478 = arith.sitofp %parallel_loop3A_1474 : vector<16xi32> to vector<16xf32>
      %parallel_loop3A_1479 = arith.sitofp %parallel_loop3A_1477 : vector<16xi32> to vector<16xf32>
      %parallel_loop3A_1480 = arith.addf %parallel_loop3A_1478, %parallel_loop3A_1479 : vector<16xf32>
      %parallel_loop3A_1481 = arith.constant 96 : i32
      %parallel_loop3A_1482 = arith.muli %parallel_loop3A_1225, %parallel_loop3A_1481 : i32
      %parallel_loop3A_1483 = arith.constant 18432 : i32
      %parallel_loop3A_1484 = arith.addi %parallel_loop3A_1483, %parallel_loop3A_1482 : i32
      %parallel_loop3A_1485 = arith.constant 32 : i32
      %parallel_loop3A_1486 = arith.addi %parallel_loop3A_1484, %parallel_loop3A_1485 : i32
      %parallel_loop3A_1487 = tpu.assume_multiple %parallel_loop3A_1486, 8 : i32
      %parallel_loop3A_1488 = arith.index_cast %parallel_loop3A_1487 : i32 to index
      %parallel_loop3A_1489 = tpu.vector_load %arg7[%parallel_loop3A_1488] {strides = array<i32>} : memref<27648xf32, #tpu.memory_space<vmem>>, vector<16xf32>,
      tpu.vector_store %arg7[%parallel_loop3A_1488], %parallel_loop3A_1480 {strides = array<i32>} : memref<27648xf32, #tpu.memory_space<vmem>>, vector<16xf32>,
      %parallel_loop3A_1490 = arith.andi %and3A_285, %parallel_loop3A_1234 : vector<16xi1>
      %parallel_loop3A_1491 = arith.constant 0 : i32
      %parallel_loop3A_1492 = vector.broadcast %parallel_loop3A_1491 : i32 to vector<16xi32>
      %parallel_loop3A_1493 = arith.addi %min3A_295, %parallel_loop3A_1492 : vector<16xi32>
      %parallel_loop3A_1494 = arith.constant 7 : i32
      %parallel_loop3A_1495 = vector.broadcast %parallel_loop3A_1494 : i32 to vector<16xi32>
      %parallel_loop3A_1496 = arith.shrsi %parallel_loop3A_1493, %parallel_loop3A_1495 : vector<16xi32>
      %parallel_loop3A_1497 = arith.constant 4 : i32
      %parallel_loop3A_1498 = arith.muli %parallel_loop3A_1225, %parallel_loop3A_1497 : i32
      %parallel_loop3A_1499 = vector.broadcast %parallel_loop3A_1498 : i32 to vector<16xi32>
      %parallel_loop3A_1500 = arith.addi %parallel_loop3A_1496, %parallel_loop3A_1499 : vector<16xi32>
      %parallel_loop3A_1501 = arith.constant 384 : i32
      %parallel_loop3A_1502 = vector.broadcast %parallel_loop3A_1501 : i32 to vector<16xi32>
      %parallel_loop3A_1503 = arith.select %parallel_loop3A_1490, %parallel_loop3A_1500, %parallel_loop3A_1502 : vector<16xi1>, vector<16xi32>
      %parallel_loop3A_1504 = arith.constant 127 : i32
      %parallel_loop3A_1505 = vector.broadcast %parallel_loop3A_1504 : i32 to vector<16xi32>
      %parallel_loop3A_1506 = arith.andi %parallel_loop3A_1493, %parallel_loop3A_1505 : vector<16xi32>
      %parallel_loop3A_1507 = arith.sitofp %parallel_loop3A_1503 : vector<16xi32> to vector<16xf32>
      %parallel_loop3A_1508 = arith.sitofp %parallel_loop3A_1506 : vector<16xi32> to vector<16xf32>
      %parallel_loop3A_1509 = arith.addf %parallel_loop3A_1507, %parallel_loop3A_1508 : vector<16xf32>
      %parallel_loop3A_1510 = arith.constant 96 : i32
      %parallel_loop3A_1511 = arith.muli %parallel_loop3A_1225, %parallel_loop3A_1510 : i32
      %parallel_loop3A_1512 = arith.constant 0 : i32
      %parallel_loop3A_1513 = arith.addi %parallel_loop3A_1512, %parallel_loop3A_1511 : i32
      %parallel_loop3A_1514 = arith.constant 48 : i32
      %parallel_loop3A_1515 = arith.addi %parallel_loop3A_1513, %parallel_loop3A_1514 : i32
      %parallel_loop3A_1516 = tpu.assume_multiple %parallel_loop3A_1515, 8 : i32
      %parallel_loop3A_1517 = arith.index_cast %parallel_loop3A_1516 : i32 to index
      %parallel_loop3A_1518 = tpu.vector_load %arg7[%parallel_loop3A_1517] {strides = array<i32>} : memref<27648xf32, #tpu.memory_space<vmem>>, vector<16xf32>,
      tpu.vector_store %arg7[%parallel_loop3A_1517], %parallel_loop3A_1509 {strides = array<i32>} : memref<27648xf32, #tpu.memory_space<vmem>>, vector<16xf32>,
      %parallel_loop3A_1519 = arith.constant 1 : i32
      %parallel_loop3A_1520 = vector.broadcast %parallel_loop3A_1519 : i32 to vector<16xi32>
      %parallel_loop3A_1521 = arith.addi %min3A_295, %parallel_loop3A_1520 : vector<16xi32>
      %parallel_loop3A_1522 = arith.constant 7 : i32
      %parallel_loop3A_1523 = vector.broadcast %parallel_loop3A_1522 : i32 to vector<16xi32>
      %parallel_loop3A_1524 = arith.shrsi %parallel_loop3A_1521, %parallel_loop3A_1523 : vector<16xi32>
      %parallel_loop3A_1525 = arith.constant 4 : i32
      %parallel_loop3A_1526 = arith.muli %parallel_loop3A_1225, %parallel_loop3A_1525 : i32
      %parallel_loop3A_1527 = vector.broadcast %parallel_loop3A_1526 : i32 to vector<16xi32>
      %parallel_loop3A_1528 = arith.addi %parallel_loop3A_1524, %parallel_loop3A_1527 : vector<16xi32>
      %parallel_loop3A_1529 = arith.constant 384 : i32
      %parallel_loop3A_1530 = vector.broadcast %parallel_loop3A_1529 : i32 to vector<16xi32>
      %parallel_loop3A_1531 = arith.select %parallel_loop3A_1490, %parallel_loop3A_1528, %parallel_loop3A_1530 : vector<16xi1>, vector<16xi32>
      %parallel_loop3A_1532 = arith.constant 127 : i32
      %parallel_loop3A_1533 = vector.broadcast %parallel_loop3A_1532 : i32 to vector<16xi32>
      %parallel_loop3A_1534 = arith.andi %parallel_loop3A_1521, %parallel_loop3A_1533 : vector<16xi32>
      %parallel_loop3A_1535 = arith.sitofp %parallel_loop3A_1531 : vector<16xi32> to vector<16xf32>
      %parallel_loop3A_1536 = arith.sitofp %parallel_loop3A_1534 : vector<16xi32> to vector<16xf32>
      %parallel_loop3A_1537 = arith.addf %parallel_loop3A_1535, %parallel_loop3A_1536 : vector<16xf32>
      %parallel_loop3A_1538 = arith.constant 96 : i32
      %parallel_loop3A_1539 = arith.muli %parallel_loop3A_1225, %parallel_loop3A_1538 : i32
      %parallel_loop3A_1540 = arith.constant 9216 : i32
      %parallel_loop3A_1541 = arith.addi %parallel_loop3A_1540, %parallel_loop3A_1539 : i32
      %parallel_loop3A_1542 = arith.constant 48 : i32
      %parallel_loop3A_1543 = arith.addi %parallel_loop3A_1541, %parallel_loop3A_1542 : i32
      %parallel_loop3A_1544 = tpu.assume_multiple %parallel_loop3A_1543, 8 : i32
      %parallel_loop3A_1545 = arith.index_cast %parallel_loop3A_1544 : i32 to index
      %parallel_loop3A_1546 = tpu.vector_load %arg7[%parallel_loop3A_1545] {strides = array<i32>} : memref<27648xf32, #tpu.memory_space<vmem>>, vector<16xf32>,
      tpu.vector_store %arg7[%parallel_loop3A_1545], %parallel_loop3A_1537 {strides = array<i32>} : memref<27648xf32, #tpu.memory_space<vmem>>, vector<16xf32>,
      %parallel_loop3A_1547 = arith.constant 2 : i32
      %parallel_loop3A_1548 = vector.broadcast %parallel_loop3A_1547 : i32 to vector<16xi32>
      %parallel_loop3A_1549 = arith.addi %min3A_295, %parallel_loop3A_1548 : vector<16xi32>
      %parallel_loop3A_1550 = arith.constant 7 : i32
      %parallel_loop3A_1551 = vector.broadcast %parallel_loop3A_1550 : i32 to vector<16xi32>
      %parallel_loop3A_1552 = arith.shrsi %parallel_loop3A_1549, %parallel_loop3A_1551 : vector<16xi32>
      %parallel_loop3A_1553 = arith.constant 4 : i32
      %parallel_loop3A_1554 = arith.muli %parallel_loop3A_1225, %parallel_loop3A_1553 : i32
      %parallel_loop3A_1555 = vector.broadcast %parallel_loop3A_1554 : i32 to vector<16xi32>
      %parallel_loop3A_1556 = arith.addi %parallel_loop3A_1552, %parallel_loop3A_1555 : vector<16xi32>
      %parallel_loop3A_1557 = arith.constant 384 : i32
      %parallel_loop3A_1558 = vector.broadcast %parallel_loop3A_1557 : i32 to vector<16xi32>
      %parallel_loop3A_1559 = arith.select %parallel_loop3A_1490, %parallel_loop3A_1556, %parallel_loop3A_1558 : vector<16xi1>, vector<16xi32>
      %parallel_loop3A_1560 = arith.constant 127 : i32
      %parallel_loop3A_1561 = vector.broadcast %parallel_loop3A_1560 : i32 to vector<16xi32>
      %parallel_loop3A_1562 = arith.andi %parallel_loop3A_1549, %parallel_loop3A_1561 : vector<16xi32>
      %parallel_loop3A_1563 = arith.sitofp %parallel_loop3A_1559 : vector<16xi32> to vector<16xf32>
      %parallel_loop3A_1564 = arith.sitofp %parallel_loop3A_1562 : vector<16xi32> to vector<16xf32>
      %parallel_loop3A_1565 = arith.addf %parallel_loop3A_1563, %parallel_loop3A_1564 : vector<16xf32>
      %parallel_loop3A_1566 = arith.constant 96 : i32
      %parallel_loop3A_1567 = arith.muli %parallel_loop3A_1225, %parallel_loop3A_1566 : i32
      %parallel_loop3A_1568 = arith.constant 18432 : i32
      %parallel_loop3A_1569 = arith.addi %parallel_loop3A_1568, %parallel_loop3A_1567 : i32
      %parallel_loop3A_1570 = arith.constant 48 : i32
      %parallel_loop3A_1571 = arith.addi %parallel_loop3A_1569, %parallel_loop3A_1570 : i32
      %parallel_loop3A_1572 = tpu.assume_multiple %parallel_loop3A_1571, 8 : i32
      %parallel_loop3A_1573 = arith.index_cast %parallel_loop3A_1572 : i32 to index
      %parallel_loop3A_1574 = tpu.vector_load %arg7[%parallel_loop3A_1573] {strides = array<i32>} : memref<27648xf32, #tpu.memory_space<vmem>>, vector<16xf32>,
      tpu.vector_store %arg7[%parallel_loop3A_1573], %parallel_loop3A_1565 {strides = array<i32>} : memref<27648xf32, #tpu.memory_space<vmem>>, vector<16xf32>,
      %parallel_loop3A_1575 = arith.andi %and3A_306, %parallel_loop3A_1234 : vector<16xi1>
      %parallel_loop3A_1576 = arith.constant 0 : i32
      %parallel_loop3A_1577 = vector.broadcast %parallel_loop3A_1576 : i32 to vector<16xi32>
      %parallel_loop3A_1578 = arith.addi %min3A_316, %parallel_loop3A_1577 : vector<16xi32>
      %parallel_loop3A_1579 = arith.constant 7 : i32
      %parallel_loop3A_1580 = vector.broadcast %parallel_loop3A_1579 : i32 to vector<16xi32>
      %parallel_loop3A_1581 = arith.shrsi %parallel_loop3A_1578, %parallel_loop3A_1580 : vector<16xi32>
      %parallel_loop3A_1582 = arith.constant 4 : i32
      %parallel_loop3A_1583 = arith.muli %parallel_loop3A_1225, %parallel_loop3A_1582 : i32
      %parallel_loop3A_1584 = vector.broadcast %parallel_loop3A_1583 : i32 to vector<16xi32>
      %parallel_loop3A_1585 = arith.addi %parallel_loop3A_1581, %parallel_loop3A_1584 : vector<16xi32>
      %parallel_loop3A_1586 = arith.constant 384 : i32
      %parallel_loop3A_1587 = vector.broadcast %parallel_loop3A_1586 : i32 to vector<16xi32>
      %parallel_loop3A_1588 = arith.select %parallel_loop3A_1575, %parallel_loop3A_1585, %parallel_loop3A_1587 : vector<16xi1>, vector<16xi32>
      %parallel_loop3A_1589 = arith.constant 127 : i32
      %parallel_loop3A_1590 = vector.broadcast %parallel_loop3A_1589 : i32 to vector<16xi32>
      %parallel_loop3A_1591 = arith.andi %parallel_loop3A_1578, %parallel_loop3A_1590 : vector<16xi32>
      %parallel_loop3A_1592 = arith.sitofp %parallel_loop3A_1588 : vector<16xi32> to vector<16xf32>
      %parallel_loop3A_1593 = arith.sitofp %parallel_loop3A_1591 : vector<16xi32> to vector<16xf32>
      %parallel_loop3A_1594 = arith.addf %parallel_loop3A_1592, %parallel_loop3A_1593 : vector<16xf32>
      %parallel_loop3A_1595 = arith.constant 96 : i32
      %parallel_loop3A_1596 = arith.muli %parallel_loop3A_1225, %parallel_loop3A_1595 : i32
      %parallel_loop3A_1597 = arith.constant 0 : i32
      %parallel_loop3A_1598 = arith.addi %parallel_loop3A_1597, %parallel_loop3A_1596 : i32
      %parallel_loop3A_1599 = arith.constant 64 : i32
      %parallel_loop3A_1600 = arith.addi %parallel_loop3A_1598, %parallel_loop3A_1599 : i32
      %parallel_loop3A_1601 = tpu.assume_multiple %parallel_loop3A_1600, 8 : i32
      %parallel_loop3A_1602 = arith.index_cast %parallel_loop3A_1601 : i32 to index
      %parallel_loop3A_1603 = tpu.vector_load %arg7[%parallel_loop3A_1602] {strides = array<i32>} : memref<27648xf32, #tpu.memory_space<vmem>>, vector<16xf32>,
      tpu.vector_store %arg7[%parallel_loop3A_1602], %parallel_loop3A_1594 {strides = array<i32>} : memref<27648xf32, #tpu.memory_space<vmem>>, vector<16xf32>,
      %parallel_loop3A_1604 = arith.constant 1 : i32
      %parallel_loop3A_1605 = vector.broadcast %parallel_loop3A_1604 : i32 to vector<16xi32>
      %parallel_loop3A_1606 = arith.addi %min3A_316, %parallel_loop3A_1605 : vector<16xi32>
      %parallel_loop3A_1607 = arith.constant 7 : i32
      %parallel_loop3A_1608 = vector.broadcast %parallel_loop3A_1607 : i32 to vector<16xi32>
      %parallel_loop3A_1609 = arith.shrsi %parallel_loop3A_1606, %parallel_loop3A_1608 : vector<16xi32>
      %parallel_loop3A_1610 = arith.constant 4 : i32
      %parallel_loop3A_1611 = arith.muli %parallel_loop3A_1225, %parallel_loop3A_1610 : i32
      %parallel_loop3A_1612 = vector.broadcast %parallel_loop3A_1611 : i32 to vector<16xi32>
      %parallel_loop3A_1613 = arith.addi %parallel_loop3A_1609, %parallel_loop3A_1612 : vector<16xi32>
      %parallel_loop3A_1614 = arith.constant 384 : i32
      %parallel_loop3A_1615 = vector.broadcast %parallel_loop3A_1614 : i32 to vector<16xi32>
      %parallel_loop3A_1616 = arith.select %parallel_loop3A_1575, %parallel_loop3A_1613, %parallel_loop3A_1615 : vector<16xi1>, vector<16xi32>
      %parallel_loop3A_1617 = arith.constant 127 : i32
      %parallel_loop3A_1618 = vector.broadcast %parallel_loop3A_1617 : i32 to vector<16xi32>
      %parallel_loop3A_1619 = arith.andi %parallel_loop3A_1606, %parallel_loop3A_1618 : vector<16xi32>
      %parallel_loop3A_1620 = arith.sitofp %parallel_loop3A_1616 : vector<16xi32> to vector<16xf32>
      %parallel_loop3A_1621 = arith.sitofp %parallel_loop3A_1619 : vector<16xi32> to vector<16xf32>
      %parallel_loop3A_1622 = arith.addf %parallel_loop3A_1620, %parallel_loop3A_1621 : vector<16xf32>
      %parallel_loop3A_1623 = arith.constant 96 : i32
      %parallel_loop3A_1624 = arith.muli %parallel_loop3A_1225, %parallel_loop3A_1623 : i32
      %parallel_loop3A_1625 = arith.constant 9216 : i32
      %parallel_loop3A_1626 = arith.addi %parallel_loop3A_1625, %parallel_loop3A_1624 : i32
      %parallel_loop3A_1627 = arith.constant 64 : i32
      %parallel_loop3A_1628 = arith.addi %parallel_loop3A_1626, %parallel_loop3A_1627 : i32
      %parallel_loop3A_1629 = tpu.assume_multiple %parallel_loop3A_1628, 8 : i32
      %parallel_loop3A_1630 = arith.index_cast %parallel_loop3A_1629 : i32 to index
      %parallel_loop3A_1631 = tpu.vector_load %arg7[%parallel_loop3A_1630] {strides = array<i32>} : memref<27648xf32, #tpu.memory_space<vmem>>, vector<16xf32>,
      tpu.vector_store %arg7[%parallel_loop3A_1630], %parallel_loop3A_1622 {strides = array<i32>} : memref<27648xf32, #tpu.memory_space<vmem>>, vector<16xf32>,
      %parallel_loop3A_1632 = arith.constant 2 : i32
      %parallel_loop3A_1633 = vector.broadcast %parallel_loop3A_1632 : i32 to vector<16xi32>
      %parallel_loop3A_1634 = arith.addi %min3A_316, %parallel_loop3A_1633 : vector<16xi32>
      %parallel_loop3A_1635 = arith.constant 7 : i32
      %parallel_loop3A_1636 = vector.broadcast %parallel_loop3A_1635 : i32 to vector<16xi32>
      %parallel_loop3A_1637 = arith.shrsi %parallel_loop3A_1634, %parallel_loop3A_1636 : vector<16xi32>
      %parallel_loop3A_1638 = arith.constant 4 : i32
      %parallel_loop3A_1639 = arith.muli %parallel_loop3A_1225, %parallel_loop3A_1638 : i32
      %parallel_loop3A_1640 = vector.broadcast %parallel_loop3A_1639 : i32 to vector<16xi32>
      %parallel_loop3A_1641 = arith.addi %parallel_loop3A_1637, %parallel_loop3A_1640 : vector<16xi32>
      %parallel_loop3A_1642 = arith.constant 384 : i32
      %parallel_loop3A_1643 = vector.broadcast %parallel_loop3A_1642 : i32 to vector<16xi32>
      %parallel_loop3A_1644 = arith.select %parallel_loop3A_1575, %parallel_loop3A_1641, %parallel_loop3A_1643 : vector<16xi1>, vector<16xi32>
      %parallel_loop3A_1645 = arith.constant 127 : i32
      %parallel_loop3A_1646 = vector.broadcast %parallel_loop3A_1645 : i32 to vector<16xi32>
      %parallel_loop3A_1647 = arith.andi %parallel_loop3A_1634, %parallel_loop3A_1646 : vector<16xi32>
      %parallel_loop3A_1648 = arith.sitofp %parallel_loop3A_1644 : vector<16xi32> to vector<16xf32>
      %parallel_loop3A_1649 = arith.sitofp %parallel_loop3A_1647 : vector<16xi32> to vector<16xf32>
      %parallel_loop3A_1650 = arith.addf %parallel_loop3A_1648, %parallel_loop3A_1649 : vector<16xf32>
      %parallel_loop3A_1651 = arith.constant 96 : i32
      %parallel_loop3A_1652 = arith.muli %parallel_loop3A_1225, %parallel_loop3A_1651 : i32
      %parallel_loop3A_1653 = arith.constant 18432 : i32
      %parallel_loop3A_1654 = arith.addi %parallel_loop3A_1653, %parallel_loop3A_1652 : i32
      %parallel_loop3A_1655 = arith.constant 64 : i32
      %parallel_loop3A_1656 = arith.addi %parallel_loop3A_1654, %parallel_loop3A_1655 : i32
      %parallel_loop3A_1657 = tpu.assume_multiple %parallel_loop3A_1656, 8 : i32
      %parallel_loop3A_1658 = arith.index_cast %parallel_loop3A_1657 : i32 to index
      %parallel_loop3A_1659 = tpu.vector_load %arg7[%parallel_loop3A_1658] {strides = array<i32>} : memref<27648xf32, #tpu.memory_space<vmem>>, vector<16xf32>,
      tpu.vector_store %arg7[%parallel_loop3A_1658], %parallel_loop3A_1650 {strides = array<i32>} : memref<27648xf32, #tpu.memory_space<vmem>>, vector<16xf32>,
      %parallel_loop3A_1660 = arith.andi %and3A_327, %parallel_loop3A_1234 : vector<16xi1>
      %parallel_loop3A_1661 = arith.constant 0 : i32
      %parallel_loop3A_1662 = vector.broadcast %parallel_loop3A_1661 : i32 to vector<16xi32>
      %parallel_loop3A_1663 = arith.addi %min3A_337, %parallel_loop3A_1662 : vector<16xi32>
      %parallel_loop3A_1664 = arith.constant 7 : i32
      %parallel_loop3A_1665 = vector.broadcast %parallel_loop3A_1664 : i32 to vector<16xi32>
      %parallel_loop3A_1666 = arith.shrsi %parallel_loop3A_1663, %parallel_loop3A_1665 : vector<16xi32>
      %parallel_loop3A_1667 = arith.constant 4 : i32
      %parallel_loop3A_1668 = arith.muli %parallel_loop3A_1225, %parallel_loop3A_1667 : i32
      %parallel_loop3A_1669 = vector.broadcast %parallel_loop3A_1668 : i32 to vector<16xi32>
      %parallel_loop3A_1670 = arith.addi %parallel_loop3A_1666, %parallel_loop3A_1669 : vector<16xi32>
      %parallel_loop3A_1671 = arith.constant 384 : i32
      %parallel_loop3A_1672 = vector.broadcast %parallel_loop3A_1671 : i32 to vector<16xi32>
      %parallel_loop3A_1673 = arith.select %parallel_loop3A_1660, %parallel_loop3A_1670, %parallel_loop3A_1672 : vector<16xi1>, vector<16xi32>
      %parallel_loop3A_1674 = arith.constant 127 : i32
      %parallel_loop3A_1675 = vector.broadcast %parallel_loop3A_1674 : i32 to vector<16xi32>
      %parallel_loop3A_1676 = arith.andi %parallel_loop3A_1663, %parallel_loop3A_1675 : vector<16xi32>
      %parallel_loop3A_1677 = arith.sitofp %parallel_loop3A_1673 : vector<16xi32> to vector<16xf32>
      %parallel_loop3A_1678 = arith.sitofp %parallel_loop3A_1676 : vector<16xi32> to vector<16xf32>
      %parallel_loop3A_1679 = arith.addf %parallel_loop3A_1677, %parallel_loop3A_1678 : vector<16xf32>
      %parallel_loop3A_1680 = arith.constant 96 : i32
      %parallel_loop3A_1681 = arith.muli %parallel_loop3A_1225, %parallel_loop3A_1680 : i32
      %parallel_loop3A_1682 = arith.constant 0 : i32
      %parallel_loop3A_1683 = arith.addi %parallel_loop3A_1682, %parallel_loop3A_1681 : i32
      %parallel_loop3A_1684 = arith.constant 80 : i32
      %parallel_loop3A_1685 = arith.addi %parallel_loop3A_1683, %parallel_loop3A_1684 : i32
      %parallel_loop3A_1686 = tpu.assume_multiple %parallel_loop3A_1685, 8 : i32
      %parallel_loop3A_1687 = arith.index_cast %parallel_loop3A_1686 : i32 to index
      %parallel_loop3A_1688 = tpu.vector_load %arg7[%parallel_loop3A_1687] {strides = array<i32>} : memref<27648xf32, #tpu.memory_space<vmem>>, vector<16xf32>,
      tpu.vector_store %arg7[%parallel_loop3A_1687], %parallel_loop3A_1679 {strides = array<i32>} : memref<27648xf32, #tpu.memory_space<vmem>>, vector<16xf32>,
      %parallel_loop3A_1689 = arith.constant 1 : i32
      %parallel_loop3A_1690 = vector.broadcast %parallel_loop3A_1689 : i32 to vector<16xi32>
      %parallel_loop3A_1691 = arith.addi %min3A_337, %parallel_loop3A_1690 : vector<16xi32>
      %parallel_loop3A_1692 = arith.constant 7 : i32
      %parallel_loop3A_1693 = vector.broadcast %parallel_loop3A_1692 : i32 to vector<16xi32>
      %parallel_loop3A_1694 = arith.shrsi %parallel_loop3A_1691, %parallel_loop3A_1693 : vector<16xi32>
      %parallel_loop3A_1695 = arith.constant 4 : i32
      %parallel_loop3A_1696 = arith.muli %parallel_loop3A_1225, %parallel_loop3A_1695 : i32
      %parallel_loop3A_1697 = vector.broadcast %parallel_loop3A_1696 : i32 to vector<16xi32>
      %parallel_loop3A_1698 = arith.addi %parallel_loop3A_1694, %parallel_loop3A_1697 : vector<16xi32>
      %parallel_loop3A_1699 = arith.constant 384 : i32
      %parallel_loop3A_1700 = vector.broadcast %parallel_loop3A_1699 : i32 to vector<16xi32>
      %parallel_loop3A_1701 = arith.select %parallel_loop3A_1660, %parallel_loop3A_1698, %parallel_loop3A_1700 : vector<16xi1>, vector<16xi32>
      %parallel_loop3A_1702 = arith.constant 127 : i32
      %parallel_loop3A_1703 = vector.broadcast %parallel_loop3A_1702 : i32 to vector<16xi32>
      %parallel_loop3A_1704 = arith.andi %parallel_loop3A_1691, %parallel_loop3A_1703 : vector<16xi32>
      %parallel_loop3A_1705 = arith.sitofp %parallel_loop3A_1701 : vector<16xi32> to vector<16xf32>
      %parallel_loop3A_1706 = arith.sitofp %parallel_loop3A_1704 : vector<16xi32> to vector<16xf32>
      %parallel_loop3A_1707 = arith.addf %parallel_loop3A_1705, %parallel_loop3A_1706 : vector<16xf32>
      %parallel_loop3A_1708 = arith.constant 96 : i32
      %parallel_loop3A_1709 = arith.muli %parallel_loop3A_1225, %parallel_loop3A_1708 : i32
      %parallel_loop3A_1710 = arith.constant 9216 : i32
      %parallel_loop3A_1711 = arith.addi %parallel_loop3A_1710, %parallel_loop3A_1709 : i32
      %parallel_loop3A_1712 = arith.constant 80 : i32
      %parallel_loop3A_1713 = arith.addi %parallel_loop3A_1711, %parallel_loop3A_1712 : i32
      %parallel_loop3A_1714 = tpu.assume_multiple %parallel_loop3A_1713, 8 : i32
      %parallel_loop3A_1715 = arith.index_cast %parallel_loop3A_1714 : i32 to index
      %parallel_loop3A_1716 = tpu.vector_load %arg7[%parallel_loop3A_1715] {strides = array<i32>} : memref<27648xf32, #tpu.memory_space<vmem>>, vector<16xf32>,
      tpu.vector_store %arg7[%parallel_loop3A_1715], %parallel_loop3A_1707 {strides = array<i32>} : memref<27648xf32, #tpu.memory_space<vmem>>, vector<16xf32>,
      %parallel_loop3A_1717 = arith.constant 2 : i32
      %parallel_loop3A_1718 = vector.broadcast %parallel_loop3A_1717 : i32 to vector<16xi32>
      %parallel_loop3A_1719 = arith.addi %min3A_337, %parallel_loop3A_1718 : vector<16xi32>
      %parallel_loop3A_1720 = arith.constant 7 : i32
      %parallel_loop3A_1721 = vector.broadcast %parallel_loop3A_1720 : i32 to vector<16xi32>
      %parallel_loop3A_1722 = arith.shrsi %parallel_loop3A_1719, %parallel_loop3A_1721 : vector<16xi32>
      %parallel_loop3A_1723 = arith.constant 4 : i32
      %parallel_loop3A_1724 = arith.muli %parallel_loop3A_1225, %parallel_loop3A_1723 : i32
      %parallel_loop3A_1725 = vector.broadcast %parallel_loop3A_1724 : i32 to vector<16xi32>
      %parallel_loop3A_1726 = arith.addi %parallel_loop3A_1722, %parallel_loop3A_1725 : vector<16xi32>
      %parallel_loop3A_1727 = arith.constant 384 : i32
      %parallel_loop3A_1728 = vector.broadcast %parallel_loop3A_1727 : i32 to vector<16xi32>
      %parallel_loop3A_1729 = arith.select %parallel_loop3A_1660, %parallel_loop3A_1726, %parallel_loop3A_1728 : vector<16xi1>, vector<16xi32>
      %parallel_loop3A_1730 = arith.constant 127 : i32
      %parallel_loop3A_1731 = vector.broadcast %parallel_loop3A_1730 : i32 to vector<16xi32>
      %parallel_loop3A_1732 = arith.andi %parallel_loop3A_1719, %parallel_loop3A_1731 : vector<16xi32>
      %parallel_loop3A_1733 = arith.sitofp %parallel_loop3A_1729 : vector<16xi32> to vector<16xf32>
      %parallel_loop3A_1734 = arith.sitofp %parallel_loop3A_1732 : vector<16xi32> to vector<16xf32>
      %parallel_loop3A_1735 = arith.addf %parallel_loop3A_1733, %parallel_loop3A_1734 : vector<16xf32>
      %parallel_loop3A_1736 = arith.constant 96 : i32
      %parallel_loop3A_1737 = arith.muli %parallel_loop3A_1225, %parallel_loop3A_1736 : i32
      %parallel_loop3A_1738 = arith.constant 18432 : i32
      %parallel_loop3A_1739 = arith.addi %parallel_loop3A_1738, %parallel_loop3A_1737 : i32
      %parallel_loop3A_1740 = arith.constant 80 : i32
      %parallel_loop3A_1741 = arith.addi %parallel_loop3A_1739, %parallel_loop3A_1740 : i32
      %parallel_loop3A_1742 = tpu.assume_multiple %parallel_loop3A_1741, 8 : i32
      %parallel_loop3A_1743 = arith.index_cast %parallel_loop3A_1742 : i32 to index
      %parallel_loop3A_1744 = tpu.vector_load %arg7[%parallel_loop3A_1743] {strides = array<i32>} : memref<27648xf32, #tpu.memory_space<vmem>>, vector<16xf32>,
      tpu.vector_store %arg7[%parallel_loop3A_1743], %parallel_loop3A_1735 {strides = array<i32>} : memref<27648xf32, #tpu.memory_space<vmem>>, vector<16xf32>,
    } {sc.loop_unroll_factor = 2 : i64, sc.parallel_access}
    %mul3A_340 = arith.constant 27648 : i32
    %mul3A_341 = arith.muli %add3A_59, %mul3A_340 : i32
    %multiple_of3A_342 = tpu.assume_multiple %mul3A_341, 8 : i32
    "tpu.region"() ({
      %run_scoped3A = tpu.sem_alloc : memref<!tpu.dma_semaphore, #tpu.memory_space<semaphore_mem>>
      %dma_start3A = tpu.memref_slice %arg4[%multiple_of3A_342] : memref<3538944xf32, #tpu.memory_space<hbm>> -> memref<27648xf32, #tpu.memory_space<hbm>>
      %dma_start3A_1225 = tpu.memref_slice %arg4[%multiple_of3A_342] : memref<3538944xf32, #tpu.memory_space<hbm>> -> memref<27648xf32, #tpu.memory_space<hbm>>
      tpu.enqueue_dma source(%arg7 : memref<27648xf32, #tpu.memory_space<vmem>>) target(%dma_start3A_1225 : memref<27648xf32, #tpu.memory_space<hbm>>) target_semaphore(%run_scoped3A : memref<!tpu.dma_semaphore, #tpu.memory_space<semaphore_mem>>)
      %dma_wait3A = tpu.memref_slice %arg4[%multiple_of3A_342] : memref<3538944xf32, #tpu.memory_space<hbm>> -> memref<27648xf32, #tpu.memory_space<hbm>>
      %dma_wait3A_1226 = tpu.memref_slice %arg4[%multiple_of3A_342] : memref<3538944xf32, #tpu.memory_space<hbm>> -> memref<27648xf32, #tpu.memory_space<hbm>>
      tpu.wait_dma2 semaphore(%run_scoped3A : memref<!tpu.dma_semaphore, #tpu.memory_space<semaphore_mem>>) src(%arg7 : memref<27648xf32, #tpu.memory_space<vmem>>) dst(%dma_wait3A_1226 : memref<27648xf32, #tpu.memory_space<hbm>>)
      tpu.yield
    }) : () -> ()
    %mul3A_343 = arith.constant 4 : i32
    %mul3A_344 = arith.muli %add3A, %mul3A_343 : i32
    %add3A_345 = arith.constant 1 : i32
    %add3A_346 = arith.addi %mul3A_344, %add3A_345 : i32
    %jit3A_347 = arith.constant 16 : i32
    %div3A_348 = arith.divsi %add3A_346, %jit3A_347 : i32
    %sign3A_349 = arith.constant 0 : i32
    %sign3A_350 = arith.cmpi sgt, %add3A_346, %sign3A_349 : i32
    %sign3A_351 = arith.extui %sign3A_350 : i1 to i32
    %sign3A_352 = arith.constant 0 : i32
    %sign3A_353 = arith.cmpi slt, %add3A_346, %sign3A_352 : i32
    %sign3A_354 = arith.extui %sign3A_353 : i1 to i32
    %sign3A_355 = arith.subi %sign3A_351, %sign3A_354 : i32
    %sign3A_356 = arith.constant 0 : i32
    %sign3A_357 = arith.cmpi sgt, %jit3A_347, %sign3A_356 : i32
    %sign3A_358 = arith.extui %sign3A_357 : i1 to i32
    %sign3A_359 = arith.constant 0 : i32
    %sign3A_360 = arith.cmpi slt, %jit3A_347, %sign3A_359 : i32
    %sign3A_361 = arith.extui %sign3A_360 : i1 to i32
    %sign3A_362 = arith.subi %sign3A_358, %sign3A_361 : i32
    %ne3A_363 = arith.cmpi ne, %sign3A_355, %sign3A_362 : i32
    %rem3A_364 = arith.remsi %add3A_346, %jit3A_347 : i32
    %ne3A_365 = arith.constant 0 : i32
    %ne3A_366 = arith.cmpi ne, %rem3A_364, %ne3A_365 : i32
    %and3A_367 = arith.andi %ne3A_363, %ne3A_366 : i1
    %sub3A_368 = arith.constant 1 : i32
    %sub3A_369 = arith.subi %div3A_348, %sub3A_368 : i32
    %select_n3A_370 = arith.select %and3A_367, %sub3A_369, %div3A_348 : i32
    %add3A_371 = arith.constant 1 : i32
    %add3A_372 = arith.addi %sub3A_55, %add3A_371 : i32
    %broadcast_in_dim3A_373 = vector.broadcast %add3A_372 : i32 to vector<16xi32>
    %gather3A_374 = tpu.vector_load_idx %arg5[%broadcast_in_dim3A_373] : memref<16xi32, #tpu.memory_space<vmem>>[vector<16xi32>], vector<16xi32>,
    %jit3A_375 = arith.constant 128 : i32
    %div3A_376 = vector.broadcast %jit3A_375 : i32 to vector<16xi32>
    %div3A_377 = arith.divsi %gather3A_374, %div3A_376 : vector<16xi32>
    %sign3A_378 = arith.constant 0 : i32
    %sign3A_379 = vector.broadcast %sign3A_378 : i32 to vector<16xi32>
    %sign3A_380 = arith.cmpi sgt, %gather3A_374, %sign3A_379 : vector<16xi32>
    %sign3A_381 = arith.extui %sign3A_380 : vector<16xi1> to vector<16xi32>
    %sign3A_382 = arith.constant 0 : i32
    %sign3A_383 = vector.broadcast %sign3A_382 : i32 to vector<16xi32>
    %sign3A_384 = arith.cmpi slt, %gather3A_374, %sign3A_383 : vector<16xi32>
    %sign3A_385 = arith.extui %sign3A_384 : vector<16xi1> to vector<16xi32>
    %sign3A_386 = arith.subi %sign3A_381, %sign3A_385 : vector<16xi32>
    %sign3A_387 = arith.constant 0 : i32
    %sign3A_388 = arith.cmpi sgt, %jit3A_375, %sign3A_387 : i32
    %sign3A_389 = arith.extui %sign3A_388 : i1 to i32
    %sign3A_390 = arith.constant 0 : i32
    %sign3A_391 = arith.cmpi slt, %jit3A_375, %sign3A_390 : i32
    %sign3A_392 = arith.extui %sign3A_391 : i1 to i32
    %sign3A_393 = arith.subi %sign3A_389, %sign3A_392 : i32
    %ne3A_394 = vector.broadcast %sign3A_393 : i32 to vector<16xi32>
    %ne3A_395 = arith.cmpi ne, %sign3A_386, %ne3A_394 : vector<16xi32>
    %rem3A_396 = vector.broadcast %jit3A_375 : i32 to vector<16xi32>
    %rem3A_397 = arith.remsi %gather3A_374, %rem3A_396 : vector<16xi32>
    %ne3A_398 = arith.constant 0 : i32
    %ne3A_399 = vector.broadcast %ne3A_398 : i32 to vector<16xi32>
    %ne3A_400 = arith.cmpi ne, %rem3A_397, %ne3A_399 : vector<16xi32>
    %and3A_401 = arith.andi %ne3A_395, %ne3A_400 : vector<16xi1>
    %sub3A_402 = arith.constant 1 : i32
    %sub3A_403 = vector.broadcast %sub3A_402 : i32 to vector<16xi32>
    %sub3A_404 = arith.subi %div3A_377, %sub3A_403 : vector<16xi32>
    %select_n3A_405 = arith.select %and3A_401, %sub3A_404, %div3A_377 : vector<16xi1>, vector<16xi32>
    %mul3A_406 = arith.constant 128 : i32
    %mul3A_407 = vector.broadcast %mul3A_406 : i32 to vector<16xi32>
    %mul3A_408 = arith.muli %select_n3A_405, %mul3A_407 : vector<16xi32>
    %sub3A_409 = arith.subi %gather3A_374, %mul3A_408 : vector<16xi32>
    %mul3A_410 = arith.constant 8 : i32
    %mul3A_411 = vector.broadcast %mul3A_410 : i32 to vector<16xi32>
    %mul3A_412 = arith.muli %select_n3A_405, %mul3A_411 : vector<16xi32>
    %sub3A_413 = arith.constant 44 : i32
    %sub3A_414 = vector.broadcast %sub3A_413 : i32 to vector<16xi32>
    %sub3A_415 = arith.subi %mul3A_412, %sub3A_414 : vector<16xi32>
    %mul3A_416 = arith.constant 8 : i32
    %mul3A_417 = vector.broadcast %mul3A_416 : i32 to vector<16xi32>
    %mul3A_418 = arith.muli %sub3A_409, %mul3A_417 : vector<16xi32>
    %sub3A_419 = arith.constant 44 : i32
    %sub3A_420 = vector.broadcast %sub3A_419 : i32 to vector<16xi32>
    %sub3A_421 = arith.subi %mul3A_418, %sub3A_420 : vector<16xi32>
    %jit3A_422 = arith.constant 0 : i32
    %jit3A_423 = arith.constant 928 : i32
    %max3A_424 = vector.broadcast %jit3A_422 : i32 to vector<16xi32>
    %max3A_425 = arith.maxsi %max3A_424, %sub3A_421 : vector<16xi32>
    %min3A_426 = vector.broadcast %jit3A_423 : i32 to vector<16xi32>
    %min3A_427 = arith.minsi %min3A_426, %max3A_425 : vector<16xi32>
    %mul3A_428 = arith.constant 3 : i32
    %mul3A_429 = vector.broadcast %mul3A_428 : i32 to vector<16xi32>
    %mul3A_430 = arith.muli %mul3A_429, %min3A_427 : vector<16xi32>
    %jit3A_431 = arith.constant 128 : i32
    %div3A_432 = vector.broadcast %jit3A_431 : i32 to vector<16xi32>
    %div3A_433 = arith.divsi %mul3A_430, %div3A_432 : vector<16xi32>
    %sign3A_434 = arith.constant 0 : i32
    %sign3A_435 = vector.broadcast %sign3A_434 : i32 to vector<16xi32>
    %sign3A_436 = arith.cmpi sgt, %mul3A_430, %sign3A_435 : vector<16xi32>
    %sign3A_437 = arith.extui %sign3A_436 : vector<16xi1> to vector<16xi32>
    %sign3A_438 = arith.constant 0 : i32
    %sign3A_439 = vector.broadcast %sign3A_438 : i32 to vector<16xi32>
    %sign3A_440 = arith.cmpi slt, %mul3A_430, %sign3A_439 : vector<16xi32>
    %sign3A_441 = arith.extui %sign3A_440 : vector<16xi1> to vector<16xi32>
    %sign3A_442 = arith.subi %sign3A_437, %sign3A_441 : vector<16xi32>
    %sign3A_443 = arith.constant 0 : i32
    %sign3A_444 = arith.cmpi sgt, %jit3A_431, %sign3A_443 : i32
    %sign3A_445 = arith.extui %sign3A_444 : i1 to i32
    %sign3A_446 = arith.constant 0 : i32
    %sign3A_447 = arith.cmpi slt, %jit3A_431, %sign3A_446 : i32
    %sign3A_448 = arith.extui %sign3A_447 : i1 to i32
    %sign3A_449 = arith.subi %sign3A_445, %sign3A_448 : i32
    %ne3A_450 = vector.broadcast %sign3A_449 : i32 to vector<16xi32>
    %ne3A_451 = arith.cmpi ne, %sign3A_442, %ne3A_450 : vector<16xi32>
    %rem3A_452 = vector.broadcast %jit3A_431 : i32 to vector<16xi32>
    %rem3A_453 = arith.remsi %mul3A_430, %rem3A_452 : vector<16xi32>
    %ne3A_454 = arith.constant 0 : i32
    %ne3A_455 = vector.broadcast %ne3A_454 : i32 to vector<16xi32>
    %ne3A_456 = arith.cmpi ne, %rem3A_453, %ne3A_455 : vector<16xi32>
    %and3A_457 = arith.andi %ne3A_451, %ne3A_456 : vector<16xi1>
    %sub3A_458 = arith.constant 1 : i32
    %sub3A_459 = vector.broadcast %sub3A_458 : i32 to vector<16xi32>
    %sub3A_460 = arith.subi %div3A_433, %sub3A_459 : vector<16xi32>
    %select_n3A_461 = arith.select %and3A_457, %sub3A_460, %div3A_433 : vector<16xi1>, vector<16xi32>
    %mul3A_462 = arith.constant 128 : i32
    %mul3A_463 = vector.broadcast %mul3A_462 : i32 to vector<16xi32>
    %mul3A_464 = arith.muli %select_n3A_461, %mul3A_463 : vector<16xi32>
    %min3A_465 = arith.constant 2560 : i32
    %min3A_466 = vector.broadcast %min3A_465 : i32 to vector<16xi32>
    %min3A_467 = arith.minsi %mul3A_464, %min3A_466 : vector<16xi32>
    %jit3A_468 = arith.constant 128 : i32
    %div3A_469 = vector.broadcast %jit3A_468 : i32 to vector<16xi32>
    %div3A_470 = arith.divsi %min3A_467, %div3A_469 : vector<16xi32>
    %sign3A_471 = arith.constant 0 : i32
    %sign3A_472 = vector.broadcast %sign3A_471 : i32 to vector<16xi32>
    %sign3A_473 = arith.cmpi sgt, %min3A_467, %sign3A_472 : vector<16xi32>
    %sign3A_474 = arith.extui %sign3A_473 : vector<16xi1> to vector<16xi32>
    %sign3A_475 = arith.constant 0 : i32
    %sign3A_476 = vector.broadcast %sign3A_475 : i32 to vector<16xi32>
    %sign3A_477 = arith.cmpi slt, %min3A_467, %sign3A_476 : vector<16xi32>
    %sign3A_478 = arith.extui %sign3A_477 : vector<16xi1> to vector<16xi32>
    %sign3A_479 = arith.subi %sign3A_474, %sign3A_478 : vector<16xi32>
    %sign3A_480 = arith.constant 0 : i32
    %sign3A_481 = arith.cmpi sgt, %jit3A_468, %sign3A_480 : i32
    %sign3A_482 = arith.extui %sign3A_481 : i1 to i32
    %sign3A_483 = arith.constant 0 : i32
    %sign3A_484 = arith.cmpi slt, %jit3A_468, %sign3A_483 : i32
    %sign3A_485 = arith.extui %sign3A_484 : i1 to i32
    %sign3A_486 = arith.subi %sign3A_482, %sign3A_485 : i32
    %ne3A_487 = vector.broadcast %sign3A_486 : i32 to vector<16xi32>
    %ne3A_488 = arith.cmpi ne, %sign3A_479, %ne3A_487 : vector<16xi32>
    %rem3A_489 = vector.broadcast %jit3A_468 : i32 to vector<16xi32>
    %rem3A_490 = arith.remsi %min3A_467, %rem3A_489 : vector<16xi32>
    %ne3A_491 = arith.constant 0 : i32
    %ne3A_492 = vector.broadcast %ne3A_491 : i32 to vector<16xi32>
    %ne3A_493 = arith.cmpi ne, %rem3A_490, %ne3A_492 : vector<16xi32>
    %and3A_494 = arith.andi %ne3A_488, %ne3A_493 : vector<16xi1>
    %sub3A_495 = arith.constant 1 : i32
    %sub3A_496 = vector.broadcast %sub3A_495 : i32 to vector<16xi32>
    %sub3A_497 = arith.subi %div3A_470, %sub3A_496 : vector<16xi32>
    %select_n3A_498 = arith.select %and3A_494, %sub3A_497, %div3A_470 : vector<16xi1>, vector<16xi32>
    %shift_right_arithmetic3A_499 = arith.constant 2 : i32
    %shift_right_arithmetic3A_500 = vector.broadcast %shift_right_arithmetic3A_499 : i32 to vector<16xi32>
    %shift_right_arithmetic3A_501 = arith.shrsi %iota3A, %shift_right_arithmetic3A_500 : vector<16xi32>
    %and3A_502 = arith.constant 3 : i32
    %and3A_503 = vector.broadcast %and3A_502 : i32 to vector<16xi32>
    %and3A_504 = arith.andi %iota3A, %and3A_503 : vector<16xi32>
    %add3A_505 = arith.constant 0 : i32
    %add3A_506 = vector.broadcast %add3A_505 : i32 to vector<16xi32>
    %add3A_507 = arith.addi %sub3A_421, %add3A_506 : vector<16xi32>
    %add3A_508 = arith.addi %add3A_507, %iota3A : vector<16xi32>
    %ge3A_509 = arith.constant 0 : i32
    %ge3A_510 = vector.broadcast %ge3A_509 : i32 to vector<16xi32>
    %ge3A_511 = arith.cmpi sge, %add3A_508, %ge3A_510 : vector<16xi32>
    %lt3A_512 = arith.constant 1024 : i32
    %lt3A_513 = vector.broadcast %lt3A_512 : i32 to vector<16xi32>
    %lt3A_514 = arith.cmpi slt, %add3A_508, %lt3A_513 : vector<16xi32>
    %and3A_515 = arith.andi %ge3A_511, %lt3A_514 : vector<16xi1>
    %mul3A_516 = arith.constant 3 : i32
    %mul3A_517 = vector.broadcast %mul3A_516 : i32 to vector<16xi32>
    %mul3A_518 = arith.muli %mul3A_517, %add3A_508 : vector<16xi32>
    %sub3A_519 = arith.subi %mul3A_518, %min3A_467 : vector<16xi32>
    %jit3A_520 = arith.constant 0 : i32
    %jit3A_521 = arith.constant 509 : i32
    %max3A_522 = vector.broadcast %jit3A_520 : i32 to vector<16xi32>
    %max3A_523 = arith.maxsi %max3A_522, %sub3A_519 : vector<16xi32>
    %min3A_524 = vector.broadcast %jit3A_521 : i32 to vector<16xi32>
    %min3A_525 = arith.minsi %min3A_524, %max3A_523 : vector<16xi32>
    %add3A_526 = arith.constant 16 : i32
    %add3A_527 = vector.broadcast %add3A_526 : i32 to vector<16xi32>
    %add3A_528 = arith.addi %sub3A_421, %add3A_527 : vector<16xi32>
    %add3A_529 = arith.addi %add3A_528, %iota3A : vector<16xi32>
    %ge3A_530 = arith.constant 0 : i32
    %ge3A_531 = vector.broadcast %ge3A_530 : i32 to vector<16xi32>
    %ge3A_532 = arith.cmpi sge, %add3A_529, %ge3A_531 : vector<16xi32>
    %lt3A_533 = arith.constant 1024 : i32
    %lt3A_534 = vector.broadcast %lt3A_533 : i32 to vector<16xi32>
    %lt3A_535 = arith.cmpi slt, %add3A_529, %lt3A_534 : vector<16xi32>
    %and3A_536 = arith.andi %ge3A_532, %lt3A_535 : vector<16xi1>
    %mul3A_537 = arith.constant 3 : i32
    %mul3A_538 = vector.broadcast %mul3A_537 : i32 to vector<16xi32>
    %mul3A_539 = arith.muli %mul3A_538, %add3A_529 : vector<16xi32>
    %sub3A_540 = arith.subi %mul3A_539, %min3A_467 : vector<16xi32>
    %jit3A_541 = arith.constant 0 : i32
    %jit3A_542 = arith.constant 509 : i32
    %max3A_543 = vector.broadcast %jit3A_541 : i32 to vector<16xi32>
    %max3A_544 = arith.maxsi %max3A_543, %sub3A_540 : vector<16xi32>
    %min3A_545 = vector.broadcast %jit3A_542 : i32 to vector<16xi32>
    %min3A_546 = arith.minsi %min3A_545, %max3A_544 : vector<16xi32>
    %add3A_547 = arith.constant 32 : i32
    %add3A_548 = vector.broadcast %add3A_547 : i32 to vector<16xi32>
    %add3A_549 = arith.addi %sub3A_421, %add3A_548 : vector<16xi32>
    %add3A_550 = arith.addi %add3A_549, %iota3A : vector<16xi32>
    %ge3A_551 = arith.constant 0 : i32
    %ge3A_552 = vector.broadcast %ge3A_551 : i32 to vector<16xi32>
    %ge3A_553 = arith.cmpi sge, %add3A_550, %ge3A_552 : vector<16xi32>
    %lt3A_554 = arith.constant 1024 : i32
    %lt3A_555 = vector.broadcast %lt3A_554 : i32 to vector<16xi32>
    %lt3A_556 = arith.cmpi slt, %add3A_550, %lt3A_555 : vector<16xi32>
    %and3A_557 = arith.andi %ge3A_553, %lt3A_556 : vector<16xi1>
    %mul3A_558 = arith.constant 3 : i32
    %mul3A_559 = vector.broadcast %mul3A_558 : i32 to vector<16xi32>
    %mul3A_560 = arith.muli %mul3A_559, %add3A_550 : vector<16xi32>
    %sub3A_561 = arith.subi %mul3A_560, %min3A_467 : vector<16xi32>
    %jit3A_562 = arith.constant 0 : i32
    %jit3A_563 = arith.constant 509 : i32
    %max3A_564 = vector.broadcast %jit3A_562 : i32 to vector<16xi32>
    %max3A_565 = arith.maxsi %max3A_564, %sub3A_561 : vector<16xi32>
    %min3A_566 = vector.broadcast %jit3A_563 : i32 to vector<16xi32>
    %min3A_567 = arith.minsi %min3A_566, %max3A_565 : vector<16xi32>
    %add3A_568 = arith.constant 48 : i32
    %add3A_569 = vector.broadcast %add3A_568 : i32 to vector<16xi32>
    %add3A_570 = arith.addi %sub3A_421, %add3A_569 : vector<16xi32>
    %add3A_571 = arith.addi %add3A_570, %iota3A : vector<16xi32>
    %ge3A_572 = arith.constant 0 : i32
    %ge3A_573 = vector.broadcast %ge3A_572 : i32 to vector<16xi32>
    %ge3A_574 = arith.cmpi sge, %add3A_571, %ge3A_573 : vector<16xi32>
    %lt3A_575 = arith.constant 1024 : i32
    %lt3A_576 = vector.broadcast %lt3A_575 : i32 to vector<16xi32>
    %lt3A_577 = arith.cmpi slt, %add3A_571, %lt3A_576 : vector<16xi32>
    %and3A_578 = arith.andi %ge3A_574, %lt3A_577 : vector<16xi1>
    %mul3A_579 = arith.constant 3 : i32
    %mul3A_580 = vector.broadcast %mul3A_579 : i32 to vector<16xi32>
    %mul3A_581 = arith.muli %mul3A_580, %add3A_571 : vector<16xi32>
    %sub3A_582 = arith.subi %mul3A_581, %min3A_467 : vector<16xi32>
    %jit3A_583 = arith.constant 0 : i32
    %jit3A_584 = arith.constant 509 : i32
    %max3A_585 = vector.broadcast %jit3A_583 : i32 to vector<16xi32>
    %max3A_586 = arith.maxsi %max3A_585, %sub3A_582 : vector<16xi32>
    %min3A_587 = vector.broadcast %jit3A_584 : i32 to vector<16xi32>
    %min3A_588 = arith.minsi %min3A_587, %max3A_586 : vector<16xi32>
    %add3A_589 = arith.constant 64 : i32
    %add3A_590 = vector.broadcast %add3A_589 : i32 to vector<16xi32>
    %add3A_591 = arith.addi %sub3A_421, %add3A_590 : vector<16xi32>
    %add3A_592 = arith.addi %add3A_591, %iota3A : vector<16xi32>
    %ge3A_593 = arith.constant 0 : i32
    %ge3A_594 = vector.broadcast %ge3A_593 : i32 to vector<16xi32>
    %ge3A_595 = arith.cmpi sge, %add3A_592, %ge3A_594 : vector<16xi32>
    %lt3A_596 = arith.constant 1024 : i32
    %lt3A_597 = vector.broadcast %lt3A_596 : i32 to vector<16xi32>
    %lt3A_598 = arith.cmpi slt, %add3A_592, %lt3A_597 : vector<16xi32>
    %and3A_599 = arith.andi %ge3A_595, %lt3A_598 : vector<16xi1>
    %mul3A_600 = arith.constant 3 : i32
    %mul3A_601 = vector.broadcast %mul3A_600 : i32 to vector<16xi32>
    %mul3A_602 = arith.muli %mul3A_601, %add3A_592 : vector<16xi32>
    %sub3A_603 = arith.subi %mul3A_602, %min3A_467 : vector<16xi32>
    %jit3A_604 = arith.constant 0 : i32
    %jit3A_605 = arith.constant 509 : i32
    %max3A_606 = vector.broadcast %jit3A_604 : i32 to vector<16xi32>
    %max3A_607 = arith.maxsi %max3A_606, %sub3A_603 : vector<16xi32>
    %min3A_608 = vector.broadcast %jit3A_605 : i32 to vector<16xi32>
    %min3A_609 = arith.minsi %min3A_608, %max3A_607 : vector<16xi32>
    %add3A_610 = arith.constant 80 : i32
    %add3A_611 = vector.broadcast %add3A_610 : i32 to vector<16xi32>
    %add3A_612 = arith.addi %sub3A_421, %add3A_611 : vector<16xi32>
    %add3A_613 = arith.addi %add3A_612, %iota3A : vector<16xi32>
    %ge3A_614 = arith.constant 0 : i32
    %ge3A_615 = vector.broadcast %ge3A_614 : i32 to vector<16xi32>
    %ge3A_616 = arith.cmpi sge, %add3A_613, %ge3A_615 : vector<16xi32>
    %lt3A_617 = arith.constant 1024 : i32
    %lt3A_618 = vector.broadcast %lt3A_617 : i32 to vector<16xi32>
    %lt3A_619 = arith.cmpi slt, %add3A_613, %lt3A_618 : vector<16xi32>
    %and3A_620 = arith.andi %ge3A_616, %lt3A_619 : vector<16xi1>
    %mul3A_621 = arith.constant 3 : i32
    %mul3A_622 = vector.broadcast %mul3A_621 : i32 to vector<16xi32>
    %mul3A_623 = arith.muli %mul3A_622, %add3A_613 : vector<16xi32>
    %sub3A_624 = arith.subi %mul3A_623, %min3A_467 : vector<16xi32>
    %jit3A_625 = arith.constant 0 : i32
    %jit3A_626 = arith.constant 509 : i32
    %max3A_627 = vector.broadcast %jit3A_625 : i32 to vector<16xi32>
    %max3A_628 = arith.maxsi %max3A_627, %sub3A_624 : vector<16xi32>
    %min3A_629 = vector.broadcast %jit3A_626 : i32 to vector<16xi32>
    %min3A_630 = arith.minsi %min3A_629, %max3A_628 : vector<16xi32>
    %parallel_loop3A_631 = arith.constant 0 : i32
    %parallel_loop3A_632 = arith.constant 96 : i32
    %parallel_loop3A_633 = arith.constant 1 : i32
    scf.for %parallel_loop3A_1225 = %parallel_loop3A_631 to %parallel_loop3A_632 step %parallel_loop3A_633  : i32 {
      %parallel_loop3A_1226 = vector.broadcast %parallel_loop3A_1225 : i32 to vector<16xi32>
      %parallel_loop3A_1227 = arith.addi %sub3A_415, %parallel_loop3A_1226 : vector<16xi32>
      %parallel_loop3A_1228 = arith.constant 0 : i32
      %parallel_loop3A_1229 = vector.broadcast %parallel_loop3A_1228 : i32 to vector<16xi32>
      %parallel_loop3A_1230 = arith.cmpi sge, %parallel_loop3A_1227, %parallel_loop3A_1229 : vector<16xi32>
      %parallel_loop3A_1231 = arith.constant 1024 : i32
      %parallel_loop3A_1232 = vector.broadcast %parallel_loop3A_1231 : i32 to vector<16xi32>
      %parallel_loop3A_1233 = arith.cmpi slt, %parallel_loop3A_1227, %parallel_loop3A_1232 : vector<16xi32>
      %parallel_loop3A_1234 = arith.andi %parallel_loop3A_1230, %parallel_loop3A_1233 : vector<16xi1>
      %parallel_loop3A_1235 = arith.andi %and3A_515, %parallel_loop3A_1234 : vector<16xi1>
      %parallel_loop3A_1236 = arith.constant 0 : i32
      %parallel_loop3A_1237 = vector.broadcast %parallel_loop3A_1236 : i32 to vector<16xi32>
      %parallel_loop3A_1238 = arith.addi %min3A_525, %parallel_loop3A_1237 : vector<16xi32>
      %parallel_loop3A_1239 = arith.constant 7 : i32
      %parallel_loop3A_1240 = vector.broadcast %parallel_loop3A_1239 : i32 to vector<16xi32>
      %parallel_loop3A_1241 = arith.shrsi %parallel_loop3A_1238, %parallel_loop3A_1240 : vector<16xi32>
      %parallel_loop3A_1242 = arith.constant 4 : i32
      %parallel_loop3A_1243 = arith.muli %parallel_loop3A_1225, %parallel_loop3A_1242 : i32
      %parallel_loop3A_1244 = vector.broadcast %parallel_loop3A_1243 : i32 to vector<16xi32>
      %parallel_loop3A_1245 = arith.addi %parallel_loop3A_1241, %parallel_loop3A_1244 : vector<16xi32>
      %parallel_loop3A_1246 = arith.constant 384 : i32
      %parallel_loop3A_1247 = vector.broadcast %parallel_loop3A_1246 : i32 to vector<16xi32>
      %parallel_loop3A_1248 = arith.select %parallel_loop3A_1235, %parallel_loop3A_1245, %parallel_loop3A_1247 : vector<16xi1>, vector<16xi32>
      %parallel_loop3A_1249 = arith.constant 127 : i32
      %parallel_loop3A_1250 = vector.broadcast %parallel_loop3A_1249 : i32 to vector<16xi32>
      %parallel_loop3A_1251 = arith.andi %parallel_loop3A_1238, %parallel_loop3A_1250 : vector<16xi32>
      %parallel_loop3A_1252 = arith.sitofp %parallel_loop3A_1248 : vector<16xi32> to vector<16xf32>
      %parallel_loop3A_1253 = arith.sitofp %parallel_loop3A_1251 : vector<16xi32> to vector<16xf32>
      %parallel_loop3A_1254 = arith.addf %parallel_loop3A_1252, %parallel_loop3A_1253 : vector<16xf32>
      %parallel_loop3A_1255 = arith.constant 96 : i32
      %parallel_loop3A_1256 = arith.muli %parallel_loop3A_1225, %parallel_loop3A_1255 : i32
      %parallel_loop3A_1257 = arith.constant 0 : i32
      %parallel_loop3A_1258 = arith.addi %parallel_loop3A_1257, %parallel_loop3A_1256 : i32
      %parallel_loop3A_1259 = arith.constant 0 : i32
      %parallel_loop3A_1260 = arith.addi %parallel_loop3A_1258, %parallel_loop3A_1259 : i32
      %parallel_loop3A_1261 = tpu.assume_multiple %parallel_loop3A_1260, 8 : i32
      %parallel_loop3A_1262 = arith.index_cast %parallel_loop3A_1261 : i32 to index
      %parallel_loop3A_1263 = tpu.vector_load %arg7[%parallel_loop3A_1262] {strides = array<i32>} : memref<27648xf32, #tpu.memory_space<vmem>>, vector<16xf32>,
      tpu.vector_store %arg7[%parallel_loop3A_1262], %parallel_loop3A_1254 {strides = array<i32>} : memref<27648xf32, #tpu.memory_space<vmem>>, vector<16xf32>,
      %parallel_loop3A_1264 = arith.constant 1 : i32
      %parallel_loop3A_1265 = vector.broadcast %parallel_loop3A_1264 : i32 to vector<16xi32>
      %parallel_loop3A_1266 = arith.addi %min3A_525, %parallel_loop3A_1265 : vector<16xi32>
      %parallel_loop3A_1267 = arith.constant 7 : i32
      %parallel_loop3A_1268 = vector.broadcast %parallel_loop3A_1267 : i32 to vector<16xi32>
      %parallel_loop3A_1269 = arith.shrsi %parallel_loop3A_1266, %parallel_loop3A_1268 : vector<16xi32>
      %parallel_loop3A_1270 = arith.constant 4 : i32
      %parallel_loop3A_1271 = arith.muli %parallel_loop3A_1225, %parallel_loop3A_1270 : i32
      %parallel_loop3A_1272 = vector.broadcast %parallel_loop3A_1271 : i32 to vector<16xi32>
      %parallel_loop3A_1273 = arith.addi %parallel_loop3A_1269, %parallel_loop3A_1272 : vector<16xi32>
      %parallel_loop3A_1274 = arith.constant 384 : i32
      %parallel_loop3A_1275 = vector.broadcast %parallel_loop3A_1274 : i32 to vector<16xi32>
      %parallel_loop3A_1276 = arith.select %parallel_loop3A_1235, %parallel_loop3A_1273, %parallel_loop3A_1275 : vector<16xi1>, vector<16xi32>
      %parallel_loop3A_1277 = arith.constant 127 : i32
      %parallel_loop3A_1278 = vector.broadcast %parallel_loop3A_1277 : i32 to vector<16xi32>
      %parallel_loop3A_1279 = arith.andi %parallel_loop3A_1266, %parallel_loop3A_1278 : vector<16xi32>
      %parallel_loop3A_1280 = arith.sitofp %parallel_loop3A_1276 : vector<16xi32> to vector<16xf32>
      %parallel_loop3A_1281 = arith.sitofp %parallel_loop3A_1279 : vector<16xi32> to vector<16xf32>
      %parallel_loop3A_1282 = arith.addf %parallel_loop3A_1280, %parallel_loop3A_1281 : vector<16xf32>
      %parallel_loop3A_1283 = arith.constant 96 : i32
      %parallel_loop3A_1284 = arith.muli %parallel_loop3A_1225, %parallel_loop3A_1283 : i32
      %parallel_loop3A_1285 = arith.constant 9216 : i32
      %parallel_loop3A_1286 = arith.addi %parallel_loop3A_1285, %parallel_loop3A_1284 : i32
      %parallel_loop3A_1287 = arith.constant 0 : i32
      %parallel_loop3A_1288 = arith.addi %parallel_loop3A_1286, %parallel_loop3A_1287 : i32
      %parallel_loop3A_1289 = tpu.assume_multiple %parallel_loop3A_1288, 8 : i32
      %parallel_loop3A_1290 = arith.index_cast %parallel_loop3A_1289 : i32 to index
      %parallel_loop3A_1291 = tpu.vector_load %arg7[%parallel_loop3A_1290] {strides = array<i32>} : memref<27648xf32, #tpu.memory_space<vmem>>, vector<16xf32>,
      tpu.vector_store %arg7[%parallel_loop3A_1290], %parallel_loop3A_1282 {strides = array<i32>} : memref<27648xf32, #tpu.memory_space<vmem>>, vector<16xf32>,
      %parallel_loop3A_1292 = arith.constant 2 : i32
      %parallel_loop3A_1293 = vector.broadcast %parallel_loop3A_1292 : i32 to vector<16xi32>
      %parallel_loop3A_1294 = arith.addi %min3A_525, %parallel_loop3A_1293 : vector<16xi32>
      %parallel_loop3A_1295 = arith.constant 7 : i32
      %parallel_loop3A_1296 = vector.broadcast %parallel_loop3A_1295 : i32 to vector<16xi32>
      %parallel_loop3A_1297 = arith.shrsi %parallel_loop3A_1294, %parallel_loop3A_1296 : vector<16xi32>
      %parallel_loop3A_1298 = arith.constant 4 : i32
      %parallel_loop3A_1299 = arith.muli %parallel_loop3A_1225, %parallel_loop3A_1298 : i32
      %parallel_loop3A_1300 = vector.broadcast %parallel_loop3A_1299 : i32 to vector<16xi32>
      %parallel_loop3A_1301 = arith.addi %parallel_loop3A_1297, %parallel_loop3A_1300 : vector<16xi32>
      %parallel_loop3A_1302 = arith.constant 384 : i32
      %parallel_loop3A_1303 = vector.broadcast %parallel_loop3A_1302 : i32 to vector<16xi32>
      %parallel_loop3A_1304 = arith.select %parallel_loop3A_1235, %parallel_loop3A_1301, %parallel_loop3A_1303 : vector<16xi1>, vector<16xi32>
      %parallel_loop3A_1305 = arith.constant 127 : i32
      %parallel_loop3A_1306 = vector.broadcast %parallel_loop3A_1305 : i32 to vector<16xi32>
      %parallel_loop3A_1307 = arith.andi %parallel_loop3A_1294, %parallel_loop3A_1306 : vector<16xi32>
      %parallel_loop3A_1308 = arith.sitofp %parallel_loop3A_1304 : vector<16xi32> to vector<16xf32>
      %parallel_loop3A_1309 = arith.sitofp %parallel_loop3A_1307 : vector<16xi32> to vector<16xf32>
      %parallel_loop3A_1310 = arith.addf %parallel_loop3A_1308, %parallel_loop3A_1309 : vector<16xf32>
      %parallel_loop3A_1311 = arith.constant 96 : i32
      %parallel_loop3A_1312 = arith.muli %parallel_loop3A_1225, %parallel_loop3A_1311 : i32
      %parallel_loop3A_1313 = arith.constant 18432 : i32
      %parallel_loop3A_1314 = arith.addi %parallel_loop3A_1313, %parallel_loop3A_1312 : i32
      %parallel_loop3A_1315 = arith.constant 0 : i32
      %parallel_loop3A_1316 = arith.addi %parallel_loop3A_1314, %parallel_loop3A_1315 : i32
      %parallel_loop3A_1317 = tpu.assume_multiple %parallel_loop3A_1316, 8 : i32
      %parallel_loop3A_1318 = arith.index_cast %parallel_loop3A_1317 : i32 to index
      %parallel_loop3A_1319 = tpu.vector_load %arg7[%parallel_loop3A_1318] {strides = array<i32>} : memref<27648xf32, #tpu.memory_space<vmem>>, vector<16xf32>,
      tpu.vector_store %arg7[%parallel_loop3A_1318], %parallel_loop3A_1310 {strides = array<i32>} : memref<27648xf32, #tpu.memory_space<vmem>>, vector<16xf32>,
      %parallel_loop3A_1320 = arith.andi %and3A_536, %parallel_loop3A_1234 : vector<16xi1>
      %parallel_loop3A_1321 = arith.constant 0 : i32
      %parallel_loop3A_1322 = vector.broadcast %parallel_loop3A_1321 : i32 to vector<16xi32>
      %parallel_loop3A_1323 = arith.addi %min3A_546, %parallel_loop3A_1322 : vector<16xi32>
      %parallel_loop3A_1324 = arith.constant 7 : i32
      %parallel_loop3A_1325 = vector.broadcast %parallel_loop3A_1324 : i32 to vector<16xi32>
      %parallel_loop3A_1326 = arith.shrsi %parallel_loop3A_1323, %parallel_loop3A_1325 : vector<16xi32>
      %parallel_loop3A_1327 = arith.constant 4 : i32
      %parallel_loop3A_1328 = arith.muli %parallel_loop3A_1225, %parallel_loop3A_1327 : i32
      %parallel_loop3A_1329 = vector.broadcast %parallel_loop3A_1328 : i32 to vector<16xi32>
      %parallel_loop3A_1330 = arith.addi %parallel_loop3A_1326, %parallel_loop3A_1329 : vector<16xi32>
      %parallel_loop3A_1331 = arith.constant 384 : i32
      %parallel_loop3A_1332 = vector.broadcast %parallel_loop3A_1331 : i32 to vector<16xi32>
      %parallel_loop3A_1333 = arith.select %parallel_loop3A_1320, %parallel_loop3A_1330, %parallel_loop3A_1332 : vector<16xi1>, vector<16xi32>
      %parallel_loop3A_1334 = arith.constant 127 : i32
      %parallel_loop3A_1335 = vector.broadcast %parallel_loop3A_1334 : i32 to vector<16xi32>
      %parallel_loop3A_1336 = arith.andi %parallel_loop3A_1323, %parallel_loop3A_1335 : vector<16xi32>
      %parallel_loop3A_1337 = arith.sitofp %parallel_loop3A_1333 : vector<16xi32> to vector<16xf32>
      %parallel_loop3A_1338 = arith.sitofp %parallel_loop3A_1336 : vector<16xi32> to vector<16xf32>
      %parallel_loop3A_1339 = arith.addf %parallel_loop3A_1337, %parallel_loop3A_1338 : vector<16xf32>
      %parallel_loop3A_1340 = arith.constant 96 : i32
      %parallel_loop3A_1341 = arith.muli %parallel_loop3A_1225, %parallel_loop3A_1340 : i32
      %parallel_loop3A_1342 = arith.constant 0 : i32
      %parallel_loop3A_1343 = arith.addi %parallel_loop3A_1342, %parallel_loop3A_1341 : i32
      %parallel_loop3A_1344 = arith.constant 16 : i32
      %parallel_loop3A_1345 = arith.addi %parallel_loop3A_1343, %parallel_loop3A_1344 : i32
      %parallel_loop3A_1346 = tpu.assume_multiple %parallel_loop3A_1345, 8 : i32
      %parallel_loop3A_1347 = arith.index_cast %parallel_loop3A_1346 : i32 to index
      %parallel_loop3A_1348 = tpu.vector_load %arg7[%parallel_loop3A_1347] {strides = array<i32>} : memref<27648xf32, #tpu.memory_space<vmem>>, vector<16xf32>,
      tpu.vector_store %arg7[%parallel_loop3A_1347], %parallel_loop3A_1339 {strides = array<i32>} : memref<27648xf32, #tpu.memory_space<vmem>>, vector<16xf32>,
      %parallel_loop3A_1349 = arith.constant 1 : i32
      %parallel_loop3A_1350 = vector.broadcast %parallel_loop3A_1349 : i32 to vector<16xi32>
      %parallel_loop3A_1351 = arith.addi %min3A_546, %parallel_loop3A_1350 : vector<16xi32>
      %parallel_loop3A_1352 = arith.constant 7 : i32
      %parallel_loop3A_1353 = vector.broadcast %parallel_loop3A_1352 : i32 to vector<16xi32>
      %parallel_loop3A_1354 = arith.shrsi %parallel_loop3A_1351, %parallel_loop3A_1353 : vector<16xi32>
      %parallel_loop3A_1355 = arith.constant 4 : i32
      %parallel_loop3A_1356 = arith.muli %parallel_loop3A_1225, %parallel_loop3A_1355 : i32
      %parallel_loop3A_1357 = vector.broadcast %parallel_loop3A_1356 : i32 to vector<16xi32>
      %parallel_loop3A_1358 = arith.addi %parallel_loop3A_1354, %parallel_loop3A_1357 : vector<16xi32>
      %parallel_loop3A_1359 = arith.constant 384 : i32
      %parallel_loop3A_1360 = vector.broadcast %parallel_loop3A_1359 : i32 to vector<16xi32>
      %parallel_loop3A_1361 = arith.select %parallel_loop3A_1320, %parallel_loop3A_1358, %parallel_loop3A_1360 : vector<16xi1>, vector<16xi32>
      %parallel_loop3A_1362 = arith.constant 127 : i32
      %parallel_loop3A_1363 = vector.broadcast %parallel_loop3A_1362 : i32 to vector<16xi32>
      %parallel_loop3A_1364 = arith.andi %parallel_loop3A_1351, %parallel_loop3A_1363 : vector<16xi32>
      %parallel_loop3A_1365 = arith.sitofp %parallel_loop3A_1361 : vector<16xi32> to vector<16xf32>
      %parallel_loop3A_1366 = arith.sitofp %parallel_loop3A_1364 : vector<16xi32> to vector<16xf32>
      %parallel_loop3A_1367 = arith.addf %parallel_loop3A_1365, %parallel_loop3A_1366 : vector<16xf32>
      %parallel_loop3A_1368 = arith.constant 96 : i32
      %parallel_loop3A_1369 = arith.muli %parallel_loop3A_1225, %parallel_loop3A_1368 : i32
      %parallel_loop3A_1370 = arith.constant 9216 : i32
      %parallel_loop3A_1371 = arith.addi %parallel_loop3A_1370, %parallel_loop3A_1369 : i32
      %parallel_loop3A_1372 = arith.constant 16 : i32
      %parallel_loop3A_1373 = arith.addi %parallel_loop3A_1371, %parallel_loop3A_1372 : i32
      %parallel_loop3A_1374 = tpu.assume_multiple %parallel_loop3A_1373, 8 : i32
      %parallel_loop3A_1375 = arith.index_cast %parallel_loop3A_1374 : i32 to index
      %parallel_loop3A_1376 = tpu.vector_load %arg7[%parallel_loop3A_1375] {strides = array<i32>} : memref<27648xf32, #tpu.memory_space<vmem>>, vector<16xf32>,
      tpu.vector_store %arg7[%parallel_loop3A_1375], %parallel_loop3A_1367 {strides = array<i32>} : memref<27648xf32, #tpu.memory_space<vmem>>, vector<16xf32>,
      %parallel_loop3A_1377 = arith.constant 2 : i32
      %parallel_loop3A_1378 = vector.broadcast %parallel_loop3A_1377 : i32 to vector<16xi32>
      %parallel_loop3A_1379 = arith.addi %min3A_546, %parallel_loop3A_1378 : vector<16xi32>
      %parallel_loop3A_1380 = arith.constant 7 : i32
      %parallel_loop3A_1381 = vector.broadcast %parallel_loop3A_1380 : i32 to vector<16xi32>
      %parallel_loop3A_1382 = arith.shrsi %parallel_loop3A_1379, %parallel_loop3A_1381 : vector<16xi32>
      %parallel_loop3A_1383 = arith.constant 4 : i32
      %parallel_loop3A_1384 = arith.muli %parallel_loop3A_1225, %parallel_loop3A_1383 : i32
      %parallel_loop3A_1385 = vector.broadcast %parallel_loop3A_1384 : i32 to vector<16xi32>
      %parallel_loop3A_1386 = arith.addi %parallel_loop3A_1382, %parallel_loop3A_1385 : vector<16xi32>
      %parallel_loop3A_1387 = arith.constant 384 : i32
      %parallel_loop3A_1388 = vector.broadcast %parallel_loop3A_1387 : i32 to vector<16xi32>
      %parallel_loop3A_1389 = arith.select %parallel_loop3A_1320, %parallel_loop3A_1386, %parallel_loop3A_1388 : vector<16xi1>, vector<16xi32>
      %parallel_loop3A_1390 = arith.constant 127 : i32
      %parallel_loop3A_1391 = vector.broadcast %parallel_loop3A_1390 : i32 to vector<16xi32>
      %parallel_loop3A_1392 = arith.andi %parallel_loop3A_1379, %parallel_loop3A_1391 : vector<16xi32>
      %parallel_loop3A_1393 = arith.sitofp %parallel_loop3A_1389 : vector<16xi32> to vector<16xf32>
      %parallel_loop3A_1394 = arith.sitofp %parallel_loop3A_1392 : vector<16xi32> to vector<16xf32>
      %parallel_loop3A_1395 = arith.addf %parallel_loop3A_1393, %parallel_loop3A_1394 : vector<16xf32>
      %parallel_loop3A_1396 = arith.constant 96 : i32
      %parallel_loop3A_1397 = arith.muli %parallel_loop3A_1225, %parallel_loop3A_1396 : i32
      %parallel_loop3A_1398 = arith.constant 18432 : i32
      %parallel_loop3A_1399 = arith.addi %parallel_loop3A_1398, %parallel_loop3A_1397 : i32
      %parallel_loop3A_1400 = arith.constant 16 : i32
      %parallel_loop3A_1401 = arith.addi %parallel_loop3A_1399, %parallel_loop3A_1400 : i32
      %parallel_loop3A_1402 = tpu.assume_multiple %parallel_loop3A_1401, 8 : i32
      %parallel_loop3A_1403 = arith.index_cast %parallel_loop3A_1402 : i32 to index
      %parallel_loop3A_1404 = tpu.vector_load %arg7[%parallel_loop3A_1403] {strides = array<i32>} : memref<27648xf32, #tpu.memory_space<vmem>>, vector<16xf32>,
      tpu.vector_store %arg7[%parallel_loop3A_1403], %parallel_loop3A_1395 {strides = array<i32>} : memref<27648xf32, #tpu.memory_space<vmem>>, vector<16xf32>,
      %parallel_loop3A_1405 = arith.andi %and3A_557, %parallel_loop3A_1234 : vector<16xi1>
      %parallel_loop3A_1406 = arith.constant 0 : i32
      %parallel_loop3A_1407 = vector.broadcast %parallel_loop3A_1406 : i32 to vector<16xi32>
      %parallel_loop3A_1408 = arith.addi %min3A_567, %parallel_loop3A_1407 : vector<16xi32>
      %parallel_loop3A_1409 = arith.constant 7 : i32
      %parallel_loop3A_1410 = vector.broadcast %parallel_loop3A_1409 : i32 to vector<16xi32>
      %parallel_loop3A_1411 = arith.shrsi %parallel_loop3A_1408, %parallel_loop3A_1410 : vector<16xi32>
      %parallel_loop3A_1412 = arith.constant 4 : i32
      %parallel_loop3A_1413 = arith.muli %parallel_loop3A_1225, %parallel_loop3A_1412 : i32
      %parallel_loop3A_1414 = vector.broadcast %parallel_loop3A_1413 : i32 to vector<16xi32>
      %parallel_loop3A_1415 = arith.addi %parallel_loop3A_1411, %parallel_loop3A_1414 : vector<16xi32>
      %parallel_loop3A_1416 = arith.constant 384 : i32
      %parallel_loop3A_1417 = vector.broadcast %parallel_loop3A_1416 : i32 to vector<16xi32>
      %parallel_loop3A_1418 = arith.select %parallel_loop3A_1405, %parallel_loop3A_1415, %parallel_loop3A_1417 : vector<16xi1>, vector<16xi32>
      %parallel_loop3A_1419 = arith.constant 127 : i32
      %parallel_loop3A_1420 = vector.broadcast %parallel_loop3A_1419 : i32 to vector<16xi32>
      %parallel_loop3A_1421 = arith.andi %parallel_loop3A_1408, %parallel_loop3A_1420 : vector<16xi32>
      %parallel_loop3A_1422 = arith.sitofp %parallel_loop3A_1418 : vector<16xi32> to vector<16xf32>
      %parallel_loop3A_1423 = arith.sitofp %parallel_loop3A_1421 : vector<16xi32> to vector<16xf32>
      %parallel_loop3A_1424 = arith.addf %parallel_loop3A_1422, %parallel_loop3A_1423 : vector<16xf32>
      %parallel_loop3A_1425 = arith.constant 96 : i32
      %parallel_loop3A_1426 = arith.muli %parallel_loop3A_1225, %parallel_loop3A_1425 : i32
      %parallel_loop3A_1427 = arith.constant 0 : i32
      %parallel_loop3A_1428 = arith.addi %parallel_loop3A_1427, %parallel_loop3A_1426 : i32
      %parallel_loop3A_1429 = arith.constant 32 : i32
      %parallel_loop3A_1430 = arith.addi %parallel_loop3A_1428, %parallel_loop3A_1429 : i32
      %parallel_loop3A_1431 = tpu.assume_multiple %parallel_loop3A_1430, 8 : i32
      %parallel_loop3A_1432 = arith.index_cast %parallel_loop3A_1431 : i32 to index
      %parallel_loop3A_1433 = tpu.vector_load %arg7[%parallel_loop3A_1432] {strides = array<i32>} : memref<27648xf32, #tpu.memory_space<vmem>>, vector<16xf32>,
      tpu.vector_store %arg7[%parallel_loop3A_1432], %parallel_loop3A_1424 {strides = array<i32>} : memref<27648xf32, #tpu.memory_space<vmem>>, vector<16xf32>,
      %parallel_loop3A_1434 = arith.constant 1 : i32
      %parallel_loop3A_1435 = vector.broadcast %parallel_loop3A_1434 : i32 to vector<16xi32>
      %parallel_loop3A_1436 = arith.addi %min3A_567, %parallel_loop3A_1435 : vector<16xi32>
      %parallel_loop3A_1437 = arith.constant 7 : i32
      %parallel_loop3A_1438 = vector.broadcast %parallel_loop3A_1437 : i32 to vector<16xi32>
      %parallel_loop3A_1439 = arith.shrsi %parallel_loop3A_1436, %parallel_loop3A_1438 : vector<16xi32>
      %parallel_loop3A_1440 = arith.constant 4 : i32
      %parallel_loop3A_1441 = arith.muli %parallel_loop3A_1225, %parallel_loop3A_1440 : i32
      %parallel_loop3A_1442 = vector.broadcast %parallel_loop3A_1441 : i32 to vector<16xi32>
      %parallel_loop3A_1443 = arith.addi %parallel_loop3A_1439, %parallel_loop3A_1442 : vector<16xi32>
      %parallel_loop3A_1444 = arith.constant 384 : i32
      %parallel_loop3A_1445 = vector.broadcast %parallel_loop3A_1444 : i32 to vector<16xi32>
      %parallel_loop3A_1446 = arith.select %parallel_loop3A_1405, %parallel_loop3A_1443, %parallel_loop3A_1445 : vector<16xi1>, vector<16xi32>
      %parallel_loop3A_1447 = arith.constant 127 : i32
      %parallel_loop3A_1448 = vector.broadcast %parallel_loop3A_1447 : i32 to vector<16xi32>
      %parallel_loop3A_1449 = arith.andi %parallel_loop3A_1436, %parallel_loop3A_1448 : vector<16xi32>
      %parallel_loop3A_1450 = arith.sitofp %parallel_loop3A_1446 : vector<16xi32> to vector<16xf32>
      %parallel_loop3A_1451 = arith.sitofp %parallel_loop3A_1449 : vector<16xi32> to vector<16xf32>
      %parallel_loop3A_1452 = arith.addf %parallel_loop3A_1450, %parallel_loop3A_1451 : vector<16xf32>
      %parallel_loop3A_1453 = arith.constant 96 : i32
      %parallel_loop3A_1454 = arith.muli %parallel_loop3A_1225, %parallel_loop3A_1453 : i32
      %parallel_loop3A_1455 = arith.constant 9216 : i32
      %parallel_loop3A_1456 = arith.addi %parallel_loop3A_1455, %parallel_loop3A_1454 : i32
      %parallel_loop3A_1457 = arith.constant 32 : i32
      %parallel_loop3A_1458 = arith.addi %parallel_loop3A_1456, %parallel_loop3A_1457 : i32
      %parallel_loop3A_1459 = tpu.assume_multiple %parallel_loop3A_1458, 8 : i32
      %parallel_loop3A_1460 = arith.index_cast %parallel_loop3A_1459 : i32 to index
      %parallel_loop3A_1461 = tpu.vector_load %arg7[%parallel_loop3A_1460] {strides = array<i32>} : memref<27648xf32, #tpu.memory_space<vmem>>, vector<16xf32>,
      tpu.vector_store %arg7[%parallel_loop3A_1460], %parallel_loop3A_1452 {strides = array<i32>} : memref<27648xf32, #tpu.memory_space<vmem>>, vector<16xf32>,
      %parallel_loop3A_1462 = arith.constant 2 : i32
      %parallel_loop3A_1463 = vector.broadcast %parallel_loop3A_1462 : i32 to vector<16xi32>
      %parallel_loop3A_1464 = arith.addi %min3A_567, %parallel_loop3A_1463 : vector<16xi32>
      %parallel_loop3A_1465 = arith.constant 7 : i32
      %parallel_loop3A_1466 = vector.broadcast %parallel_loop3A_1465 : i32 to vector<16xi32>
      %parallel_loop3A_1467 = arith.shrsi %parallel_loop3A_1464, %parallel_loop3A_1466 : vector<16xi32>
      %parallel_loop3A_1468 = arith.constant 4 : i32
      %parallel_loop3A_1469 = arith.muli %parallel_loop3A_1225, %parallel_loop3A_1468 : i32
      %parallel_loop3A_1470 = vector.broadcast %parallel_loop3A_1469 : i32 to vector<16xi32>
      %parallel_loop3A_1471 = arith.addi %parallel_loop3A_1467, %parallel_loop3A_1470 : vector<16xi32>
      %parallel_loop3A_1472 = arith.constant 384 : i32
      %parallel_loop3A_1473 = vector.broadcast %parallel_loop3A_1472 : i32 to vector<16xi32>
      %parallel_loop3A_1474 = arith.select %parallel_loop3A_1405, %parallel_loop3A_1471, %parallel_loop3A_1473 : vector<16xi1>, vector<16xi32>
      %parallel_loop3A_1475 = arith.constant 127 : i32
      %parallel_loop3A_1476 = vector.broadcast %parallel_loop3A_1475 : i32 to vector<16xi32>
      %parallel_loop3A_1477 = arith.andi %parallel_loop3A_1464, %parallel_loop3A_1476 : vector<16xi32>
      %parallel_loop3A_1478 = arith.sitofp %parallel_loop3A_1474 : vector<16xi32> to vector<16xf32>
      %parallel_loop3A_1479 = arith.sitofp %parallel_loop3A_1477 : vector<16xi32> to vector<16xf32>
      %parallel_loop3A_1480 = arith.addf %parallel_loop3A_1478, %parallel_loop3A_1479 : vector<16xf32>
      %parallel_loop3A_1481 = arith.constant 96 : i32
      %parallel_loop3A_1482 = arith.muli %parallel_loop3A_1225, %parallel_loop3A_1481 : i32
      %parallel_loop3A_1483 = arith.constant 18432 : i32
      %parallel_loop3A_1484 = arith.addi %parallel_loop3A_1483, %parallel_loop3A_1482 : i32
      %parallel_loop3A_1485 = arith.constant 32 : i32
      %parallel_loop3A_1486 = arith.addi %parallel_loop3A_1484, %parallel_loop3A_1485 : i32
      %parallel_loop3A_1487 = tpu.assume_multiple %parallel_loop3A_1486, 8 : i32
      %parallel_loop3A_1488 = arith.index_cast %parallel_loop3A_1487 : i32 to index
      %parallel_loop3A_1489 = tpu.vector_load %arg7[%parallel_loop3A_1488] {strides = array<i32>} : memref<27648xf32, #tpu.memory_space<vmem>>, vector<16xf32>,
      tpu.vector_store %arg7[%parallel_loop3A_1488], %parallel_loop3A_1480 {strides = array<i32>} : memref<27648xf32, #tpu.memory_space<vmem>>, vector<16xf32>,
      %parallel_loop3A_1490 = arith.andi %and3A_578, %parallel_loop3A_1234 : vector<16xi1>
      %parallel_loop3A_1491 = arith.constant 0 : i32
      %parallel_loop3A_1492 = vector.broadcast %parallel_loop3A_1491 : i32 to vector<16xi32>
      %parallel_loop3A_1493 = arith.addi %min3A_588, %parallel_loop3A_1492 : vector<16xi32>
      %parallel_loop3A_1494 = arith.constant 7 : i32
      %parallel_loop3A_1495 = vector.broadcast %parallel_loop3A_1494 : i32 to vector<16xi32>
      %parallel_loop3A_1496 = arith.shrsi %parallel_loop3A_1493, %parallel_loop3A_1495 : vector<16xi32>
      %parallel_loop3A_1497 = arith.constant 4 : i32
      %parallel_loop3A_1498 = arith.muli %parallel_loop3A_1225, %parallel_loop3A_1497 : i32
      %parallel_loop3A_1499 = vector.broadcast %parallel_loop3A_1498 : i32 to vector<16xi32>
      %parallel_loop3A_1500 = arith.addi %parallel_loop3A_1496, %parallel_loop3A_1499 : vector<16xi32>
      %parallel_loop3A_1501 = arith.constant 384 : i32
      %parallel_loop3A_1502 = vector.broadcast %parallel_loop3A_1501 : i32 to vector<16xi32>
      %parallel_loop3A_1503 = arith.select %parallel_loop3A_1490, %parallel_loop3A_1500, %parallel_loop3A_1502 : vector<16xi1>, vector<16xi32>
      %parallel_loop3A_1504 = arith.constant 127 : i32
      %parallel_loop3A_1505 = vector.broadcast %parallel_loop3A_1504 : i32 to vector<16xi32>
      %parallel_loop3A_1506 = arith.andi %parallel_loop3A_1493, %parallel_loop3A_1505 : vector<16xi32>
      %parallel_loop3A_1507 = arith.sitofp %parallel_loop3A_1503 : vector<16xi32> to vector<16xf32>
      %parallel_loop3A_1508 = arith.sitofp %parallel_loop3A_1506 : vector<16xi32> to vector<16xf32>
      %parallel_loop3A_1509 = arith.addf %parallel_loop3A_1507, %parallel_loop3A_1508 : vector<16xf32>
      %parallel_loop3A_1510 = arith.constant 96 : i32
      %parallel_loop3A_1511 = arith.muli %parallel_loop3A_1225, %parallel_loop3A_1510 : i32
      %parallel_loop3A_1512 = arith.constant 0 : i32
      %parallel_loop3A_1513 = arith.addi %parallel_loop3A_1512, %parallel_loop3A_1511 : i32
      %parallel_loop3A_1514 = arith.constant 48 : i32
      %parallel_loop3A_1515 = arith.addi %parallel_loop3A_1513, %parallel_loop3A_1514 : i32
      %parallel_loop3A_1516 = tpu.assume_multiple %parallel_loop3A_1515, 8 : i32
      %parallel_loop3A_1517 = arith.index_cast %parallel_loop3A_1516 : i32 to index
      %parallel_loop3A_1518 = tpu.vector_load %arg7[%parallel_loop3A_1517] {strides = array<i32>} : memref<27648xf32, #tpu.memory_space<vmem>>, vector<16xf32>,
      tpu.vector_store %arg7[%parallel_loop3A_1517], %parallel_loop3A_1509 {strides = array<i32>} : memref<27648xf32, #tpu.memory_space<vmem>>, vector<16xf32>,
      %parallel_loop3A_1519 = arith.constant 1 : i32
      %parallel_loop3A_1520 = vector.broadcast %parallel_loop3A_1519 : i32 to vector<16xi32>
      %parallel_loop3A_1521 = arith.addi %min3A_588, %parallel_loop3A_1520 : vector<16xi32>
      %parallel_loop3A_1522 = arith.constant 7 : i32
      %parallel_loop3A_1523 = vector.broadcast %parallel_loop3A_1522 : i32 to vector<16xi32>
      %parallel_loop3A_1524 = arith.shrsi %parallel_loop3A_1521, %parallel_loop3A_1523 : vector<16xi32>
      %parallel_loop3A_1525 = arith.constant 4 : i32
      %parallel_loop3A_1526 = arith.muli %parallel_loop3A_1225, %parallel_loop3A_1525 : i32
      %parallel_loop3A_1527 = vector.broadcast %parallel_loop3A_1526 : i32 to vector<16xi32>
      %parallel_loop3A_1528 = arith.addi %parallel_loop3A_1524, %parallel_loop3A_1527 : vector<16xi32>
      %parallel_loop3A_1529 = arith.constant 384 : i32
      %parallel_loop3A_1530 = vector.broadcast %parallel_loop3A_1529 : i32 to vector<16xi32>
      %parallel_loop3A_1531 = arith.select %parallel_loop3A_1490, %parallel_loop3A_1528, %parallel_loop3A_1530 : vector<16xi1>, vector<16xi32>
      %parallel_loop3A_1532 = arith.constant 127 : i32
      %parallel_loop3A_1533 = vector.broadcast %parallel_loop3A_1532 : i32 to vector<16xi32>
      %parallel_loop3A_1534 = arith.andi %parallel_loop3A_1521, %parallel_loop3A_1533 : vector<16xi32>
      %parallel_loop3A_1535 = arith.sitofp %parallel_loop3A_1531 : vector<16xi32> to vector<16xf32>
      %parallel_loop3A_1536 = arith.sitofp %parallel_loop3A_1534 : vector<16xi32> to vector<16xf32>
      %parallel_loop3A_1537 = arith.addf %parallel_loop3A_1535, %parallel_loop3A_1536 : vector<16xf32>
      %parallel_loop3A_1538 = arith.constant 96 : i32
      %parallel_loop3A_1539 = arith.muli %parallel_loop3A_1225, %parallel_loop3A_1538 : i32
      %parallel_loop3A_1540 = arith.constant 9216 : i32
      %parallel_loop3A_1541 = arith.addi %parallel_loop3A_1540, %parallel_loop3A_1539 : i32
      %parallel_loop3A_1542 = arith.constant 48 : i32
      %parallel_loop3A_1543 = arith.addi %parallel_loop3A_1541, %parallel_loop3A_1542 : i32
      %parallel_loop3A_1544 = tpu.assume_multiple %parallel_loop3A_1543, 8 : i32
      %parallel_loop3A_1545 = arith.index_cast %parallel_loop3A_1544 : i32 to index
      %parallel_loop3A_1546 = tpu.vector_load %arg7[%parallel_loop3A_1545] {strides = array<i32>} : memref<27648xf32, #tpu.memory_space<vmem>>, vector<16xf32>,
      tpu.vector_store %arg7[%parallel_loop3A_1545], %parallel_loop3A_1537 {strides = array<i32>} : memref<27648xf32, #tpu.memory_space<vmem>>, vector<16xf32>,
      %parallel_loop3A_1547 = arith.constant 2 : i32
      %parallel_loop3A_1548 = vector.broadcast %parallel_loop3A_1547 : i32 to vector<16xi32>
      %parallel_loop3A_1549 = arith.addi %min3A_588, %parallel_loop3A_1548 : vector<16xi32>
      %parallel_loop3A_1550 = arith.constant 7 : i32
      %parallel_loop3A_1551 = vector.broadcast %parallel_loop3A_1550 : i32 to vector<16xi32>
      %parallel_loop3A_1552 = arith.shrsi %parallel_loop3A_1549, %parallel_loop3A_1551 : vector<16xi32>
      %parallel_loop3A_1553 = arith.constant 4 : i32
      %parallel_loop3A_1554 = arith.muli %parallel_loop3A_1225, %parallel_loop3A_1553 : i32
      %parallel_loop3A_1555 = vector.broadcast %parallel_loop3A_1554 : i32 to vector<16xi32>
      %parallel_loop3A_1556 = arith.addi %parallel_loop3A_1552, %parallel_loop3A_1555 : vector<16xi32>
      %parallel_loop3A_1557 = arith.constant 384 : i32
      %parallel_loop3A_1558 = vector.broadcast %parallel_loop3A_1557 : i32 to vector<16xi32>
      %parallel_loop3A_1559 = arith.select %parallel_loop3A_1490, %parallel_loop3A_1556, %parallel_loop3A_1558 : vector<16xi1>, vector<16xi32>
      %parallel_loop3A_1560 = arith.constant 127 : i32
      %parallel_loop3A_1561 = vector.broadcast %parallel_loop3A_1560 : i32 to vector<16xi32>
      %parallel_loop3A_1562 = arith.andi %parallel_loop3A_1549, %parallel_loop3A_1561 : vector<16xi32>
      %parallel_loop3A_1563 = arith.sitofp %parallel_loop3A_1559 : vector<16xi32> to vector<16xf32>
      %parallel_loop3A_1564 = arith.sitofp %parallel_loop3A_1562 : vector<16xi32> to vector<16xf32>
      %parallel_loop3A_1565 = arith.addf %parallel_loop3A_1563, %parallel_loop3A_1564 : vector<16xf32>
      %parallel_loop3A_1566 = arith.constant 96 : i32
      %parallel_loop3A_1567 = arith.muli %parallel_loop3A_1225, %parallel_loop3A_1566 : i32
      %parallel_loop3A_1568 = arith.constant 18432 : i32
      %parallel_loop3A_1569 = arith.addi %parallel_loop3A_1568, %parallel_loop3A_1567 : i32
      %parallel_loop3A_1570 = arith.constant 48 : i32
      %parallel_loop3A_1571 = arith.addi %parallel_loop3A_1569, %parallel_loop3A_1570 : i32
      %parallel_loop3A_1572 = tpu.assume_multiple %parallel_loop3A_1571, 8 : i32
      %parallel_loop3A_1573 = arith.index_cast %parallel_loop3A_1572 : i32 to index
      %parallel_loop3A_1574 = tpu.vector_load %arg7[%parallel_loop3A_1573] {strides = array<i32>} : memref<27648xf32, #tpu.memory_space<vmem>>, vector<16xf32>,
      tpu.vector_store %arg7[%parallel_loop3A_1573], %parallel_loop3A_1565 {strides = array<i32>} : memref<27648xf32, #tpu.memory_space<vmem>>, vector<16xf32>,
      %parallel_loop3A_1575 = arith.andi %and3A_599, %parallel_loop3A_1234 : vector<16xi1>
      %parallel_loop3A_1576 = arith.constant 0 : i32
      %parallel_loop3A_1577 = vector.broadcast %parallel_loop3A_1576 : i32 to vector<16xi32>
      %parallel_loop3A_1578 = arith.addi %min3A_609, %parallel_loop3A_1577 : vector<16xi32>
      %parallel_loop3A_1579 = arith.constant 7 : i32
      %parallel_loop3A_1580 = vector.broadcast %parallel_loop3A_1579 : i32 to vector<16xi32>
      %parallel_loop3A_1581 = arith.shrsi %parallel_loop3A_1578, %parallel_loop3A_1580 : vector<16xi32>
      %parallel_loop3A_1582 = arith.constant 4 : i32
      %parallel_loop3A_1583 = arith.muli %parallel_loop3A_1225, %parallel_loop3A_1582 : i32
      %parallel_loop3A_1584 = vector.broadcast %parallel_loop3A_1583 : i32 to vector<16xi32>
      %parallel_loop3A_1585 = arith.addi %parallel_loop3A_1581, %parallel_loop3A_1584 : vector<16xi32>
      %parallel_loop3A_1586 = arith.constant 384 : i32
      %parallel_loop3A_1587 = vector.broadcast %parallel_loop3A_1586 : i32 to vector<16xi32>
      %parallel_loop3A_1588 = arith.select %parallel_loop3A_1575, %parallel_loop3A_1585, %parallel_loop3A_1587 : vector<16xi1>, vector<16xi32>
      %parallel_loop3A_1589 = arith.constant 127 : i32
      %parallel_loop3A_1590 = vector.broadcast %parallel_loop3A_1589 : i32 to vector<16xi32>
      %parallel_loop3A_1591 = arith.andi %parallel_loop3A_1578, %parallel_loop3A_1590 : vector<16xi32>
      %parallel_loop3A_1592 = arith.sitofp %parallel_loop3A_1588 : vector<16xi32> to vector<16xf32>
      %parallel_loop3A_1593 = arith.sitofp %parallel_loop3A_1591 : vector<16xi32> to vector<16xf32>
      %parallel_loop3A_1594 = arith.addf %parallel_loop3A_1592, %parallel_loop3A_1593 : vector<16xf32>
      %parallel_loop3A_1595 = arith.constant 96 : i32
      %parallel_loop3A_1596 = arith.muli %parallel_loop3A_1225, %parallel_loop3A_1595 : i32
      %parallel_loop3A_1597 = arith.constant 0 : i32
      %parallel_loop3A_1598 = arith.addi %parallel_loop3A_1597, %parallel_loop3A_1596 : i32
      %parallel_loop3A_1599 = arith.constant 64 : i32
      %parallel_loop3A_1600 = arith.addi %parallel_loop3A_1598, %parallel_loop3A_1599 : i32
      %parallel_loop3A_1601 = tpu.assume_multiple %parallel_loop3A_1600, 8 : i32
      %parallel_loop3A_1602 = arith.index_cast %parallel_loop3A_1601 : i32 to index
      %parallel_loop3A_1603 = tpu.vector_load %arg7[%parallel_loop3A_1602] {strides = array<i32>} : memref<27648xf32, #tpu.memory_space<vmem>>, vector<16xf32>,
      tpu.vector_store %arg7[%parallel_loop3A_1602], %parallel_loop3A_1594 {strides = array<i32>} : memref<27648xf32, #tpu.memory_space<vmem>>, vector<16xf32>,
      %parallel_loop3A_1604 = arith.constant 1 : i32
      %parallel_loop3A_1605 = vector.broadcast %parallel_loop3A_1604 : i32 to vector<16xi32>
      %parallel_loop3A_1606 = arith.addi %min3A_609, %parallel_loop3A_1605 : vector<16xi32>
      %parallel_loop3A_1607 = arith.constant 7 : i32
      %parallel_loop3A_1608 = vector.broadcast %parallel_loop3A_1607 : i32 to vector<16xi32>
      %parallel_loop3A_1609 = arith.shrsi %parallel_loop3A_1606, %parallel_loop3A_1608 : vector<16xi32>
      %parallel_loop3A_1610 = arith.constant 4 : i32
      %parallel_loop3A_1611 = arith.muli %parallel_loop3A_1225, %parallel_loop3A_1610 : i32
      %parallel_loop3A_1612 = vector.broadcast %parallel_loop3A_1611 : i32 to vector<16xi32>
      %parallel_loop3A_1613 = arith.addi %parallel_loop3A_1609, %parallel_loop3A_1612 : vector<16xi32>
      %parallel_loop3A_1614 = arith.constant 384 : i32
      %parallel_loop3A_1615 = vector.broadcast %parallel_loop3A_1614 : i32 to vector<16xi32>
      %parallel_loop3A_1616 = arith.select %parallel_loop3A_1575, %parallel_loop3A_1613, %parallel_loop3A_1615 : vector<16xi1>, vector<16xi32>
      %parallel_loop3A_1617 = arith.constant 127 : i32
      %parallel_loop3A_1618 = vector.broadcast %parallel_loop3A_1617 : i32 to vector<16xi32>
      %parallel_loop3A_1619 = arith.andi %parallel_loop3A_1606, %parallel_loop3A_1618 : vector<16xi32>
      %parallel_loop3A_1620 = arith.sitofp %parallel_loop3A_1616 : vector<16xi32> to vector<16xf32>
      %parallel_loop3A_1621 = arith.sitofp %parallel_loop3A_1619 : vector<16xi32> to vector<16xf32>
      %parallel_loop3A_1622 = arith.addf %parallel_loop3A_1620, %parallel_loop3A_1621 : vector<16xf32>
      %parallel_loop3A_1623 = arith.constant 96 : i32
      %parallel_loop3A_1624 = arith.muli %parallel_loop3A_1225, %parallel_loop3A_1623 : i32
      %parallel_loop3A_1625 = arith.constant 9216 : i32
      %parallel_loop3A_1626 = arith.addi %parallel_loop3A_1625, %parallel_loop3A_1624 : i32
      %parallel_loop3A_1627 = arith.constant 64 : i32
      %parallel_loop3A_1628 = arith.addi %parallel_loop3A_1626, %parallel_loop3A_1627 : i32
      %parallel_loop3A_1629 = tpu.assume_multiple %parallel_loop3A_1628, 8 : i32
      %parallel_loop3A_1630 = arith.index_cast %parallel_loop3A_1629 : i32 to index
      %parallel_loop3A_1631 = tpu.vector_load %arg7[%parallel_loop3A_1630] {strides = array<i32>} : memref<27648xf32, #tpu.memory_space<vmem>>, vector<16xf32>,
      tpu.vector_store %arg7[%parallel_loop3A_1630], %parallel_loop3A_1622 {strides = array<i32>} : memref<27648xf32, #tpu.memory_space<vmem>>, vector<16xf32>,
      %parallel_loop3A_1632 = arith.constant 2 : i32
      %parallel_loop3A_1633 = vector.broadcast %parallel_loop3A_1632 : i32 to vector<16xi32>
      %parallel_loop3A_1634 = arith.addi %min3A_609, %parallel_loop3A_1633 : vector<16xi32>
      %parallel_loop3A_1635 = arith.constant 7 : i32
      %parallel_loop3A_1636 = vector.broadcast %parallel_loop3A_1635 : i32 to vector<16xi32>
      %parallel_loop3A_1637 = arith.shrsi %parallel_loop3A_1634, %parallel_loop3A_1636 : vector<16xi32>
      %parallel_loop3A_1638 = arith.constant 4 : i32
      %parallel_loop3A_1639 = arith.muli %parallel_loop3A_1225, %parallel_loop3A_1638 : i32
      %parallel_loop3A_1640 = vector.broadcast %parallel_loop3A_1639 : i32 to vector<16xi32>
      %parallel_loop3A_1641 = arith.addi %parallel_loop3A_1637, %parallel_loop3A_1640 : vector<16xi32>
      %parallel_loop3A_1642 = arith.constant 384 : i32
      %parallel_loop3A_1643 = vector.broadcast %parallel_loop3A_1642 : i32 to vector<16xi32>
      %parallel_loop3A_1644 = arith.select %parallel_loop3A_1575, %parallel_loop3A_1641, %parallel_loop3A_1643 : vector<16xi1>, vector<16xi32>
      %parallel_loop3A_1645 = arith.constant 127 : i32
      %parallel_loop3A_1646 = vector.broadcast %parallel_loop3A_1645 : i32 to vector<16xi32>
      %parallel_loop3A_1647 = arith.andi %parallel_loop3A_1634, %parallel_loop3A_1646 : vector<16xi32>
      %parallel_loop3A_1648 = arith.sitofp %parallel_loop3A_1644 : vector<16xi32> to vector<16xf32>
      %parallel_loop3A_1649 = arith.sitofp %parallel_loop3A_1647 : vector<16xi32> to vector<16xf32>
      %parallel_loop3A_1650 = arith.addf %parallel_loop3A_1648, %parallel_loop3A_1649 : vector<16xf32>
      %parallel_loop3A_1651 = arith.constant 96 : i32
      %parallel_loop3A_1652 = arith.muli %parallel_loop3A_1225, %parallel_loop3A_1651 : i32
      %parallel_loop3A_1653 = arith.constant 18432 : i32
      %parallel_loop3A_1654 = arith.addi %parallel_loop3A_1653, %parallel_loop3A_1652 : i32
      %parallel_loop3A_1655 = arith.constant 64 : i32
      %parallel_loop3A_1656 = arith.addi %parallel_loop3A_1654, %parallel_loop3A_1655 : i32
      %parallel_loop3A_1657 = tpu.assume_multiple %parallel_loop3A_1656, 8 : i32
      %parallel_loop3A_1658 = arith.index_cast %parallel_loop3A_1657 : i32 to index
      %parallel_loop3A_1659 = tpu.vector_load %arg7[%parallel_loop3A_1658] {strides = array<i32>} : memref<27648xf32, #tpu.memory_space<vmem>>, vector<16xf32>,
      tpu.vector_store %arg7[%parallel_loop3A_1658], %parallel_loop3A_1650 {strides = array<i32>} : memref<27648xf32, #tpu.memory_space<vmem>>, vector<16xf32>,
      %parallel_loop3A_1660 = arith.andi %and3A_620, %parallel_loop3A_1234 : vector<16xi1>
      %parallel_loop3A_1661 = arith.constant 0 : i32
      %parallel_loop3A_1662 = vector.broadcast %parallel_loop3A_1661 : i32 to vector<16xi32>
      %parallel_loop3A_1663 = arith.addi %min3A_630, %parallel_loop3A_1662 : vector<16xi32>
      %parallel_loop3A_1664 = arith.constant 7 : i32
      %parallel_loop3A_1665 = vector.broadcast %parallel_loop3A_1664 : i32 to vector<16xi32>
      %parallel_loop3A_1666 = arith.shrsi %parallel_loop3A_1663, %parallel_loop3A_1665 : vector<16xi32>
      %parallel_loop3A_1667 = arith.constant 4 : i32
      %parallel_loop3A_1668 = arith.muli %parallel_loop3A_1225, %parallel_loop3A_1667 : i32
      %parallel_loop3A_1669 = vector.broadcast %parallel_loop3A_1668 : i32 to vector<16xi32>
      %parallel_loop3A_1670 = arith.addi %parallel_loop3A_1666, %parallel_loop3A_1669 : vector<16xi32>
      %parallel_loop3A_1671 = arith.constant 384 : i32
      %parallel_loop3A_1672 = vector.broadcast %parallel_loop3A_1671 : i32 to vector<16xi32>
      %parallel_loop3A_1673 = arith.select %parallel_loop3A_1660, %parallel_loop3A_1670, %parallel_loop3A_1672 : vector<16xi1>, vector<16xi32>
      %parallel_loop3A_1674 = arith.constant 127 : i32
      %parallel_loop3A_1675 = vector.broadcast %parallel_loop3A_1674 : i32 to vector<16xi32>
      %parallel_loop3A_1676 = arith.andi %parallel_loop3A_1663, %parallel_loop3A_1675 : vector<16xi32>
      %parallel_loop3A_1677 = arith.sitofp %parallel_loop3A_1673 : vector<16xi32> to vector<16xf32>
      %parallel_loop3A_1678 = arith.sitofp %parallel_loop3A_1676 : vector<16xi32> to vector<16xf32>
      %parallel_loop3A_1679 = arith.addf %parallel_loop3A_1677, %parallel_loop3A_1678 : vector<16xf32>
      %parallel_loop3A_1680 = arith.constant 96 : i32
      %parallel_loop3A_1681 = arith.muli %parallel_loop3A_1225, %parallel_loop3A_1680 : i32
      %parallel_loop3A_1682 = arith.constant 0 : i32
      %parallel_loop3A_1683 = arith.addi %parallel_loop3A_1682, %parallel_loop3A_1681 : i32
      %parallel_loop3A_1684 = arith.constant 80 : i32
      %parallel_loop3A_1685 = arith.addi %parallel_loop3A_1683, %parallel_loop3A_1684 : i32
      %parallel_loop3A_1686 = tpu.assume_multiple %parallel_loop3A_1685, 8 : i32
      %parallel_loop3A_1687 = arith.index_cast %parallel_loop3A_1686 : i32 to index
      %parallel_loop3A_1688 = tpu.vector_load %arg7[%parallel_loop3A_1687] {strides = array<i32>} : memref<27648xf32, #tpu.memory_space<vmem>>, vector<16xf32>,
      tpu.vector_store %arg7[%parallel_loop3A_1687], %parallel_loop3A_1679 {strides = array<i32>} : memref<27648xf32, #tpu.memory_space<vmem>>, vector<16xf32>,
      %parallel_loop3A_1689 = arith.constant 1 : i32
      %parallel_loop3A_1690 = vector.broadcast %parallel_loop3A_1689 : i32 to vector<16xi32>
      %parallel_loop3A_1691 = arith.addi %min3A_630, %parallel_loop3A_1690 : vector<16xi32>
      %parallel_loop3A_1692 = arith.constant 7 : i32
      %parallel_loop3A_1693 = vector.broadcast %parallel_loop3A_1692 : i32 to vector<16xi32>
      %parallel_loop3A_1694 = arith.shrsi %parallel_loop3A_1691, %parallel_loop3A_1693 : vector<16xi32>
      %parallel_loop3A_1695 = arith.constant 4 : i32
      %parallel_loop3A_1696 = arith.muli %parallel_loop3A_1225, %parallel_loop3A_1695 : i32
      %parallel_loop3A_1697 = vector.broadcast %parallel_loop3A_1696 : i32 to vector<16xi32>
      %parallel_loop3A_1698 = arith.addi %parallel_loop3A_1694, %parallel_loop3A_1697 : vector<16xi32>
      %parallel_loop3A_1699 = arith.constant 384 : i32
      %parallel_loop3A_1700 = vector.broadcast %parallel_loop3A_1699 : i32 to vector<16xi32>
      %parallel_loop3A_1701 = arith.select %parallel_loop3A_1660, %parallel_loop3A_1698, %parallel_loop3A_1700 : vector<16xi1>, vector<16xi32>
      %parallel_loop3A_1702 = arith.constant 127 : i32
      %parallel_loop3A_1703 = vector.broadcast %parallel_loop3A_1702 : i32 to vector<16xi32>
      %parallel_loop3A_1704 = arith.andi %parallel_loop3A_1691, %parallel_loop3A_1703 : vector<16xi32>
      %parallel_loop3A_1705 = arith.sitofp %parallel_loop3A_1701 : vector<16xi32> to vector<16xf32>
      %parallel_loop3A_1706 = arith.sitofp %parallel_loop3A_1704 : vector<16xi32> to vector<16xf32>
      %parallel_loop3A_1707 = arith.addf %parallel_loop3A_1705, %parallel_loop3A_1706 : vector<16xf32>
      %parallel_loop3A_1708 = arith.constant 96 : i32
      %parallel_loop3A_1709 = arith.muli %parallel_loop3A_1225, %parallel_loop3A_1708 : i32
      %parallel_loop3A_1710 = arith.constant 9216 : i32
      %parallel_loop3A_1711 = arith.addi %parallel_loop3A_1710, %parallel_loop3A_1709 : i32
      %parallel_loop3A_1712 = arith.constant 80 : i32
      %parallel_loop3A_1713 = arith.addi %parallel_loop3A_1711, %parallel_loop3A_1712 : i32
      %parallel_loop3A_1714 = tpu.assume_multiple %parallel_loop3A_1713, 8 : i32
      %parallel_loop3A_1715 = arith.index_cast %parallel_loop3A_1714 : i32 to index
      %parallel_loop3A_1716 = tpu.vector_load %arg7[%parallel_loop3A_1715] {strides = array<i32>} : memref<27648xf32, #tpu.memory_space<vmem>>, vector<16xf32>,
      tpu.vector_store %arg7[%parallel_loop3A_1715], %parallel_loop3A_1707 {strides = array<i32>} : memref<27648xf32, #tpu.memory_space<vmem>>, vector<16xf32>,
      %parallel_loop3A_1717 = arith.constant 2 : i32
      %parallel_loop3A_1718 = vector.broadcast %parallel_loop3A_1717 : i32 to vector<16xi32>
      %parallel_loop3A_1719 = arith.addi %min3A_630, %parallel_loop3A_1718 : vector<16xi32>
      %parallel_loop3A_1720 = arith.constant 7 : i32
      %parallel_loop3A_1721 = vector.broadcast %parallel_loop3A_1720 : i32 to vector<16xi32>
      %parallel_loop3A_1722 = arith.shrsi %parallel_loop3A_1719, %parallel_loop3A_1721 : vector<16xi32>
      %parallel_loop3A_1723 = arith.constant 4 : i32
      %parallel_loop3A_1724 = arith.muli %parallel_loop3A_1225, %parallel_loop3A_1723 : i32
      %parallel_loop3A_1725 = vector.broadcast %parallel_loop3A_1724 : i32 to vector<16xi32>
      %parallel_loop3A_1726 = arith.addi %parallel_loop3A_1722, %parallel_loop3A_1725 : vector<16xi32>
      %parallel_loop3A_1727 = arith.constant 384 : i32
      %parallel_loop3A_1728 = vector.broadcast %parallel_loop3A_1727 : i32 to vector<16xi32>
      %parallel_loop3A_1729 = arith.select %parallel_loop3A_1660, %parallel_loop3A_1726, %parallel_loop3A_1728 : vector<16xi1>, vector<16xi32>
      %parallel_loop3A_1730 = arith.constant 127 : i32
      %parallel_loop3A_1731 = vector.broadcast %parallel_loop3A_1730 : i32 to vector<16xi32>
      %parallel_loop3A_1732 = arith.andi %parallel_loop3A_1719, %parallel_loop3A_1731 : vector<16xi32>
      %parallel_loop3A_1733 = arith.sitofp %parallel_loop3A_1729 : vector<16xi32> to vector<16xf32>
      %parallel_loop3A_1734 = arith.sitofp %parallel_loop3A_1732 : vector<16xi32> to vector<16xf32>
      %parallel_loop3A_1735 = arith.addf %parallel_loop3A_1733, %parallel_loop3A_1734 : vector<16xf32>
      %parallel_loop3A_1736 = arith.constant 96 : i32
      %parallel_loop3A_1737 = arith.muli %parallel_loop3A_1225, %parallel_loop3A_1736 : i32
      %parallel_loop3A_1738 = arith.constant 18432 : i32
      %parallel_loop3A_1739 = arith.addi %parallel_loop3A_1738, %parallel_loop3A_1737 : i32
      %parallel_loop3A_1740 = arith.constant 80 : i32
      %parallel_loop3A_1741 = arith.addi %parallel_loop3A_1739, %parallel_loop3A_1740 : i32
      %parallel_loop3A_1742 = tpu.assume_multiple %parallel_loop3A_1741, 8 : i32
      %parallel_loop3A_1743 = arith.index_cast %parallel_loop3A_1742 : i32 to index
      %parallel_loop3A_1744 = tpu.vector_load %arg7[%parallel_loop3A_1743] {strides = array<i32>} : memref<27648xf32, #tpu.memory_space<vmem>>, vector<16xf32>,
      tpu.vector_store %arg7[%parallel_loop3A_1743], %parallel_loop3A_1735 {strides = array<i32>} : memref<27648xf32, #tpu.memory_space<vmem>>, vector<16xf32>,
    } {sc.loop_unroll_factor = 2 : i64, sc.parallel_access}
    %mul3A_634 = arith.constant 27648 : i32
    %mul3A_635 = arith.muli %add3A_346, %mul3A_634 : i32
    %multiple_of3A_636 = tpu.assume_multiple %mul3A_635, 8 : i32
    "tpu.region"() ({
      %run_scoped3A = tpu.sem_alloc : memref<!tpu.dma_semaphore, #tpu.memory_space<semaphore_mem>>
      %dma_start3A = tpu.memref_slice %arg4[%multiple_of3A_636] : memref<3538944xf32, #tpu.memory_space<hbm>> -> memref<27648xf32, #tpu.memory_space<hbm>>
      %dma_start3A_1225 = tpu.memref_slice %arg4[%multiple_of3A_636] : memref<3538944xf32, #tpu.memory_space<hbm>> -> memref<27648xf32, #tpu.memory_space<hbm>>
      tpu.enqueue_dma source(%arg7 : memref<27648xf32, #tpu.memory_space<vmem>>) target(%dma_start3A_1225 : memref<27648xf32, #tpu.memory_space<hbm>>) target_semaphore(%run_scoped3A : memref<!tpu.dma_semaphore, #tpu.memory_space<semaphore_mem>>)
      %dma_wait3A = tpu.memref_slice %arg4[%multiple_of3A_636] : memref<3538944xf32, #tpu.memory_space<hbm>> -> memref<27648xf32, #tpu.memory_space<hbm>>
      %dma_wait3A_1226 = tpu.memref_slice %arg4[%multiple_of3A_636] : memref<3538944xf32, #tpu.memory_space<hbm>> -> memref<27648xf32, #tpu.memory_space<hbm>>
      tpu.wait_dma2 semaphore(%run_scoped3A : memref<!tpu.dma_semaphore, #tpu.memory_space<semaphore_mem>>) src(%arg7 : memref<27648xf32, #tpu.memory_space<vmem>>) dst(%dma_wait3A_1226 : memref<27648xf32, #tpu.memory_space<hbm>>)
      tpu.yield
    }) : () -> ()
    %mul3A_637 = arith.constant 4 : i32
    %mul3A_638 = arith.muli %add3A, %mul3A_637 : i32
    %add3A_639 = arith.constant 2 : i32
    %add3A_640 = arith.addi %mul3A_638, %add3A_639 : i32
    %jit3A_641 = arith.constant 16 : i32
    %div3A_642 = arith.divsi %add3A_640, %jit3A_641 : i32
    %sign3A_643 = arith.constant 0 : i32
    %sign3A_644 = arith.cmpi sgt, %add3A_640, %sign3A_643 : i32
    %sign3A_645 = arith.extui %sign3A_644 : i1 to i32
    %sign3A_646 = arith.constant 0 : i32
    %sign3A_647 = arith.cmpi slt, %add3A_640, %sign3A_646 : i32
    %sign3A_648 = arith.extui %sign3A_647 : i1 to i32
    %sign3A_649 = arith.subi %sign3A_645, %sign3A_648 : i32
    %sign3A_650 = arith.constant 0 : i32
    %sign3A_651 = arith.cmpi sgt, %jit3A_641, %sign3A_650 : i32
    %sign3A_652 = arith.extui %sign3A_651 : i1 to i32
    %sign3A_653 = arith.constant 0 : i32
    %sign3A_654 = arith.cmpi slt, %jit3A_641, %sign3A_653 : i32
    %sign3A_655 = arith.extui %sign3A_654 : i1 to i32
    %sign3A_656 = arith.subi %sign3A_652, %sign3A_655 : i32
    %ne3A_657 = arith.cmpi ne, %sign3A_649, %sign3A_656 : i32
    %rem3A_658 = arith.remsi %add3A_640, %jit3A_641 : i32
    %ne3A_659 = arith.constant 0 : i32
    %ne3A_660 = arith.cmpi ne, %rem3A_658, %ne3A_659 : i32
    %and3A_661 = arith.andi %ne3A_657, %ne3A_660 : i1
    %sub3A_662 = arith.constant 1 : i32
    %sub3A_663 = arith.subi %div3A_642, %sub3A_662 : i32
    %select_n3A_664 = arith.select %and3A_661, %sub3A_663, %div3A_642 : i32
    %add3A_665 = arith.constant 2 : i32
    %add3A_666 = arith.addi %sub3A_55, %add3A_665 : i32
    %broadcast_in_dim3A_667 = vector.broadcast %add3A_666 : i32 to vector<16xi32>
    %gather3A_668 = tpu.vector_load_idx %arg5[%broadcast_in_dim3A_667] : memref<16xi32, #tpu.memory_space<vmem>>[vector<16xi32>], vector<16xi32>,
    %jit3A_669 = arith.constant 128 : i32
    %div3A_670 = vector.broadcast %jit3A_669 : i32 to vector<16xi32>
    %div3A_671 = arith.divsi %gather3A_668, %div3A_670 : vector<16xi32>
    %sign3A_672 = arith.constant 0 : i32
    %sign3A_673 = vector.broadcast %sign3A_672 : i32 to vector<16xi32>
    %sign3A_674 = arith.cmpi sgt, %gather3A_668, %sign3A_673 : vector<16xi32>
    %sign3A_675 = arith.extui %sign3A_674 : vector<16xi1> to vector<16xi32>
    %sign3A_676 = arith.constant 0 : i32
    %sign3A_677 = vector.broadcast %sign3A_676 : i32 to vector<16xi32>
    %sign3A_678 = arith.cmpi slt, %gather3A_668, %sign3A_677 : vector<16xi32>
    %sign3A_679 = arith.extui %sign3A_678 : vector<16xi1> to vector<16xi32>
    %sign3A_680 = arith.subi %sign3A_675, %sign3A_679 : vector<16xi32>
    %sign3A_681 = arith.constant 0 : i32
    %sign3A_682 = arith.cmpi sgt, %jit3A_669, %sign3A_681 : i32
    %sign3A_683 = arith.extui %sign3A_682 : i1 to i32
    %sign3A_684 = arith.constant 0 : i32
    %sign3A_685 = arith.cmpi slt, %jit3A_669, %sign3A_684 : i32
    %sign3A_686 = arith.extui %sign3A_685 : i1 to i32
    %sign3A_687 = arith.subi %sign3A_683, %sign3A_686 : i32
    %ne3A_688 = vector.broadcast %sign3A_687 : i32 to vector<16xi32>
    %ne3A_689 = arith.cmpi ne, %sign3A_680, %ne3A_688 : vector<16xi32>
    %rem3A_690 = vector.broadcast %jit3A_669 : i32 to vector<16xi32>
    %rem3A_691 = arith.remsi %gather3A_668, %rem3A_690 : vector<16xi32>
    %ne3A_692 = arith.constant 0 : i32
    %ne3A_693 = vector.broadcast %ne3A_692 : i32 to vector<16xi32>
    %ne3A_694 = arith.cmpi ne, %rem3A_691, %ne3A_693 : vector<16xi32>
    %and3A_695 = arith.andi %ne3A_689, %ne3A_694 : vector<16xi1>
    %sub3A_696 = arith.constant 1 : i32
    %sub3A_697 = vector.broadcast %sub3A_696 : i32 to vector<16xi32>
    %sub3A_698 = arith.subi %div3A_671, %sub3A_697 : vector<16xi32>
    %select_n3A_699 = arith.select %and3A_695, %sub3A_698, %div3A_671 : vector<16xi1>, vector<16xi32>
    %mul3A_700 = arith.constant 128 : i32
    %mul3A_701 = vector.broadcast %mul3A_700 : i32 to vector<16xi32>
    %mul3A_702 = arith.muli %select_n3A_699, %mul3A_701 : vector<16xi32>
    %sub3A_703 = arith.subi %gather3A_668, %mul3A_702 : vector<16xi32>
    %mul3A_704 = arith.constant 8 : i32
    %mul3A_705 = vector.broadcast %mul3A_704 : i32 to vector<16xi32>
    %mul3A_706 = arith.muli %select_n3A_699, %mul3A_705 : vector<16xi32>
    %sub3A_707 = arith.constant 44 : i32
    %sub3A_708 = vector.broadcast %sub3A_707 : i32 to vector<16xi32>
    %sub3A_709 = arith.subi %mul3A_706, %sub3A_708 : vector<16xi32>
    %mul3A_710 = arith.constant 8 : i32
    %mul3A_711 = vector.broadcast %mul3A_710 : i32 to vector<16xi32>
    %mul3A_712 = arith.muli %sub3A_703, %mul3A_711 : vector<16xi32>
    %sub3A_713 = arith.constant 44 : i32
    %sub3A_714 = vector.broadcast %sub3A_713 : i32 to vector<16xi32>
    %sub3A_715 = arith.subi %mul3A_712, %sub3A_714 : vector<16xi32>
    %jit3A_716 = arith.constant 0 : i32
    %jit3A_717 = arith.constant 928 : i32
    %max3A_718 = vector.broadcast %jit3A_716 : i32 to vector<16xi32>
    %max3A_719 = arith.maxsi %max3A_718, %sub3A_715 : vector<16xi32>
    %min3A_720 = vector.broadcast %jit3A_717 : i32 to vector<16xi32>
    %min3A_721 = arith.minsi %min3A_720, %max3A_719 : vector<16xi32>
    %mul3A_722 = arith.constant 3 : i32
    %mul3A_723 = vector.broadcast %mul3A_722 : i32 to vector<16xi32>
    %mul3A_724 = arith.muli %mul3A_723, %min3A_721 : vector<16xi32>
    %jit3A_725 = arith.constant 128 : i32
    %div3A_726 = vector.broadcast %jit3A_725 : i32 to vector<16xi32>
    %div3A_727 = arith.divsi %mul3A_724, %div3A_726 : vector<16xi32>
    %sign3A_728 = arith.constant 0 : i32
    %sign3A_729 = vector.broadcast %sign3A_728 : i32 to vector<16xi32>
    %sign3A_730 = arith.cmpi sgt, %mul3A_724, %sign3A_729 : vector<16xi32>
    %sign3A_731 = arith.extui %sign3A_730 : vector<16xi1> to vector<16xi32>
    %sign3A_732 = arith.constant 0 : i32
    %sign3A_733 = vector.broadcast %sign3A_732 : i32 to vector<16xi32>
    %sign3A_734 = arith.cmpi slt, %mul3A_724, %sign3A_733 : vector<16xi32>
    %sign3A_735 = arith.extui %sign3A_734 : vector<16xi1> to vector<16xi32>
    %sign3A_736 = arith.subi %sign3A_731, %sign3A_735 : vector<16xi32>
    %sign3A_737 = arith.constant 0 : i32
    %sign3A_738 = arith.cmpi sgt, %jit3A_725, %sign3A_737 : i32
    %sign3A_739 = arith.extui %sign3A_738 : i1 to i32
    %sign3A_740 = arith.constant 0 : i32
    %sign3A_741 = arith.cmpi slt, %jit3A_725, %sign3A_740 : i32
    %sign3A_742 = arith.extui %sign3A_741 : i1 to i32
    %sign3A_743 = arith.subi %sign3A_739, %sign3A_742 : i32
    %ne3A_744 = vector.broadcast %sign3A_743 : i32 to vector<16xi32>
    %ne3A_745 = arith.cmpi ne, %sign3A_736, %ne3A_744 : vector<16xi32>
    %rem3A_746 = vector.broadcast %jit3A_725 : i32 to vector<16xi32>
    %rem3A_747 = arith.remsi %mul3A_724, %rem3A_746 : vector<16xi32>
    %ne3A_748 = arith.constant 0 : i32
    %ne3A_749 = vector.broadcast %ne3A_748 : i32 to vector<16xi32>
    %ne3A_750 = arith.cmpi ne, %rem3A_747, %ne3A_749 : vector<16xi32>
    %and3A_751 = arith.andi %ne3A_745, %ne3A_750 : vector<16xi1>
    %sub3A_752 = arith.constant 1 : i32
    %sub3A_753 = vector.broadcast %sub3A_752 : i32 to vector<16xi32>
    %sub3A_754 = arith.subi %div3A_727, %sub3A_753 : vector<16xi32>
    %select_n3A_755 = arith.select %and3A_751, %sub3A_754, %div3A_727 : vector<16xi1>, vector<16xi32>
    %mul3A_756 = arith.constant 128 : i32
    %mul3A_757 = vector.broadcast %mul3A_756 : i32 to vector<16xi32>
    %mul3A_758 = arith.muli %select_n3A_755, %mul3A_757 : vector<16xi32>
    %min3A_759 = arith.constant 2560 : i32
    %min3A_760 = vector.broadcast %min3A_759 : i32 to vector<16xi32>
    %min3A_761 = arith.minsi %mul3A_758, %min3A_760 : vector<16xi32>
    %jit3A_762 = arith.constant 128 : i32
    %div3A_763 = vector.broadcast %jit3A_762 : i32 to vector<16xi32>
    %div3A_764 = arith.divsi %min3A_761, %div3A_763 : vector<16xi32>
    %sign3A_765 = arith.constant 0 : i32
    %sign3A_766 = vector.broadcast %sign3A_765 : i32 to vector<16xi32>
    %sign3A_767 = arith.cmpi sgt, %min3A_761, %sign3A_766 : vector<16xi32>
    %sign3A_768 = arith.extui %sign3A_767 : vector<16xi1> to vector<16xi32>
    %sign3A_769 = arith.constant 0 : i32
    %sign3A_770 = vector.broadcast %sign3A_769 : i32 to vector<16xi32>
    %sign3A_771 = arith.cmpi slt, %min3A_761, %sign3A_770 : vector<16xi32>
    %sign3A_772 = arith.extui %sign3A_771 : vector<16xi1> to vector<16xi32>
    %sign3A_773 = arith.subi %sign3A_768, %sign3A_772 : vector<16xi32>
    %sign3A_774 = arith.constant 0 : i32
    %sign3A_775 = arith.cmpi sgt, %jit3A_762, %sign3A_774 : i32
    %sign3A_776 = arith.extui %sign3A_775 : i1 to i32
    %sign3A_777 = arith.constant 0 : i32
    %sign3A_778 = arith.cmpi slt, %jit3A_762, %sign3A_777 : i32
    %sign3A_779 = arith.extui %sign3A_778 : i1 to i32
    %sign3A_780 = arith.subi %sign3A_776, %sign3A_779 : i32
    %ne3A_781 = vector.broadcast %sign3A_780 : i32 to vector<16xi32>
    %ne3A_782 = arith.cmpi ne, %sign3A_773, %ne3A_781 : vector<16xi32>
    %rem3A_783 = vector.broadcast %jit3A_762 : i32 to vector<16xi32>
    %rem3A_784 = arith.remsi %min3A_761, %rem3A_783 : vector<16xi32>
    %ne3A_785 = arith.constant 0 : i32
    %ne3A_786 = vector.broadcast %ne3A_785 : i32 to vector<16xi32>
    %ne3A_787 = arith.cmpi ne, %rem3A_784, %ne3A_786 : vector<16xi32>
    %and3A_788 = arith.andi %ne3A_782, %ne3A_787 : vector<16xi1>
    %sub3A_789 = arith.constant 1 : i32
    %sub3A_790 = vector.broadcast %sub3A_789 : i32 to vector<16xi32>
    %sub3A_791 = arith.subi %div3A_764, %sub3A_790 : vector<16xi32>
    %select_n3A_792 = arith.select %and3A_788, %sub3A_791, %div3A_764 : vector<16xi1>, vector<16xi32>
    %shift_right_arithmetic3A_793 = arith.constant 2 : i32
    %shift_right_arithmetic3A_794 = vector.broadcast %shift_right_arithmetic3A_793 : i32 to vector<16xi32>
    %shift_right_arithmetic3A_795 = arith.shrsi %iota3A, %shift_right_arithmetic3A_794 : vector<16xi32>
    %and3A_796 = arith.constant 3 : i32
    %and3A_797 = vector.broadcast %and3A_796 : i32 to vector<16xi32>
    %and3A_798 = arith.andi %iota3A, %and3A_797 : vector<16xi32>
    %add3A_799 = arith.constant 0 : i32
    %add3A_800 = vector.broadcast %add3A_799 : i32 to vector<16xi32>
    %add3A_801 = arith.addi %sub3A_715, %add3A_800 : vector<16xi32>
    %add3A_802 = arith.addi %add3A_801, %iota3A : vector<16xi32>
    %ge3A_803 = arith.constant 0 : i32
    %ge3A_804 = vector.broadcast %ge3A_803 : i32 to vector<16xi32>
    %ge3A_805 = arith.cmpi sge, %add3A_802, %ge3A_804 : vector<16xi32>
    %lt3A_806 = arith.constant 1024 : i32
    %lt3A_807 = vector.broadcast %lt3A_806 : i32 to vector<16xi32>
    %lt3A_808 = arith.cmpi slt, %add3A_802, %lt3A_807 : vector<16xi32>
    %and3A_809 = arith.andi %ge3A_805, %lt3A_808 : vector<16xi1>
    %mul3A_810 = arith.constant 3 : i32
    %mul3A_811 = vector.broadcast %mul3A_810 : i32 to vector<16xi32>
    %mul3A_812 = arith.muli %mul3A_811, %add3A_802 : vector<16xi32>
    %sub3A_813 = arith.subi %mul3A_812, %min3A_761 : vector<16xi32>
    %jit3A_814 = arith.constant 0 : i32
    %jit3A_815 = arith.constant 509 : i32
    %max3A_816 = vector.broadcast %jit3A_814 : i32 to vector<16xi32>
    %max3A_817 = arith.maxsi %max3A_816, %sub3A_813 : vector<16xi32>
    %min3A_818 = vector.broadcast %jit3A_815 : i32 to vector<16xi32>
    %min3A_819 = arith.minsi %min3A_818, %max3A_817 : vector<16xi32>
    %add3A_820 = arith.constant 16 : i32
    %add3A_821 = vector.broadcast %add3A_820 : i32 to vector<16xi32>
    %add3A_822 = arith.addi %sub3A_715, %add3A_821 : vector<16xi32>
    %add3A_823 = arith.addi %add3A_822, %iota3A : vector<16xi32>
    %ge3A_824 = arith.constant 0 : i32
    %ge3A_825 = vector.broadcast %ge3A_824 : i32 to vector<16xi32>
    %ge3A_826 = arith.cmpi sge, %add3A_823, %ge3A_825 : vector<16xi32>
    %lt3A_827 = arith.constant 1024 : i32
    %lt3A_828 = vector.broadcast %lt3A_827 : i32 to vector<16xi32>
    %lt3A_829 = arith.cmpi slt, %add3A_823, %lt3A_828 : vector<16xi32>
    %and3A_830 = arith.andi %ge3A_826, %lt3A_829 : vector<16xi1>
    %mul3A_831 = arith.constant 3 : i32
    %mul3A_832 = vector.broadcast %mul3A_831 : i32 to vector<16xi32>
    %mul3A_833 = arith.muli %mul3A_832, %add3A_823 : vector<16xi32>
    %sub3A_834 = arith.subi %mul3A_833, %min3A_761 : vector<16xi32>
    %jit3A_835 = arith.constant 0 : i32
    %jit3A_836 = arith.constant 509 : i32
    %max3A_837 = vector.broadcast %jit3A_835 : i32 to vector<16xi32>
    %max3A_838 = arith.maxsi %max3A_837, %sub3A_834 : vector<16xi32>
    %min3A_839 = vector.broadcast %jit3A_836 : i32 to vector<16xi32>
    %min3A_840 = arith.minsi %min3A_839, %max3A_838 : vector<16xi32>
    %add3A_841 = arith.constant 32 : i32
    %add3A_842 = vector.broadcast %add3A_841 : i32 to vector<16xi32>
    %add3A_843 = arith.addi %sub3A_715, %add3A_842 : vector<16xi32>
    %add3A_844 = arith.addi %add3A_843, %iota3A : vector<16xi32>
    %ge3A_845 = arith.constant 0 : i32
    %ge3A_846 = vector.broadcast %ge3A_845 : i32 to vector<16xi32>
    %ge3A_847 = arith.cmpi sge, %add3A_844, %ge3A_846 : vector<16xi32>
    %lt3A_848 = arith.constant 1024 : i32
    %lt3A_849 = vector.broadcast %lt3A_848 : i32 to vector<16xi32>
    %lt3A_850 = arith.cmpi slt, %add3A_844, %lt3A_849 : vector<16xi32>
    %and3A_851 = arith.andi %ge3A_847, %lt3A_850 : vector<16xi1>
    %mul3A_852 = arith.constant 3 : i32
    %mul3A_853 = vector.broadcast %mul3A_852 : i32 to vector<16xi32>
    %mul3A_854 = arith.muli %mul3A_853, %add3A_844 : vector<16xi32>
    %sub3A_855 = arith.subi %mul3A_854, %min3A_761 : vector<16xi32>
    %jit3A_856 = arith.constant 0 : i32
    %jit3A_857 = arith.constant 509 : i32
    %max3A_858 = vector.broadcast %jit3A_856 : i32 to vector<16xi32>
    %max3A_859 = arith.maxsi %max3A_858, %sub3A_855 : vector<16xi32>
    %min3A_860 = vector.broadcast %jit3A_857 : i32 to vector<16xi32>
    %min3A_861 = arith.minsi %min3A_860, %max3A_859 : vector<16xi32>
    %add3A_862 = arith.constant 48 : i32
    %add3A_863 = vector.broadcast %add3A_862 : i32 to vector<16xi32>
    %add3A_864 = arith.addi %sub3A_715, %add3A_863 : vector<16xi32>
    %add3A_865 = arith.addi %add3A_864, %iota3A : vector<16xi32>
    %ge3A_866 = arith.constant 0 : i32
    %ge3A_867 = vector.broadcast %ge3A_866 : i32 to vector<16xi32>
    %ge3A_868 = arith.cmpi sge, %add3A_865, %ge3A_867 : vector<16xi32>
    %lt3A_869 = arith.constant 1024 : i32
    %lt3A_870 = vector.broadcast %lt3A_869 : i32 to vector<16xi32>
    %lt3A_871 = arith.cmpi slt, %add3A_865, %lt3A_870 : vector<16xi32>
    %and3A_872 = arith.andi %ge3A_868, %lt3A_871 : vector<16xi1>
    %mul3A_873 = arith.constant 3 : i32
    %mul3A_874 = vector.broadcast %mul3A_873 : i32 to vector<16xi32>
    %mul3A_875 = arith.muli %mul3A_874, %add3A_865 : vector<16xi32>
    %sub3A_876 = arith.subi %mul3A_875, %min3A_761 : vector<16xi32>
    %jit3A_877 = arith.constant 0 : i32
    %jit3A_878 = arith.constant 509 : i32
    %max3A_879 = vector.broadcast %jit3A_877 : i32 to vector<16xi32>
    %max3A_880 = arith.maxsi %max3A_879, %sub3A_876 : vector<16xi32>
    %min3A_881 = vector.broadcast %jit3A_878 : i32 to vector<16xi32>
    %min3A_882 = arith.minsi %min3A_881, %max3A_880 : vector<16xi32>
    %add3A_883 = arith.constant 64 : i32
    %add3A_884 = vector.broadcast %add3A_883 : i32 to vector<16xi32>
    %add3A_885 = arith.addi %sub3A_715, %add3A_884 : vector<16xi32>
    %add3A_886 = arith.addi %add3A_885, %iota3A : vector<16xi32>
    %ge3A_887 = arith.constant 0 : i32
    %ge3A_888 = vector.broadcast %ge3A_887 : i32 to vector<16xi32>
    %ge3A_889 = arith.cmpi sge, %add3A_886, %ge3A_888 : vector<16xi32>
    %lt3A_890 = arith.constant 1024 : i32
    %lt3A_891 = vector.broadcast %lt3A_890 : i32 to vector<16xi32>
    %lt3A_892 = arith.cmpi slt, %add3A_886, %lt3A_891 : vector<16xi32>
    %and3A_893 = arith.andi %ge3A_889, %lt3A_892 : vector<16xi1>
    %mul3A_894 = arith.constant 3 : i32
    %mul3A_895 = vector.broadcast %mul3A_894 : i32 to vector<16xi32>
    %mul3A_896 = arith.muli %mul3A_895, %add3A_886 : vector<16xi32>
    %sub3A_897 = arith.subi %mul3A_896, %min3A_761 : vector<16xi32>
    %jit3A_898 = arith.constant 0 : i32
    %jit3A_899 = arith.constant 509 : i32
    %max3A_900 = vector.broadcast %jit3A_898 : i32 to vector<16xi32>
    %max3A_901 = arith.maxsi %max3A_900, %sub3A_897 : vector<16xi32>
    %min3A_902 = vector.broadcast %jit3A_899 : i32 to vector<16xi32>
    %min3A_903 = arith.minsi %min3A_902, %max3A_901 : vector<16xi32>
    %add3A_904 = arith.constant 80 : i32
    %add3A_905 = vector.broadcast %add3A_904 : i32 to vector<16xi32>
    %add3A_906 = arith.addi %sub3A_715, %add3A_905 : vector<16xi32>
    %add3A_907 = arith.addi %add3A_906, %iota3A : vector<16xi32>
    %ge3A_908 = arith.constant 0 : i32
    %ge3A_909 = vector.broadcast %ge3A_908 : i32 to vector<16xi32>
    %ge3A_910 = arith.cmpi sge, %add3A_907, %ge3A_909 : vector<16xi32>
    %lt3A_911 = arith.constant 1024 : i32
    %lt3A_912 = vector.broadcast %lt3A_911 : i32 to vector<16xi32>
    %lt3A_913 = arith.cmpi slt, %add3A_907, %lt3A_912 : vector<16xi32>
    %and3A_914 = arith.andi %ge3A_910, %lt3A_913 : vector<16xi1>
    %mul3A_915 = arith.constant 3 : i32
    %mul3A_916 = vector.broadcast %mul3A_915 : i32 to vector<16xi32>
    %mul3A_917 = arith.muli %mul3A_916, %add3A_907 : vector<16xi32>
    %sub3A_918 = arith.subi %mul3A_917, %min3A_761 : vector<16xi32>
    %jit3A_919 = arith.constant 0 : i32
    %jit3A_920 = arith.constant 509 : i32
    %max3A_921 = vector.broadcast %jit3A_919 : i32 to vector<16xi32>
    %max3A_922 = arith.maxsi %max3A_921, %sub3A_918 : vector<16xi32>
    %min3A_923 = vector.broadcast %jit3A_920 : i32 to vector<16xi32>
    %min3A_924 = arith.minsi %min3A_923, %max3A_922 : vector<16xi32>
    %parallel_loop3A_925 = arith.constant 0 : i32
    %parallel_loop3A_926 = arith.constant 96 : i32
    %parallel_loop3A_927 = arith.constant 1 : i32
    scf.for %parallel_loop3A_1225 = %parallel_loop3A_925 to %parallel_loop3A_926 step %parallel_loop3A_927  : i32 {
      %parallel_loop3A_1226 = vector.broadcast %parallel_loop3A_1225 : i32 to vector<16xi32>
      %parallel_loop3A_1227 = arith.addi %sub3A_709, %parallel_loop3A_1226 : vector<16xi32>
      %parallel_loop3A_1228 = arith.constant 0 : i32
      %parallel_loop3A_1229 = vector.broadcast %parallel_loop3A_1228 : i32 to vector<16xi32>
      %parallel_loop3A_1230 = arith.cmpi sge, %parallel_loop3A_1227, %parallel_loop3A_1229 : vector<16xi32>
      %parallel_loop3A_1231 = arith.constant 1024 : i32
      %parallel_loop3A_1232 = vector.broadcast %parallel_loop3A_1231 : i32 to vector<16xi32>
      %parallel_loop3A_1233 = arith.cmpi slt, %parallel_loop3A_1227, %parallel_loop3A_1232 : vector<16xi32>
      %parallel_loop3A_1234 = arith.andi %parallel_loop3A_1230, %parallel_loop3A_1233 : vector<16xi1>
      %parallel_loop3A_1235 = arith.andi %and3A_809, %parallel_loop3A_1234 : vector<16xi1>
      %parallel_loop3A_1236 = arith.constant 0 : i32
      %parallel_loop3A_1237 = vector.broadcast %parallel_loop3A_1236 : i32 to vector<16xi32>
      %parallel_loop3A_1238 = arith.addi %min3A_819, %parallel_loop3A_1237 : vector<16xi32>
      %parallel_loop3A_1239 = arith.constant 7 : i32
      %parallel_loop3A_1240 = vector.broadcast %parallel_loop3A_1239 : i32 to vector<16xi32>
      %parallel_loop3A_1241 = arith.shrsi %parallel_loop3A_1238, %parallel_loop3A_1240 : vector<16xi32>
      %parallel_loop3A_1242 = arith.constant 4 : i32
      %parallel_loop3A_1243 = arith.muli %parallel_loop3A_1225, %parallel_loop3A_1242 : i32
      %parallel_loop3A_1244 = vector.broadcast %parallel_loop3A_1243 : i32 to vector<16xi32>
      %parallel_loop3A_1245 = arith.addi %parallel_loop3A_1241, %parallel_loop3A_1244 : vector<16xi32>
      %parallel_loop3A_1246 = arith.constant 384 : i32
      %parallel_loop3A_1247 = vector.broadcast %parallel_loop3A_1246 : i32 to vector<16xi32>
      %parallel_loop3A_1248 = arith.select %parallel_loop3A_1235, %parallel_loop3A_1245, %parallel_loop3A_1247 : vector<16xi1>, vector<16xi32>
      %parallel_loop3A_1249 = arith.constant 127 : i32
      %parallel_loop3A_1250 = vector.broadcast %parallel_loop3A_1249 : i32 to vector<16xi32>
      %parallel_loop3A_1251 = arith.andi %parallel_loop3A_1238, %parallel_loop3A_1250 : vector<16xi32>
      %parallel_loop3A_1252 = arith.sitofp %parallel_loop3A_1248 : vector<16xi32> to vector<16xf32>
      %parallel_loop3A_1253 = arith.sitofp %parallel_loop3A_1251 : vector<16xi32> to vector<16xf32>
      %parallel_loop3A_1254 = arith.addf %parallel_loop3A_1252, %parallel_loop3A_1253 : vector<16xf32>
      %parallel_loop3A_1255 = arith.constant 96 : i32
      %parallel_loop3A_1256 = arith.muli %parallel_loop3A_1225, %parallel_loop3A_1255 : i32
      %parallel_loop3A_1257 = arith.constant 0 : i32
      %parallel_loop3A_1258 = arith.addi %parallel_loop3A_1257, %parallel_loop3A_1256 : i32
      %parallel_loop3A_1259 = arith.constant 0 : i32
      %parallel_loop3A_1260 = arith.addi %parallel_loop3A_1258, %parallel_loop3A_1259 : i32
      %parallel_loop3A_1261 = tpu.assume_multiple %parallel_loop3A_1260, 8 : i32
      %parallel_loop3A_1262 = arith.index_cast %parallel_loop3A_1261 : i32 to index
      %parallel_loop3A_1263 = tpu.vector_load %arg7[%parallel_loop3A_1262] {strides = array<i32>} : memref<27648xf32, #tpu.memory_space<vmem>>, vector<16xf32>,
      tpu.vector_store %arg7[%parallel_loop3A_1262], %parallel_loop3A_1254 {strides = array<i32>} : memref<27648xf32, #tpu.memory_space<vmem>>, vector<16xf32>,
      %parallel_loop3A_1264 = arith.constant 1 : i32
      %parallel_loop3A_1265 = vector.broadcast %parallel_loop3A_1264 : i32 to vector<16xi32>
      %parallel_loop3A_1266 = arith.addi %min3A_819, %parallel_loop3A_1265 : vector<16xi32>
      %parallel_loop3A_1267 = arith.constant 7 : i32
      %parallel_loop3A_1268 = vector.broadcast %parallel_loop3A_1267 : i32 to vector<16xi32>
      %parallel_loop3A_1269 = arith.shrsi %parallel_loop3A_1266, %parallel_loop3A_1268 : vector<16xi32>
      %parallel_loop3A_1270 = arith.constant 4 : i32
      %parallel_loop3A_1271 = arith.muli %parallel_loop3A_1225, %parallel_loop3A_1270 : i32
      %parallel_loop3A_1272 = vector.broadcast %parallel_loop3A_1271 : i32 to vector<16xi32>
      %parallel_loop3A_1273 = arith.addi %parallel_loop3A_1269, %parallel_loop3A_1272 : vector<16xi32>
      %parallel_loop3A_1274 = arith.constant 384 : i32
      %parallel_loop3A_1275 = vector.broadcast %parallel_loop3A_1274 : i32 to vector<16xi32>
      %parallel_loop3A_1276 = arith.select %parallel_loop3A_1235, %parallel_loop3A_1273, %parallel_loop3A_1275 : vector<16xi1>, vector<16xi32>
      %parallel_loop3A_1277 = arith.constant 127 : i32
      %parallel_loop3A_1278 = vector.broadcast %parallel_loop3A_1277 : i32 to vector<16xi32>
      %parallel_loop3A_1279 = arith.andi %parallel_loop3A_1266, %parallel_loop3A_1278 : vector<16xi32>
      %parallel_loop3A_1280 = arith.sitofp %parallel_loop3A_1276 : vector<16xi32> to vector<16xf32>
      %parallel_loop3A_1281 = arith.sitofp %parallel_loop3A_1279 : vector<16xi32> to vector<16xf32>
      %parallel_loop3A_1282 = arith.addf %parallel_loop3A_1280, %parallel_loop3A_1281 : vector<16xf32>
      %parallel_loop3A_1283 = arith.constant 96 : i32
      %parallel_loop3A_1284 = arith.muli %parallel_loop3A_1225, %parallel_loop3A_1283 : i32
      %parallel_loop3A_1285 = arith.constant 9216 : i32
      %parallel_loop3A_1286 = arith.addi %parallel_loop3A_1285, %parallel_loop3A_1284 : i32
      %parallel_loop3A_1287 = arith.constant 0 : i32
      %parallel_loop3A_1288 = arith.addi %parallel_loop3A_1286, %parallel_loop3A_1287 : i32
      %parallel_loop3A_1289 = tpu.assume_multiple %parallel_loop3A_1288, 8 : i32
      %parallel_loop3A_1290 = arith.index_cast %parallel_loop3A_1289 : i32 to index
      %parallel_loop3A_1291 = tpu.vector_load %arg7[%parallel_loop3A_1290] {strides = array<i32>} : memref<27648xf32, #tpu.memory_space<vmem>>, vector<16xf32>,
      tpu.vector_store %arg7[%parallel_loop3A_1290], %parallel_loop3A_1282 {strides = array<i32>} : memref<27648xf32, #tpu.memory_space<vmem>>, vector<16xf32>,
      %parallel_loop3A_1292 = arith.constant 2 : i32
      %parallel_loop3A_1293 = vector.broadcast %parallel_loop3A_1292 : i32 to vector<16xi32>
      %parallel_loop3A_1294 = arith.addi %min3A_819, %parallel_loop3A_1293 : vector<16xi32>
      %parallel_loop3A_1295 = arith.constant 7 : i32
      %parallel_loop3A_1296 = vector.broadcast %parallel_loop3A_1295 : i32 to vector<16xi32>
      %parallel_loop3A_1297 = arith.shrsi %parallel_loop3A_1294, %parallel_loop3A_1296 : vector<16xi32>
      %parallel_loop3A_1298 = arith.constant 4 : i32
      %parallel_loop3A_1299 = arith.muli %parallel_loop3A_1225, %parallel_loop3A_1298 : i32
      %parallel_loop3A_1300 = vector.broadcast %parallel_loop3A_1299 : i32 to vector<16xi32>
      %parallel_loop3A_1301 = arith.addi %parallel_loop3A_1297, %parallel_loop3A_1300 : vector<16xi32>
      %parallel_loop3A_1302 = arith.constant 384 : i32
      %parallel_loop3A_1303 = vector.broadcast %parallel_loop3A_1302 : i32 to vector<16xi32>
      %parallel_loop3A_1304 = arith.select %parallel_loop3A_1235, %parallel_loop3A_1301, %parallel_loop3A_1303 : vector<16xi1>, vector<16xi32>
      %parallel_loop3A_1305 = arith.constant 127 : i32
      %parallel_loop3A_1306 = vector.broadcast %parallel_loop3A_1305 : i32 to vector<16xi32>
      %parallel_loop3A_1307 = arith.andi %parallel_loop3A_1294, %parallel_loop3A_1306 : vector<16xi32>
      %parallel_loop3A_1308 = arith.sitofp %parallel_loop3A_1304 : vector<16xi32> to vector<16xf32>
      %parallel_loop3A_1309 = arith.sitofp %parallel_loop3A_1307 : vector<16xi32> to vector<16xf32>
      %parallel_loop3A_1310 = arith.addf %parallel_loop3A_1308, %parallel_loop3A_1309 : vector<16xf32>
      %parallel_loop3A_1311 = arith.constant 96 : i32
      %parallel_loop3A_1312 = arith.muli %parallel_loop3A_1225, %parallel_loop3A_1311 : i32
      %parallel_loop3A_1313 = arith.constant 18432 : i32
      %parallel_loop3A_1314 = arith.addi %parallel_loop3A_1313, %parallel_loop3A_1312 : i32
      %parallel_loop3A_1315 = arith.constant 0 : i32
      %parallel_loop3A_1316 = arith.addi %parallel_loop3A_1314, %parallel_loop3A_1315 : i32
      %parallel_loop3A_1317 = tpu.assume_multiple %parallel_loop3A_1316, 8 : i32
      %parallel_loop3A_1318 = arith.index_cast %parallel_loop3A_1317 : i32 to index
      %parallel_loop3A_1319 = tpu.vector_load %arg7[%parallel_loop3A_1318] {strides = array<i32>} : memref<27648xf32, #tpu.memory_space<vmem>>, vector<16xf32>,
      tpu.vector_store %arg7[%parallel_loop3A_1318], %parallel_loop3A_1310 {strides = array<i32>} : memref<27648xf32, #tpu.memory_space<vmem>>, vector<16xf32>,
      %parallel_loop3A_1320 = arith.andi %and3A_830, %parallel_loop3A_1234 : vector<16xi1>
      %parallel_loop3A_1321 = arith.constant 0 : i32
      %parallel_loop3A_1322 = vector.broadcast %parallel_loop3A_1321 : i32 to vector<16xi32>
      %parallel_loop3A_1323 = arith.addi %min3A_840, %parallel_loop3A_1322 : vector<16xi32>
      %parallel_loop3A_1324 = arith.constant 7 : i32
      %parallel_loop3A_1325 = vector.broadcast %parallel_loop3A_1324 : i32 to vector<16xi32>
      %parallel_loop3A_1326 = arith.shrsi %parallel_loop3A_1323, %parallel_loop3A_1325 : vector<16xi32>
      %parallel_loop3A_1327 = arith.constant 4 : i32
      %parallel_loop3A_1328 = arith.muli %parallel_loop3A_1225, %parallel_loop3A_1327 : i32
      %parallel_loop3A_1329 = vector.broadcast %parallel_loop3A_1328 : i32 to vector<16xi32>
      %parallel_loop3A_1330 = arith.addi %parallel_loop3A_1326, %parallel_loop3A_1329 : vector<16xi32>
      %parallel_loop3A_1331 = arith.constant 384 : i32
      %parallel_loop3A_1332 = vector.broadcast %parallel_loop3A_1331 : i32 to vector<16xi32>
      %parallel_loop3A_1333 = arith.select %parallel_loop3A_1320, %parallel_loop3A_1330, %parallel_loop3A_1332 : vector<16xi1>, vector<16xi32>
      %parallel_loop3A_1334 = arith.constant 127 : i32
      %parallel_loop3A_1335 = vector.broadcast %parallel_loop3A_1334 : i32 to vector<16xi32>
      %parallel_loop3A_1336 = arith.andi %parallel_loop3A_1323, %parallel_loop3A_1335 : vector<16xi32>
      %parallel_loop3A_1337 = arith.sitofp %parallel_loop3A_1333 : vector<16xi32> to vector<16xf32>
      %parallel_loop3A_1338 = arith.sitofp %parallel_loop3A_1336 : vector<16xi32> to vector<16xf32>
      %parallel_loop3A_1339 = arith.addf %parallel_loop3A_1337, %parallel_loop3A_1338 : vector<16xf32>
      %parallel_loop3A_1340 = arith.constant 96 : i32
      %parallel_loop3A_1341 = arith.muli %parallel_loop3A_1225, %parallel_loop3A_1340 : i32
      %parallel_loop3A_1342 = arith.constant 0 : i32
      %parallel_loop3A_1343 = arith.addi %parallel_loop3A_1342, %parallel_loop3A_1341 : i32
      %parallel_loop3A_1344 = arith.constant 16 : i32
      %parallel_loop3A_1345 = arith.addi %parallel_loop3A_1343, %parallel_loop3A_1344 : i32
      %parallel_loop3A_1346 = tpu.assume_multiple %parallel_loop3A_1345, 8 : i32
      %parallel_loop3A_1347 = arith.index_cast %parallel_loop3A_1346 : i32 to index
      %parallel_loop3A_1348 = tpu.vector_load %arg7[%parallel_loop3A_1347] {strides = array<i32>} : memref<27648xf32, #tpu.memory_space<vmem>>, vector<16xf32>,
      tpu.vector_store %arg7[%parallel_loop3A_1347], %parallel_loop3A_1339 {strides = array<i32>} : memref<27648xf32, #tpu.memory_space<vmem>>, vector<16xf32>,
      %parallel_loop3A_1349 = arith.constant 1 : i32
      %parallel_loop3A_1350 = vector.broadcast %parallel_loop3A_1349 : i32 to vector<16xi32>
      %parallel_loop3A_1351 = arith.addi %min3A_840, %parallel_loop3A_1350 : vector<16xi32>
      %parallel_loop3A_1352 = arith.constant 7 : i32
      %parallel_loop3A_1353 = vector.broadcast %parallel_loop3A_1352 : i32 to vector<16xi32>
      %parallel_loop3A_1354 = arith.shrsi %parallel_loop3A_1351, %parallel_loop3A_1353 : vector<16xi32>
      %parallel_loop3A_1355 = arith.constant 4 : i32
      %parallel_loop3A_1356 = arith.muli %parallel_loop3A_1225, %parallel_loop3A_1355 : i32
      %parallel_loop3A_1357 = vector.broadcast %parallel_loop3A_1356 : i32 to vector<16xi32>
      %parallel_loop3A_1358 = arith.addi %parallel_loop3A_1354, %parallel_loop3A_1357 : vector<16xi32>
      %parallel_loop3A_1359 = arith.constant 384 : i32
      %parallel_loop3A_1360 = vector.broadcast %parallel_loop3A_1359 : i32 to vector<16xi32>
      %parallel_loop3A_1361 = arith.select %parallel_loop3A_1320, %parallel_loop3A_1358, %parallel_loop3A_1360 : vector<16xi1>, vector<16xi32>
      %parallel_loop3A_1362 = arith.constant 127 : i32
      %parallel_loop3A_1363 = vector.broadcast %parallel_loop3A_1362 : i32 to vector<16xi32>
      %parallel_loop3A_1364 = arith.andi %parallel_loop3A_1351, %parallel_loop3A_1363 : vector<16xi32>
      %parallel_loop3A_1365 = arith.sitofp %parallel_loop3A_1361 : vector<16xi32> to vector<16xf32>
      %parallel_loop3A_1366 = arith.sitofp %parallel_loop3A_1364 : vector<16xi32> to vector<16xf32>
      %parallel_loop3A_1367 = arith.addf %parallel_loop3A_1365, %parallel_loop3A_1366 : vector<16xf32>
      %parallel_loop3A_1368 = arith.constant 96 : i32
      %parallel_loop3A_1369 = arith.muli %parallel_loop3A_1225, %parallel_loop3A_1368 : i32
      %parallel_loop3A_1370 = arith.constant 9216 : i32
      %parallel_loop3A_1371 = arith.addi %parallel_loop3A_1370, %parallel_loop3A_1369 : i32
      %parallel_loop3A_1372 = arith.constant 16 : i32
      %parallel_loop3A_1373 = arith.addi %parallel_loop3A_1371, %parallel_loop3A_1372 : i32
      %parallel_loop3A_1374 = tpu.assume_multiple %parallel_loop3A_1373, 8 : i32
      %parallel_loop3A_1375 = arith.index_cast %parallel_loop3A_1374 : i32 to index
      %parallel_loop3A_1376 = tpu.vector_load %arg7[%parallel_loop3A_1375] {strides = array<i32>} : memref<27648xf32, #tpu.memory_space<vmem>>, vector<16xf32>,
      tpu.vector_store %arg7[%parallel_loop3A_1375], %parallel_loop3A_1367 {strides = array<i32>} : memref<27648xf32, #tpu.memory_space<vmem>>, vector<16xf32>,
      %parallel_loop3A_1377 = arith.constant 2 : i32
      %parallel_loop3A_1378 = vector.broadcast %parallel_loop3A_1377 : i32 to vector<16xi32>
      %parallel_loop3A_1379 = arith.addi %min3A_840, %parallel_loop3A_1378 : vector<16xi32>
      %parallel_loop3A_1380 = arith.constant 7 : i32
      %parallel_loop3A_1381 = vector.broadcast %parallel_loop3A_1380 : i32 to vector<16xi32>
      %parallel_loop3A_1382 = arith.shrsi %parallel_loop3A_1379, %parallel_loop3A_1381 : vector<16xi32>
      %parallel_loop3A_1383 = arith.constant 4 : i32
      %parallel_loop3A_1384 = arith.muli %parallel_loop3A_1225, %parallel_loop3A_1383 : i32
      %parallel_loop3A_1385 = vector.broadcast %parallel_loop3A_1384 : i32 to vector<16xi32>
      %parallel_loop3A_1386 = arith.addi %parallel_loop3A_1382, %parallel_loop3A_1385 : vector<16xi32>
      %parallel_loop3A_1387 = arith.constant 384 : i32
      %parallel_loop3A_1388 = vector.broadcast %parallel_loop3A_1387 : i32 to vector<16xi32>
      %parallel_loop3A_1389 = arith.select %parallel_loop3A_1320, %parallel_loop3A_1386, %parallel_loop3A_1388 : vector<16xi1>, vector<16xi32>
      %parallel_loop3A_1390 = arith.constant 127 : i32
      %parallel_loop3A_1391 = vector.broadcast %parallel_loop3A_1390 : i32 to vector<16xi32>
      %parallel_loop3A_1392 = arith.andi %parallel_loop3A_1379, %parallel_loop3A_1391 : vector<16xi32>
      %parallel_loop3A_1393 = arith.sitofp %parallel_loop3A_1389 : vector<16xi32> to vector<16xf32>
      %parallel_loop3A_1394 = arith.sitofp %parallel_loop3A_1392 : vector<16xi32> to vector<16xf32>
      %parallel_loop3A_1395 = arith.addf %parallel_loop3A_1393, %parallel_loop3A_1394 : vector<16xf32>
      %parallel_loop3A_1396 = arith.constant 96 : i32
      %parallel_loop3A_1397 = arith.muli %parallel_loop3A_1225, %parallel_loop3A_1396 : i32
      %parallel_loop3A_1398 = arith.constant 18432 : i32
      %parallel_loop3A_1399 = arith.addi %parallel_loop3A_1398, %parallel_loop3A_1397 : i32
      %parallel_loop3A_1400 = arith.constant 16 : i32
      %parallel_loop3A_1401 = arith.addi %parallel_loop3A_1399, %parallel_loop3A_1400 : i32
      %parallel_loop3A_1402 = tpu.assume_multiple %parallel_loop3A_1401, 8 : i32
      %parallel_loop3A_1403 = arith.index_cast %parallel_loop3A_1402 : i32 to index
      %parallel_loop3A_1404 = tpu.vector_load %arg7[%parallel_loop3A_1403] {strides = array<i32>} : memref<27648xf32, #tpu.memory_space<vmem>>, vector<16xf32>,
      tpu.vector_store %arg7[%parallel_loop3A_1403], %parallel_loop3A_1395 {strides = array<i32>} : memref<27648xf32, #tpu.memory_space<vmem>>, vector<16xf32>,
      %parallel_loop3A_1405 = arith.andi %and3A_851, %parallel_loop3A_1234 : vector<16xi1>
      %parallel_loop3A_1406 = arith.constant 0 : i32
      %parallel_loop3A_1407 = vector.broadcast %parallel_loop3A_1406 : i32 to vector<16xi32>
      %parallel_loop3A_1408 = arith.addi %min3A_861, %parallel_loop3A_1407 : vector<16xi32>
      %parallel_loop3A_1409 = arith.constant 7 : i32
      %parallel_loop3A_1410 = vector.broadcast %parallel_loop3A_1409 : i32 to vector<16xi32>
      %parallel_loop3A_1411 = arith.shrsi %parallel_loop3A_1408, %parallel_loop3A_1410 : vector<16xi32>
      %parallel_loop3A_1412 = arith.constant 4 : i32
      %parallel_loop3A_1413 = arith.muli %parallel_loop3A_1225, %parallel_loop3A_1412 : i32
      %parallel_loop3A_1414 = vector.broadcast %parallel_loop3A_1413 : i32 to vector<16xi32>
      %parallel_loop3A_1415 = arith.addi %parallel_loop3A_1411, %parallel_loop3A_1414 : vector<16xi32>
      %parallel_loop3A_1416 = arith.constant 384 : i32
      %parallel_loop3A_1417 = vector.broadcast %parallel_loop3A_1416 : i32 to vector<16xi32>
      %parallel_loop3A_1418 = arith.select %parallel_loop3A_1405, %parallel_loop3A_1415, %parallel_loop3A_1417 : vector<16xi1>, vector<16xi32>
      %parallel_loop3A_1419 = arith.constant 127 : i32
      %parallel_loop3A_1420 = vector.broadcast %parallel_loop3A_1419 : i32 to vector<16xi32>
      %parallel_loop3A_1421 = arith.andi %parallel_loop3A_1408, %parallel_loop3A_1420 : vector<16xi32>
      %parallel_loop3A_1422 = arith.sitofp %parallel_loop3A_1418 : vector<16xi32> to vector<16xf32>
      %parallel_loop3A_1423 = arith.sitofp %parallel_loop3A_1421 : vector<16xi32> to vector<16xf32>
      %parallel_loop3A_1424 = arith.addf %parallel_loop3A_1422, %parallel_loop3A_1423 : vector<16xf32>
      %parallel_loop3A_1425 = arith.constant 96 : i32
      %parallel_loop3A_1426 = arith.muli %parallel_loop3A_1225, %parallel_loop3A_1425 : i32
      %parallel_loop3A_1427 = arith.constant 0 : i32
      %parallel_loop3A_1428 = arith.addi %parallel_loop3A_1427, %parallel_loop3A_1426 : i32
      %parallel_loop3A_1429 = arith.constant 32 : i32
      %parallel_loop3A_1430 = arith.addi %parallel_loop3A_1428, %parallel_loop3A_1429 : i32
      %parallel_loop3A_1431 = tpu.assume_multiple %parallel_loop3A_1430, 8 : i32
      %parallel_loop3A_1432 = arith.index_cast %parallel_loop3A_1431 : i32 to index
      %parallel_loop3A_1433 = tpu.vector_load %arg7[%parallel_loop3A_1432] {strides = array<i32>} : memref<27648xf32, #tpu.memory_space<vmem>>, vector<16xf32>,
      tpu.vector_store %arg7[%parallel_loop3A_1432], %parallel_loop3A_1424 {strides = array<i32>} : memref<27648xf32, #tpu.memory_space<vmem>>, vector<16xf32>,
      %parallel_loop3A_1434 = arith.constant 1 : i32
      %parallel_loop3A_1435 = vector.broadcast %parallel_loop3A_1434 : i32 to vector<16xi32>
      %parallel_loop3A_1436 = arith.addi %min3A_861, %parallel_loop3A_1435 : vector<16xi32>
      %parallel_loop3A_1437 = arith.constant 7 : i32
      %parallel_loop3A_1438 = vector.broadcast %parallel_loop3A_1437 : i32 to vector<16xi32>
      %parallel_loop3A_1439 = arith.shrsi %parallel_loop3A_1436, %parallel_loop3A_1438 : vector<16xi32>
      %parallel_loop3A_1440 = arith.constant 4 : i32
      %parallel_loop3A_1441 = arith.muli %parallel_loop3A_1225, %parallel_loop3A_1440 : i32
      %parallel_loop3A_1442 = vector.broadcast %parallel_loop3A_1441 : i32 to vector<16xi32>
      %parallel_loop3A_1443 = arith.addi %parallel_loop3A_1439, %parallel_loop3A_1442 : vector<16xi32>
      %parallel_loop3A_1444 = arith.constant 384 : i32
      %parallel_loop3A_1445 = vector.broadcast %parallel_loop3A_1444 : i32 to vector<16xi32>
      %parallel_loop3A_1446 = arith.select %parallel_loop3A_1405, %parallel_loop3A_1443, %parallel_loop3A_1445 : vector<16xi1>, vector<16xi32>
      %parallel_loop3A_1447 = arith.constant 127 : i32
      %parallel_loop3A_1448 = vector.broadcast %parallel_loop3A_1447 : i32 to vector<16xi32>
      %parallel_loop3A_1449 = arith.andi %parallel_loop3A_1436, %parallel_loop3A_1448 : vector<16xi32>
      %parallel_loop3A_1450 = arith.sitofp %parallel_loop3A_1446 : vector<16xi32> to vector<16xf32>
      %parallel_loop3A_1451 = arith.sitofp %parallel_loop3A_1449 : vector<16xi32> to vector<16xf32>
      %parallel_loop3A_1452 = arith.addf %parallel_loop3A_1450, %parallel_loop3A_1451 : vector<16xf32>
      %parallel_loop3A_1453 = arith.constant 96 : i32
      %parallel_loop3A_1454 = arith.muli %parallel_loop3A_1225, %parallel_loop3A_1453 : i32
      %parallel_loop3A_1455 = arith.constant 9216 : i32
      %parallel_loop3A_1456 = arith.addi %parallel_loop3A_1455, %parallel_loop3A_1454 : i32
      %parallel_loop3A_1457 = arith.constant 32 : i32
      %parallel_loop3A_1458 = arith.addi %parallel_loop3A_1456, %parallel_loop3A_1457 : i32
      %parallel_loop3A_1459 = tpu.assume_multiple %parallel_loop3A_1458, 8 : i32
      %parallel_loop3A_1460 = arith.index_cast %parallel_loop3A_1459 : i32 to index
      %parallel_loop3A_1461 = tpu.vector_load %arg7[%parallel_loop3A_1460] {strides = array<i32>} : memref<27648xf32, #tpu.memory_space<vmem>>, vector<16xf32>,
      tpu.vector_store %arg7[%parallel_loop3A_1460], %parallel_loop3A_1452 {strides = array<i32>} : memref<27648xf32, #tpu.memory_space<vmem>>, vector<16xf32>,
      %parallel_loop3A_1462 = arith.constant 2 : i32
      %parallel_loop3A_1463 = vector.broadcast %parallel_loop3A_1462 : i32 to vector<16xi32>
      %parallel_loop3A_1464 = arith.addi %min3A_861, %parallel_loop3A_1463 : vector<16xi32>
      %parallel_loop3A_1465 = arith.constant 7 : i32
      %parallel_loop3A_1466 = vector.broadcast %parallel_loop3A_1465 : i32 to vector<16xi32>
      %parallel_loop3A_1467 = arith.shrsi %parallel_loop3A_1464, %parallel_loop3A_1466 : vector<16xi32>
      %parallel_loop3A_1468 = arith.constant 4 : i32
      %parallel_loop3A_1469 = arith.muli %parallel_loop3A_1225, %parallel_loop3A_1468 : i32
      %parallel_loop3A_1470 = vector.broadcast %parallel_loop3A_1469 : i32 to vector<16xi32>
      %parallel_loop3A_1471 = arith.addi %parallel_loop3A_1467, %parallel_loop3A_1470 : vector<16xi32>
      %parallel_loop3A_1472 = arith.constant 384 : i32
      %parallel_loop3A_1473 = vector.broadcast %parallel_loop3A_1472 : i32 to vector<16xi32>
      %parallel_loop3A_1474 = arith.select %parallel_loop3A_1405, %parallel_loop3A_1471, %parallel_loop3A_1473 : vector<16xi1>, vector<16xi32>
      %parallel_loop3A_1475 = arith.constant 127 : i32
      %parallel_loop3A_1476 = vector.broadcast %parallel_loop3A_1475 : i32 to vector<16xi32>
      %parallel_loop3A_1477 = arith.andi %parallel_loop3A_1464, %parallel_loop3A_1476 : vector<16xi32>
      %parallel_loop3A_1478 = arith.sitofp %parallel_loop3A_1474 : vector<16xi32> to vector<16xf32>
      %parallel_loop3A_1479 = arith.sitofp %parallel_loop3A_1477 : vector<16xi32> to vector<16xf32>
      %parallel_loop3A_1480 = arith.addf %parallel_loop3A_1478, %parallel_loop3A_1479 : vector<16xf32>
      %parallel_loop3A_1481 = arith.constant 96 : i32
      %parallel_loop3A_1482 = arith.muli %parallel_loop3A_1225, %parallel_loop3A_1481 : i32
      %parallel_loop3A_1483 = arith.constant 18432 : i32
      %parallel_loop3A_1484 = arith.addi %parallel_loop3A_1483, %parallel_loop3A_1482 : i32
      %parallel_loop3A_1485 = arith.constant 32 : i32
      %parallel_loop3A_1486 = arith.addi %parallel_loop3A_1484, %parallel_loop3A_1485 : i32
      %parallel_loop3A_1487 = tpu.assume_multiple %parallel_loop3A_1486, 8 : i32
      %parallel_loop3A_1488 = arith.index_cast %parallel_loop3A_1487 : i32 to index
      %parallel_loop3A_1489 = tpu.vector_load %arg7[%parallel_loop3A_1488] {strides = array<i32>} : memref<27648xf32, #tpu.memory_space<vmem>>, vector<16xf32>,
      tpu.vector_store %arg7[%parallel_loop3A_1488], %parallel_loop3A_1480 {strides = array<i32>} : memref<27648xf32, #tpu.memory_space<vmem>>, vector<16xf32>,
      %parallel_loop3A_1490 = arith.andi %and3A_872, %parallel_loop3A_1234 : vector<16xi1>
      %parallel_loop3A_1491 = arith.constant 0 : i32
      %parallel_loop3A_1492 = vector.broadcast %parallel_loop3A_1491 : i32 to vector<16xi32>
      %parallel_loop3A_1493 = arith.addi %min3A_882, %parallel_loop3A_1492 : vector<16xi32>
      %parallel_loop3A_1494 = arith.constant 7 : i32
      %parallel_loop3A_1495 = vector.broadcast %parallel_loop3A_1494 : i32 to vector<16xi32>
      %parallel_loop3A_1496 = arith.shrsi %parallel_loop3A_1493, %parallel_loop3A_1495 : vector<16xi32>
      %parallel_loop3A_1497 = arith.constant 4 : i32
      %parallel_loop3A_1498 = arith.muli %parallel_loop3A_1225, %parallel_loop3A_1497 : i32
      %parallel_loop3A_1499 = vector.broadcast %parallel_loop3A_1498 : i32 to vector<16xi32>
      %parallel_loop3A_1500 = arith.addi %parallel_loop3A_1496, %parallel_loop3A_1499 : vector<16xi32>
      %parallel_loop3A_1501 = arith.constant 384 : i32
      %parallel_loop3A_1502 = vector.broadcast %parallel_loop3A_1501 : i32 to vector<16xi32>
      %parallel_loop3A_1503 = arith.select %parallel_loop3A_1490, %parallel_loop3A_1500, %parallel_loop3A_1502 : vector<16xi1>, vector<16xi32>
      %parallel_loop3A_1504 = arith.constant 127 : i32
      %parallel_loop3A_1505 = vector.broadcast %parallel_loop3A_1504 : i32 to vector<16xi32>
      %parallel_loop3A_1506 = arith.andi %parallel_loop3A_1493, %parallel_loop3A_1505 : vector<16xi32>
      %parallel_loop3A_1507 = arith.sitofp %parallel_loop3A_1503 : vector<16xi32> to vector<16xf32>
      %parallel_loop3A_1508 = arith.sitofp %parallel_loop3A_1506 : vector<16xi32> to vector<16xf32>
      %parallel_loop3A_1509 = arith.addf %parallel_loop3A_1507, %parallel_loop3A_1508 : vector<16xf32>
      %parallel_loop3A_1510 = arith.constant 96 : i32
      %parallel_loop3A_1511 = arith.muli %parallel_loop3A_1225, %parallel_loop3A_1510 : i32
      %parallel_loop3A_1512 = arith.constant 0 : i32
      %parallel_loop3A_1513 = arith.addi %parallel_loop3A_1512, %parallel_loop3A_1511 : i32
      %parallel_loop3A_1514 = arith.constant 48 : i32
      %parallel_loop3A_1515 = arith.addi %parallel_loop3A_1513, %parallel_loop3A_1514 : i32
      %parallel_loop3A_1516 = tpu.assume_multiple %parallel_loop3A_1515, 8 : i32
      %parallel_loop3A_1517 = arith.index_cast %parallel_loop3A_1516 : i32 to index
      %parallel_loop3A_1518 = tpu.vector_load %arg7[%parallel_loop3A_1517] {strides = array<i32>} : memref<27648xf32, #tpu.memory_space<vmem>>, vector<16xf32>,
      tpu.vector_store %arg7[%parallel_loop3A_1517], %parallel_loop3A_1509 {strides = array<i32>} : memref<27648xf32, #tpu.memory_space<vmem>>, vector<16xf32>,
      %parallel_loop3A_1519 = arith.constant 1 : i32
      %parallel_loop3A_1520 = vector.broadcast %parallel_loop3A_1519 : i32 to vector<16xi32>
      %parallel_loop3A_1521 = arith.addi %min3A_882, %parallel_loop3A_1520 : vector<16xi32>
      %parallel_loop3A_1522 = arith.constant 7 : i32
      %parallel_loop3A_1523 = vector.broadcast %parallel_loop3A_1522 : i32 to vector<16xi32>
      %parallel_loop3A_1524 = arith.shrsi %parallel_loop3A_1521, %parallel_loop3A_1523 : vector<16xi32>
      %parallel_loop3A_1525 = arith.constant 4 : i32
      %parallel_loop3A_1526 = arith.muli %parallel_loop3A_1225, %parallel_loop3A_1525 : i32
      %parallel_loop3A_1527 = vector.broadcast %parallel_loop3A_1526 : i32 to vector<16xi32>
      %parallel_loop3A_1528 = arith.addi %parallel_loop3A_1524, %parallel_loop3A_1527 : vector<16xi32>
      %parallel_loop3A_1529 = arith.constant 384 : i32
      %parallel_loop3A_1530 = vector.broadcast %parallel_loop3A_1529 : i32 to vector<16xi32>
      %parallel_loop3A_1531 = arith.select %parallel_loop3A_1490, %parallel_loop3A_1528, %parallel_loop3A_1530 : vector<16xi1>, vector<16xi32>
      %parallel_loop3A_1532 = arith.constant 127 : i32
      %parallel_loop3A_1533 = vector.broadcast %parallel_loop3A_1532 : i32 to vector<16xi32>
      %parallel_loop3A_1534 = arith.andi %parallel_loop3A_1521, %parallel_loop3A_1533 : vector<16xi32>
      %parallel_loop3A_1535 = arith.sitofp %parallel_loop3A_1531 : vector<16xi32> to vector<16xf32>
      %parallel_loop3A_1536 = arith.sitofp %parallel_loop3A_1534 : vector<16xi32> to vector<16xf32>
      %parallel_loop3A_1537 = arith.addf %parallel_loop3A_1535, %parallel_loop3A_1536 : vector<16xf32>
      %parallel_loop3A_1538 = arith.constant 96 : i32
      %parallel_loop3A_1539 = arith.muli %parallel_loop3A_1225, %parallel_loop3A_1538 : i32
      %parallel_loop3A_1540 = arith.constant 9216 : i32
      %parallel_loop3A_1541 = arith.addi %parallel_loop3A_1540, %parallel_loop3A_1539 : i32
      %parallel_loop3A_1542 = arith.constant 48 : i32
      %parallel_loop3A_1543 = arith.addi %parallel_loop3A_1541, %parallel_loop3A_1542 : i32
      %parallel_loop3A_1544 = tpu.assume_multiple %parallel_loop3A_1543, 8 : i32
      %parallel_loop3A_1545 = arith.index_cast %parallel_loop3A_1544 : i32 to index
      %parallel_loop3A_1546 = tpu.vector_load %arg7[%parallel_loop3A_1545] {strides = array<i32>} : memref<27648xf32, #tpu.memory_space<vmem>>, vector<16xf32>,
      tpu.vector_store %arg7[%parallel_loop3A_1545], %parallel_loop3A_1537 {strides = array<i32>} : memref<27648xf32, #tpu.memory_space<vmem>>, vector<16xf32>,
      %parallel_loop3A_1547 = arith.constant 2 : i32
      %parallel_loop3A_1548 = vector.broadcast %parallel_loop3A_1547 : i32 to vector<16xi32>
      %parallel_loop3A_1549 = arith.addi %min3A_882, %parallel_loop3A_1548 : vector<16xi32>
      %parallel_loop3A_1550 = arith.constant 7 : i32
      %parallel_loop3A_1551 = vector.broadcast %parallel_loop3A_1550 : i32 to vector<16xi32>
      %parallel_loop3A_1552 = arith.shrsi %parallel_loop3A_1549, %parallel_loop3A_1551 : vector<16xi32>
      %parallel_loop3A_1553 = arith.constant 4 : i32
      %parallel_loop3A_1554 = arith.muli %parallel_loop3A_1225, %parallel_loop3A_1553 : i32
      %parallel_loop3A_1555 = vector.broadcast %parallel_loop3A_1554 : i32 to vector<16xi32>
      %parallel_loop3A_1556 = arith.addi %parallel_loop3A_1552, %parallel_loop3A_1555 : vector<16xi32>
      %parallel_loop3A_1557 = arith.constant 384 : i32
      %parallel_loop3A_1558 = vector.broadcast %parallel_loop3A_1557 : i32 to vector<16xi32>
      %parallel_loop3A_1559 = arith.select %parallel_loop3A_1490, %parallel_loop3A_1556, %parallel_loop3A_1558 : vector<16xi1>, vector<16xi32>
      %parallel_loop3A_1560 = arith.constant 127 : i32
      %parallel_loop3A_1561 = vector.broadcast %parallel_loop3A_1560 : i32 to vector<16xi32>
      %parallel_loop3A_1562 = arith.andi %parallel_loop3A_1549, %parallel_loop3A_1561 : vector<16xi32>
      %parallel_loop3A_1563 = arith.sitofp %parallel_loop3A_1559 : vector<16xi32> to vector<16xf32>
      %parallel_loop3A_1564 = arith.sitofp %parallel_loop3A_1562 : vector<16xi32> to vector<16xf32>
      %parallel_loop3A_1565 = arith.addf %parallel_loop3A_1563, %parallel_loop3A_1564 : vector<16xf32>
      %parallel_loop3A_1566 = arith.constant 96 : i32
      %parallel_loop3A_1567 = arith.muli %parallel_loop3A_1225, %parallel_loop3A_1566 : i32
      %parallel_loop3A_1568 = arith.constant 18432 : i32
      %parallel_loop3A_1569 = arith.addi %parallel_loop3A_1568, %parallel_loop3A_1567 : i32
      %parallel_loop3A_1570 = arith.constant 48 : i32
      %parallel_loop3A_1571 = arith.addi %parallel_loop3A_1569, %parallel_loop3A_1570 : i32
      %parallel_loop3A_1572 = tpu.assume_multiple %parallel_loop3A_1571, 8 : i32
      %parallel_loop3A_1573 = arith.index_cast %parallel_loop3A_1572 : i32 to index
      %parallel_loop3A_1574 = tpu.vector_load %arg7[%parallel_loop3A_1573] {strides = array<i32>} : memref<27648xf32, #tpu.memory_space<vmem>>, vector<16xf32>,
      tpu.vector_store %arg7[%parallel_loop3A_1573], %parallel_loop3A_1565 {strides = array<i32>} : memref<27648xf32, #tpu.memory_space<vmem>>, vector<16xf32>,
      %parallel_loop3A_1575 = arith.andi %and3A_893, %parallel_loop3A_1234 : vector<16xi1>
      %parallel_loop3A_1576 = arith.constant 0 : i32
      %parallel_loop3A_1577 = vector.broadcast %parallel_loop3A_1576 : i32 to vector<16xi32>
      %parallel_loop3A_1578 = arith.addi %min3A_903, %parallel_loop3A_1577 : vector<16xi32>
      %parallel_loop3A_1579 = arith.constant 7 : i32
      %parallel_loop3A_1580 = vector.broadcast %parallel_loop3A_1579 : i32 to vector<16xi32>
      %parallel_loop3A_1581 = arith.shrsi %parallel_loop3A_1578, %parallel_loop3A_1580 : vector<16xi32>
      %parallel_loop3A_1582 = arith.constant 4 : i32
      %parallel_loop3A_1583 = arith.muli %parallel_loop3A_1225, %parallel_loop3A_1582 : i32
      %parallel_loop3A_1584 = vector.broadcast %parallel_loop3A_1583 : i32 to vector<16xi32>
      %parallel_loop3A_1585 = arith.addi %parallel_loop3A_1581, %parallel_loop3A_1584 : vector<16xi32>
      %parallel_loop3A_1586 = arith.constant 384 : i32
      %parallel_loop3A_1587 = vector.broadcast %parallel_loop3A_1586 : i32 to vector<16xi32>
      %parallel_loop3A_1588 = arith.select %parallel_loop3A_1575, %parallel_loop3A_1585, %parallel_loop3A_1587 : vector<16xi1>, vector<16xi32>
      %parallel_loop3A_1589 = arith.constant 127 : i32
      %parallel_loop3A_1590 = vector.broadcast %parallel_loop3A_1589 : i32 to vector<16xi32>
      %parallel_loop3A_1591 = arith.andi %parallel_loop3A_1578, %parallel_loop3A_1590 : vector<16xi32>
      %parallel_loop3A_1592 = arith.sitofp %parallel_loop3A_1588 : vector<16xi32> to vector<16xf32>
      %parallel_loop3A_1593 = arith.sitofp %parallel_loop3A_1591 : vector<16xi32> to vector<16xf32>
      %parallel_loop3A_1594 = arith.addf %parallel_loop3A_1592, %parallel_loop3A_1593 : vector<16xf32>
      %parallel_loop3A_1595 = arith.constant 96 : i32
      %parallel_loop3A_1596 = arith.muli %parallel_loop3A_1225, %parallel_loop3A_1595 : i32
      %parallel_loop3A_1597 = arith.constant 0 : i32
      %parallel_loop3A_1598 = arith.addi %parallel_loop3A_1597, %parallel_loop3A_1596 : i32
      %parallel_loop3A_1599 = arith.constant 64 : i32
      %parallel_loop3A_1600 = arith.addi %parallel_loop3A_1598, %parallel_loop3A_1599 : i32
      %parallel_loop3A_1601 = tpu.assume_multiple %parallel_loop3A_1600, 8 : i32
      %parallel_loop3A_1602 = arith.index_cast %parallel_loop3A_1601 : i32 to index
      %parallel_loop3A_1603 = tpu.vector_load %arg7[%parallel_loop3A_1602] {strides = array<i32>} : memref<27648xf32, #tpu.memory_space<vmem>>, vector<16xf32>,
      tpu.vector_store %arg7[%parallel_loop3A_1602], %parallel_loop3A_1594 {strides = array<i32>} : memref<27648xf32, #tpu.memory_space<vmem>>, vector<16xf32>,
      %parallel_loop3A_1604 = arith.constant 1 : i32
      %parallel_loop3A_1605 = vector.broadcast %parallel_loop3A_1604 : i32 to vector<16xi32>
      %parallel_loop3A_1606 = arith.addi %min3A_903, %parallel_loop3A_1605 : vector<16xi32>
      %parallel_loop3A_1607 = arith.constant 7 : i32
      %parallel_loop3A_1608 = vector.broadcast %parallel_loop3A_1607 : i32 to vector<16xi32>
      %parallel_loop3A_1609 = arith.shrsi %parallel_loop3A_1606, %parallel_loop3A_1608 : vector<16xi32>
      %parallel_loop3A_1610 = arith.constant 4 : i32
      %parallel_loop3A_1611 = arith.muli %parallel_loop3A_1225, %parallel_loop3A_1610 : i32
      %parallel_loop3A_1612 = vector.broadcast %parallel_loop3A_1611 : i32 to vector<16xi32>
      %parallel_loop3A_1613 = arith.addi %parallel_loop3A_1609, %parallel_loop3A_1612 : vector<16xi32>
      %parallel_loop3A_1614 = arith.constant 384 : i32
      %parallel_loop3A_1615 = vector.broadcast %parallel_loop3A_1614 : i32 to vector<16xi32>
      %parallel_loop3A_1616 = arith.select %parallel_loop3A_1575, %parallel_loop3A_1613, %parallel_loop3A_1615 : vector<16xi1>, vector<16xi32>
      %parallel_loop3A_1617 = arith.constant 127 : i32
      %parallel_loop3A_1618 = vector.broadcast %parallel_loop3A_1617 : i32 to vector<16xi32>
      %parallel_loop3A_1619 = arith.andi %parallel_loop3A_1606, %parallel_loop3A_1618 : vector<16xi32>
      %parallel_loop3A_1620 = arith.sitofp %parallel_loop3A_1616 : vector<16xi32> to vector<16xf32>
      %parallel_loop3A_1621 = arith.sitofp %parallel_loop3A_1619 : vector<16xi32> to vector<16xf32>
      %parallel_loop3A_1622 = arith.addf %parallel_loop3A_1620, %parallel_loop3A_1621 : vector<16xf32>
      %parallel_loop3A_1623 = arith.constant 96 : i32
      %parallel_loop3A_1624 = arith.muli %parallel_loop3A_1225, %parallel_loop3A_1623 : i32
      %parallel_loop3A_1625 = arith.constant 9216 : i32
      %parallel_loop3A_1626 = arith.addi %parallel_loop3A_1625, %parallel_loop3A_1624 : i32
      %parallel_loop3A_1627 = arith.constant 64 : i32
      %parallel_loop3A_1628 = arith.addi %parallel_loop3A_1626, %parallel_loop3A_1627 : i32
      %parallel_loop3A_1629 = tpu.assume_multiple %parallel_loop3A_1628, 8 : i32
      %parallel_loop3A_1630 = arith.index_cast %parallel_loop3A_1629 : i32 to index
      %parallel_loop3A_1631 = tpu.vector_load %arg7[%parallel_loop3A_1630] {strides = array<i32>} : memref<27648xf32, #tpu.memory_space<vmem>>, vector<16xf32>,
      tpu.vector_store %arg7[%parallel_loop3A_1630], %parallel_loop3A_1622 {strides = array<i32>} : memref<27648xf32, #tpu.memory_space<vmem>>, vector<16xf32>,
      %parallel_loop3A_1632 = arith.constant 2 : i32
      %parallel_loop3A_1633 = vector.broadcast %parallel_loop3A_1632 : i32 to vector<16xi32>
      %parallel_loop3A_1634 = arith.addi %min3A_903, %parallel_loop3A_1633 : vector<16xi32>
      %parallel_loop3A_1635 = arith.constant 7 : i32
      %parallel_loop3A_1636 = vector.broadcast %parallel_loop3A_1635 : i32 to vector<16xi32>
      %parallel_loop3A_1637 = arith.shrsi %parallel_loop3A_1634, %parallel_loop3A_1636 : vector<16xi32>
      %parallel_loop3A_1638 = arith.constant 4 : i32
      %parallel_loop3A_1639 = arith.muli %parallel_loop3A_1225, %parallel_loop3A_1638 : i32
      %parallel_loop3A_1640 = vector.broadcast %parallel_loop3A_1639 : i32 to vector<16xi32>
      %parallel_loop3A_1641 = arith.addi %parallel_loop3A_1637, %parallel_loop3A_1640 : vector<16xi32>
      %parallel_loop3A_1642 = arith.constant 384 : i32
      %parallel_loop3A_1643 = vector.broadcast %parallel_loop3A_1642 : i32 to vector<16xi32>
      %parallel_loop3A_1644 = arith.select %parallel_loop3A_1575, %parallel_loop3A_1641, %parallel_loop3A_1643 : vector<16xi1>, vector<16xi32>
      %parallel_loop3A_1645 = arith.constant 127 : i32
      %parallel_loop3A_1646 = vector.broadcast %parallel_loop3A_1645 : i32 to vector<16xi32>
      %parallel_loop3A_1647 = arith.andi %parallel_loop3A_1634, %parallel_loop3A_1646 : vector<16xi32>
      %parallel_loop3A_1648 = arith.sitofp %parallel_loop3A_1644 : vector<16xi32> to vector<16xf32>
      %parallel_loop3A_1649 = arith.sitofp %parallel_loop3A_1647 : vector<16xi32> to vector<16xf32>
      %parallel_loop3A_1650 = arith.addf %parallel_loop3A_1648, %parallel_loop3A_1649 : vector<16xf32>
      %parallel_loop3A_1651 = arith.constant 96 : i32
      %parallel_loop3A_1652 = arith.muli %parallel_loop3A_1225, %parallel_loop3A_1651 : i32
      %parallel_loop3A_1653 = arith.constant 18432 : i32
      %parallel_loop3A_1654 = arith.addi %parallel_loop3A_1653, %parallel_loop3A_1652 : i32
      %parallel_loop3A_1655 = arith.constant 64 : i32
      %parallel_loop3A_1656 = arith.addi %parallel_loop3A_1654, %parallel_loop3A_1655 : i32
      %parallel_loop3A_1657 = tpu.assume_multiple %parallel_loop3A_1656, 8 : i32
      %parallel_loop3A_1658 = arith.index_cast %parallel_loop3A_1657 : i32 to index
      %parallel_loop3A_1659 = tpu.vector_load %arg7[%parallel_loop3A_1658] {strides = array<i32>} : memref<27648xf32, #tpu.memory_space<vmem>>, vector<16xf32>,
      tpu.vector_store %arg7[%parallel_loop3A_1658], %parallel_loop3A_1650 {strides = array<i32>} : memref<27648xf32, #tpu.memory_space<vmem>>, vector<16xf32>,
      %parallel_loop3A_1660 = arith.andi %and3A_914, %parallel_loop3A_1234 : vector<16xi1>
      %parallel_loop3A_1661 = arith.constant 0 : i32
      %parallel_loop3A_1662 = vector.broadcast %parallel_loop3A_1661 : i32 to vector<16xi32>
      %parallel_loop3A_1663 = arith.addi %min3A_924, %parallel_loop3A_1662 : vector<16xi32>
      %parallel_loop3A_1664 = arith.constant 7 : i32
      %parallel_loop3A_1665 = vector.broadcast %parallel_loop3A_1664 : i32 to vector<16xi32>
      %parallel_loop3A_1666 = arith.shrsi %parallel_loop3A_1663, %parallel_loop3A_1665 : vector<16xi32>
      %parallel_loop3A_1667 = arith.constant 4 : i32
      %parallel_loop3A_1668 = arith.muli %parallel_loop3A_1225, %parallel_loop3A_1667 : i32
      %parallel_loop3A_1669 = vector.broadcast %parallel_loop3A_1668 : i32 to vector<16xi32>
      %parallel_loop3A_1670 = arith.addi %parallel_loop3A_1666, %parallel_loop3A_1669 : vector<16xi32>
      %parallel_loop3A_1671 = arith.constant 384 : i32
      %parallel_loop3A_1672 = vector.broadcast %parallel_loop3A_1671 : i32 to vector<16xi32>
      %parallel_loop3A_1673 = arith.select %parallel_loop3A_1660, %parallel_loop3A_1670, %parallel_loop3A_1672 : vector<16xi1>, vector<16xi32>
      %parallel_loop3A_1674 = arith.constant 127 : i32
      %parallel_loop3A_1675 = vector.broadcast %parallel_loop3A_1674 : i32 to vector<16xi32>
      %parallel_loop3A_1676 = arith.andi %parallel_loop3A_1663, %parallel_loop3A_1675 : vector<16xi32>
      %parallel_loop3A_1677 = arith.sitofp %parallel_loop3A_1673 : vector<16xi32> to vector<16xf32>
      %parallel_loop3A_1678 = arith.sitofp %parallel_loop3A_1676 : vector<16xi32> to vector<16xf32>
      %parallel_loop3A_1679 = arith.addf %parallel_loop3A_1677, %parallel_loop3A_1678 : vector<16xf32>
      %parallel_loop3A_1680 = arith.constant 96 : i32
      %parallel_loop3A_1681 = arith.muli %parallel_loop3A_1225, %parallel_loop3A_1680 : i32
      %parallel_loop3A_1682 = arith.constant 0 : i32
      %parallel_loop3A_1683 = arith.addi %parallel_loop3A_1682, %parallel_loop3A_1681 : i32
      %parallel_loop3A_1684 = arith.constant 80 : i32
      %parallel_loop3A_1685 = arith.addi %parallel_loop3A_1683, %parallel_loop3A_1684 : i32
      %parallel_loop3A_1686 = tpu.assume_multiple %parallel_loop3A_1685, 8 : i32
      %parallel_loop3A_1687 = arith.index_cast %parallel_loop3A_1686 : i32 to index
      %parallel_loop3A_1688 = tpu.vector_load %arg7[%parallel_loop3A_1687] {strides = array<i32>} : memref<27648xf32, #tpu.memory_space<vmem>>, vector<16xf32>,
      tpu.vector_store %arg7[%parallel_loop3A_1687], %parallel_loop3A_1679 {strides = array<i32>} : memref<27648xf32, #tpu.memory_space<vmem>>, vector<16xf32>,
      %parallel_loop3A_1689 = arith.constant 1 : i32
      %parallel_loop3A_1690 = vector.broadcast %parallel_loop3A_1689 : i32 to vector<16xi32>
      %parallel_loop3A_1691 = arith.addi %min3A_924, %parallel_loop3A_1690 : vector<16xi32>
      %parallel_loop3A_1692 = arith.constant 7 : i32
      %parallel_loop3A_1693 = vector.broadcast %parallel_loop3A_1692 : i32 to vector<16xi32>
      %parallel_loop3A_1694 = arith.shrsi %parallel_loop3A_1691, %parallel_loop3A_1693 : vector<16xi32>
      %parallel_loop3A_1695 = arith.constant 4 : i32
      %parallel_loop3A_1696 = arith.muli %parallel_loop3A_1225, %parallel_loop3A_1695 : i32
      %parallel_loop3A_1697 = vector.broadcast %parallel_loop3A_1696 : i32 to vector<16xi32>
      %parallel_loop3A_1698 = arith.addi %parallel_loop3A_1694, %parallel_loop3A_1697 : vector<16xi32>
      %parallel_loop3A_1699 = arith.constant 384 : i32
      %parallel_loop3A_1700 = vector.broadcast %parallel_loop3A_1699 : i32 to vector<16xi32>
      %parallel_loop3A_1701 = arith.select %parallel_loop3A_1660, %parallel_loop3A_1698, %parallel_loop3A_1700 : vector<16xi1>, vector<16xi32>
      %parallel_loop3A_1702 = arith.constant 127 : i32
      %parallel_loop3A_1703 = vector.broadcast %parallel_loop3A_1702 : i32 to vector<16xi32>
      %parallel_loop3A_1704 = arith.andi %parallel_loop3A_1691, %parallel_loop3A_1703 : vector<16xi32>
      %parallel_loop3A_1705 = arith.sitofp %parallel_loop3A_1701 : vector<16xi32> to vector<16xf32>
      %parallel_loop3A_1706 = arith.sitofp %parallel_loop3A_1704 : vector<16xi32> to vector<16xf32>
      %parallel_loop3A_1707 = arith.addf %parallel_loop3A_1705, %parallel_loop3A_1706 : vector<16xf32>
      %parallel_loop3A_1708 = arith.constant 96 : i32
      %parallel_loop3A_1709 = arith.muli %parallel_loop3A_1225, %parallel_loop3A_1708 : i32
      %parallel_loop3A_1710 = arith.constant 9216 : i32
      %parallel_loop3A_1711 = arith.addi %parallel_loop3A_1710, %parallel_loop3A_1709 : i32
      %parallel_loop3A_1712 = arith.constant 80 : i32
      %parallel_loop3A_1713 = arith.addi %parallel_loop3A_1711, %parallel_loop3A_1712 : i32
      %parallel_loop3A_1714 = tpu.assume_multiple %parallel_loop3A_1713, 8 : i32
      %parallel_loop3A_1715 = arith.index_cast %parallel_loop3A_1714 : i32 to index
      %parallel_loop3A_1716 = tpu.vector_load %arg7[%parallel_loop3A_1715] {strides = array<i32>} : memref<27648xf32, #tpu.memory_space<vmem>>, vector<16xf32>,
      tpu.vector_store %arg7[%parallel_loop3A_1715], %parallel_loop3A_1707 {strides = array<i32>} : memref<27648xf32, #tpu.memory_space<vmem>>, vector<16xf32>,
      %parallel_loop3A_1717 = arith.constant 2 : i32
      %parallel_loop3A_1718 = vector.broadcast %parallel_loop3A_1717 : i32 to vector<16xi32>
      %parallel_loop3A_1719 = arith.addi %min3A_924, %parallel_loop3A_1718 : vector<16xi32>
      %parallel_loop3A_1720 = arith.constant 7 : i32
      %parallel_loop3A_1721 = vector.broadcast %parallel_loop3A_1720 : i32 to vector<16xi32>
      %parallel_loop3A_1722 = arith.shrsi %parallel_loop3A_1719, %parallel_loop3A_1721 : vector<16xi32>
      %parallel_loop3A_1723 = arith.constant 4 : i32
      %parallel_loop3A_1724 = arith.muli %parallel_loop3A_1225, %parallel_loop3A_1723 : i32
      %parallel_loop3A_1725 = vector.broadcast %parallel_loop3A_1724 : i32 to vector<16xi32>
      %parallel_loop3A_1726 = arith.addi %parallel_loop3A_1722, %parallel_loop3A_1725 : vector<16xi32>
      %parallel_loop3A_1727 = arith.constant 384 : i32
      %parallel_loop3A_1728 = vector.broadcast %parallel_loop3A_1727 : i32 to vector<16xi32>
      %parallel_loop3A_1729 = arith.select %parallel_loop3A_1660, %parallel_loop3A_1726, %parallel_loop3A_1728 : vector<16xi1>, vector<16xi32>
      %parallel_loop3A_1730 = arith.constant 127 : i32
      %parallel_loop3A_1731 = vector.broadcast %parallel_loop3A_1730 : i32 to vector<16xi32>
      %parallel_loop3A_1732 = arith.andi %parallel_loop3A_1719, %parallel_loop3A_1731 : vector<16xi32>
      %parallel_loop3A_1733 = arith.sitofp %parallel_loop3A_1729 : vector<16xi32> to vector<16xf32>
      %parallel_loop3A_1734 = arith.sitofp %parallel_loop3A_1732 : vector<16xi32> to vector<16xf32>
      %parallel_loop3A_1735 = arith.addf %parallel_loop3A_1733, %parallel_loop3A_1734 : vector<16xf32>
      %parallel_loop3A_1736 = arith.constant 96 : i32
      %parallel_loop3A_1737 = arith.muli %parallel_loop3A_1225, %parallel_loop3A_1736 : i32
      %parallel_loop3A_1738 = arith.constant 18432 : i32
      %parallel_loop3A_1739 = arith.addi %parallel_loop3A_1738, %parallel_loop3A_1737 : i32
      %parallel_loop3A_1740 = arith.constant 80 : i32
      %parallel_loop3A_1741 = arith.addi %parallel_loop3A_1739, %parallel_loop3A_1740 : i32
      %parallel_loop3A_1742 = tpu.assume_multiple %parallel_loop3A_1741, 8 : i32
      %parallel_loop3A_1743 = arith.index_cast %parallel_loop3A_1742 : i32 to index
      %parallel_loop3A_1744 = tpu.vector_load %arg7[%parallel_loop3A_1743] {strides = array<i32>} : memref<27648xf32, #tpu.memory_space<vmem>>, vector<16xf32>,
      tpu.vector_store %arg7[%parallel_loop3A_1743], %parallel_loop3A_1735 {strides = array<i32>} : memref<27648xf32, #tpu.memory_space<vmem>>, vector<16xf32>,
    } {sc.loop_unroll_factor = 2 : i64, sc.parallel_access}
    %mul3A_928 = arith.constant 27648 : i32
    %mul3A_929 = arith.muli %add3A_640, %mul3A_928 : i32
    %multiple_of3A_930 = tpu.assume_multiple %mul3A_929, 8 : i32
    "tpu.region"() ({
      %run_scoped3A = tpu.sem_alloc : memref<!tpu.dma_semaphore, #tpu.memory_space<semaphore_mem>>
      %dma_start3A = tpu.memref_slice %arg4[%multiple_of3A_930] : memref<3538944xf32, #tpu.memory_space<hbm>> -> memref<27648xf32, #tpu.memory_space<hbm>>
      %dma_start3A_1225 = tpu.memref_slice %arg4[%multiple_of3A_930] : memref<3538944xf32, #tpu.memory_space<hbm>> -> memref<27648xf32, #tpu.memory_space<hbm>>
      tpu.enqueue_dma source(%arg7 : memref<27648xf32, #tpu.memory_space<vmem>>) target(%dma_start3A_1225 : memref<27648xf32, #tpu.memory_space<hbm>>) target_semaphore(%run_scoped3A : memref<!tpu.dma_semaphore, #tpu.memory_space<semaphore_mem>>)
      %dma_wait3A = tpu.memref_slice %arg4[%multiple_of3A_930] : memref<3538944xf32, #tpu.memory_space<hbm>> -> memref<27648xf32, #tpu.memory_space<hbm>>
      %dma_wait3A_1226 = tpu.memref_slice %arg4[%multiple_of3A_930] : memref<3538944xf32, #tpu.memory_space<hbm>> -> memref<27648xf32, #tpu.memory_space<hbm>>
      tpu.wait_dma2 semaphore(%run_scoped3A : memref<!tpu.dma_semaphore, #tpu.memory_space<semaphore_mem>>) src(%arg7 : memref<27648xf32, #tpu.memory_space<vmem>>) dst(%dma_wait3A_1226 : memref<27648xf32, #tpu.memory_space<hbm>>)
      tpu.yield
    }) : () -> ()
    %mul3A_931 = arith.constant 4 : i32
    %mul3A_932 = arith.muli %add3A, %mul3A_931 : i32
    %add3A_933 = arith.constant 3 : i32
    %add3A_934 = arith.addi %mul3A_932, %add3A_933 : i32
    %jit3A_935 = arith.constant 16 : i32
    %div3A_936 = arith.divsi %add3A_934, %jit3A_935 : i32
    %sign3A_937 = arith.constant 0 : i32
    %sign3A_938 = arith.cmpi sgt, %add3A_934, %sign3A_937 : i32
    %sign3A_939 = arith.extui %sign3A_938 : i1 to i32
    %sign3A_940 = arith.constant 0 : i32
    %sign3A_941 = arith.cmpi slt, %add3A_934, %sign3A_940 : i32
    %sign3A_942 = arith.extui %sign3A_941 : i1 to i32
    %sign3A_943 = arith.subi %sign3A_939, %sign3A_942 : i32
    %sign3A_944 = arith.constant 0 : i32
    %sign3A_945 = arith.cmpi sgt, %jit3A_935, %sign3A_944 : i32
    %sign3A_946 = arith.extui %sign3A_945 : i1 to i32
    %sign3A_947 = arith.constant 0 : i32
    %sign3A_948 = arith.cmpi slt, %jit3A_935, %sign3A_947 : i32
    %sign3A_949 = arith.extui %sign3A_948 : i1 to i32
    %sign3A_950 = arith.subi %sign3A_946, %sign3A_949 : i32
    %ne3A_951 = arith.cmpi ne, %sign3A_943, %sign3A_950 : i32
    %rem3A_952 = arith.remsi %add3A_934, %jit3A_935 : i32
    %ne3A_953 = arith.constant 0 : i32
    %ne3A_954 = arith.cmpi ne, %rem3A_952, %ne3A_953 : i32
    %and3A_955 = arith.andi %ne3A_951, %ne3A_954 : i1
    %sub3A_956 = arith.constant 1 : i32
    %sub3A_957 = arith.subi %div3A_936, %sub3A_956 : i32
    %select_n3A_958 = arith.select %and3A_955, %sub3A_957, %div3A_936 : i32
    %add3A_959 = arith.constant 3 : i32
    %add3A_960 = arith.addi %sub3A_55, %add3A_959 : i32
    %broadcast_in_dim3A_961 = vector.broadcast %add3A_960 : i32 to vector<16xi32>
    %gather3A_962 = tpu.vector_load_idx %arg5[%broadcast_in_dim3A_961] : memref<16xi32, #tpu.memory_space<vmem>>[vector<16xi32>], vector<16xi32>,
    %jit3A_963 = arith.constant 128 : i32
    %div3A_964 = vector.broadcast %jit3A_963 : i32 to vector<16xi32>
    %div3A_965 = arith.divsi %gather3A_962, %div3A_964 : vector<16xi32>
    %sign3A_966 = arith.constant 0 : i32
    %sign3A_967 = vector.broadcast %sign3A_966 : i32 to vector<16xi32>
    %sign3A_968 = arith.cmpi sgt, %gather3A_962, %sign3A_967 : vector<16xi32>
    %sign3A_969 = arith.extui %sign3A_968 : vector<16xi1> to vector<16xi32>
    %sign3A_970 = arith.constant 0 : i32
    %sign3A_971 = vector.broadcast %sign3A_970 : i32 to vector<16xi32>
    %sign3A_972 = arith.cmpi slt, %gather3A_962, %sign3A_971 : vector<16xi32>
    %sign3A_973 = arith.extui %sign3A_972 : vector<16xi1> to vector<16xi32>
    %sign3A_974 = arith.subi %sign3A_969, %sign3A_973 : vector<16xi32>
    %sign3A_975 = arith.constant 0 : i32
    %sign3A_976 = arith.cmpi sgt, %jit3A_963, %sign3A_975 : i32
    %sign3A_977 = arith.extui %sign3A_976 : i1 to i32
    %sign3A_978 = arith.constant 0 : i32
    %sign3A_979 = arith.cmpi slt, %jit3A_963, %sign3A_978 : i32
    %sign3A_980 = arith.extui %sign3A_979 : i1 to i32
    %sign3A_981 = arith.subi %sign3A_977, %sign3A_980 : i32
    %ne3A_982 = vector.broadcast %sign3A_981 : i32 to vector<16xi32>
    %ne3A_983 = arith.cmpi ne, %sign3A_974, %ne3A_982 : vector<16xi32>
    %rem3A_984 = vector.broadcast %jit3A_963 : i32 to vector<16xi32>
    %rem3A_985 = arith.remsi %gather3A_962, %rem3A_984 : vector<16xi32>
    %ne3A_986 = arith.constant 0 : i32
    %ne3A_987 = vector.broadcast %ne3A_986 : i32 to vector<16xi32>
    %ne3A_988 = arith.cmpi ne, %rem3A_985, %ne3A_987 : vector<16xi32>
    %and3A_989 = arith.andi %ne3A_983, %ne3A_988 : vector<16xi1>
    %sub3A_990 = arith.constant 1 : i32
    %sub3A_991 = vector.broadcast %sub3A_990 : i32 to vector<16xi32>
    %sub3A_992 = arith.subi %div3A_965, %sub3A_991 : vector<16xi32>
    %select_n3A_993 = arith.select %and3A_989, %sub3A_992, %div3A_965 : vector<16xi1>, vector<16xi32>
    %mul3A_994 = arith.constant 128 : i32
    %mul3A_995 = vector.broadcast %mul3A_994 : i32 to vector<16xi32>
    %mul3A_996 = arith.muli %select_n3A_993, %mul3A_995 : vector<16xi32>
    %sub3A_997 = arith.subi %gather3A_962, %mul3A_996 : vector<16xi32>
    %mul3A_998 = arith.constant 8 : i32
    %mul3A_999 = vector.broadcast %mul3A_998 : i32 to vector<16xi32>
    %mul3A_1000 = arith.muli %select_n3A_993, %mul3A_999 : vector<16xi32>
    %sub3A_1001 = arith.constant 44 : i32
    %sub3A_1002 = vector.broadcast %sub3A_1001 : i32 to vector<16xi32>
    %sub3A_1003 = arith.subi %mul3A_1000, %sub3A_1002 : vector<16xi32>
    %mul3A_1004 = arith.constant 8 : i32
    %mul3A_1005 = vector.broadcast %mul3A_1004 : i32 to vector<16xi32>
    %mul3A_1006 = arith.muli %sub3A_997, %mul3A_1005 : vector<16xi32>
    %sub3A_1007 = arith.constant 44 : i32
    %sub3A_1008 = vector.broadcast %sub3A_1007 : i32 to vector<16xi32>
    %sub3A_1009 = arith.subi %mul3A_1006, %sub3A_1008 : vector<16xi32>
    %jit3A_1010 = arith.constant 0 : i32
    %jit3A_1011 = arith.constant 928 : i32
    %max3A_1012 = vector.broadcast %jit3A_1010 : i32 to vector<16xi32>
    %max3A_1013 = arith.maxsi %max3A_1012, %sub3A_1009 : vector<16xi32>
    %min3A_1014 = vector.broadcast %jit3A_1011 : i32 to vector<16xi32>
    %min3A_1015 = arith.minsi %min3A_1014, %max3A_1013 : vector<16xi32>
    %mul3A_1016 = arith.constant 3 : i32
    %mul3A_1017 = vector.broadcast %mul3A_1016 : i32 to vector<16xi32>
    %mul3A_1018 = arith.muli %mul3A_1017, %min3A_1015 : vector<16xi32>
    %jit3A_1019 = arith.constant 128 : i32
    %div3A_1020 = vector.broadcast %jit3A_1019 : i32 to vector<16xi32>
    %div3A_1021 = arith.divsi %mul3A_1018, %div3A_1020 : vector<16xi32>
    %sign3A_1022 = arith.constant 0 : i32
    %sign3A_1023 = vector.broadcast %sign3A_1022 : i32 to vector<16xi32>
    %sign3A_1024 = arith.cmpi sgt, %mul3A_1018, %sign3A_1023 : vector<16xi32>
    %sign3A_1025 = arith.extui %sign3A_1024 : vector<16xi1> to vector<16xi32>
    %sign3A_1026 = arith.constant 0 : i32
    %sign3A_1027 = vector.broadcast %sign3A_1026 : i32 to vector<16xi32>
    %sign3A_1028 = arith.cmpi slt, %mul3A_1018, %sign3A_1027 : vector<16xi32>
    %sign3A_1029 = arith.extui %sign3A_1028 : vector<16xi1> to vector<16xi32>
    %sign3A_1030 = arith.subi %sign3A_1025, %sign3A_1029 : vector<16xi32>
    %sign3A_1031 = arith.constant 0 : i32
    %sign3A_1032 = arith.cmpi sgt, %jit3A_1019, %sign3A_1031 : i32
    %sign3A_1033 = arith.extui %sign3A_1032 : i1 to i32
    %sign3A_1034 = arith.constant 0 : i32
    %sign3A_1035 = arith.cmpi slt, %jit3A_1019, %sign3A_1034 : i32
    %sign3A_1036 = arith.extui %sign3A_1035 : i1 to i32
    %sign3A_1037 = arith.subi %sign3A_1033, %sign3A_1036 : i32
    %ne3A_1038 = vector.broadcast %sign3A_1037 : i32 to vector<16xi32>
    %ne3A_1039 = arith.cmpi ne, %sign3A_1030, %ne3A_1038 : vector<16xi32>
    %rem3A_1040 = vector.broadcast %jit3A_1019 : i32 to vector<16xi32>
    %rem3A_1041 = arith.remsi %mul3A_1018, %rem3A_1040 : vector<16xi32>
    %ne3A_1042 = arith.constant 0 : i32
    %ne3A_1043 = vector.broadcast %ne3A_1042 : i32 to vector<16xi32>
    %ne3A_1044 = arith.cmpi ne, %rem3A_1041, %ne3A_1043 : vector<16xi32>
    %and3A_1045 = arith.andi %ne3A_1039, %ne3A_1044 : vector<16xi1>
    %sub3A_1046 = arith.constant 1 : i32
    %sub3A_1047 = vector.broadcast %sub3A_1046 : i32 to vector<16xi32>
    %sub3A_1048 = arith.subi %div3A_1021, %sub3A_1047 : vector<16xi32>
    %select_n3A_1049 = arith.select %and3A_1045, %sub3A_1048, %div3A_1021 : vector<16xi1>, vector<16xi32>
    %mul3A_1050 = arith.constant 128 : i32
    %mul3A_1051 = vector.broadcast %mul3A_1050 : i32 to vector<16xi32>
    %mul3A_1052 = arith.muli %select_n3A_1049, %mul3A_1051 : vector<16xi32>
    %min3A_1053 = arith.constant 2560 : i32
    %min3A_1054 = vector.broadcast %min3A_1053 : i32 to vector<16xi32>
    %min3A_1055 = arith.minsi %mul3A_1052, %min3A_1054 : vector<16xi32>
    %jit3A_1056 = arith.constant 128 : i32
    %div3A_1057 = vector.broadcast %jit3A_1056 : i32 to vector<16xi32>
    %div3A_1058 = arith.divsi %min3A_1055, %div3A_1057 : vector<16xi32>
    %sign3A_1059 = arith.constant 0 : i32
    %sign3A_1060 = vector.broadcast %sign3A_1059 : i32 to vector<16xi32>
    %sign3A_1061 = arith.cmpi sgt, %min3A_1055, %sign3A_1060 : vector<16xi32>
    %sign3A_1062 = arith.extui %sign3A_1061 : vector<16xi1> to vector<16xi32>
    %sign3A_1063 = arith.constant 0 : i32
    %sign3A_1064 = vector.broadcast %sign3A_1063 : i32 to vector<16xi32>
    %sign3A_1065 = arith.cmpi slt, %min3A_1055, %sign3A_1064 : vector<16xi32>
    %sign3A_1066 = arith.extui %sign3A_1065 : vector<16xi1> to vector<16xi32>
    %sign3A_1067 = arith.subi %sign3A_1062, %sign3A_1066 : vector<16xi32>
    %sign3A_1068 = arith.constant 0 : i32
    %sign3A_1069 = arith.cmpi sgt, %jit3A_1056, %sign3A_1068 : i32
    %sign3A_1070 = arith.extui %sign3A_1069 : i1 to i32
    %sign3A_1071 = arith.constant 0 : i32
    %sign3A_1072 = arith.cmpi slt, %jit3A_1056, %sign3A_1071 : i32
    %sign3A_1073 = arith.extui %sign3A_1072 : i1 to i32
    %sign3A_1074 = arith.subi %sign3A_1070, %sign3A_1073 : i32
    %ne3A_1075 = vector.broadcast %sign3A_1074 : i32 to vector<16xi32>
    %ne3A_1076 = arith.cmpi ne, %sign3A_1067, %ne3A_1075 : vector<16xi32>
    %rem3A_1077 = vector.broadcast %jit3A_1056 : i32 to vector<16xi32>
    %rem3A_1078 = arith.remsi %min3A_1055, %rem3A_1077 : vector<16xi32>
    %ne3A_1079 = arith.constant 0 : i32
    %ne3A_1080 = vector.broadcast %ne3A_1079 : i32 to vector<16xi32>
    %ne3A_1081 = arith.cmpi ne, %rem3A_1078, %ne3A_1080 : vector<16xi32>
    %and3A_1082 = arith.andi %ne3A_1076, %ne3A_1081 : vector<16xi1>
    %sub3A_1083 = arith.constant 1 : i32
    %sub3A_1084 = vector.broadcast %sub3A_1083 : i32 to vector<16xi32>
    %sub3A_1085 = arith.subi %div3A_1058, %sub3A_1084 : vector<16xi32>
    %select_n3A_1086 = arith.select %and3A_1082, %sub3A_1085, %div3A_1058 : vector<16xi1>, vector<16xi32>
    %shift_right_arithmetic3A_1087 = arith.constant 2 : i32
    %shift_right_arithmetic3A_1088 = vector.broadcast %shift_right_arithmetic3A_1087 : i32 to vector<16xi32>
    %shift_right_arithmetic3A_1089 = arith.shrsi %iota3A, %shift_right_arithmetic3A_1088 : vector<16xi32>
    %and3A_1090 = arith.constant 3 : i32
    %and3A_1091 = vector.broadcast %and3A_1090 : i32 to vector<16xi32>
    %and3A_1092 = arith.andi %iota3A, %and3A_1091 : vector<16xi32>
    %add3A_1093 = arith.constant 0 : i32
    %add3A_1094 = vector.broadcast %add3A_1093 : i32 to vector<16xi32>
    %add3A_1095 = arith.addi %sub3A_1009, %add3A_1094 : vector<16xi32>
    %add3A_1096 = arith.addi %add3A_1095, %iota3A : vector<16xi32>
    %ge3A_1097 = arith.constant 0 : i32
    %ge3A_1098 = vector.broadcast %ge3A_1097 : i32 to vector<16xi32>
    %ge3A_1099 = arith.cmpi sge, %add3A_1096, %ge3A_1098 : vector<16xi32>
    %lt3A_1100 = arith.constant 1024 : i32
    %lt3A_1101 = vector.broadcast %lt3A_1100 : i32 to vector<16xi32>
    %lt3A_1102 = arith.cmpi slt, %add3A_1096, %lt3A_1101 : vector<16xi32>
    %and3A_1103 = arith.andi %ge3A_1099, %lt3A_1102 : vector<16xi1>
    %mul3A_1104 = arith.constant 3 : i32
    %mul3A_1105 = vector.broadcast %mul3A_1104 : i32 to vector<16xi32>
    %mul3A_1106 = arith.muli %mul3A_1105, %add3A_1096 : vector<16xi32>
    %sub3A_1107 = arith.subi %mul3A_1106, %min3A_1055 : vector<16xi32>
    %jit3A_1108 = arith.constant 0 : i32
    %jit3A_1109 = arith.constant 509 : i32
    %max3A_1110 = vector.broadcast %jit3A_1108 : i32 to vector<16xi32>
    %max3A_1111 = arith.maxsi %max3A_1110, %sub3A_1107 : vector<16xi32>
    %min3A_1112 = vector.broadcast %jit3A_1109 : i32 to vector<16xi32>
    %min3A_1113 = arith.minsi %min3A_1112, %max3A_1111 : vector<16xi32>
    %add3A_1114 = arith.constant 16 : i32
    %add3A_1115 = vector.broadcast %add3A_1114 : i32 to vector<16xi32>
    %add3A_1116 = arith.addi %sub3A_1009, %add3A_1115 : vector<16xi32>
    %add3A_1117 = arith.addi %add3A_1116, %iota3A : vector<16xi32>
    %ge3A_1118 = arith.constant 0 : i32
    %ge3A_1119 = vector.broadcast %ge3A_1118 : i32 to vector<16xi32>
    %ge3A_1120 = arith.cmpi sge, %add3A_1117, %ge3A_1119 : vector<16xi32>
    %lt3A_1121 = arith.constant 1024 : i32
    %lt3A_1122 = vector.broadcast %lt3A_1121 : i32 to vector<16xi32>
    %lt3A_1123 = arith.cmpi slt, %add3A_1117, %lt3A_1122 : vector<16xi32>
    %and3A_1124 = arith.andi %ge3A_1120, %lt3A_1123 : vector<16xi1>
    %mul3A_1125 = arith.constant 3 : i32
    %mul3A_1126 = vector.broadcast %mul3A_1125 : i32 to vector<16xi32>
    %mul3A_1127 = arith.muli %mul3A_1126, %add3A_1117 : vector<16xi32>
    %sub3A_1128 = arith.subi %mul3A_1127, %min3A_1055 : vector<16xi32>
    %jit3A_1129 = arith.constant 0 : i32
    %jit3A_1130 = arith.constant 509 : i32
    %max3A_1131 = vector.broadcast %jit3A_1129 : i32 to vector<16xi32>
    %max3A_1132 = arith.maxsi %max3A_1131, %sub3A_1128 : vector<16xi32>
    %min3A_1133 = vector.broadcast %jit3A_1130 : i32 to vector<16xi32>
    %min3A_1134 = arith.minsi %min3A_1133, %max3A_1132 : vector<16xi32>
    %add3A_1135 = arith.constant 32 : i32
    %add3A_1136 = vector.broadcast %add3A_1135 : i32 to vector<16xi32>
    %add3A_1137 = arith.addi %sub3A_1009, %add3A_1136 : vector<16xi32>
    %add3A_1138 = arith.addi %add3A_1137, %iota3A : vector<16xi32>
    %ge3A_1139 = arith.constant 0 : i32
    %ge3A_1140 = vector.broadcast %ge3A_1139 : i32 to vector<16xi32>
    %ge3A_1141 = arith.cmpi sge, %add3A_1138, %ge3A_1140 : vector<16xi32>
    %lt3A_1142 = arith.constant 1024 : i32
    %lt3A_1143 = vector.broadcast %lt3A_1142 : i32 to vector<16xi32>
    %lt3A_1144 = arith.cmpi slt, %add3A_1138, %lt3A_1143 : vector<16xi32>
    %and3A_1145 = arith.andi %ge3A_1141, %lt3A_1144 : vector<16xi1>
    %mul3A_1146 = arith.constant 3 : i32
    %mul3A_1147 = vector.broadcast %mul3A_1146 : i32 to vector<16xi32>
    %mul3A_1148 = arith.muli %mul3A_1147, %add3A_1138 : vector<16xi32>
    %sub3A_1149 = arith.subi %mul3A_1148, %min3A_1055 : vector<16xi32>
    %jit3A_1150 = arith.constant 0 : i32
    %jit3A_1151 = arith.constant 509 : i32
    %max3A_1152 = vector.broadcast %jit3A_1150 : i32 to vector<16xi32>
    %max3A_1153 = arith.maxsi %max3A_1152, %sub3A_1149 : vector<16xi32>
    %min3A_1154 = vector.broadcast %jit3A_1151 : i32 to vector<16xi32>
    %min3A_1155 = arith.minsi %min3A_1154, %max3A_1153 : vector<16xi32>
    %add3A_1156 = arith.constant 48 : i32
    %add3A_1157 = vector.broadcast %add3A_1156 : i32 to vector<16xi32>
    %add3A_1158 = arith.addi %sub3A_1009, %add3A_1157 : vector<16xi32>
    %add3A_1159 = arith.addi %add3A_1158, %iota3A : vector<16xi32>
    %ge3A_1160 = arith.constant 0 : i32
    %ge3A_1161 = vector.broadcast %ge3A_1160 : i32 to vector<16xi32>
    %ge3A_1162 = arith.cmpi sge, %add3A_1159, %ge3A_1161 : vector<16xi32>
    %lt3A_1163 = arith.constant 1024 : i32
    %lt3A_1164 = vector.broadcast %lt3A_1163 : i32 to vector<16xi32>
    %lt3A_1165 = arith.cmpi slt, %add3A_1159, %lt3A_1164 : vector<16xi32>
    %and3A_1166 = arith.andi %ge3A_1162, %lt3A_1165 : vector<16xi1>
    %mul3A_1167 = arith.constant 3 : i32
    %mul3A_1168 = vector.broadcast %mul3A_1167 : i32 to vector<16xi32>
    %mul3A_1169 = arith.muli %mul3A_1168, %add3A_1159 : vector<16xi32>
    %sub3A_1170 = arith.subi %mul3A_1169, %min3A_1055 : vector<16xi32>
    %jit3A_1171 = arith.constant 0 : i32
    %jit3A_1172 = arith.constant 509 : i32
    %max3A_1173 = vector.broadcast %jit3A_1171 : i32 to vector<16xi32>
    %max3A_1174 = arith.maxsi %max3A_1173, %sub3A_1170 : vector<16xi32>
    %min3A_1175 = vector.broadcast %jit3A_1172 : i32 to vector<16xi32>
    %min3A_1176 = arith.minsi %min3A_1175, %max3A_1174 : vector<16xi32>
    %add3A_1177 = arith.constant 64 : i32
    %add3A_1178 = vector.broadcast %add3A_1177 : i32 to vector<16xi32>
    %add3A_1179 = arith.addi %sub3A_1009, %add3A_1178 : vector<16xi32>
    %add3A_1180 = arith.addi %add3A_1179, %iota3A : vector<16xi32>
    %ge3A_1181 = arith.constant 0 : i32
    %ge3A_1182 = vector.broadcast %ge3A_1181 : i32 to vector<16xi32>
    %ge3A_1183 = arith.cmpi sge, %add3A_1180, %ge3A_1182 : vector<16xi32>
    %lt3A_1184 = arith.constant 1024 : i32
    %lt3A_1185 = vector.broadcast %lt3A_1184 : i32 to vector<16xi32>
    %lt3A_1186 = arith.cmpi slt, %add3A_1180, %lt3A_1185 : vector<16xi32>
    %and3A_1187 = arith.andi %ge3A_1183, %lt3A_1186 : vector<16xi1>
    %mul3A_1188 = arith.constant 3 : i32
    %mul3A_1189 = vector.broadcast %mul3A_1188 : i32 to vector<16xi32>
    %mul3A_1190 = arith.muli %mul3A_1189, %add3A_1180 : vector<16xi32>
    %sub3A_1191 = arith.subi %mul3A_1190, %min3A_1055 : vector<16xi32>
    %jit3A_1192 = arith.constant 0 : i32
    %jit3A_1193 = arith.constant 509 : i32
    %max3A_1194 = vector.broadcast %jit3A_1192 : i32 to vector<16xi32>
    %max3A_1195 = arith.maxsi %max3A_1194, %sub3A_1191 : vector<16xi32>
    %min3A_1196 = vector.broadcast %jit3A_1193 : i32 to vector<16xi32>
    %min3A_1197 = arith.minsi %min3A_1196, %max3A_1195 : vector<16xi32>
    %add3A_1198 = arith.constant 80 : i32
    %add3A_1199 = vector.broadcast %add3A_1198 : i32 to vector<16xi32>
    %add3A_1200 = arith.addi %sub3A_1009, %add3A_1199 : vector<16xi32>
    %add3A_1201 = arith.addi %add3A_1200, %iota3A : vector<16xi32>
    %ge3A_1202 = arith.constant 0 : i32
    %ge3A_1203 = vector.broadcast %ge3A_1202 : i32 to vector<16xi32>
    %ge3A_1204 = arith.cmpi sge, %add3A_1201, %ge3A_1203 : vector<16xi32>
    %lt3A_1205 = arith.constant 1024 : i32
    %lt3A_1206 = vector.broadcast %lt3A_1205 : i32 to vector<16xi32>
    %lt3A_1207 = arith.cmpi slt, %add3A_1201, %lt3A_1206 : vector<16xi32>
    %and3A_1208 = arith.andi %ge3A_1204, %lt3A_1207 : vector<16xi1>
    %mul3A_1209 = arith.constant 3 : i32
    %mul3A_1210 = vector.broadcast %mul3A_1209 : i32 to vector<16xi32>
    %mul3A_1211 = arith.muli %mul3A_1210, %add3A_1201 : vector<16xi32>
    %sub3A_1212 = arith.subi %mul3A_1211, %min3A_1055 : vector<16xi32>
    %jit3A_1213 = arith.constant 0 : i32
    %jit3A_1214 = arith.constant 509 : i32
    %max3A_1215 = vector.broadcast %jit3A_1213 : i32 to vector<16xi32>
    %max3A_1216 = arith.maxsi %max3A_1215, %sub3A_1212 : vector<16xi32>
    %min3A_1217 = vector.broadcast %jit3A_1214 : i32 to vector<16xi32>
    %min3A_1218 = arith.minsi %min3A_1217, %max3A_1216 : vector<16xi32>
    %parallel_loop3A_1219 = arith.constant 0 : i32
    %parallel_loop3A_1220 = arith.constant 96 : i32
    %parallel_loop3A_1221 = arith.constant 1 : i32
    scf.for %parallel_loop3A_1225 = %parallel_loop3A_1219 to %parallel_loop3A_1220 step %parallel_loop3A_1221  : i32 {
      %parallel_loop3A_1226 = vector.broadcast %parallel_loop3A_1225 : i32 to vector<16xi32>
      %parallel_loop3A_1227 = arith.addi %sub3A_1003, %parallel_loop3A_1226 : vector<16xi32>
      %parallel_loop3A_1228 = arith.constant 0 : i32
      %parallel_loop3A_1229 = vector.broadcast %parallel_loop3A_1228 : i32 to vector<16xi32>
      %parallel_loop3A_1230 = arith.cmpi sge, %parallel_loop3A_1227, %parallel_loop3A_1229 : vector<16xi32>
      %parallel_loop3A_1231 = arith.constant 1024 : i32
      %parallel_loop3A_1232 = vector.broadcast %parallel_loop3A_1231 : i32 to vector<16xi32>
      %parallel_loop3A_1233 = arith.cmpi slt, %parallel_loop3A_1227, %parallel_loop3A_1232 : vector<16xi32>
      %parallel_loop3A_1234 = arith.andi %parallel_loop3A_1230, %parallel_loop3A_1233 : vector<16xi1>
      %parallel_loop3A_1235 = arith.andi %and3A_1103, %parallel_loop3A_1234 : vector<16xi1>
      %parallel_loop3A_1236 = arith.constant 0 : i32
      %parallel_loop3A_1237 = vector.broadcast %parallel_loop3A_1236 : i32 to vector<16xi32>
      %parallel_loop3A_1238 = arith.addi %min3A_1113, %parallel_loop3A_1237 : vector<16xi32>
      %parallel_loop3A_1239 = arith.constant 7 : i32
      %parallel_loop3A_1240 = vector.broadcast %parallel_loop3A_1239 : i32 to vector<16xi32>
      %parallel_loop3A_1241 = arith.shrsi %parallel_loop3A_1238, %parallel_loop3A_1240 : vector<16xi32>
      %parallel_loop3A_1242 = arith.constant 4 : i32
      %parallel_loop3A_1243 = arith.muli %parallel_loop3A_1225, %parallel_loop3A_1242 : i32
      %parallel_loop3A_1244 = vector.broadcast %parallel_loop3A_1243 : i32 to vector<16xi32>
      %parallel_loop3A_1245 = arith.addi %parallel_loop3A_1241, %parallel_loop3A_1244 : vector<16xi32>
      %parallel_loop3A_1246 = arith.constant 384 : i32
      %parallel_loop3A_1247 = vector.broadcast %parallel_loop3A_1246 : i32 to vector<16xi32>
      %parallel_loop3A_1248 = arith.select %parallel_loop3A_1235, %parallel_loop3A_1245, %parallel_loop3A_1247 : vector<16xi1>, vector<16xi32>
      %parallel_loop3A_1249 = arith.constant 127 : i32
      %parallel_loop3A_1250 = vector.broadcast %parallel_loop3A_1249 : i32 to vector<16xi32>
      %parallel_loop3A_1251 = arith.andi %parallel_loop3A_1238, %parallel_loop3A_1250 : vector<16xi32>
      %parallel_loop3A_1252 = arith.sitofp %parallel_loop3A_1248 : vector<16xi32> to vector<16xf32>
      %parallel_loop3A_1253 = arith.sitofp %parallel_loop3A_1251 : vector<16xi32> to vector<16xf32>
      %parallel_loop3A_1254 = arith.addf %parallel_loop3A_1252, %parallel_loop3A_1253 : vector<16xf32>
      %parallel_loop3A_1255 = arith.constant 96 : i32
      %parallel_loop3A_1256 = arith.muli %parallel_loop3A_1225, %parallel_loop3A_1255 : i32
      %parallel_loop3A_1257 = arith.constant 0 : i32
      %parallel_loop3A_1258 = arith.addi %parallel_loop3A_1257, %parallel_loop3A_1256 : i32
      %parallel_loop3A_1259 = arith.constant 0 : i32
      %parallel_loop3A_1260 = arith.addi %parallel_loop3A_1258, %parallel_loop3A_1259 : i32
      %parallel_loop3A_1261 = tpu.assume_multiple %parallel_loop3A_1260, 8 : i32
      %parallel_loop3A_1262 = arith.index_cast %parallel_loop3A_1261 : i32 to index
      %parallel_loop3A_1263 = tpu.vector_load %arg7[%parallel_loop3A_1262] {strides = array<i32>} : memref<27648xf32, #tpu.memory_space<vmem>>, vector<16xf32>,
      tpu.vector_store %arg7[%parallel_loop3A_1262], %parallel_loop3A_1254 {strides = array<i32>} : memref<27648xf32, #tpu.memory_space<vmem>>, vector<16xf32>,
      %parallel_loop3A_1264 = arith.constant 1 : i32
      %parallel_loop3A_1265 = vector.broadcast %parallel_loop3A_1264 : i32 to vector<16xi32>
      %parallel_loop3A_1266 = arith.addi %min3A_1113, %parallel_loop3A_1265 : vector<16xi32>
      %parallel_loop3A_1267 = arith.constant 7 : i32
      %parallel_loop3A_1268 = vector.broadcast %parallel_loop3A_1267 : i32 to vector<16xi32>
      %parallel_loop3A_1269 = arith.shrsi %parallel_loop3A_1266, %parallel_loop3A_1268 : vector<16xi32>
      %parallel_loop3A_1270 = arith.constant 4 : i32
      %parallel_loop3A_1271 = arith.muli %parallel_loop3A_1225, %parallel_loop3A_1270 : i32
      %parallel_loop3A_1272 = vector.broadcast %parallel_loop3A_1271 : i32 to vector<16xi32>
      %parallel_loop3A_1273 = arith.addi %parallel_loop3A_1269, %parallel_loop3A_1272 : vector<16xi32>
      %parallel_loop3A_1274 = arith.constant 384 : i32
      %parallel_loop3A_1275 = vector.broadcast %parallel_loop3A_1274 : i32 to vector<16xi32>
      %parallel_loop3A_1276 = arith.select %parallel_loop3A_1235, %parallel_loop3A_1273, %parallel_loop3A_1275 : vector<16xi1>, vector<16xi32>
      %parallel_loop3A_1277 = arith.constant 127 : i32
      %parallel_loop3A_1278 = vector.broadcast %parallel_loop3A_1277 : i32 to vector<16xi32>
      %parallel_loop3A_1279 = arith.andi %parallel_loop3A_1266, %parallel_loop3A_1278 : vector<16xi32>
      %parallel_loop3A_1280 = arith.sitofp %parallel_loop3A_1276 : vector<16xi32> to vector<16xf32>
      %parallel_loop3A_1281 = arith.sitofp %parallel_loop3A_1279 : vector<16xi32> to vector<16xf32>
      %parallel_loop3A_1282 = arith.addf %parallel_loop3A_1280, %parallel_loop3A_1281 : vector<16xf32>
      %parallel_loop3A_1283 = arith.constant 96 : i32
      %parallel_loop3A_1284 = arith.muli %parallel_loop3A_1225, %parallel_loop3A_1283 : i32
      %parallel_loop3A_1285 = arith.constant 9216 : i32
      %parallel_loop3A_1286 = arith.addi %parallel_loop3A_1285, %parallel_loop3A_1284 : i32
      %parallel_loop3A_1287 = arith.constant 0 : i32
      %parallel_loop3A_1288 = arith.addi %parallel_loop3A_1286, %parallel_loop3A_1287 : i32
      %parallel_loop3A_1289 = tpu.assume_multiple %parallel_loop3A_1288, 8 : i32
      %parallel_loop3A_1290 = arith.index_cast %parallel_loop3A_1289 : i32 to index
      %parallel_loop3A_1291 = tpu.vector_load %arg7[%parallel_loop3A_1290] {strides = array<i32>} : memref<27648xf32, #tpu.memory_space<vmem>>, vector<16xf32>,
      tpu.vector_store %arg7[%parallel_loop3A_1290], %parallel_loop3A_1282 {strides = array<i32>} : memref<27648xf32, #tpu.memory_space<vmem>>, vector<16xf32>,
      %parallel_loop3A_1292 = arith.constant 2 : i32
      %parallel_loop3A_1293 = vector.broadcast %parallel_loop3A_1292 : i32 to vector<16xi32>
      %parallel_loop3A_1294 = arith.addi %min3A_1113, %parallel_loop3A_1293 : vector<16xi32>
      %parallel_loop3A_1295 = arith.constant 7 : i32
      %parallel_loop3A_1296 = vector.broadcast %parallel_loop3A_1295 : i32 to vector<16xi32>
      %parallel_loop3A_1297 = arith.shrsi %parallel_loop3A_1294, %parallel_loop3A_1296 : vector<16xi32>
      %parallel_loop3A_1298 = arith.constant 4 : i32
      %parallel_loop3A_1299 = arith.muli %parallel_loop3A_1225, %parallel_loop3A_1298 : i32
      %parallel_loop3A_1300 = vector.broadcast %parallel_loop3A_1299 : i32 to vector<16xi32>
      %parallel_loop3A_1301 = arith.addi %parallel_loop3A_1297, %parallel_loop3A_1300 : vector<16xi32>
      %parallel_loop3A_1302 = arith.constant 384 : i32
      %parallel_loop3A_1303 = vector.broadcast %parallel_loop3A_1302 : i32 to vector<16xi32>
      %parallel_loop3A_1304 = arith.select %parallel_loop3A_1235, %parallel_loop3A_1301, %parallel_loop3A_1303 : vector<16xi1>, vector<16xi32>
      %parallel_loop3A_1305 = arith.constant 127 : i32
      %parallel_loop3A_1306 = vector.broadcast %parallel_loop3A_1305 : i32 to vector<16xi32>
      %parallel_loop3A_1307 = arith.andi %parallel_loop3A_1294, %parallel_loop3A_1306 : vector<16xi32>
      %parallel_loop3A_1308 = arith.sitofp %parallel_loop3A_1304 : vector<16xi32> to vector<16xf32>
      %parallel_loop3A_1309 = arith.sitofp %parallel_loop3A_1307 : vector<16xi32> to vector<16xf32>
      %parallel_loop3A_1310 = arith.addf %parallel_loop3A_1308, %parallel_loop3A_1309 : vector<16xf32>
      %parallel_loop3A_1311 = arith.constant 96 : i32
      %parallel_loop3A_1312 = arith.muli %parallel_loop3A_1225, %parallel_loop3A_1311 : i32
      %parallel_loop3A_1313 = arith.constant 18432 : i32
      %parallel_loop3A_1314 = arith.addi %parallel_loop3A_1313, %parallel_loop3A_1312 : i32
      %parallel_loop3A_1315 = arith.constant 0 : i32
      %parallel_loop3A_1316 = arith.addi %parallel_loop3A_1314, %parallel_loop3A_1315 : i32
      %parallel_loop3A_1317 = tpu.assume_multiple %parallel_loop3A_1316, 8 : i32
      %parallel_loop3A_1318 = arith.index_cast %parallel_loop3A_1317 : i32 to index
      %parallel_loop3A_1319 = tpu.vector_load %arg7[%parallel_loop3A_1318] {strides = array<i32>} : memref<27648xf32, #tpu.memory_space<vmem>>, vector<16xf32>,
      tpu.vector_store %arg7[%parallel_loop3A_1318], %parallel_loop3A_1310 {strides = array<i32>} : memref<27648xf32, #tpu.memory_space<vmem>>, vector<16xf32>,
      %parallel_loop3A_1320 = arith.andi %and3A_1124, %parallel_loop3A_1234 : vector<16xi1>
      %parallel_loop3A_1321 = arith.constant 0 : i32
      %parallel_loop3A_1322 = vector.broadcast %parallel_loop3A_1321 : i32 to vector<16xi32>
      %parallel_loop3A_1323 = arith.addi %min3A_1134, %parallel_loop3A_1322 : vector<16xi32>
      %parallel_loop3A_1324 = arith.constant 7 : i32
      %parallel_loop3A_1325 = vector.broadcast %parallel_loop3A_1324 : i32 to vector<16xi32>
      %parallel_loop3A_1326 = arith.shrsi %parallel_loop3A_1323, %parallel_loop3A_1325 : vector<16xi32>
      %parallel_loop3A_1327 = arith.constant 4 : i32
      %parallel_loop3A_1328 = arith.muli %parallel_loop3A_1225, %parallel_loop3A_1327 : i32
      %parallel_loop3A_1329 = vector.broadcast %parallel_loop3A_1328 : i32 to vector<16xi32>
      %parallel_loop3A_1330 = arith.addi %parallel_loop3A_1326, %parallel_loop3A_1329 : vector<16xi32>
      %parallel_loop3A_1331 = arith.constant 384 : i32
      %parallel_loop3A_1332 = vector.broadcast %parallel_loop3A_1331 : i32 to vector<16xi32>
      %parallel_loop3A_1333 = arith.select %parallel_loop3A_1320, %parallel_loop3A_1330, %parallel_loop3A_1332 : vector<16xi1>, vector<16xi32>
      %parallel_loop3A_1334 = arith.constant 127 : i32
      %parallel_loop3A_1335 = vector.broadcast %parallel_loop3A_1334 : i32 to vector<16xi32>
      %parallel_loop3A_1336 = arith.andi %parallel_loop3A_1323, %parallel_loop3A_1335 : vector<16xi32>
      %parallel_loop3A_1337 = arith.sitofp %parallel_loop3A_1333 : vector<16xi32> to vector<16xf32>
      %parallel_loop3A_1338 = arith.sitofp %parallel_loop3A_1336 : vector<16xi32> to vector<16xf32>
      %parallel_loop3A_1339 = arith.addf %parallel_loop3A_1337, %parallel_loop3A_1338 : vector<16xf32>
      %parallel_loop3A_1340 = arith.constant 96 : i32
      %parallel_loop3A_1341 = arith.muli %parallel_loop3A_1225, %parallel_loop3A_1340 : i32
      %parallel_loop3A_1342 = arith.constant 0 : i32
      %parallel_loop3A_1343 = arith.addi %parallel_loop3A_1342, %parallel_loop3A_1341 : i32
      %parallel_loop3A_1344 = arith.constant 16 : i32
      %parallel_loop3A_1345 = arith.addi %parallel_loop3A_1343, %parallel_loop3A_1344 : i32
      %parallel_loop3A_1346 = tpu.assume_multiple %parallel_loop3A_1345, 8 : i32
      %parallel_loop3A_1347 = arith.index_cast %parallel_loop3A_1346 : i32 to index
      %parallel_loop3A_1348 = tpu.vector_load %arg7[%parallel_loop3A_1347] {strides = array<i32>} : memref<27648xf32, #tpu.memory_space<vmem>>, vector<16xf32>,
      tpu.vector_store %arg7[%parallel_loop3A_1347], %parallel_loop3A_1339 {strides = array<i32>} : memref<27648xf32, #tpu.memory_space<vmem>>, vector<16xf32>,
      %parallel_loop3A_1349 = arith.constant 1 : i32
      %parallel_loop3A_1350 = vector.broadcast %parallel_loop3A_1349 : i32 to vector<16xi32>
      %parallel_loop3A_1351 = arith.addi %min3A_1134, %parallel_loop3A_1350 : vector<16xi32>
      %parallel_loop3A_1352 = arith.constant 7 : i32
      %parallel_loop3A_1353 = vector.broadcast %parallel_loop3A_1352 : i32 to vector<16xi32>
      %parallel_loop3A_1354 = arith.shrsi %parallel_loop3A_1351, %parallel_loop3A_1353 : vector<16xi32>
      %parallel_loop3A_1355 = arith.constant 4 : i32
      %parallel_loop3A_1356 = arith.muli %parallel_loop3A_1225, %parallel_loop3A_1355 : i32
      %parallel_loop3A_1357 = vector.broadcast %parallel_loop3A_1356 : i32 to vector<16xi32>
      %parallel_loop3A_1358 = arith.addi %parallel_loop3A_1354, %parallel_loop3A_1357 : vector<16xi32>
      %parallel_loop3A_1359 = arith.constant 384 : i32
      %parallel_loop3A_1360 = vector.broadcast %parallel_loop3A_1359 : i32 to vector<16xi32>
      %parallel_loop3A_1361 = arith.select %parallel_loop3A_1320, %parallel_loop3A_1358, %parallel_loop3A_1360 : vector<16xi1>, vector<16xi32>
      %parallel_loop3A_1362 = arith.constant 127 : i32
      %parallel_loop3A_1363 = vector.broadcast %parallel_loop3A_1362 : i32 to vector<16xi32>
      %parallel_loop3A_1364 = arith.andi %parallel_loop3A_1351, %parallel_loop3A_1363 : vector<16xi32>
      %parallel_loop3A_1365 = arith.sitofp %parallel_loop3A_1361 : vector<16xi32> to vector<16xf32>
      %parallel_loop3A_1366 = arith.sitofp %parallel_loop3A_1364 : vector<16xi32> to vector<16xf32>
      %parallel_loop3A_1367 = arith.addf %parallel_loop3A_1365, %parallel_loop3A_1366 : vector<16xf32>
      %parallel_loop3A_1368 = arith.constant 96 : i32
      %parallel_loop3A_1369 = arith.muli %parallel_loop3A_1225, %parallel_loop3A_1368 : i32
      %parallel_loop3A_1370 = arith.constant 9216 : i32
      %parallel_loop3A_1371 = arith.addi %parallel_loop3A_1370, %parallel_loop3A_1369 : i32
      %parallel_loop3A_1372 = arith.constant 16 : i32
      %parallel_loop3A_1373 = arith.addi %parallel_loop3A_1371, %parallel_loop3A_1372 : i32
      %parallel_loop3A_1374 = tpu.assume_multiple %parallel_loop3A_1373, 8 : i32
      %parallel_loop3A_1375 = arith.index_cast %parallel_loop3A_1374 : i32 to index
      %parallel_loop3A_1376 = tpu.vector_load %arg7[%parallel_loop3A_1375] {strides = array<i32>} : memref<27648xf32, #tpu.memory_space<vmem>>, vector<16xf32>,
      tpu.vector_store %arg7[%parallel_loop3A_1375], %parallel_loop3A_1367 {strides = array<i32>} : memref<27648xf32, #tpu.memory_space<vmem>>, vector<16xf32>,
      %parallel_loop3A_1377 = arith.constant 2 : i32
      %parallel_loop3A_1378 = vector.broadcast %parallel_loop3A_1377 : i32 to vector<16xi32>
      %parallel_loop3A_1379 = arith.addi %min3A_1134, %parallel_loop3A_1378 : vector<16xi32>
      %parallel_loop3A_1380 = arith.constant 7 : i32
      %parallel_loop3A_1381 = vector.broadcast %parallel_loop3A_1380 : i32 to vector<16xi32>
      %parallel_loop3A_1382 = arith.shrsi %parallel_loop3A_1379, %parallel_loop3A_1381 : vector<16xi32>
      %parallel_loop3A_1383 = arith.constant 4 : i32
      %parallel_loop3A_1384 = arith.muli %parallel_loop3A_1225, %parallel_loop3A_1383 : i32
      %parallel_loop3A_1385 = vector.broadcast %parallel_loop3A_1384 : i32 to vector<16xi32>
      %parallel_loop3A_1386 = arith.addi %parallel_loop3A_1382, %parallel_loop3A_1385 : vector<16xi32>
      %parallel_loop3A_1387 = arith.constant 384 : i32
      %parallel_loop3A_1388 = vector.broadcast %parallel_loop3A_1387 : i32 to vector<16xi32>
      %parallel_loop3A_1389 = arith.select %parallel_loop3A_1320, %parallel_loop3A_1386, %parallel_loop3A_1388 : vector<16xi1>, vector<16xi32>
      %parallel_loop3A_1390 = arith.constant 127 : i32
      %parallel_loop3A_1391 = vector.broadcast %parallel_loop3A_1390 : i32 to vector<16xi32>
      %parallel_loop3A_1392 = arith.andi %parallel_loop3A_1379, %parallel_loop3A_1391 : vector<16xi32>
      %parallel_loop3A_1393 = arith.sitofp %parallel_loop3A_1389 : vector<16xi32> to vector<16xf32>
      %parallel_loop3A_1394 = arith.sitofp %parallel_loop3A_1392 : vector<16xi32> to vector<16xf32>
      %parallel_loop3A_1395 = arith.addf %parallel_loop3A_1393, %parallel_loop3A_1394 : vector<16xf32>
      %parallel_loop3A_1396 = arith.constant 96 : i32
      %parallel_loop3A_1397 = arith.muli %parallel_loop3A_1225, %parallel_loop3A_1396 : i32
      %parallel_loop3A_1398 = arith.constant 18432 : i32
      %parallel_loop3A_1399 = arith.addi %parallel_loop3A_1398, %parallel_loop3A_1397 : i32
      %parallel_loop3A_1400 = arith.constant 16 : i32
      %parallel_loop3A_1401 = arith.addi %parallel_loop3A_1399, %parallel_loop3A_1400 : i32
      %parallel_loop3A_1402 = tpu.assume_multiple %parallel_loop3A_1401, 8 : i32
      %parallel_loop3A_1403 = arith.index_cast %parallel_loop3A_1402 : i32 to index
      %parallel_loop3A_1404 = tpu.vector_load %arg7[%parallel_loop3A_1403] {strides = array<i32>} : memref<27648xf32, #tpu.memory_space<vmem>>, vector<16xf32>,
      tpu.vector_store %arg7[%parallel_loop3A_1403], %parallel_loop3A_1395 {strides = array<i32>} : memref<27648xf32, #tpu.memory_space<vmem>>, vector<16xf32>,
      %parallel_loop3A_1405 = arith.andi %and3A_1145, %parallel_loop3A_1234 : vector<16xi1>
      %parallel_loop3A_1406 = arith.constant 0 : i32
      %parallel_loop3A_1407 = vector.broadcast %parallel_loop3A_1406 : i32 to vector<16xi32>
      %parallel_loop3A_1408 = arith.addi %min3A_1155, %parallel_loop3A_1407 : vector<16xi32>
      %parallel_loop3A_1409 = arith.constant 7 : i32
      %parallel_loop3A_1410 = vector.broadcast %parallel_loop3A_1409 : i32 to vector<16xi32>
      %parallel_loop3A_1411 = arith.shrsi %parallel_loop3A_1408, %parallel_loop3A_1410 : vector<16xi32>
      %parallel_loop3A_1412 = arith.constant 4 : i32
      %parallel_loop3A_1413 = arith.muli %parallel_loop3A_1225, %parallel_loop3A_1412 : i32
      %parallel_loop3A_1414 = vector.broadcast %parallel_loop3A_1413 : i32 to vector<16xi32>
      %parallel_loop3A_1415 = arith.addi %parallel_loop3A_1411, %parallel_loop3A_1414 : vector<16xi32>
      %parallel_loop3A_1416 = arith.constant 384 : i32
      %parallel_loop3A_1417 = vector.broadcast %parallel_loop3A_1416 : i32 to vector<16xi32>
      %parallel_loop3A_1418 = arith.select %parallel_loop3A_1405, %parallel_loop3A_1415, %parallel_loop3A_1417 : vector<16xi1>, vector<16xi32>
      %parallel_loop3A_1419 = arith.constant 127 : i32
      %parallel_loop3A_1420 = vector.broadcast %parallel_loop3A_1419 : i32 to vector<16xi32>
      %parallel_loop3A_1421 = arith.andi %parallel_loop3A_1408, %parallel_loop3A_1420 : vector<16xi32>
      %parallel_loop3A_1422 = arith.sitofp %parallel_loop3A_1418 : vector<16xi32> to vector<16xf32>
      %parallel_loop3A_1423 = arith.sitofp %parallel_loop3A_1421 : vector<16xi32> to vector<16xf32>
      %parallel_loop3A_1424 = arith.addf %parallel_loop3A_1422, %parallel_loop3A_1423 : vector<16xf32>
      %parallel_loop3A_1425 = arith.constant 96 : i32
      %parallel_loop3A_1426 = arith.muli %parallel_loop3A_1225, %parallel_loop3A_1425 : i32
      %parallel_loop3A_1427 = arith.constant 0 : i32
      %parallel_loop3A_1428 = arith.addi %parallel_loop3A_1427, %parallel_loop3A_1426 : i32
      %parallel_loop3A_1429 = arith.constant 32 : i32
      %parallel_loop3A_1430 = arith.addi %parallel_loop3A_1428, %parallel_loop3A_1429 : i32
      %parallel_loop3A_1431 = tpu.assume_multiple %parallel_loop3A_1430, 8 : i32
      %parallel_loop3A_1432 = arith.index_cast %parallel_loop3A_1431 : i32 to index
      %parallel_loop3A_1433 = tpu.vector_load %arg7[%parallel_loop3A_1432] {strides = array<i32>} : memref<27648xf32, #tpu.memory_space<vmem>>, vector<16xf32>,
      tpu.vector_store %arg7[%parallel_loop3A_1432], %parallel_loop3A_1424 {strides = array<i32>} : memref<27648xf32, #tpu.memory_space<vmem>>, vector<16xf32>,
      %parallel_loop3A_1434 = arith.constant 1 : i32
      %parallel_loop3A_1435 = vector.broadcast %parallel_loop3A_1434 : i32 to vector<16xi32>
      %parallel_loop3A_1436 = arith.addi %min3A_1155, %parallel_loop3A_1435 : vector<16xi32>
      %parallel_loop3A_1437 = arith.constant 7 : i32
      %parallel_loop3A_1438 = vector.broadcast %parallel_loop3A_1437 : i32 to vector<16xi32>
      %parallel_loop3A_1439 = arith.shrsi %parallel_loop3A_1436, %parallel_loop3A_1438 : vector<16xi32>
      %parallel_loop3A_1440 = arith.constant 4 : i32
      %parallel_loop3A_1441 = arith.muli %parallel_loop3A_1225, %parallel_loop3A_1440 : i32
      %parallel_loop3A_1442 = vector.broadcast %parallel_loop3A_1441 : i32 to vector<16xi32>
      %parallel_loop3A_1443 = arith.addi %parallel_loop3A_1439, %parallel_loop3A_1442 : vector<16xi32>
      %parallel_loop3A_1444 = arith.constant 384 : i32
      %parallel_loop3A_1445 = vector.broadcast %parallel_loop3A_1444 : i32 to vector<16xi32>
      %parallel_loop3A_1446 = arith.select %parallel_loop3A_1405, %parallel_loop3A_1443, %parallel_loop3A_1445 : vector<16xi1>, vector<16xi32>
      %parallel_loop3A_1447 = arith.constant 127 : i32
      %parallel_loop3A_1448 = vector.broadcast %parallel_loop3A_1447 : i32 to vector<16xi32>
      %parallel_loop3A_1449 = arith.andi %parallel_loop3A_1436, %parallel_loop3A_1448 : vector<16xi32>
      %parallel_loop3A_1450 = arith.sitofp %parallel_loop3A_1446 : vector<16xi32> to vector<16xf32>
      %parallel_loop3A_1451 = arith.sitofp %parallel_loop3A_1449 : vector<16xi32> to vector<16xf32>
      %parallel_loop3A_1452 = arith.addf %parallel_loop3A_1450, %parallel_loop3A_1451 : vector<16xf32>
      %parallel_loop3A_1453 = arith.constant 96 : i32
      %parallel_loop3A_1454 = arith.muli %parallel_loop3A_1225, %parallel_loop3A_1453 : i32
      %parallel_loop3A_1455 = arith.constant 9216 : i32
      %parallel_loop3A_1456 = arith.addi %parallel_loop3A_1455, %parallel_loop3A_1454 : i32
      %parallel_loop3A_1457 = arith.constant 32 : i32
      %parallel_loop3A_1458 = arith.addi %parallel_loop3A_1456, %parallel_loop3A_1457 : i32
      %parallel_loop3A_1459 = tpu.assume_multiple %parallel_loop3A_1458, 8 : i32
      %parallel_loop3A_1460 = arith.index_cast %parallel_loop3A_1459 : i32 to index
      %parallel_loop3A_1461 = tpu.vector_load %arg7[%parallel_loop3A_1460] {strides = array<i32>} : memref<27648xf32, #tpu.memory_space<vmem>>, vector<16xf32>,
      tpu.vector_store %arg7[%parallel_loop3A_1460], %parallel_loop3A_1452 {strides = array<i32>} : memref<27648xf32, #tpu.memory_space<vmem>>, vector<16xf32>,
      %parallel_loop3A_1462 = arith.constant 2 : i32
      %parallel_loop3A_1463 = vector.broadcast %parallel_loop3A_1462 : i32 to vector<16xi32>
      %parallel_loop3A_1464 = arith.addi %min3A_1155, %parallel_loop3A_1463 : vector<16xi32>
      %parallel_loop3A_1465 = arith.constant 7 : i32
      %parallel_loop3A_1466 = vector.broadcast %parallel_loop3A_1465 : i32 to vector<16xi32>
      %parallel_loop3A_1467 = arith.shrsi %parallel_loop3A_1464, %parallel_loop3A_1466 : vector<16xi32>
      %parallel_loop3A_1468 = arith.constant 4 : i32
      %parallel_loop3A_1469 = arith.muli %parallel_loop3A_1225, %parallel_loop3A_1468 : i32
      %parallel_loop3A_1470 = vector.broadcast %parallel_loop3A_1469 : i32 to vector<16xi32>
      %parallel_loop3A_1471 = arith.addi %parallel_loop3A_1467, %parallel_loop3A_1470 : vector<16xi32>
      %parallel_loop3A_1472 = arith.constant 384 : i32
      %parallel_loop3A_1473 = vector.broadcast %parallel_loop3A_1472 : i32 to vector<16xi32>
      %parallel_loop3A_1474 = arith.select %parallel_loop3A_1405, %parallel_loop3A_1471, %parallel_loop3A_1473 : vector<16xi1>, vector<16xi32>
      %parallel_loop3A_1475 = arith.constant 127 : i32
      %parallel_loop3A_1476 = vector.broadcast %parallel_loop3A_1475 : i32 to vector<16xi32>
      %parallel_loop3A_1477 = arith.andi %parallel_loop3A_1464, %parallel_loop3A_1476 : vector<16xi32>
      %parallel_loop3A_1478 = arith.sitofp %parallel_loop3A_1474 : vector<16xi32> to vector<16xf32>
      %parallel_loop3A_1479 = arith.sitofp %parallel_loop3A_1477 : vector<16xi32> to vector<16xf32>
      %parallel_loop3A_1480 = arith.addf %parallel_loop3A_1478, %parallel_loop3A_1479 : vector<16xf32>
      %parallel_loop3A_1481 = arith.constant 96 : i32
      %parallel_loop3A_1482 = arith.muli %parallel_loop3A_1225, %parallel_loop3A_1481 : i32
      %parallel_loop3A_1483 = arith.constant 18432 : i32
      %parallel_loop3A_1484 = arith.addi %parallel_loop3A_1483, %parallel_loop3A_1482 : i32
      %parallel_loop3A_1485 = arith.constant 32 : i32
      %parallel_loop3A_1486 = arith.addi %parallel_loop3A_1484, %parallel_loop3A_1485 : i32
      %parallel_loop3A_1487 = tpu.assume_multiple %parallel_loop3A_1486, 8 : i32
      %parallel_loop3A_1488 = arith.index_cast %parallel_loop3A_1487 : i32 to index
      %parallel_loop3A_1489 = tpu.vector_load %arg7[%parallel_loop3A_1488] {strides = array<i32>} : memref<27648xf32, #tpu.memory_space<vmem>>, vector<16xf32>,
      tpu.vector_store %arg7[%parallel_loop3A_1488], %parallel_loop3A_1480 {strides = array<i32>} : memref<27648xf32, #tpu.memory_space<vmem>>, vector<16xf32>,
      %parallel_loop3A_1490 = arith.andi %and3A_1166, %parallel_loop3A_1234 : vector<16xi1>
      %parallel_loop3A_1491 = arith.constant 0 : i32
      %parallel_loop3A_1492 = vector.broadcast %parallel_loop3A_1491 : i32 to vector<16xi32>
      %parallel_loop3A_1493 = arith.addi %min3A_1176, %parallel_loop3A_1492 : vector<16xi32>
      %parallel_loop3A_1494 = arith.constant 7 : i32
      %parallel_loop3A_1495 = vector.broadcast %parallel_loop3A_1494 : i32 to vector<16xi32>
      %parallel_loop3A_1496 = arith.shrsi %parallel_loop3A_1493, %parallel_loop3A_1495 : vector<16xi32>
      %parallel_loop3A_1497 = arith.constant 4 : i32
      %parallel_loop3A_1498 = arith.muli %parallel_loop3A_1225, %parallel_loop3A_1497 : i32
      %parallel_loop3A_1499 = vector.broadcast %parallel_loop3A_1498 : i32 to vector<16xi32>
      %parallel_loop3A_1500 = arith.addi %parallel_loop3A_1496, %parallel_loop3A_1499 : vector<16xi32>
      %parallel_loop3A_1501 = arith.constant 384 : i32
      %parallel_loop3A_1502 = vector.broadcast %parallel_loop3A_1501 : i32 to vector<16xi32>
      %parallel_loop3A_1503 = arith.select %parallel_loop3A_1490, %parallel_loop3A_1500, %parallel_loop3A_1502 : vector<16xi1>, vector<16xi32>
      %parallel_loop3A_1504 = arith.constant 127 : i32
      %parallel_loop3A_1505 = vector.broadcast %parallel_loop3A_1504 : i32 to vector<16xi32>
      %parallel_loop3A_1506 = arith.andi %parallel_loop3A_1493, %parallel_loop3A_1505 : vector<16xi32>
      %parallel_loop3A_1507 = arith.sitofp %parallel_loop3A_1503 : vector<16xi32> to vector<16xf32>
      %parallel_loop3A_1508 = arith.sitofp %parallel_loop3A_1506 : vector<16xi32> to vector<16xf32>
      %parallel_loop3A_1509 = arith.addf %parallel_loop3A_1507, %parallel_loop3A_1508 : vector<16xf32>
      %parallel_loop3A_1510 = arith.constant 96 : i32
      %parallel_loop3A_1511 = arith.muli %parallel_loop3A_1225, %parallel_loop3A_1510 : i32
      %parallel_loop3A_1512 = arith.constant 0 : i32
      %parallel_loop3A_1513 = arith.addi %parallel_loop3A_1512, %parallel_loop3A_1511 : i32
      %parallel_loop3A_1514 = arith.constant 48 : i32
      %parallel_loop3A_1515 = arith.addi %parallel_loop3A_1513, %parallel_loop3A_1514 : i32
      %parallel_loop3A_1516 = tpu.assume_multiple %parallel_loop3A_1515, 8 : i32
      %parallel_loop3A_1517 = arith.index_cast %parallel_loop3A_1516 : i32 to index
      %parallel_loop3A_1518 = tpu.vector_load %arg7[%parallel_loop3A_1517] {strides = array<i32>} : memref<27648xf32, #tpu.memory_space<vmem>>, vector<16xf32>,
      tpu.vector_store %arg7[%parallel_loop3A_1517], %parallel_loop3A_1509 {strides = array<i32>} : memref<27648xf32, #tpu.memory_space<vmem>>, vector<16xf32>,
      %parallel_loop3A_1519 = arith.constant 1 : i32
      %parallel_loop3A_1520 = vector.broadcast %parallel_loop3A_1519 : i32 to vector<16xi32>
      %parallel_loop3A_1521 = arith.addi %min3A_1176, %parallel_loop3A_1520 : vector<16xi32>
      %parallel_loop3A_1522 = arith.constant 7 : i32
      %parallel_loop3A_1523 = vector.broadcast %parallel_loop3A_1522 : i32 to vector<16xi32>
      %parallel_loop3A_1524 = arith.shrsi %parallel_loop3A_1521, %parallel_loop3A_1523 : vector<16xi32>
      %parallel_loop3A_1525 = arith.constant 4 : i32
      %parallel_loop3A_1526 = arith.muli %parallel_loop3A_1225, %parallel_loop3A_1525 : i32
      %parallel_loop3A_1527 = vector.broadcast %parallel_loop3A_1526 : i32 to vector<16xi32>
      %parallel_loop3A_1528 = arith.addi %parallel_loop3A_1524, %parallel_loop3A_1527 : vector<16xi32>
      %parallel_loop3A_1529 = arith.constant 384 : i32
      %parallel_loop3A_1530 = vector.broadcast %parallel_loop3A_1529 : i32 to vector<16xi32>
      %parallel_loop3A_1531 = arith.select %parallel_loop3A_1490, %parallel_loop3A_1528, %parallel_loop3A_1530 : vector<16xi1>, vector<16xi32>
      %parallel_loop3A_1532 = arith.constant 127 : i32
      %parallel_loop3A_1533 = vector.broadcast %parallel_loop3A_1532 : i32 to vector<16xi32>
      %parallel_loop3A_1534 = arith.andi %parallel_loop3A_1521, %parallel_loop3A_1533 : vector<16xi32>
      %parallel_loop3A_1535 = arith.sitofp %parallel_loop3A_1531 : vector<16xi32> to vector<16xf32>
      %parallel_loop3A_1536 = arith.sitofp %parallel_loop3A_1534 : vector<16xi32> to vector<16xf32>
      %parallel_loop3A_1537 = arith.addf %parallel_loop3A_1535, %parallel_loop3A_1536 : vector<16xf32>
      %parallel_loop3A_1538 = arith.constant 96 : i32
      %parallel_loop3A_1539 = arith.muli %parallel_loop3A_1225, %parallel_loop3A_1538 : i32
      %parallel_loop3A_1540 = arith.constant 9216 : i32
      %parallel_loop3A_1541 = arith.addi %parallel_loop3A_1540, %parallel_loop3A_1539 : i32
      %parallel_loop3A_1542 = arith.constant 48 : i32
      %parallel_loop3A_1543 = arith.addi %parallel_loop3A_1541, %parallel_loop3A_1542 : i32
      %parallel_loop3A_1544 = tpu.assume_multiple %parallel_loop3A_1543, 8 : i32
      %parallel_loop3A_1545 = arith.index_cast %parallel_loop3A_1544 : i32 to index
      %parallel_loop3A_1546 = tpu.vector_load %arg7[%parallel_loop3A_1545] {strides = array<i32>} : memref<27648xf32, #tpu.memory_space<vmem>>, vector<16xf32>,
      tpu.vector_store %arg7[%parallel_loop3A_1545], %parallel_loop3A_1537 {strides = array<i32>} : memref<27648xf32, #tpu.memory_space<vmem>>, vector<16xf32>,
      %parallel_loop3A_1547 = arith.constant 2 : i32
      %parallel_loop3A_1548 = vector.broadcast %parallel_loop3A_1547 : i32 to vector<16xi32>
      %parallel_loop3A_1549 = arith.addi %min3A_1176, %parallel_loop3A_1548 : vector<16xi32>
      %parallel_loop3A_1550 = arith.constant 7 : i32
      %parallel_loop3A_1551 = vector.broadcast %parallel_loop3A_1550 : i32 to vector<16xi32>
      %parallel_loop3A_1552 = arith.shrsi %parallel_loop3A_1549, %parallel_loop3A_1551 : vector<16xi32>
      %parallel_loop3A_1553 = arith.constant 4 : i32
      %parallel_loop3A_1554 = arith.muli %parallel_loop3A_1225, %parallel_loop3A_1553 : i32
      %parallel_loop3A_1555 = vector.broadcast %parallel_loop3A_1554 : i32 to vector<16xi32>
      %parallel_loop3A_1556 = arith.addi %parallel_loop3A_1552, %parallel_loop3A_1555 : vector<16xi32>
      %parallel_loop3A_1557 = arith.constant 384 : i32
      %parallel_loop3A_1558 = vector.broadcast %parallel_loop3A_1557 : i32 to vector<16xi32>
      %parallel_loop3A_1559 = arith.select %parallel_loop3A_1490, %parallel_loop3A_1556, %parallel_loop3A_1558 : vector<16xi1>, vector<16xi32>
      %parallel_loop3A_1560 = arith.constant 127 : i32
      %parallel_loop3A_1561 = vector.broadcast %parallel_loop3A_1560 : i32 to vector<16xi32>
      %parallel_loop3A_1562 = arith.andi %parallel_loop3A_1549, %parallel_loop3A_1561 : vector<16xi32>
      %parallel_loop3A_1563 = arith.sitofp %parallel_loop3A_1559 : vector<16xi32> to vector<16xf32>
      %parallel_loop3A_1564 = arith.sitofp %parallel_loop3A_1562 : vector<16xi32> to vector<16xf32>
      %parallel_loop3A_1565 = arith.addf %parallel_loop3A_1563, %parallel_loop3A_1564 : vector<16xf32>
      %parallel_loop3A_1566 = arith.constant 96 : i32
      %parallel_loop3A_1567 = arith.muli %parallel_loop3A_1225, %parallel_loop3A_1566 : i32
      %parallel_loop3A_1568 = arith.constant 18432 : i32
      %parallel_loop3A_1569 = arith.addi %parallel_loop3A_1568, %parallel_loop3A_1567 : i32
      %parallel_loop3A_1570 = arith.constant 48 : i32
      %parallel_loop3A_1571 = arith.addi %parallel_loop3A_1569, %parallel_loop3A_1570 : i32
      %parallel_loop3A_1572 = tpu.assume_multiple %parallel_loop3A_1571, 8 : i32
      %parallel_loop3A_1573 = arith.index_cast %parallel_loop3A_1572 : i32 to index
      %parallel_loop3A_1574 = tpu.vector_load %arg7[%parallel_loop3A_1573] {strides = array<i32>} : memref<27648xf32, #tpu.memory_space<vmem>>, vector<16xf32>,
      tpu.vector_store %arg7[%parallel_loop3A_1573], %parallel_loop3A_1565 {strides = array<i32>} : memref<27648xf32, #tpu.memory_space<vmem>>, vector<16xf32>,
      %parallel_loop3A_1575 = arith.andi %and3A_1187, %parallel_loop3A_1234 : vector<16xi1>
      %parallel_loop3A_1576 = arith.constant 0 : i32
      %parallel_loop3A_1577 = vector.broadcast %parallel_loop3A_1576 : i32 to vector<16xi32>
      %parallel_loop3A_1578 = arith.addi %min3A_1197, %parallel_loop3A_1577 : vector<16xi32>
      %parallel_loop3A_1579 = arith.constant 7 : i32
      %parallel_loop3A_1580 = vector.broadcast %parallel_loop3A_1579 : i32 to vector<16xi32>
      %parallel_loop3A_1581 = arith.shrsi %parallel_loop3A_1578, %parallel_loop3A_1580 : vector<16xi32>
      %parallel_loop3A_1582 = arith.constant 4 : i32
      %parallel_loop3A_1583 = arith.muli %parallel_loop3A_1225, %parallel_loop3A_1582 : i32
      %parallel_loop3A_1584 = vector.broadcast %parallel_loop3A_1583 : i32 to vector<16xi32>
      %parallel_loop3A_1585 = arith.addi %parallel_loop3A_1581, %parallel_loop3A_1584 : vector<16xi32>
      %parallel_loop3A_1586 = arith.constant 384 : i32
      %parallel_loop3A_1587 = vector.broadcast %parallel_loop3A_1586 : i32 to vector<16xi32>
      %parallel_loop3A_1588 = arith.select %parallel_loop3A_1575, %parallel_loop3A_1585, %parallel_loop3A_1587 : vector<16xi1>, vector<16xi32>
      %parallel_loop3A_1589 = arith.constant 127 : i32
      %parallel_loop3A_1590 = vector.broadcast %parallel_loop3A_1589 : i32 to vector<16xi32>
      %parallel_loop3A_1591 = arith.andi %parallel_loop3A_1578, %parallel_loop3A_1590 : vector<16xi32>
      %parallel_loop3A_1592 = arith.sitofp %parallel_loop3A_1588 : vector<16xi32> to vector<16xf32>
      %parallel_loop3A_1593 = arith.sitofp %parallel_loop3A_1591 : vector<16xi32> to vector<16xf32>
      %parallel_loop3A_1594 = arith.addf %parallel_loop3A_1592, %parallel_loop3A_1593 : vector<16xf32>
      %parallel_loop3A_1595 = arith.constant 96 : i32
      %parallel_loop3A_1596 = arith.muli %parallel_loop3A_1225, %parallel_loop3A_1595 : i32
      %parallel_loop3A_1597 = arith.constant 0 : i32
      %parallel_loop3A_1598 = arith.addi %parallel_loop3A_1597, %parallel_loop3A_1596 : i32
      %parallel_loop3A_1599 = arith.constant 64 : i32
      %parallel_loop3A_1600 = arith.addi %parallel_loop3A_1598, %parallel_loop3A_1599 : i32
      %parallel_loop3A_1601 = tpu.assume_multiple %parallel_loop3A_1600, 8 : i32
      %parallel_loop3A_1602 = arith.index_cast %parallel_loop3A_1601 : i32 to index
      %parallel_loop3A_1603 = tpu.vector_load %arg7[%parallel_loop3A_1602] {strides = array<i32>} : memref<27648xf32, #tpu.memory_space<vmem>>, vector<16xf32>,
      tpu.vector_store %arg7[%parallel_loop3A_1602], %parallel_loop3A_1594 {strides = array<i32>} : memref<27648xf32, #tpu.memory_space<vmem>>, vector<16xf32>,
      %parallel_loop3A_1604 = arith.constant 1 : i32
      %parallel_loop3A_1605 = vector.broadcast %parallel_loop3A_1604 : i32 to vector<16xi32>
      %parallel_loop3A_1606 = arith.addi %min3A_1197, %parallel_loop3A_1605 : vector<16xi32>
      %parallel_loop3A_1607 = arith.constant 7 : i32
      %parallel_loop3A_1608 = vector.broadcast %parallel_loop3A_1607 : i32 to vector<16xi32>
      %parallel_loop3A_1609 = arith.shrsi %parallel_loop3A_1606, %parallel_loop3A_1608 : vector<16xi32>
      %parallel_loop3A_1610 = arith.constant 4 : i32
      %parallel_loop3A_1611 = arith.muli %parallel_loop3A_1225, %parallel_loop3A_1610 : i32
      %parallel_loop3A_1612 = vector.broadcast %parallel_loop3A_1611 : i32 to vector<16xi32>
      %parallel_loop3A_1613 = arith.addi %parallel_loop3A_1609, %parallel_loop3A_1612 : vector<16xi32>
      %parallel_loop3A_1614 = arith.constant 384 : i32
      %parallel_loop3A_1615 = vector.broadcast %parallel_loop3A_1614 : i32 to vector<16xi32>
      %parallel_loop3A_1616 = arith.select %parallel_loop3A_1575, %parallel_loop3A_1613, %parallel_loop3A_1615 : vector<16xi1>, vector<16xi32>
      %parallel_loop3A_1617 = arith.constant 127 : i32
      %parallel_loop3A_1618 = vector.broadcast %parallel_loop3A_1617 : i32 to vector<16xi32>
      %parallel_loop3A_1619 = arith.andi %parallel_loop3A_1606, %parallel_loop3A_1618 : vector<16xi32>
      %parallel_loop3A_1620 = arith.sitofp %parallel_loop3A_1616 : vector<16xi32> to vector<16xf32>
      %parallel_loop3A_1621 = arith.sitofp %parallel_loop3A_1619 : vector<16xi32> to vector<16xf32>
      %parallel_loop3A_1622 = arith.addf %parallel_loop3A_1620, %parallel_loop3A_1621 : vector<16xf32>
      %parallel_loop3A_1623 = arith.constant 96 : i32
      %parallel_loop3A_1624 = arith.muli %parallel_loop3A_1225, %parallel_loop3A_1623 : i32
      %parallel_loop3A_1625 = arith.constant 9216 : i32
      %parallel_loop3A_1626 = arith.addi %parallel_loop3A_1625, %parallel_loop3A_1624 : i32
      %parallel_loop3A_1627 = arith.constant 64 : i32
      %parallel_loop3A_1628 = arith.addi %parallel_loop3A_1626, %parallel_loop3A_1627 : i32
      %parallel_loop3A_1629 = tpu.assume_multiple %parallel_loop3A_1628, 8 : i32
      %parallel_loop3A_1630 = arith.index_cast %parallel_loop3A_1629 : i32 to index
      %parallel_loop3A_1631 = tpu.vector_load %arg7[%parallel_loop3A_1630] {strides = array<i32>} : memref<27648xf32, #tpu.memory_space<vmem>>, vector<16xf32>,
      tpu.vector_store %arg7[%parallel_loop3A_1630], %parallel_loop3A_1622 {strides = array<i32>} : memref<27648xf32, #tpu.memory_space<vmem>>, vector<16xf32>,
      %parallel_loop3A_1632 = arith.constant 2 : i32
      %parallel_loop3A_1633 = vector.broadcast %parallel_loop3A_1632 : i32 to vector<16xi32>
      %parallel_loop3A_1634 = arith.addi %min3A_1197, %parallel_loop3A_1633 : vector<16xi32>
      %parallel_loop3A_1635 = arith.constant 7 : i32
      %parallel_loop3A_1636 = vector.broadcast %parallel_loop3A_1635 : i32 to vector<16xi32>
      %parallel_loop3A_1637 = arith.shrsi %parallel_loop3A_1634, %parallel_loop3A_1636 : vector<16xi32>
      %parallel_loop3A_1638 = arith.constant 4 : i32
      %parallel_loop3A_1639 = arith.muli %parallel_loop3A_1225, %parallel_loop3A_1638 : i32
      %parallel_loop3A_1640 = vector.broadcast %parallel_loop3A_1639 : i32 to vector<16xi32>
      %parallel_loop3A_1641 = arith.addi %parallel_loop3A_1637, %parallel_loop3A_1640 : vector<16xi32>
      %parallel_loop3A_1642 = arith.constant 384 : i32
      %parallel_loop3A_1643 = vector.broadcast %parallel_loop3A_1642 : i32 to vector<16xi32>
      %parallel_loop3A_1644 = arith.select %parallel_loop3A_1575, %parallel_loop3A_1641, %parallel_loop3A_1643 : vector<16xi1>, vector<16xi32>
      %parallel_loop3A_1645 = arith.constant 127 : i32
      %parallel_loop3A_1646 = vector.broadcast %parallel_loop3A_1645 : i32 to vector<16xi32>
      %parallel_loop3A_1647 = arith.andi %parallel_loop3A_1634, %parallel_loop3A_1646 : vector<16xi32>
      %parallel_loop3A_1648 = arith.sitofp %parallel_loop3A_1644 : vector<16xi32> to vector<16xf32>
      %parallel_loop3A_1649 = arith.sitofp %parallel_loop3A_1647 : vector<16xi32> to vector<16xf32>
      %parallel_loop3A_1650 = arith.addf %parallel_loop3A_1648, %parallel_loop3A_1649 : vector<16xf32>
      %parallel_loop3A_1651 = arith.constant 96 : i32
      %parallel_loop3A_1652 = arith.muli %parallel_loop3A_1225, %parallel_loop3A_1651 : i32
      %parallel_loop3A_1653 = arith.constant 18432 : i32
      %parallel_loop3A_1654 = arith.addi %parallel_loop3A_1653, %parallel_loop3A_1652 : i32
      %parallel_loop3A_1655 = arith.constant 64 : i32
      %parallel_loop3A_1656 = arith.addi %parallel_loop3A_1654, %parallel_loop3A_1655 : i32
      %parallel_loop3A_1657 = tpu.assume_multiple %parallel_loop3A_1656, 8 : i32
      %parallel_loop3A_1658 = arith.index_cast %parallel_loop3A_1657 : i32 to index
      %parallel_loop3A_1659 = tpu.vector_load %arg7[%parallel_loop3A_1658] {strides = array<i32>} : memref<27648xf32, #tpu.memory_space<vmem>>, vector<16xf32>,
      tpu.vector_store %arg7[%parallel_loop3A_1658], %parallel_loop3A_1650 {strides = array<i32>} : memref<27648xf32, #tpu.memory_space<vmem>>, vector<16xf32>,
      %parallel_loop3A_1660 = arith.andi %and3A_1208, %parallel_loop3A_1234 : vector<16xi1>
      %parallel_loop3A_1661 = arith.constant 0 : i32
      %parallel_loop3A_1662 = vector.broadcast %parallel_loop3A_1661 : i32 to vector<16xi32>
      %parallel_loop3A_1663 = arith.addi %min3A_1218, %parallel_loop3A_1662 : vector<16xi32>
      %parallel_loop3A_1664 = arith.constant 7 : i32
      %parallel_loop3A_1665 = vector.broadcast %parallel_loop3A_1664 : i32 to vector<16xi32>
      %parallel_loop3A_1666 = arith.shrsi %parallel_loop3A_1663, %parallel_loop3A_1665 : vector<16xi32>
      %parallel_loop3A_1667 = arith.constant 4 : i32
      %parallel_loop3A_1668 = arith.muli %parallel_loop3A_1225, %parallel_loop3A_1667 : i32
      %parallel_loop3A_1669 = vector.broadcast %parallel_loop3A_1668 : i32 to vector<16xi32>
      %parallel_loop3A_1670 = arith.addi %parallel_loop3A_1666, %parallel_loop3A_1669 : vector<16xi32>
      %parallel_loop3A_1671 = arith.constant 384 : i32
      %parallel_loop3A_1672 = vector.broadcast %parallel_loop3A_1671 : i32 to vector<16xi32>
      %parallel_loop3A_1673 = arith.select %parallel_loop3A_1660, %parallel_loop3A_1670, %parallel_loop3A_1672 : vector<16xi1>, vector<16xi32>
      %parallel_loop3A_1674 = arith.constant 127 : i32
      %parallel_loop3A_1675 = vector.broadcast %parallel_loop3A_1674 : i32 to vector<16xi32>
      %parallel_loop3A_1676 = arith.andi %parallel_loop3A_1663, %parallel_loop3A_1675 : vector<16xi32>
      %parallel_loop3A_1677 = arith.sitofp %parallel_loop3A_1673 : vector<16xi32> to vector<16xf32>
      %parallel_loop3A_1678 = arith.sitofp %parallel_loop3A_1676 : vector<16xi32> to vector<16xf32>
      %parallel_loop3A_1679 = arith.addf %parallel_loop3A_1677, %parallel_loop3A_1678 : vector<16xf32>
      %parallel_loop3A_1680 = arith.constant 96 : i32
      %parallel_loop3A_1681 = arith.muli %parallel_loop3A_1225, %parallel_loop3A_1680 : i32
      %parallel_loop3A_1682 = arith.constant 0 : i32
      %parallel_loop3A_1683 = arith.addi %parallel_loop3A_1682, %parallel_loop3A_1681 : i32
      %parallel_loop3A_1684 = arith.constant 80 : i32
      %parallel_loop3A_1685 = arith.addi %parallel_loop3A_1683, %parallel_loop3A_1684 : i32
      %parallel_loop3A_1686 = tpu.assume_multiple %parallel_loop3A_1685, 8 : i32
      %parallel_loop3A_1687 = arith.index_cast %parallel_loop3A_1686 : i32 to index
      %parallel_loop3A_1688 = tpu.vector_load %arg7[%parallel_loop3A_1687] {strides = array<i32>} : memref<27648xf32, #tpu.memory_space<vmem>>, vector<16xf32>,
      tpu.vector_store %arg7[%parallel_loop3A_1687], %parallel_loop3A_1679 {strides = array<i32>} : memref<27648xf32, #tpu.memory_space<vmem>>, vector<16xf32>,
      %parallel_loop3A_1689 = arith.constant 1 : i32
      %parallel_loop3A_1690 = vector.broadcast %parallel_loop3A_1689 : i32 to vector<16xi32>
      %parallel_loop3A_1691 = arith.addi %min3A_1218, %parallel_loop3A_1690 : vector<16xi32>
      %parallel_loop3A_1692 = arith.constant 7 : i32
      %parallel_loop3A_1693 = vector.broadcast %parallel_loop3A_1692 : i32 to vector<16xi32>
      %parallel_loop3A_1694 = arith.shrsi %parallel_loop3A_1691, %parallel_loop3A_1693 : vector<16xi32>
      %parallel_loop3A_1695 = arith.constant 4 : i32
      %parallel_loop3A_1696 = arith.muli %parallel_loop3A_1225, %parallel_loop3A_1695 : i32
      %parallel_loop3A_1697 = vector.broadcast %parallel_loop3A_1696 : i32 to vector<16xi32>
      %parallel_loop3A_1698 = arith.addi %parallel_loop3A_1694, %parallel_loop3A_1697 : vector<16xi32>
      %parallel_loop3A_1699 = arith.constant 384 : i32
      %parallel_loop3A_1700 = vector.broadcast %parallel_loop3A_1699 : i32 to vector<16xi32>
      %parallel_loop3A_1701 = arith.select %parallel_loop3A_1660, %parallel_loop3A_1698, %parallel_loop3A_1700 : vector<16xi1>, vector<16xi32>
      %parallel_loop3A_1702 = arith.constant 127 : i32
      %parallel_loop3A_1703 = vector.broadcast %parallel_loop3A_1702 : i32 to vector<16xi32>
      %parallel_loop3A_1704 = arith.andi %parallel_loop3A_1691, %parallel_loop3A_1703 : vector<16xi32>
      %parallel_loop3A_1705 = arith.sitofp %parallel_loop3A_1701 : vector<16xi32> to vector<16xf32>
      %parallel_loop3A_1706 = arith.sitofp %parallel_loop3A_1704 : vector<16xi32> to vector<16xf32>
      %parallel_loop3A_1707 = arith.addf %parallel_loop3A_1705, %parallel_loop3A_1706 : vector<16xf32>
      %parallel_loop3A_1708 = arith.constant 96 : i32
      %parallel_loop3A_1709 = arith.muli %parallel_loop3A_1225, %parallel_loop3A_1708 : i32
      %parallel_loop3A_1710 = arith.constant 9216 : i32
      %parallel_loop3A_1711 = arith.addi %parallel_loop3A_1710, %parallel_loop3A_1709 : i32
      %parallel_loop3A_1712 = arith.constant 80 : i32
      %parallel_loop3A_1713 = arith.addi %parallel_loop3A_1711, %parallel_loop3A_1712 : i32
      %parallel_loop3A_1714 = tpu.assume_multiple %parallel_loop3A_1713, 8 : i32
      %parallel_loop3A_1715 = arith.index_cast %parallel_loop3A_1714 : i32 to index
      %parallel_loop3A_1716 = tpu.vector_load %arg7[%parallel_loop3A_1715] {strides = array<i32>} : memref<27648xf32, #tpu.memory_space<vmem>>, vector<16xf32>,
      tpu.vector_store %arg7[%parallel_loop3A_1715], %parallel_loop3A_1707 {strides = array<i32>} : memref<27648xf32, #tpu.memory_space<vmem>>, vector<16xf32>,
      %parallel_loop3A_1717 = arith.constant 2 : i32
      %parallel_loop3A_1718 = vector.broadcast %parallel_loop3A_1717 : i32 to vector<16xi32>
      %parallel_loop3A_1719 = arith.addi %min3A_1218, %parallel_loop3A_1718 : vector<16xi32>
      %parallel_loop3A_1720 = arith.constant 7 : i32
      %parallel_loop3A_1721 = vector.broadcast %parallel_loop3A_1720 : i32 to vector<16xi32>
      %parallel_loop3A_1722 = arith.shrsi %parallel_loop3A_1719, %parallel_loop3A_1721 : vector<16xi32>
      %parallel_loop3A_1723 = arith.constant 4 : i32
      %parallel_loop3A_1724 = arith.muli %parallel_loop3A_1225, %parallel_loop3A_1723 : i32
      %parallel_loop3A_1725 = vector.broadcast %parallel_loop3A_1724 : i32 to vector<16xi32>
      %parallel_loop3A_1726 = arith.addi %parallel_loop3A_1722, %parallel_loop3A_1725 : vector<16xi32>
      %parallel_loop3A_1727 = arith.constant 384 : i32
      %parallel_loop3A_1728 = vector.broadcast %parallel_loop3A_1727 : i32 to vector<16xi32>
      %parallel_loop3A_1729 = arith.select %parallel_loop3A_1660, %parallel_loop3A_1726, %parallel_loop3A_1728 : vector<16xi1>, vector<16xi32>
      %parallel_loop3A_1730 = arith.constant 127 : i32
      %parallel_loop3A_1731 = vector.broadcast %parallel_loop3A_1730 : i32 to vector<16xi32>
      %parallel_loop3A_1732 = arith.andi %parallel_loop3A_1719, %parallel_loop3A_1731 : vector<16xi32>
      %parallel_loop3A_1733 = arith.sitofp %parallel_loop3A_1729 : vector<16xi32> to vector<16xf32>
      %parallel_loop3A_1734 = arith.sitofp %parallel_loop3A_1732 : vector<16xi32> to vector<16xf32>
      %parallel_loop3A_1735 = arith.addf %parallel_loop3A_1733, %parallel_loop3A_1734 : vector<16xf32>
      %parallel_loop3A_1736 = arith.constant 96 : i32
      %parallel_loop3A_1737 = arith.muli %parallel_loop3A_1225, %parallel_loop3A_1736 : i32
      %parallel_loop3A_1738 = arith.constant 18432 : i32
      %parallel_loop3A_1739 = arith.addi %parallel_loop3A_1738, %parallel_loop3A_1737 : i32
      %parallel_loop3A_1740 = arith.constant 80 : i32
      %parallel_loop3A_1741 = arith.addi %parallel_loop3A_1739, %parallel_loop3A_1740 : i32
      %parallel_loop3A_1742 = tpu.assume_multiple %parallel_loop3A_1741, 8 : i32
      %parallel_loop3A_1743 = arith.index_cast %parallel_loop3A_1742 : i32 to index
      %parallel_loop3A_1744 = tpu.vector_load %arg7[%parallel_loop3A_1743] {strides = array<i32>} : memref<27648xf32, #tpu.memory_space<vmem>>, vector<16xf32>,
      tpu.vector_store %arg7[%parallel_loop3A_1743], %parallel_loop3A_1735 {strides = array<i32>} : memref<27648xf32, #tpu.memory_space<vmem>>, vector<16xf32>,
    } {sc.loop_unroll_factor = 2 : i64, sc.parallel_access}
    %mul3A_1222 = arith.constant 27648 : i32
    %mul3A_1223 = arith.muli %add3A_934, %mul3A_1222 : i32
    %multiple_of3A_1224 = tpu.assume_multiple %mul3A_1223, 8 : i32
    "tpu.region"() ({
      %run_scoped3A = tpu.sem_alloc : memref<!tpu.dma_semaphore, #tpu.memory_space<semaphore_mem>>
      %dma_start3A = tpu.memref_slice %arg4[%multiple_of3A_1224] : memref<3538944xf32, #tpu.memory_space<hbm>> -> memref<27648xf32, #tpu.memory_space<hbm>>
      %dma_start3A_1225 = tpu.memref_slice %arg4[%multiple_of3A_1224] : memref<3538944xf32, #tpu.memory_space<hbm>> -> memref<27648xf32, #tpu.memory_space<hbm>>
      tpu.enqueue_dma source(%arg7 : memref<27648xf32, #tpu.memory_space<vmem>>) target(%dma_start3A_1225 : memref<27648xf32, #tpu.memory_space<hbm>>) target_semaphore(%run_scoped3A : memref<!tpu.dma_semaphore, #tpu.memory_space<semaphore_mem>>)
      %dma_wait3A = tpu.memref_slice %arg4[%multiple_of3A_1224] : memref<3538944xf32, #tpu.memory_space<hbm>> -> memref<27648xf32, #tpu.memory_space<hbm>>
      %dma_wait3A_1226 = tpu.memref_slice %arg4[%multiple_of3A_1224] : memref<3538944xf32, #tpu.memory_space<hbm>> -> memref<27648xf32, #tpu.memory_space<hbm>>
      tpu.wait_dma2 semaphore(%run_scoped3A : memref<!tpu.dma_semaphore, #tpu.memory_space<semaphore_mem>>) src(%arg7 : memref<27648xf32, #tpu.memory_space<vmem>>) dst(%dma_wait3A_1226 : memref<27648xf32, #tpu.memory_space<hbm>>)
      tpu.yield
    }) : () -> ()
    return
  }
}

module attributes {stable_mosaic.version = 14 : i64} {
  func.func @_topk_kernel(%arg0: memref<8x16384xf32, #tpu.memory_space<vmem>>, %arg1: memref<8x16384xf32, #tpu.memory_space<vmem>>, %arg2: memref<8x16xi32, #tpu.memory_space<vmem>>, %arg3: memref<8x16xf32, #tpu.memory_space<vmem>>, %arg4: memref<8x16384xf32, #tpu.memory_space<vmem>>) attributes {dimension_semantics = [], scalar_prefetch = 0 : i64, scratch_operands = 1 : i64, tpu.core_type = #tpu.core_type<tc>} {
    %get3A = arith.constant 0 : index
    %get3A_0 = arith.constant 0 : index
    %get3A_1 = vector.load %arg0[%get3A, %get3A_0] : memref<8x16384xf32, #tpu.memory_space<vmem>>, vector<8x16384xf32>
    %get3A_2 = arith.constant 0 : index
    %get3A_3 = arith.constant 0 : index
    %get3A_4 = vector.load %arg1[%get3A_2, %get3A_3] : memref<8x16384xf32, #tpu.memory_space<vmem>>, vector<8x16384xf32>
    %add3A = arith.addf %get3A_1, %get3A_4 : vector<8x16384xf32>
    %swap3A = arith.constant 0 : index
    %swap3A_5 = arith.constant 0 : index
    %swap3A_6 = vector.load %arg4[%swap3A, %swap3A_5] : memref<8x16384xf32, #tpu.memory_space<vmem>>, vector<8x16384xf32>
    tpu.vector_store %arg4[%swap3A, %swap3A_5], %add3A {strides = array<i32>} : memref<8x16384xf32, #tpu.memory_space<vmem>>, vector<8x16384xf32>,
    %iota3A = tpu.iota {dimensions = array<i32: 1>} : vector<8x16384xi32>
    %get3A_7 = arith.constant 0 : index
    %get3A_8 = arith.constant 0 : index
    %get3A_9 = vector.load %arg4[%get3A_7, %get3A_8] : memref<8x16384xf32, #tpu.memory_space<vmem>>, vector<8x16384xf32>
    %reduce_max3A = arith.constant dense<0xFF800000> : vector<8xf32>
    %reduce_max3A_10 = vector.multi_reduction <maximumf>, %get3A_9, %reduce_max3A [1] : vector<8x16384xf32> to vector<8xf32>
    %broadcast_in_dim3A = vector.shape_cast %reduce_max3A_10 : vector<8xf32> to vector<8x1xf32>
    %eq3A = vector.broadcast %broadcast_in_dim3A : vector<8x1xf32> to vector<8x16384xf32>
    %eq3A_11 = arith.cmpf oeq, %get3A_9, %eq3A : vector<8x16384xf32>
    %jit3A = arith.constant 16384 : i32
    %broadcast_in_dim3A_12 = vector.broadcast %jit3A : i32 to vector<8x16384xi32>
    %select_n3A = arith.select %eq3A_11, %iota3A, %broadcast_in_dim3A_12 : vector<8x16384xi1>, vector<8x16384xi32>
    %reduce_min3A = arith.constant dense<2147483647> : vector<8xi32>
    %reduce_min3A_13 = vector.multi_reduction <minsi>, %select_n3A, %reduce_min3A [1] : vector<8x16384xi32> to vector<8xi32>
    %broadcast_in_dim3A_14 = vector.shape_cast %reduce_min3A_13 : vector<8xi32> to vector<8x1xi32>
    %eq3A_15 = vector.broadcast %broadcast_in_dim3A_14 : vector<8x1xi32> to vector<8x16384xi32>
    %eq3A_16 = arith.cmpi eq, %iota3A, %eq3A_15 : vector<8x16384xi32>
    %jit3A_17 = arith.constant 0.000000e+00 : f32
    %broadcast_in_dim3A_18 = vector.broadcast %jit3A_17 : f32 to vector<8x16384xf32>
    %select_n3A_19 = arith.select %eq3A_16, %get3A_1, %broadcast_in_dim3A_18 : vector<8x16384xi1>, vector<8x16384xf32>
    %reduce_sum3A = arith.constant dense<0.000000e+00> : vector<8xf32>
    %reduce_sum3A_20 = vector.multi_reduction <add>, %select_n3A_19, %reduce_sum3A [1] : vector<8x16384xf32> to vector<8xf32>
    %broadcast_in_dim3A_21 = vector.shape_cast %reduce_sum3A_20 : vector<8xf32> to vector<8x1xf32>
    %swap3A_22 = arith.constant 0 : index
    %swap3A_23 = arith.constant 0 : index
    %swap3A_24 = vector.load %arg2[%swap3A_22, %swap3A_23] : memref<8x16xi32, #tpu.memory_space<vmem>>, vector<8x1xi32>
    tpu.vector_store %arg2[%swap3A_22, %swap3A_23], %broadcast_in_dim3A_14 {strides = array<i32>} : memref<8x16xi32, #tpu.memory_space<vmem>>, vector<8x1xi32>,
    %swap3A_25 = arith.constant 0 : index
    %swap3A_26 = arith.constant 0 : index
    %swap3A_27 = vector.load %arg3[%swap3A_25, %swap3A_26] : memref<8x16xf32, #tpu.memory_space<vmem>>, vector<8x1xf32>
    tpu.vector_store %arg3[%swap3A_25, %swap3A_26], %broadcast_in_dim3A_21 {strides = array<i32>} : memref<8x16xf32, #tpu.memory_space<vmem>>, vector<8x1xf32>,
    %jit3A_28 = arith.constant 0xFF800000 : f32
    %broadcast_in_dim3A_29 = vector.broadcast %jit3A_28 : f32 to vector<8x16384xf32>
    %select_n3A_30 = arith.select %eq3A_16, %broadcast_in_dim3A_29, %get3A_9 : vector<8x16384xi1>, vector<8x16384xf32>
    %swap3A_31 = arith.constant 0 : index
    %swap3A_32 = arith.constant 0 : index
    %swap3A_33 = vector.load %arg4[%swap3A_31, %swap3A_32] : memref<8x16384xf32, #tpu.memory_space<vmem>>, vector<8x16384xf32>
    tpu.vector_store %arg4[%swap3A_31, %swap3A_32], %select_n3A_30 {strides = array<i32>} : memref<8x16384xf32, #tpu.memory_space<vmem>>, vector<8x16384xf32>,
    %get3A_34 = arith.constant 0 : index
    %get3A_35 = arith.constant 0 : index
    %get3A_36 = vector.load %arg4[%get3A_34, %get3A_35] : memref<8x16384xf32, #tpu.memory_space<vmem>>, vector<8x16384xf32>
    %reduce_max3A_37 = arith.constant dense<0xFF800000> : vector<8xf32>
    %reduce_max3A_38 = vector.multi_reduction <maximumf>, %get3A_36, %reduce_max3A_37 [1] : vector<8x16384xf32> to vector<8xf32>
    %broadcast_in_dim3A_39 = vector.shape_cast %reduce_max3A_38 : vector<8xf32> to vector<8x1xf32>
    %eq3A_40 = vector.broadcast %broadcast_in_dim3A_39 : vector<8x1xf32> to vector<8x16384xf32>
    %eq3A_41 = arith.cmpf oeq, %get3A_36, %eq3A_40 : vector<8x16384xf32>
    %jit3A_42 = arith.constant 16384 : i32
    %broadcast_in_dim3A_43 = vector.broadcast %jit3A_42 : i32 to vector<8x16384xi32>
    %select_n3A_44 = arith.select %eq3A_41, %iota3A, %broadcast_in_dim3A_43 : vector<8x16384xi1>, vector<8x16384xi32>
    %reduce_min3A_45 = arith.constant dense<2147483647> : vector<8xi32>
    %reduce_min3A_46 = vector.multi_reduction <minsi>, %select_n3A_44, %reduce_min3A_45 [1] : vector<8x16384xi32> to vector<8xi32>
    %broadcast_in_dim3A_47 = vector.shape_cast %reduce_min3A_46 : vector<8xi32> to vector<8x1xi32>
    %eq3A_48 = vector.broadcast %broadcast_in_dim3A_47 : vector<8x1xi32> to vector<8x16384xi32>
    %eq3A_49 = arith.cmpi eq, %iota3A, %eq3A_48 : vector<8x16384xi32>
    %jit3A_50 = arith.constant 0.000000e+00 : f32
    %broadcast_in_dim3A_51 = vector.broadcast %jit3A_50 : f32 to vector<8x16384xf32>
    %select_n3A_52 = arith.select %eq3A_49, %get3A_1, %broadcast_in_dim3A_51 : vector<8x16384xi1>, vector<8x16384xf32>
    %reduce_sum3A_53 = arith.constant dense<0.000000e+00> : vector<8xf32>
    %reduce_sum3A_54 = vector.multi_reduction <add>, %select_n3A_52, %reduce_sum3A_53 [1] : vector<8x16384xf32> to vector<8xf32>
    %broadcast_in_dim3A_55 = vector.shape_cast %reduce_sum3A_54 : vector<8xf32> to vector<8x1xf32>
    %swap3A_56 = arith.constant 0 : index
    %swap3A_57 = arith.constant 1 : index
    %swap3A_58 = vector.load %arg2[%swap3A_56, %swap3A_57] : memref<8x16xi32, #tpu.memory_space<vmem>>, vector<8x1xi32>
    tpu.vector_store %arg2[%swap3A_56, %swap3A_57], %broadcast_in_dim3A_47 {strides = array<i32>} : memref<8x16xi32, #tpu.memory_space<vmem>>, vector<8x1xi32>,
    %swap3A_59 = arith.constant 0 : index
    %swap3A_60 = arith.constant 1 : index
    %swap3A_61 = vector.load %arg3[%swap3A_59, %swap3A_60] : memref<8x16xf32, #tpu.memory_space<vmem>>, vector<8x1xf32>
    tpu.vector_store %arg3[%swap3A_59, %swap3A_60], %broadcast_in_dim3A_55 {strides = array<i32>} : memref<8x16xf32, #tpu.memory_space<vmem>>, vector<8x1xf32>,
    %jit3A_62 = arith.constant 0xFF800000 : f32
    %broadcast_in_dim3A_63 = vector.broadcast %jit3A_62 : f32 to vector<8x16384xf32>
    %select_n3A_64 = arith.select %eq3A_49, %broadcast_in_dim3A_63, %get3A_36 : vector<8x16384xi1>, vector<8x16384xf32>
    %swap3A_65 = arith.constant 0 : index
    %swap3A_66 = arith.constant 0 : index
    %swap3A_67 = vector.load %arg4[%swap3A_65, %swap3A_66] : memref<8x16384xf32, #tpu.memory_space<vmem>>, vector<8x16384xf32>
    tpu.vector_store %arg4[%swap3A_65, %swap3A_66], %select_n3A_64 {strides = array<i32>} : memref<8x16384xf32, #tpu.memory_space<vmem>>, vector<8x16384xf32>,
    %get3A_68 = arith.constant 0 : index
    %get3A_69 = arith.constant 0 : index
    %get3A_70 = vector.load %arg4[%get3A_68, %get3A_69] : memref<8x16384xf32, #tpu.memory_space<vmem>>, vector<8x16384xf32>
    %reduce_max3A_71 = arith.constant dense<0xFF800000> : vector<8xf32>
    %reduce_max3A_72 = vector.multi_reduction <maximumf>, %get3A_70, %reduce_max3A_71 [1] : vector<8x16384xf32> to vector<8xf32>
    %broadcast_in_dim3A_73 = vector.shape_cast %reduce_max3A_72 : vector<8xf32> to vector<8x1xf32>
    %eq3A_74 = vector.broadcast %broadcast_in_dim3A_73 : vector<8x1xf32> to vector<8x16384xf32>
    %eq3A_75 = arith.cmpf oeq, %get3A_70, %eq3A_74 : vector<8x16384xf32>
    %jit3A_76 = arith.constant 16384 : i32
    %broadcast_in_dim3A_77 = vector.broadcast %jit3A_76 : i32 to vector<8x16384xi32>
    %select_n3A_78 = arith.select %eq3A_75, %iota3A, %broadcast_in_dim3A_77 : vector<8x16384xi1>, vector<8x16384xi32>
    %reduce_min3A_79 = arith.constant dense<2147483647> : vector<8xi32>
    %reduce_min3A_80 = vector.multi_reduction <minsi>, %select_n3A_78, %reduce_min3A_79 [1] : vector<8x16384xi32> to vector<8xi32>
    %broadcast_in_dim3A_81 = vector.shape_cast %reduce_min3A_80 : vector<8xi32> to vector<8x1xi32>
    %eq3A_82 = vector.broadcast %broadcast_in_dim3A_81 : vector<8x1xi32> to vector<8x16384xi32>
    %eq3A_83 = arith.cmpi eq, %iota3A, %eq3A_82 : vector<8x16384xi32>
    %jit3A_84 = arith.constant 0.000000e+00 : f32
    %broadcast_in_dim3A_85 = vector.broadcast %jit3A_84 : f32 to vector<8x16384xf32>
    %select_n3A_86 = arith.select %eq3A_83, %get3A_1, %broadcast_in_dim3A_85 : vector<8x16384xi1>, vector<8x16384xf32>
    %reduce_sum3A_87 = arith.constant dense<0.000000e+00> : vector<8xf32>
    %reduce_sum3A_88 = vector.multi_reduction <add>, %select_n3A_86, %reduce_sum3A_87 [1] : vector<8x16384xf32> to vector<8xf32>
    %broadcast_in_dim3A_89 = vector.shape_cast %reduce_sum3A_88 : vector<8xf32> to vector<8x1xf32>
    %swap3A_90 = arith.constant 0 : index
    %swap3A_91 = arith.constant 2 : index
    %swap3A_92 = vector.load %arg2[%swap3A_90, %swap3A_91] : memref<8x16xi32, #tpu.memory_space<vmem>>, vector<8x1xi32>
    tpu.vector_store %arg2[%swap3A_90, %swap3A_91], %broadcast_in_dim3A_81 {strides = array<i32>} : memref<8x16xi32, #tpu.memory_space<vmem>>, vector<8x1xi32>,
    %swap3A_93 = arith.constant 0 : index
    %swap3A_94 = arith.constant 2 : index
    %swap3A_95 = vector.load %arg3[%swap3A_93, %swap3A_94] : memref<8x16xf32, #tpu.memory_space<vmem>>, vector<8x1xf32>
    tpu.vector_store %arg3[%swap3A_93, %swap3A_94], %broadcast_in_dim3A_89 {strides = array<i32>} : memref<8x16xf32, #tpu.memory_space<vmem>>, vector<8x1xf32>,
    %jit3A_96 = arith.constant 0xFF800000 : f32
    %broadcast_in_dim3A_97 = vector.broadcast %jit3A_96 : f32 to vector<8x16384xf32>
    %select_n3A_98 = arith.select %eq3A_83, %broadcast_in_dim3A_97, %get3A_70 : vector<8x16384xi1>, vector<8x16384xf32>
    %swap3A_99 = arith.constant 0 : index
    %swap3A_100 = arith.constant 0 : index
    %swap3A_101 = vector.load %arg4[%swap3A_99, %swap3A_100] : memref<8x16384xf32, #tpu.memory_space<vmem>>, vector<8x16384xf32>
    tpu.vector_store %arg4[%swap3A_99, %swap3A_100], %select_n3A_98 {strides = array<i32>} : memref<8x16384xf32, #tpu.memory_space<vmem>>, vector<8x16384xf32>,
    %get3A_102 = arith.constant 0 : index
    %get3A_103 = arith.constant 0 : index
    %get3A_104 = vector.load %arg4[%get3A_102, %get3A_103] : memref<8x16384xf32, #tpu.memory_space<vmem>>, vector<8x16384xf32>
    %reduce_max3A_105 = arith.constant dense<0xFF800000> : vector<8xf32>
    %reduce_max3A_106 = vector.multi_reduction <maximumf>, %get3A_104, %reduce_max3A_105 [1] : vector<8x16384xf32> to vector<8xf32>
    %broadcast_in_dim3A_107 = vector.shape_cast %reduce_max3A_106 : vector<8xf32> to vector<8x1xf32>
    %eq3A_108 = vector.broadcast %broadcast_in_dim3A_107 : vector<8x1xf32> to vector<8x16384xf32>
    %eq3A_109 = arith.cmpf oeq, %get3A_104, %eq3A_108 : vector<8x16384xf32>
    %jit3A_110 = arith.constant 16384 : i32
    %broadcast_in_dim3A_111 = vector.broadcast %jit3A_110 : i32 to vector<8x16384xi32>
    %select_n3A_112 = arith.select %eq3A_109, %iota3A, %broadcast_in_dim3A_111 : vector<8x16384xi1>, vector<8x16384xi32>
    %reduce_min3A_113 = arith.constant dense<2147483647> : vector<8xi32>
    %reduce_min3A_114 = vector.multi_reduction <minsi>, %select_n3A_112, %reduce_min3A_113 [1] : vector<8x16384xi32> to vector<8xi32>
    %broadcast_in_dim3A_115 = vector.shape_cast %reduce_min3A_114 : vector<8xi32> to vector<8x1xi32>
    %eq3A_116 = vector.broadcast %broadcast_in_dim3A_115 : vector<8x1xi32> to vector<8x16384xi32>
    %eq3A_117 = arith.cmpi eq, %iota3A, %eq3A_116 : vector<8x16384xi32>
    %jit3A_118 = arith.constant 0.000000e+00 : f32
    %broadcast_in_dim3A_119 = vector.broadcast %jit3A_118 : f32 to vector<8x16384xf32>
    %select_n3A_120 = arith.select %eq3A_117, %get3A_1, %broadcast_in_dim3A_119 : vector<8x16384xi1>, vector<8x16384xf32>
    %reduce_sum3A_121 = arith.constant dense<0.000000e+00> : vector<8xf32>
    %reduce_sum3A_122 = vector.multi_reduction <add>, %select_n3A_120, %reduce_sum3A_121 [1] : vector<8x16384xf32> to vector<8xf32>
    %broadcast_in_dim3A_123 = vector.shape_cast %reduce_sum3A_122 : vector<8xf32> to vector<8x1xf32>
    %swap3A_124 = arith.constant 0 : index
    %swap3A_125 = arith.constant 3 : index
    %swap3A_126 = vector.load %arg2[%swap3A_124, %swap3A_125] : memref<8x16xi32, #tpu.memory_space<vmem>>, vector<8x1xi32>
    tpu.vector_store %arg2[%swap3A_124, %swap3A_125], %broadcast_in_dim3A_115 {strides = array<i32>} : memref<8x16xi32, #tpu.memory_space<vmem>>, vector<8x1xi32>,
    %swap3A_127 = arith.constant 0 : index
    %swap3A_128 = arith.constant 3 : index
    %swap3A_129 = vector.load %arg3[%swap3A_127, %swap3A_128] : memref<8x16xf32, #tpu.memory_space<vmem>>, vector<8x1xf32>
    tpu.vector_store %arg3[%swap3A_127, %swap3A_128], %broadcast_in_dim3A_123 {strides = array<i32>} : memref<8x16xf32, #tpu.memory_space<vmem>>, vector<8x1xf32>,
    %jit3A_130 = arith.constant 0xFF800000 : f32
    %broadcast_in_dim3A_131 = vector.broadcast %jit3A_130 : f32 to vector<8x16384xf32>
    %select_n3A_132 = arith.select %eq3A_117, %broadcast_in_dim3A_131, %get3A_104 : vector<8x16384xi1>, vector<8x16384xf32>
    %swap3A_133 = arith.constant 0 : index
    %swap3A_134 = arith.constant 0 : index
    %swap3A_135 = vector.load %arg4[%swap3A_133, %swap3A_134] : memref<8x16384xf32, #tpu.memory_space<vmem>>, vector<8x16384xf32>
    tpu.vector_store %arg4[%swap3A_133, %swap3A_134], %select_n3A_132 {strides = array<i32>} : memref<8x16384xf32, #tpu.memory_space<vmem>>, vector<8x16384xf32>,
    %get3A_136 = arith.constant 0 : index
    %get3A_137 = arith.constant 0 : index
    %get3A_138 = vector.load %arg4[%get3A_136, %get3A_137] : memref<8x16384xf32, #tpu.memory_space<vmem>>, vector<8x16384xf32>
    %reduce_max3A_139 = arith.constant dense<0xFF800000> : vector<8xf32>
    %reduce_max3A_140 = vector.multi_reduction <maximumf>, %get3A_138, %reduce_max3A_139 [1] : vector<8x16384xf32> to vector<8xf32>
    %broadcast_in_dim3A_141 = vector.shape_cast %reduce_max3A_140 : vector<8xf32> to vector<8x1xf32>
    %eq3A_142 = vector.broadcast %broadcast_in_dim3A_141 : vector<8x1xf32> to vector<8x16384xf32>
    %eq3A_143 = arith.cmpf oeq, %get3A_138, %eq3A_142 : vector<8x16384xf32>
    %jit3A_144 = arith.constant 16384 : i32
    %broadcast_in_dim3A_145 = vector.broadcast %jit3A_144 : i32 to vector<8x16384xi32>
    %select_n3A_146 = arith.select %eq3A_143, %iota3A, %broadcast_in_dim3A_145 : vector<8x16384xi1>, vector<8x16384xi32>
    %reduce_min3A_147 = arith.constant dense<2147483647> : vector<8xi32>
    %reduce_min3A_148 = vector.multi_reduction <minsi>, %select_n3A_146, %reduce_min3A_147 [1] : vector<8x16384xi32> to vector<8xi32>
    %broadcast_in_dim3A_149 = vector.shape_cast %reduce_min3A_148 : vector<8xi32> to vector<8x1xi32>
    %eq3A_150 = vector.broadcast %broadcast_in_dim3A_149 : vector<8x1xi32> to vector<8x16384xi32>
    %eq3A_151 = arith.cmpi eq, %iota3A, %eq3A_150 : vector<8x16384xi32>
    %jit3A_152 = arith.constant 0.000000e+00 : f32
    %broadcast_in_dim3A_153 = vector.broadcast %jit3A_152 : f32 to vector<8x16384xf32>
    %select_n3A_154 = arith.select %eq3A_151, %get3A_1, %broadcast_in_dim3A_153 : vector<8x16384xi1>, vector<8x16384xf32>
    %reduce_sum3A_155 = arith.constant dense<0.000000e+00> : vector<8xf32>
    %reduce_sum3A_156 = vector.multi_reduction <add>, %select_n3A_154, %reduce_sum3A_155 [1] : vector<8x16384xf32> to vector<8xf32>
    %broadcast_in_dim3A_157 = vector.shape_cast %reduce_sum3A_156 : vector<8xf32> to vector<8x1xf32>
    %swap3A_158 = arith.constant 0 : index
    %swap3A_159 = arith.constant 4 : index
    %swap3A_160 = vector.load %arg2[%swap3A_158, %swap3A_159] : memref<8x16xi32, #tpu.memory_space<vmem>>, vector<8x1xi32>
    tpu.vector_store %arg2[%swap3A_158, %swap3A_159], %broadcast_in_dim3A_149 {strides = array<i32>} : memref<8x16xi32, #tpu.memory_space<vmem>>, vector<8x1xi32>,
    %swap3A_161 = arith.constant 0 : index
    %swap3A_162 = arith.constant 4 : index
    %swap3A_163 = vector.load %arg3[%swap3A_161, %swap3A_162] : memref<8x16xf32, #tpu.memory_space<vmem>>, vector<8x1xf32>
    tpu.vector_store %arg3[%swap3A_161, %swap3A_162], %broadcast_in_dim3A_157 {strides = array<i32>} : memref<8x16xf32, #tpu.memory_space<vmem>>, vector<8x1xf32>,
    %jit3A_164 = arith.constant 0xFF800000 : f32
    %broadcast_in_dim3A_165 = vector.broadcast %jit3A_164 : f32 to vector<8x16384xf32>
    %select_n3A_166 = arith.select %eq3A_151, %broadcast_in_dim3A_165, %get3A_138 : vector<8x16384xi1>, vector<8x16384xf32>
    %swap3A_167 = arith.constant 0 : index
    %swap3A_168 = arith.constant 0 : index
    %swap3A_169 = vector.load %arg4[%swap3A_167, %swap3A_168] : memref<8x16384xf32, #tpu.memory_space<vmem>>, vector<8x16384xf32>
    tpu.vector_store %arg4[%swap3A_167, %swap3A_168], %select_n3A_166 {strides = array<i32>} : memref<8x16384xf32, #tpu.memory_space<vmem>>, vector<8x16384xf32>,
    %get3A_170 = arith.constant 0 : index
    %get3A_171 = arith.constant 0 : index
    %get3A_172 = vector.load %arg4[%get3A_170, %get3A_171] : memref<8x16384xf32, #tpu.memory_space<vmem>>, vector<8x16384xf32>
    %reduce_max3A_173 = arith.constant dense<0xFF800000> : vector<8xf32>
    %reduce_max3A_174 = vector.multi_reduction <maximumf>, %get3A_172, %reduce_max3A_173 [1] : vector<8x16384xf32> to vector<8xf32>
    %broadcast_in_dim3A_175 = vector.shape_cast %reduce_max3A_174 : vector<8xf32> to vector<8x1xf32>
    %eq3A_176 = vector.broadcast %broadcast_in_dim3A_175 : vector<8x1xf32> to vector<8x16384xf32>
    %eq3A_177 = arith.cmpf oeq, %get3A_172, %eq3A_176 : vector<8x16384xf32>
    %jit3A_178 = arith.constant 16384 : i32
    %broadcast_in_dim3A_179 = vector.broadcast %jit3A_178 : i32 to vector<8x16384xi32>
    %select_n3A_180 = arith.select %eq3A_177, %iota3A, %broadcast_in_dim3A_179 : vector<8x16384xi1>, vector<8x16384xi32>
    %reduce_min3A_181 = arith.constant dense<2147483647> : vector<8xi32>
    %reduce_min3A_182 = vector.multi_reduction <minsi>, %select_n3A_180, %reduce_min3A_181 [1] : vector<8x16384xi32> to vector<8xi32>
    %broadcast_in_dim3A_183 = vector.shape_cast %reduce_min3A_182 : vector<8xi32> to vector<8x1xi32>
    %eq3A_184 = vector.broadcast %broadcast_in_dim3A_183 : vector<8x1xi32> to vector<8x16384xi32>
    %eq3A_185 = arith.cmpi eq, %iota3A, %eq3A_184 : vector<8x16384xi32>
    %jit3A_186 = arith.constant 0.000000e+00 : f32
    %broadcast_in_dim3A_187 = vector.broadcast %jit3A_186 : f32 to vector<8x16384xf32>
    %select_n3A_188 = arith.select %eq3A_185, %get3A_1, %broadcast_in_dim3A_187 : vector<8x16384xi1>, vector<8x16384xf32>
    %reduce_sum3A_189 = arith.constant dense<0.000000e+00> : vector<8xf32>
    %reduce_sum3A_190 = vector.multi_reduction <add>, %select_n3A_188, %reduce_sum3A_189 [1] : vector<8x16384xf32> to vector<8xf32>
    %broadcast_in_dim3A_191 = vector.shape_cast %reduce_sum3A_190 : vector<8xf32> to vector<8x1xf32>
    %swap3A_192 = arith.constant 0 : index
    %swap3A_193 = arith.constant 5 : index
    %swap3A_194 = vector.load %arg2[%swap3A_192, %swap3A_193] : memref<8x16xi32, #tpu.memory_space<vmem>>, vector<8x1xi32>
    tpu.vector_store %arg2[%swap3A_192, %swap3A_193], %broadcast_in_dim3A_183 {strides = array<i32>} : memref<8x16xi32, #tpu.memory_space<vmem>>, vector<8x1xi32>,
    %swap3A_195 = arith.constant 0 : index
    %swap3A_196 = arith.constant 5 : index
    %swap3A_197 = vector.load %arg3[%swap3A_195, %swap3A_196] : memref<8x16xf32, #tpu.memory_space<vmem>>, vector<8x1xf32>
    tpu.vector_store %arg3[%swap3A_195, %swap3A_196], %broadcast_in_dim3A_191 {strides = array<i32>} : memref<8x16xf32, #tpu.memory_space<vmem>>, vector<8x1xf32>,
    %jit3A_198 = arith.constant 0xFF800000 : f32
    %broadcast_in_dim3A_199 = vector.broadcast %jit3A_198 : f32 to vector<8x16384xf32>
    %select_n3A_200 = arith.select %eq3A_185, %broadcast_in_dim3A_199, %get3A_172 : vector<8x16384xi1>, vector<8x16384xf32>
    %swap3A_201 = arith.constant 0 : index
    %swap3A_202 = arith.constant 0 : index
    %swap3A_203 = vector.load %arg4[%swap3A_201, %swap3A_202] : memref<8x16384xf32, #tpu.memory_space<vmem>>, vector<8x16384xf32>
    tpu.vector_store %arg4[%swap3A_201, %swap3A_202], %select_n3A_200 {strides = array<i32>} : memref<8x16384xf32, #tpu.memory_space<vmem>>, vector<8x16384xf32>,
    %get3A_204 = arith.constant 0 : index
    %get3A_205 = arith.constant 0 : index
    %get3A_206 = vector.load %arg4[%get3A_204, %get3A_205] : memref<8x16384xf32, #tpu.memory_space<vmem>>, vector<8x16384xf32>
    %reduce_max3A_207 = arith.constant dense<0xFF800000> : vector<8xf32>
    %reduce_max3A_208 = vector.multi_reduction <maximumf>, %get3A_206, %reduce_max3A_207 [1] : vector<8x16384xf32> to vector<8xf32>
    %broadcast_in_dim3A_209 = vector.shape_cast %reduce_max3A_208 : vector<8xf32> to vector<8x1xf32>
    %eq3A_210 = vector.broadcast %broadcast_in_dim3A_209 : vector<8x1xf32> to vector<8x16384xf32>
    %eq3A_211 = arith.cmpf oeq, %get3A_206, %eq3A_210 : vector<8x16384xf32>
    %jit3A_212 = arith.constant 16384 : i32
    %broadcast_in_dim3A_213 = vector.broadcast %jit3A_212 : i32 to vector<8x16384xi32>
    %select_n3A_214 = arith.select %eq3A_211, %iota3A, %broadcast_in_dim3A_213 : vector<8x16384xi1>, vector<8x16384xi32>
    %reduce_min3A_215 = arith.constant dense<2147483647> : vector<8xi32>
    %reduce_min3A_216 = vector.multi_reduction <minsi>, %select_n3A_214, %reduce_min3A_215 [1] : vector<8x16384xi32> to vector<8xi32>
    %broadcast_in_dim3A_217 = vector.shape_cast %reduce_min3A_216 : vector<8xi32> to vector<8x1xi32>
    %eq3A_218 = vector.broadcast %broadcast_in_dim3A_217 : vector<8x1xi32> to vector<8x16384xi32>
    %eq3A_219 = arith.cmpi eq, %iota3A, %eq3A_218 : vector<8x16384xi32>
    %jit3A_220 = arith.constant 0.000000e+00 : f32
    %broadcast_in_dim3A_221 = vector.broadcast %jit3A_220 : f32 to vector<8x16384xf32>
    %select_n3A_222 = arith.select %eq3A_219, %get3A_1, %broadcast_in_dim3A_221 : vector<8x16384xi1>, vector<8x16384xf32>
    %reduce_sum3A_223 = arith.constant dense<0.000000e+00> : vector<8xf32>
    %reduce_sum3A_224 = vector.multi_reduction <add>, %select_n3A_222, %reduce_sum3A_223 [1] : vector<8x16384xf32> to vector<8xf32>
    %broadcast_in_dim3A_225 = vector.shape_cast %reduce_sum3A_224 : vector<8xf32> to vector<8x1xf32>
    %swap3A_226 = arith.constant 0 : index
    %swap3A_227 = arith.constant 6 : index
    %swap3A_228 = vector.load %arg2[%swap3A_226, %swap3A_227] : memref<8x16xi32, #tpu.memory_space<vmem>>, vector<8x1xi32>
    tpu.vector_store %arg2[%swap3A_226, %swap3A_227], %broadcast_in_dim3A_217 {strides = array<i32>} : memref<8x16xi32, #tpu.memory_space<vmem>>, vector<8x1xi32>,
    %swap3A_229 = arith.constant 0 : index
    %swap3A_230 = arith.constant 6 : index
    %swap3A_231 = vector.load %arg3[%swap3A_229, %swap3A_230] : memref<8x16xf32, #tpu.memory_space<vmem>>, vector<8x1xf32>
    tpu.vector_store %arg3[%swap3A_229, %swap3A_230], %broadcast_in_dim3A_225 {strides = array<i32>} : memref<8x16xf32, #tpu.memory_space<vmem>>, vector<8x1xf32>,
    %jit3A_232 = arith.constant 0xFF800000 : f32
    %broadcast_in_dim3A_233 = vector.broadcast %jit3A_232 : f32 to vector<8x16384xf32>
    %select_n3A_234 = arith.select %eq3A_219, %broadcast_in_dim3A_233, %get3A_206 : vector<8x16384xi1>, vector<8x16384xf32>
    %swap3A_235 = arith.constant 0 : index
    %swap3A_236 = arith.constant 0 : index
    %swap3A_237 = vector.load %arg4[%swap3A_235, %swap3A_236] : memref<8x16384xf32, #tpu.memory_space<vmem>>, vector<8x16384xf32>
    tpu.vector_store %arg4[%swap3A_235, %swap3A_236], %select_n3A_234 {strides = array<i32>} : memref<8x16384xf32, #tpu.memory_space<vmem>>, vector<8x16384xf32>,
    %get3A_238 = arith.constant 0 : index
    %get3A_239 = arith.constant 0 : index
    %get3A_240 = vector.load %arg4[%get3A_238, %get3A_239] : memref<8x16384xf32, #tpu.memory_space<vmem>>, vector<8x16384xf32>
    %reduce_max3A_241 = arith.constant dense<0xFF800000> : vector<8xf32>
    %reduce_max3A_242 = vector.multi_reduction <maximumf>, %get3A_240, %reduce_max3A_241 [1] : vector<8x16384xf32> to vector<8xf32>
    %broadcast_in_dim3A_243 = vector.shape_cast %reduce_max3A_242 : vector<8xf32> to vector<8x1xf32>
    %eq3A_244 = vector.broadcast %broadcast_in_dim3A_243 : vector<8x1xf32> to vector<8x16384xf32>
    %eq3A_245 = arith.cmpf oeq, %get3A_240, %eq3A_244 : vector<8x16384xf32>
    %jit3A_246 = arith.constant 16384 : i32
    %broadcast_in_dim3A_247 = vector.broadcast %jit3A_246 : i32 to vector<8x16384xi32>
    %select_n3A_248 = arith.select %eq3A_245, %iota3A, %broadcast_in_dim3A_247 : vector<8x16384xi1>, vector<8x16384xi32>
    %reduce_min3A_249 = arith.constant dense<2147483647> : vector<8xi32>
    %reduce_min3A_250 = vector.multi_reduction <minsi>, %select_n3A_248, %reduce_min3A_249 [1] : vector<8x16384xi32> to vector<8xi32>
    %broadcast_in_dim3A_251 = vector.shape_cast %reduce_min3A_250 : vector<8xi32> to vector<8x1xi32>
    %eq3A_252 = vector.broadcast %broadcast_in_dim3A_251 : vector<8x1xi32> to vector<8x16384xi32>
    %eq3A_253 = arith.cmpi eq, %iota3A, %eq3A_252 : vector<8x16384xi32>
    %jit3A_254 = arith.constant 0.000000e+00 : f32
    %broadcast_in_dim3A_255 = vector.broadcast %jit3A_254 : f32 to vector<8x16384xf32>
    %select_n3A_256 = arith.select %eq3A_253, %get3A_1, %broadcast_in_dim3A_255 : vector<8x16384xi1>, vector<8x16384xf32>
    %reduce_sum3A_257 = arith.constant dense<0.000000e+00> : vector<8xf32>
    %reduce_sum3A_258 = vector.multi_reduction <add>, %select_n3A_256, %reduce_sum3A_257 [1] : vector<8x16384xf32> to vector<8xf32>
    %broadcast_in_dim3A_259 = vector.shape_cast %reduce_sum3A_258 : vector<8xf32> to vector<8x1xf32>
    %swap3A_260 = arith.constant 0 : index
    %swap3A_261 = arith.constant 7 : index
    %swap3A_262 = vector.load %arg2[%swap3A_260, %swap3A_261] : memref<8x16xi32, #tpu.memory_space<vmem>>, vector<8x1xi32>
    tpu.vector_store %arg2[%swap3A_260, %swap3A_261], %broadcast_in_dim3A_251 {strides = array<i32>} : memref<8x16xi32, #tpu.memory_space<vmem>>, vector<8x1xi32>,
    %swap3A_263 = arith.constant 0 : index
    %swap3A_264 = arith.constant 7 : index
    %swap3A_265 = vector.load %arg3[%swap3A_263, %swap3A_264] : memref<8x16xf32, #tpu.memory_space<vmem>>, vector<8x1xf32>
    tpu.vector_store %arg3[%swap3A_263, %swap3A_264], %broadcast_in_dim3A_259 {strides = array<i32>} : memref<8x16xf32, #tpu.memory_space<vmem>>, vector<8x1xf32>,
    %jit3A_266 = arith.constant 0xFF800000 : f32
    %broadcast_in_dim3A_267 = vector.broadcast %jit3A_266 : f32 to vector<8x16384xf32>
    %select_n3A_268 = arith.select %eq3A_253, %broadcast_in_dim3A_267, %get3A_240 : vector<8x16384xi1>, vector<8x16384xf32>
    %swap3A_269 = arith.constant 0 : index
    %swap3A_270 = arith.constant 0 : index
    %swap3A_271 = vector.load %arg4[%swap3A_269, %swap3A_270] : memref<8x16384xf32, #tpu.memory_space<vmem>>, vector<8x16384xf32>
    tpu.vector_store %arg4[%swap3A_269, %swap3A_270], %select_n3A_268 {strides = array<i32>} : memref<8x16384xf32, #tpu.memory_space<vmem>>, vector<8x16384xf32>,
    %get3A_272 = arith.constant 0 : index
    %get3A_273 = arith.constant 0 : index
    %get3A_274 = vector.load %arg4[%get3A_272, %get3A_273] : memref<8x16384xf32, #tpu.memory_space<vmem>>, vector<8x16384xf32>
    %reduce_max3A_275 = arith.constant dense<0xFF800000> : vector<8xf32>
    %reduce_max3A_276 = vector.multi_reduction <maximumf>, %get3A_274, %reduce_max3A_275 [1] : vector<8x16384xf32> to vector<8xf32>
    %broadcast_in_dim3A_277 = vector.shape_cast %reduce_max3A_276 : vector<8xf32> to vector<8x1xf32>
    %eq3A_278 = vector.broadcast %broadcast_in_dim3A_277 : vector<8x1xf32> to vector<8x16384xf32>
    %eq3A_279 = arith.cmpf oeq, %get3A_274, %eq3A_278 : vector<8x16384xf32>
    %jit3A_280 = arith.constant 16384 : i32
    %broadcast_in_dim3A_281 = vector.broadcast %jit3A_280 : i32 to vector<8x16384xi32>
    %select_n3A_282 = arith.select %eq3A_279, %iota3A, %broadcast_in_dim3A_281 : vector<8x16384xi1>, vector<8x16384xi32>
    %reduce_min3A_283 = arith.constant dense<2147483647> : vector<8xi32>
    %reduce_min3A_284 = vector.multi_reduction <minsi>, %select_n3A_282, %reduce_min3A_283 [1] : vector<8x16384xi32> to vector<8xi32>
    %broadcast_in_dim3A_285 = vector.shape_cast %reduce_min3A_284 : vector<8xi32> to vector<8x1xi32>
    %eq3A_286 = vector.broadcast %broadcast_in_dim3A_285 : vector<8x1xi32> to vector<8x16384xi32>
    %eq3A_287 = arith.cmpi eq, %iota3A, %eq3A_286 : vector<8x16384xi32>
    %jit3A_288 = arith.constant 0.000000e+00 : f32
    %broadcast_in_dim3A_289 = vector.broadcast %jit3A_288 : f32 to vector<8x16384xf32>
    %select_n3A_290 = arith.select %eq3A_287, %get3A_1, %broadcast_in_dim3A_289 : vector<8x16384xi1>, vector<8x16384xf32>
    %reduce_sum3A_291 = arith.constant dense<0.000000e+00> : vector<8xf32>
    %reduce_sum3A_292 = vector.multi_reduction <add>, %select_n3A_290, %reduce_sum3A_291 [1] : vector<8x16384xf32> to vector<8xf32>
    %broadcast_in_dim3A_293 = vector.shape_cast %reduce_sum3A_292 : vector<8xf32> to vector<8x1xf32>
    %swap3A_294 = arith.constant 0 : index
    %swap3A_295 = arith.constant 8 : index
    %swap3A_296 = vector.load %arg2[%swap3A_294, %swap3A_295] : memref<8x16xi32, #tpu.memory_space<vmem>>, vector<8x1xi32>
    tpu.vector_store %arg2[%swap3A_294, %swap3A_295], %broadcast_in_dim3A_285 {strides = array<i32>} : memref<8x16xi32, #tpu.memory_space<vmem>>, vector<8x1xi32>,
    %swap3A_297 = arith.constant 0 : index
    %swap3A_298 = arith.constant 8 : index
    %swap3A_299 = vector.load %arg3[%swap3A_297, %swap3A_298] : memref<8x16xf32, #tpu.memory_space<vmem>>, vector<8x1xf32>
    tpu.vector_store %arg3[%swap3A_297, %swap3A_298], %broadcast_in_dim3A_293 {strides = array<i32>} : memref<8x16xf32, #tpu.memory_space<vmem>>, vector<8x1xf32>,
    %jit3A_300 = arith.constant 0xFF800000 : f32
    %broadcast_in_dim3A_301 = vector.broadcast %jit3A_300 : f32 to vector<8x16384xf32>
    %select_n3A_302 = arith.select %eq3A_287, %broadcast_in_dim3A_301, %get3A_274 : vector<8x16384xi1>, vector<8x16384xf32>
    %swap3A_303 = arith.constant 0 : index
    %swap3A_304 = arith.constant 0 : index
    %swap3A_305 = vector.load %arg4[%swap3A_303, %swap3A_304] : memref<8x16384xf32, #tpu.memory_space<vmem>>, vector<8x16384xf32>
    tpu.vector_store %arg4[%swap3A_303, %swap3A_304], %select_n3A_302 {strides = array<i32>} : memref<8x16384xf32, #tpu.memory_space<vmem>>, vector<8x16384xf32>,
    %get3A_306 = arith.constant 0 : index
    %get3A_307 = arith.constant 0 : index
    %get3A_308 = vector.load %arg4[%get3A_306, %get3A_307] : memref<8x16384xf32, #tpu.memory_space<vmem>>, vector<8x16384xf32>
    %reduce_max3A_309 = arith.constant dense<0xFF800000> : vector<8xf32>
    %reduce_max3A_310 = vector.multi_reduction <maximumf>, %get3A_308, %reduce_max3A_309 [1] : vector<8x16384xf32> to vector<8xf32>
    %broadcast_in_dim3A_311 = vector.shape_cast %reduce_max3A_310 : vector<8xf32> to vector<8x1xf32>
    %eq3A_312 = vector.broadcast %broadcast_in_dim3A_311 : vector<8x1xf32> to vector<8x16384xf32>
    %eq3A_313 = arith.cmpf oeq, %get3A_308, %eq3A_312 : vector<8x16384xf32>
    %jit3A_314 = arith.constant 16384 : i32
    %broadcast_in_dim3A_315 = vector.broadcast %jit3A_314 : i32 to vector<8x16384xi32>
    %select_n3A_316 = arith.select %eq3A_313, %iota3A, %broadcast_in_dim3A_315 : vector<8x16384xi1>, vector<8x16384xi32>
    %reduce_min3A_317 = arith.constant dense<2147483647> : vector<8xi32>
    %reduce_min3A_318 = vector.multi_reduction <minsi>, %select_n3A_316, %reduce_min3A_317 [1] : vector<8x16384xi32> to vector<8xi32>
    %broadcast_in_dim3A_319 = vector.shape_cast %reduce_min3A_318 : vector<8xi32> to vector<8x1xi32>
    %eq3A_320 = vector.broadcast %broadcast_in_dim3A_319 : vector<8x1xi32> to vector<8x16384xi32>
    %eq3A_321 = arith.cmpi eq, %iota3A, %eq3A_320 : vector<8x16384xi32>
    %jit3A_322 = arith.constant 0.000000e+00 : f32
    %broadcast_in_dim3A_323 = vector.broadcast %jit3A_322 : f32 to vector<8x16384xf32>
    %select_n3A_324 = arith.select %eq3A_321, %get3A_1, %broadcast_in_dim3A_323 : vector<8x16384xi1>, vector<8x16384xf32>
    %reduce_sum3A_325 = arith.constant dense<0.000000e+00> : vector<8xf32>
    %reduce_sum3A_326 = vector.multi_reduction <add>, %select_n3A_324, %reduce_sum3A_325 [1] : vector<8x16384xf32> to vector<8xf32>
    %broadcast_in_dim3A_327 = vector.shape_cast %reduce_sum3A_326 : vector<8xf32> to vector<8x1xf32>
    %swap3A_328 = arith.constant 0 : index
    %swap3A_329 = arith.constant 9 : index
    %swap3A_330 = vector.load %arg2[%swap3A_328, %swap3A_329] : memref<8x16xi32, #tpu.memory_space<vmem>>, vector<8x1xi32>
    tpu.vector_store %arg2[%swap3A_328, %swap3A_329], %broadcast_in_dim3A_319 {strides = array<i32>} : memref<8x16xi32, #tpu.memory_space<vmem>>, vector<8x1xi32>,
    %swap3A_331 = arith.constant 0 : index
    %swap3A_332 = arith.constant 9 : index
    %swap3A_333 = vector.load %arg3[%swap3A_331, %swap3A_332] : memref<8x16xf32, #tpu.memory_space<vmem>>, vector<8x1xf32>
    tpu.vector_store %arg3[%swap3A_331, %swap3A_332], %broadcast_in_dim3A_327 {strides = array<i32>} : memref<8x16xf32, #tpu.memory_space<vmem>>, vector<8x1xf32>,
    %jit3A_334 = arith.constant 0xFF800000 : f32
    %broadcast_in_dim3A_335 = vector.broadcast %jit3A_334 : f32 to vector<8x16384xf32>
    %select_n3A_336 = arith.select %eq3A_321, %broadcast_in_dim3A_335, %get3A_308 : vector<8x16384xi1>, vector<8x16384xf32>
    %swap3A_337 = arith.constant 0 : index
    %swap3A_338 = arith.constant 0 : index
    %swap3A_339 = vector.load %arg4[%swap3A_337, %swap3A_338] : memref<8x16384xf32, #tpu.memory_space<vmem>>, vector<8x16384xf32>
    tpu.vector_store %arg4[%swap3A_337, %swap3A_338], %select_n3A_336 {strides = array<i32>} : memref<8x16384xf32, #tpu.memory_space<vmem>>, vector<8x16384xf32>,
    %get3A_340 = arith.constant 0 : index
    %get3A_341 = arith.constant 0 : index
    %get3A_342 = vector.load %arg4[%get3A_340, %get3A_341] : memref<8x16384xf32, #tpu.memory_space<vmem>>, vector<8x16384xf32>
    %reduce_max3A_343 = arith.constant dense<0xFF800000> : vector<8xf32>
    %reduce_max3A_344 = vector.multi_reduction <maximumf>, %get3A_342, %reduce_max3A_343 [1] : vector<8x16384xf32> to vector<8xf32>
    %broadcast_in_dim3A_345 = vector.shape_cast %reduce_max3A_344 : vector<8xf32> to vector<8x1xf32>
    %eq3A_346 = vector.broadcast %broadcast_in_dim3A_345 : vector<8x1xf32> to vector<8x16384xf32>
    %eq3A_347 = arith.cmpf oeq, %get3A_342, %eq3A_346 : vector<8x16384xf32>
    %jit3A_348 = arith.constant 16384 : i32
    %broadcast_in_dim3A_349 = vector.broadcast %jit3A_348 : i32 to vector<8x16384xi32>
    %select_n3A_350 = arith.select %eq3A_347, %iota3A, %broadcast_in_dim3A_349 : vector<8x16384xi1>, vector<8x16384xi32>
    %reduce_min3A_351 = arith.constant dense<2147483647> : vector<8xi32>
    %reduce_min3A_352 = vector.multi_reduction <minsi>, %select_n3A_350, %reduce_min3A_351 [1] : vector<8x16384xi32> to vector<8xi32>
    %broadcast_in_dim3A_353 = vector.shape_cast %reduce_min3A_352 : vector<8xi32> to vector<8x1xi32>
    %eq3A_354 = vector.broadcast %broadcast_in_dim3A_353 : vector<8x1xi32> to vector<8x16384xi32>
    %eq3A_355 = arith.cmpi eq, %iota3A, %eq3A_354 : vector<8x16384xi32>
    %jit3A_356 = arith.constant 0.000000e+00 : f32
    %broadcast_in_dim3A_357 = vector.broadcast %jit3A_356 : f32 to vector<8x16384xf32>
    %select_n3A_358 = arith.select %eq3A_355, %get3A_1, %broadcast_in_dim3A_357 : vector<8x16384xi1>, vector<8x16384xf32>
    %reduce_sum3A_359 = arith.constant dense<0.000000e+00> : vector<8xf32>
    %reduce_sum3A_360 = vector.multi_reduction <add>, %select_n3A_358, %reduce_sum3A_359 [1] : vector<8x16384xf32> to vector<8xf32>
    %broadcast_in_dim3A_361 = vector.shape_cast %reduce_sum3A_360 : vector<8xf32> to vector<8x1xf32>
    %swap3A_362 = arith.constant 0 : index
    %swap3A_363 = arith.constant 10 : index
    %swap3A_364 = vector.load %arg2[%swap3A_362, %swap3A_363] : memref<8x16xi32, #tpu.memory_space<vmem>>, vector<8x1xi32>
    tpu.vector_store %arg2[%swap3A_362, %swap3A_363], %broadcast_in_dim3A_353 {strides = array<i32>} : memref<8x16xi32, #tpu.memory_space<vmem>>, vector<8x1xi32>,
    %swap3A_365 = arith.constant 0 : index
    %swap3A_366 = arith.constant 10 : index
    %swap3A_367 = vector.load %arg3[%swap3A_365, %swap3A_366] : memref<8x16xf32, #tpu.memory_space<vmem>>, vector<8x1xf32>
    tpu.vector_store %arg3[%swap3A_365, %swap3A_366], %broadcast_in_dim3A_361 {strides = array<i32>} : memref<8x16xf32, #tpu.memory_space<vmem>>, vector<8x1xf32>,
    %jit3A_368 = arith.constant 0xFF800000 : f32
    %broadcast_in_dim3A_369 = vector.broadcast %jit3A_368 : f32 to vector<8x16384xf32>
    %select_n3A_370 = arith.select %eq3A_355, %broadcast_in_dim3A_369, %get3A_342 : vector<8x16384xi1>, vector<8x16384xf32>
    %swap3A_371 = arith.constant 0 : index
    %swap3A_372 = arith.constant 0 : index
    %swap3A_373 = vector.load %arg4[%swap3A_371, %swap3A_372] : memref<8x16384xf32, #tpu.memory_space<vmem>>, vector<8x16384xf32>
    tpu.vector_store %arg4[%swap3A_371, %swap3A_372], %select_n3A_370 {strides = array<i32>} : memref<8x16384xf32, #tpu.memory_space<vmem>>, vector<8x16384xf32>,
    %get3A_374 = arith.constant 0 : index
    %get3A_375 = arith.constant 0 : index
    %get3A_376 = vector.load %arg4[%get3A_374, %get3A_375] : memref<8x16384xf32, #tpu.memory_space<vmem>>, vector<8x16384xf32>
    %reduce_max3A_377 = arith.constant dense<0xFF800000> : vector<8xf32>
    %reduce_max3A_378 = vector.multi_reduction <maximumf>, %get3A_376, %reduce_max3A_377 [1] : vector<8x16384xf32> to vector<8xf32>
    %broadcast_in_dim3A_379 = vector.shape_cast %reduce_max3A_378 : vector<8xf32> to vector<8x1xf32>
    %eq3A_380 = vector.broadcast %broadcast_in_dim3A_379 : vector<8x1xf32> to vector<8x16384xf32>
    %eq3A_381 = arith.cmpf oeq, %get3A_376, %eq3A_380 : vector<8x16384xf32>
    %jit3A_382 = arith.constant 16384 : i32
    %broadcast_in_dim3A_383 = vector.broadcast %jit3A_382 : i32 to vector<8x16384xi32>
    %select_n3A_384 = arith.select %eq3A_381, %iota3A, %broadcast_in_dim3A_383 : vector<8x16384xi1>, vector<8x16384xi32>
    %reduce_min3A_385 = arith.constant dense<2147483647> : vector<8xi32>
    %reduce_min3A_386 = vector.multi_reduction <minsi>, %select_n3A_384, %reduce_min3A_385 [1] : vector<8x16384xi32> to vector<8xi32>
    %broadcast_in_dim3A_387 = vector.shape_cast %reduce_min3A_386 : vector<8xi32> to vector<8x1xi32>
    %eq3A_388 = vector.broadcast %broadcast_in_dim3A_387 : vector<8x1xi32> to vector<8x16384xi32>
    %eq3A_389 = arith.cmpi eq, %iota3A, %eq3A_388 : vector<8x16384xi32>
    %jit3A_390 = arith.constant 0.000000e+00 : f32
    %broadcast_in_dim3A_391 = vector.broadcast %jit3A_390 : f32 to vector<8x16384xf32>
    %select_n3A_392 = arith.select %eq3A_389, %get3A_1, %broadcast_in_dim3A_391 : vector<8x16384xi1>, vector<8x16384xf32>
    %reduce_sum3A_393 = arith.constant dense<0.000000e+00> : vector<8xf32>
    %reduce_sum3A_394 = vector.multi_reduction <add>, %select_n3A_392, %reduce_sum3A_393 [1] : vector<8x16384xf32> to vector<8xf32>
    %broadcast_in_dim3A_395 = vector.shape_cast %reduce_sum3A_394 : vector<8xf32> to vector<8x1xf32>
    %swap3A_396 = arith.constant 0 : index
    %swap3A_397 = arith.constant 11 : index
    %swap3A_398 = vector.load %arg2[%swap3A_396, %swap3A_397] : memref<8x16xi32, #tpu.memory_space<vmem>>, vector<8x1xi32>
    tpu.vector_store %arg2[%swap3A_396, %swap3A_397], %broadcast_in_dim3A_387 {strides = array<i32>} : memref<8x16xi32, #tpu.memory_space<vmem>>, vector<8x1xi32>,
    %swap3A_399 = arith.constant 0 : index
    %swap3A_400 = arith.constant 11 : index
    %swap3A_401 = vector.load %arg3[%swap3A_399, %swap3A_400] : memref<8x16xf32, #tpu.memory_space<vmem>>, vector<8x1xf32>
    tpu.vector_store %arg3[%swap3A_399, %swap3A_400], %broadcast_in_dim3A_395 {strides = array<i32>} : memref<8x16xf32, #tpu.memory_space<vmem>>, vector<8x1xf32>,
    %jit3A_402 = arith.constant 0xFF800000 : f32
    %broadcast_in_dim3A_403 = vector.broadcast %jit3A_402 : f32 to vector<8x16384xf32>
    %select_n3A_404 = arith.select %eq3A_389, %broadcast_in_dim3A_403, %get3A_376 : vector<8x16384xi1>, vector<8x16384xf32>
    %swap3A_405 = arith.constant 0 : index
    %swap3A_406 = arith.constant 0 : index
    %swap3A_407 = vector.load %arg4[%swap3A_405, %swap3A_406] : memref<8x16384xf32, #tpu.memory_space<vmem>>, vector<8x16384xf32>
    tpu.vector_store %arg4[%swap3A_405, %swap3A_406], %select_n3A_404 {strides = array<i32>} : memref<8x16384xf32, #tpu.memory_space<vmem>>, vector<8x16384xf32>,
    %get3A_408 = arith.constant 0 : index
    %get3A_409 = arith.constant 0 : index
    %get3A_410 = vector.load %arg4[%get3A_408, %get3A_409] : memref<8x16384xf32, #tpu.memory_space<vmem>>, vector<8x16384xf32>
    %reduce_max3A_411 = arith.constant dense<0xFF800000> : vector<8xf32>
    %reduce_max3A_412 = vector.multi_reduction <maximumf>, %get3A_410, %reduce_max3A_411 [1] : vector<8x16384xf32> to vector<8xf32>
    %broadcast_in_dim3A_413 = vector.shape_cast %reduce_max3A_412 : vector<8xf32> to vector<8x1xf32>
    %eq3A_414 = vector.broadcast %broadcast_in_dim3A_413 : vector<8x1xf32> to vector<8x16384xf32>
    %eq3A_415 = arith.cmpf oeq, %get3A_410, %eq3A_414 : vector<8x16384xf32>
    %jit3A_416 = arith.constant 16384 : i32
    %broadcast_in_dim3A_417 = vector.broadcast %jit3A_416 : i32 to vector<8x16384xi32>
    %select_n3A_418 = arith.select %eq3A_415, %iota3A, %broadcast_in_dim3A_417 : vector<8x16384xi1>, vector<8x16384xi32>
    %reduce_min3A_419 = arith.constant dense<2147483647> : vector<8xi32>
    %reduce_min3A_420 = vector.multi_reduction <minsi>, %select_n3A_418, %reduce_min3A_419 [1] : vector<8x16384xi32> to vector<8xi32>
    %broadcast_in_dim3A_421 = vector.shape_cast %reduce_min3A_420 : vector<8xi32> to vector<8x1xi32>
    %eq3A_422 = vector.broadcast %broadcast_in_dim3A_421 : vector<8x1xi32> to vector<8x16384xi32>
    %eq3A_423 = arith.cmpi eq, %iota3A, %eq3A_422 : vector<8x16384xi32>
    %jit3A_424 = arith.constant 0.000000e+00 : f32
    %broadcast_in_dim3A_425 = vector.broadcast %jit3A_424 : f32 to vector<8x16384xf32>
    %select_n3A_426 = arith.select %eq3A_423, %get3A_1, %broadcast_in_dim3A_425 : vector<8x16384xi1>, vector<8x16384xf32>
    %reduce_sum3A_427 = arith.constant dense<0.000000e+00> : vector<8xf32>
    %reduce_sum3A_428 = vector.multi_reduction <add>, %select_n3A_426, %reduce_sum3A_427 [1] : vector<8x16384xf32> to vector<8xf32>
    %broadcast_in_dim3A_429 = vector.shape_cast %reduce_sum3A_428 : vector<8xf32> to vector<8x1xf32>
    %swap3A_430 = arith.constant 0 : index
    %swap3A_431 = arith.constant 12 : index
    %swap3A_432 = vector.load %arg2[%swap3A_430, %swap3A_431] : memref<8x16xi32, #tpu.memory_space<vmem>>, vector<8x1xi32>
    tpu.vector_store %arg2[%swap3A_430, %swap3A_431], %broadcast_in_dim3A_421 {strides = array<i32>} : memref<8x16xi32, #tpu.memory_space<vmem>>, vector<8x1xi32>,
    %swap3A_433 = arith.constant 0 : index
    %swap3A_434 = arith.constant 12 : index
    %swap3A_435 = vector.load %arg3[%swap3A_433, %swap3A_434] : memref<8x16xf32, #tpu.memory_space<vmem>>, vector<8x1xf32>
    tpu.vector_store %arg3[%swap3A_433, %swap3A_434], %broadcast_in_dim3A_429 {strides = array<i32>} : memref<8x16xf32, #tpu.memory_space<vmem>>, vector<8x1xf32>,
    %jit3A_436 = arith.constant 0xFF800000 : f32
    %broadcast_in_dim3A_437 = vector.broadcast %jit3A_436 : f32 to vector<8x16384xf32>
    %select_n3A_438 = arith.select %eq3A_423, %broadcast_in_dim3A_437, %get3A_410 : vector<8x16384xi1>, vector<8x16384xf32>
    %swap3A_439 = arith.constant 0 : index
    %swap3A_440 = arith.constant 0 : index
    %swap3A_441 = vector.load %arg4[%swap3A_439, %swap3A_440] : memref<8x16384xf32, #tpu.memory_space<vmem>>, vector<8x16384xf32>
    tpu.vector_store %arg4[%swap3A_439, %swap3A_440], %select_n3A_438 {strides = array<i32>} : memref<8x16384xf32, #tpu.memory_space<vmem>>, vector<8x16384xf32>,
    %get3A_442 = arith.constant 0 : index
    %get3A_443 = arith.constant 0 : index
    %get3A_444 = vector.load %arg4[%get3A_442, %get3A_443] : memref<8x16384xf32, #tpu.memory_space<vmem>>, vector<8x16384xf32>
    %reduce_max3A_445 = arith.constant dense<0xFF800000> : vector<8xf32>
    %reduce_max3A_446 = vector.multi_reduction <maximumf>, %get3A_444, %reduce_max3A_445 [1] : vector<8x16384xf32> to vector<8xf32>
    %broadcast_in_dim3A_447 = vector.shape_cast %reduce_max3A_446 : vector<8xf32> to vector<8x1xf32>
    %eq3A_448 = vector.broadcast %broadcast_in_dim3A_447 : vector<8x1xf32> to vector<8x16384xf32>
    %eq3A_449 = arith.cmpf oeq, %get3A_444, %eq3A_448 : vector<8x16384xf32>
    %jit3A_450 = arith.constant 16384 : i32
    %broadcast_in_dim3A_451 = vector.broadcast %jit3A_450 : i32 to vector<8x16384xi32>
    %select_n3A_452 = arith.select %eq3A_449, %iota3A, %broadcast_in_dim3A_451 : vector<8x16384xi1>, vector<8x16384xi32>
    %reduce_min3A_453 = arith.constant dense<2147483647> : vector<8xi32>
    %reduce_min3A_454 = vector.multi_reduction <minsi>, %select_n3A_452, %reduce_min3A_453 [1] : vector<8x16384xi32> to vector<8xi32>
    %broadcast_in_dim3A_455 = vector.shape_cast %reduce_min3A_454 : vector<8xi32> to vector<8x1xi32>
    %eq3A_456 = vector.broadcast %broadcast_in_dim3A_455 : vector<8x1xi32> to vector<8x16384xi32>
    %eq3A_457 = arith.cmpi eq, %iota3A, %eq3A_456 : vector<8x16384xi32>
    %jit3A_458 = arith.constant 0.000000e+00 : f32
    %broadcast_in_dim3A_459 = vector.broadcast %jit3A_458 : f32 to vector<8x16384xf32>
    %select_n3A_460 = arith.select %eq3A_457, %get3A_1, %broadcast_in_dim3A_459 : vector<8x16384xi1>, vector<8x16384xf32>
    %reduce_sum3A_461 = arith.constant dense<0.000000e+00> : vector<8xf32>
    %reduce_sum3A_462 = vector.multi_reduction <add>, %select_n3A_460, %reduce_sum3A_461 [1] : vector<8x16384xf32> to vector<8xf32>
    %broadcast_in_dim3A_463 = vector.shape_cast %reduce_sum3A_462 : vector<8xf32> to vector<8x1xf32>
    %swap3A_464 = arith.constant 0 : index
    %swap3A_465 = arith.constant 13 : index
    %swap3A_466 = vector.load %arg2[%swap3A_464, %swap3A_465] : memref<8x16xi32, #tpu.memory_space<vmem>>, vector<8x1xi32>
    tpu.vector_store %arg2[%swap3A_464, %swap3A_465], %broadcast_in_dim3A_455 {strides = array<i32>} : memref<8x16xi32, #tpu.memory_space<vmem>>, vector<8x1xi32>,
    %swap3A_467 = arith.constant 0 : index
    %swap3A_468 = arith.constant 13 : index
    %swap3A_469 = vector.load %arg3[%swap3A_467, %swap3A_468] : memref<8x16xf32, #tpu.memory_space<vmem>>, vector<8x1xf32>
    tpu.vector_store %arg3[%swap3A_467, %swap3A_468], %broadcast_in_dim3A_463 {strides = array<i32>} : memref<8x16xf32, #tpu.memory_space<vmem>>, vector<8x1xf32>,
    %jit3A_470 = arith.constant 0xFF800000 : f32
    %broadcast_in_dim3A_471 = vector.broadcast %jit3A_470 : f32 to vector<8x16384xf32>
    %select_n3A_472 = arith.select %eq3A_457, %broadcast_in_dim3A_471, %get3A_444 : vector<8x16384xi1>, vector<8x16384xf32>
    %swap3A_473 = arith.constant 0 : index
    %swap3A_474 = arith.constant 0 : index
    %swap3A_475 = vector.load %arg4[%swap3A_473, %swap3A_474] : memref<8x16384xf32, #tpu.memory_space<vmem>>, vector<8x16384xf32>
    tpu.vector_store %arg4[%swap3A_473, %swap3A_474], %select_n3A_472 {strides = array<i32>} : memref<8x16384xf32, #tpu.memory_space<vmem>>, vector<8x16384xf32>,
    %get3A_476 = arith.constant 0 : index
    %get3A_477 = arith.constant 0 : index
    %get3A_478 = vector.load %arg4[%get3A_476, %get3A_477] : memref<8x16384xf32, #tpu.memory_space<vmem>>, vector<8x16384xf32>
    %reduce_max3A_479 = arith.constant dense<0xFF800000> : vector<8xf32>
    %reduce_max3A_480 = vector.multi_reduction <maximumf>, %get3A_478, %reduce_max3A_479 [1] : vector<8x16384xf32> to vector<8xf32>
    %broadcast_in_dim3A_481 = vector.shape_cast %reduce_max3A_480 : vector<8xf32> to vector<8x1xf32>
    %eq3A_482 = vector.broadcast %broadcast_in_dim3A_481 : vector<8x1xf32> to vector<8x16384xf32>
    %eq3A_483 = arith.cmpf oeq, %get3A_478, %eq3A_482 : vector<8x16384xf32>
    %jit3A_484 = arith.constant 16384 : i32
    %broadcast_in_dim3A_485 = vector.broadcast %jit3A_484 : i32 to vector<8x16384xi32>
    %select_n3A_486 = arith.select %eq3A_483, %iota3A, %broadcast_in_dim3A_485 : vector<8x16384xi1>, vector<8x16384xi32>
    %reduce_min3A_487 = arith.constant dense<2147483647> : vector<8xi32>
    %reduce_min3A_488 = vector.multi_reduction <minsi>, %select_n3A_486, %reduce_min3A_487 [1] : vector<8x16384xi32> to vector<8xi32>
    %broadcast_in_dim3A_489 = vector.shape_cast %reduce_min3A_488 : vector<8xi32> to vector<8x1xi32>
    %eq3A_490 = vector.broadcast %broadcast_in_dim3A_489 : vector<8x1xi32> to vector<8x16384xi32>
    %eq3A_491 = arith.cmpi eq, %iota3A, %eq3A_490 : vector<8x16384xi32>
    %jit3A_492 = arith.constant 0.000000e+00 : f32
    %broadcast_in_dim3A_493 = vector.broadcast %jit3A_492 : f32 to vector<8x16384xf32>
    %select_n3A_494 = arith.select %eq3A_491, %get3A_1, %broadcast_in_dim3A_493 : vector<8x16384xi1>, vector<8x16384xf32>
    %reduce_sum3A_495 = arith.constant dense<0.000000e+00> : vector<8xf32>
    %reduce_sum3A_496 = vector.multi_reduction <add>, %select_n3A_494, %reduce_sum3A_495 [1] : vector<8x16384xf32> to vector<8xf32>
    %broadcast_in_dim3A_497 = vector.shape_cast %reduce_sum3A_496 : vector<8xf32> to vector<8x1xf32>
    %swap3A_498 = arith.constant 0 : index
    %swap3A_499 = arith.constant 14 : index
    %swap3A_500 = vector.load %arg2[%swap3A_498, %swap3A_499] : memref<8x16xi32, #tpu.memory_space<vmem>>, vector<8x1xi32>
    tpu.vector_store %arg2[%swap3A_498, %swap3A_499], %broadcast_in_dim3A_489 {strides = array<i32>} : memref<8x16xi32, #tpu.memory_space<vmem>>, vector<8x1xi32>,
    %swap3A_501 = arith.constant 0 : index
    %swap3A_502 = arith.constant 14 : index
    %swap3A_503 = vector.load %arg3[%swap3A_501, %swap3A_502] : memref<8x16xf32, #tpu.memory_space<vmem>>, vector<8x1xf32>
    tpu.vector_store %arg3[%swap3A_501, %swap3A_502], %broadcast_in_dim3A_497 {strides = array<i32>} : memref<8x16xf32, #tpu.memory_space<vmem>>, vector<8x1xf32>,
    %jit3A_504 = arith.constant 0xFF800000 : f32
    %broadcast_in_dim3A_505 = vector.broadcast %jit3A_504 : f32 to vector<8x16384xf32>
    %select_n3A_506 = arith.select %eq3A_491, %broadcast_in_dim3A_505, %get3A_478 : vector<8x16384xi1>, vector<8x16384xf32>
    %swap3A_507 = arith.constant 0 : index
    %swap3A_508 = arith.constant 0 : index
    %swap3A_509 = vector.load %arg4[%swap3A_507, %swap3A_508] : memref<8x16384xf32, #tpu.memory_space<vmem>>, vector<8x16384xf32>
    tpu.vector_store %arg4[%swap3A_507, %swap3A_508], %select_n3A_506 {strides = array<i32>} : memref<8x16384xf32, #tpu.memory_space<vmem>>, vector<8x16384xf32>,
    %get3A_510 = arith.constant 0 : index
    %get3A_511 = arith.constant 0 : index
    %get3A_512 = vector.load %arg4[%get3A_510, %get3A_511] : memref<8x16384xf32, #tpu.memory_space<vmem>>, vector<8x16384xf32>
    %reduce_max3A_513 = arith.constant dense<0xFF800000> : vector<8xf32>
    %reduce_max3A_514 = vector.multi_reduction <maximumf>, %get3A_512, %reduce_max3A_513 [1] : vector<8x16384xf32> to vector<8xf32>
    %broadcast_in_dim3A_515 = vector.shape_cast %reduce_max3A_514 : vector<8xf32> to vector<8x1xf32>
    %eq3A_516 = vector.broadcast %broadcast_in_dim3A_515 : vector<8x1xf32> to vector<8x16384xf32>
    %eq3A_517 = arith.cmpf oeq, %get3A_512, %eq3A_516 : vector<8x16384xf32>
    %jit3A_518 = arith.constant 16384 : i32
    %broadcast_in_dim3A_519 = vector.broadcast %jit3A_518 : i32 to vector<8x16384xi32>
    %select_n3A_520 = arith.select %eq3A_517, %iota3A, %broadcast_in_dim3A_519 : vector<8x16384xi1>, vector<8x16384xi32>
    %reduce_min3A_521 = arith.constant dense<2147483647> : vector<8xi32>
    %reduce_min3A_522 = vector.multi_reduction <minsi>, %select_n3A_520, %reduce_min3A_521 [1] : vector<8x16384xi32> to vector<8xi32>
    %broadcast_in_dim3A_523 = vector.shape_cast %reduce_min3A_522 : vector<8xi32> to vector<8x1xi32>
    %eq3A_524 = vector.broadcast %broadcast_in_dim3A_523 : vector<8x1xi32> to vector<8x16384xi32>
    %eq3A_525 = arith.cmpi eq, %iota3A, %eq3A_524 : vector<8x16384xi32>
    %jit3A_526 = arith.constant 0.000000e+00 : f32
    %broadcast_in_dim3A_527 = vector.broadcast %jit3A_526 : f32 to vector<8x16384xf32>
    %select_n3A_528 = arith.select %eq3A_525, %get3A_1, %broadcast_in_dim3A_527 : vector<8x16384xi1>, vector<8x16384xf32>
    %reduce_sum3A_529 = arith.constant dense<0.000000e+00> : vector<8xf32>
    %reduce_sum3A_530 = vector.multi_reduction <add>, %select_n3A_528, %reduce_sum3A_529 [1] : vector<8x16384xf32> to vector<8xf32>
    %broadcast_in_dim3A_531 = vector.shape_cast %reduce_sum3A_530 : vector<8xf32> to vector<8x1xf32>
    %swap3A_532 = arith.constant 0 : index
    %swap3A_533 = arith.constant 15 : index
    %swap3A_534 = vector.load %arg2[%swap3A_532, %swap3A_533] : memref<8x16xi32, #tpu.memory_space<vmem>>, vector<8x1xi32>
    tpu.vector_store %arg2[%swap3A_532, %swap3A_533], %broadcast_in_dim3A_523 {strides = array<i32>} : memref<8x16xi32, #tpu.memory_space<vmem>>, vector<8x1xi32>,
    %swap3A_535 = arith.constant 0 : index
    %swap3A_536 = arith.constant 15 : index
    %swap3A_537 = vector.load %arg3[%swap3A_535, %swap3A_536] : memref<8x16xf32, #tpu.memory_space<vmem>>, vector<8x1xf32>
    tpu.vector_store %arg3[%swap3A_535, %swap3A_536], %broadcast_in_dim3A_531 {strides = array<i32>} : memref<8x16xf32, #tpu.memory_space<vmem>>, vector<8x1xf32>,
    %jit3A_538 = arith.constant 0xFF800000 : f32
    %broadcast_in_dim3A_539 = vector.broadcast %jit3A_538 : f32 to vector<8x16384xf32>
    %select_n3A_540 = arith.select %eq3A_525, %broadcast_in_dim3A_539, %get3A_512 : vector<8x16384xi1>, vector<8x16384xf32>
    %swap3A_541 = arith.constant 0 : index
    %swap3A_542 = arith.constant 0 : index
    %swap3A_543 = vector.load %arg4[%swap3A_541, %swap3A_542] : memref<8x16384xf32, #tpu.memory_space<vmem>>, vector<8x16384xf32>
    tpu.vector_store %arg4[%swap3A_541, %swap3A_542], %select_n3A_540 {strides = array<i32>} : memref<8x16384xf32, #tpu.memory_space<vmem>>, vector<8x16384xf32>,
    return
  }
}

</mosaic_0001>

<sc_bundles>
// kernel: kernel.4.cloned.1.call-start
scs
__scs_entry_jumppad:
0x0: {  	(pc) =	sbr.rel $0x88, $3  }
0x1: {  	(tag) =	ssettag $0x0;
	lr =	simm.s32 $0x1  }
0x2: {  	[smem:$0x3FA0] =	sst lr;
	_ =	strace $0xD0000000  }
0x3: {  	_ = 	snop  }
0x4: {  	_ = 	snop  }
0x5: {  	_ = 	snop  }
0x6: {  	_ = 	snop  }
0x7: {  	_ = 	snop  }
__scs_overlays_trampoline_lowered:
0x8: {  	[smem:$0x3FAF] =	sst s0  }
0x9: {  	[smem:$0x3FB0] =	sst s1  }
0xa: {  	[smem:$0x3FB1] =	sst s2  }
0xb: {  	[smem:$0x3FB2] =	sst s3  }
0xc: {  	[smem:$0x3FB3] =	sst s4  }
0xd: {  	[smem:$0x3FB4] =	sst s5  }
0xe: {  	[smem:$0x3FB5] =	sst s6  }
0xf: {  	[smem:$0x3FB6] =	sst s7  }
0x10: {  	[smem:$0x3FB7] =	sst s8  }
0x11: {  	[smem:$0x3FB8] =	sst s9;
	s0 =	simm.s32 @!p0 $0x0  }
0x12: {  	s1 =	sld [smem:$0x3F9E];
	s0 =	simm.s32 @p0 $0x1  }
0x13: {  	[smem:$0x3FB9] =	sst s0;
	s0 =	simm.s32 @!p1 $0x0  }
0x14: {  	s2 =	sld [smem:$0x3F9D];
	s0 =	simm.s32 @p1 $0x1  }
0x15: {  	[smem:$0x3FBA] =	sst s0;
	s0 =	simm.s32 @!p2 $0x0  }
0x16: {  	s3 =	sld [smem:$0x3FDB];
	s0 =	simm.s32 @p2 $0x1  }
0x17: {  	s4 =	simm.s32 $0x1BF5;
	[smem:$0x3FBC] =	sst s0  }
0x18: {  	s0 =	sld [smem:$0x3F9F];
	_ =	swait.ge [sflag:s4], $0x0  }
0x19: {  	s7 =	sld [smem:$0x3FA0]  }
0x1a: {  	s8 =	sadd.s32 $0xFFFFE003, lr  }
0x1b: {  	s9 =	sadd.s32 $0xFFFFFEF7, lr;
	s5 =	simm.s32 $0xFFFFFFFF;
	p2 =	slt.u32 s8, $0xFFFFF086  }
0x1c: {  	p1 =	slt.u32 s9, $0xF7A;
	s5 =	simm.s32 @!p2 $0x0  }
0x1d: {  	s5 =	simm.s32 @p1 $0x1;
	p0 =	seq.s32 s7, s2  }
0x1e: {  	s7 =	smul.u32 @!p0 $0xF7A, s2;
	p2 =	seq.s32 @!p0 s5, $0x0  }
0x1f: {  	s9 =	smul.u32 $0xF7A, s1;
	s8 =	simm.s32 @!p0 $0x1BF5;
	p2 =	por !p2, p0  }
0x20: {  	[sflag:s8] =	ssyncset.s32 @!p0 $0xFFFFF086;
	s6 =	sadd.s32 @!p0 s3, s7;
	s7 =	simm.s32 @!p0 $0x108  }
0x21: {  	s3 =	sadd.s32 s3, s9;
	s6 =	sadd.s32 @!p0 $0x88, s6;
	s7 =	simm.s32 @p2 $0x1082  }
0x22: {  	[simem:s7], [sflag:s8] =	dma.local @!p0 [hbm:s6], $0xF7A  }
0x23: {  	s9 =	sor.u32 $0xD0000000, s2;
	s6 =	simm.s32 $0x108;
	_ =	swait.ge @!p0 [sflag:s8], $0x0  }
0x24: {  	s3 =	sadd.s32 $0x88, s3;
	s6 =	simm.s32 @!p1 $0x1082;
	[sflag:s4] =	ssyncset.s32 $0xFFFFF086  }
0x25: {  	[simem:s6], [sflag:s4] =	dma.local [hbm:s3], $0xF7A  }
0x26: {  	[smem:$0x3FA0] =	sst s1;
	(tag) =	ssettag s2;
	_ =	strace s9  }
0x27: {  	s1 =	sld [smem:$0x3FB0]  }
0x28: {  	s2 =	sld [smem:$0x3FB1]  }
0x29: {  	s4 =	sld [smem:$0x3FB3]  }
0x2a: {  	p0 =	seq.s32 s5, $0x0;
	s5 =	sld [smem:$0x3FB4]  }
0x2b: {  	s6 =	sld [smem:$0x3FB5]  }
0x2c: {  	s7 =	sld [smem:$0x3FB6]  }
0x2d: {  	s3 =	simm.s32 $0x108;
	s8 =	sld [smem:$0x3FB7]  }
0x2e: {  	s3 =	simm.s32 @!p0 $0x1082;
	s9 =	sld [smem:$0x3FB8]  }
0x2f: {  	lr =	sadd.s32 s0, s3;
	s0 =	sld [smem:$0x3FAF]  }
0x30: {  	s3 =	sld [smem:$0x3FB2]  }
0x31: {  	[smem:$0x3FBB] =	sst s10  }
0x32: {  	s10 =	sld [smem:$0x3FB9];
	_ =	sdelay $0x3  }
0x33: {  	p0 =	seq.s32 s10, $0x1;
	s10 =	sld [smem:$0x3FBB];
	_ =	sdelay $0x3  }
0x34: {  	[smem:$0x3FBB] =	sst s10  }
0x35: {  	s10 =	sld [smem:$0x3FBA];
	_ =	sdelay $0x3  }
0x36: {  	p1 =	seq.s32 s10, $0x1;
	s10 =	sld [smem:$0x3FBB];
	_ =	sdelay $0x3  }
0x37: {  	[smem:$0x3FBB] =	sst s10  }
0x38: {  	s10 =	sld [smem:$0x3FBC]  }
0x39: {  	_ = 	snop;
	(pc) =	sbr.ind lr, $3  }
0x3a: {  	_ = 	snop  }
0x3b: {  	_ = 	snop  }
0x3c: {  	p2 =	seq.s32 s10, $0x1;
	s10 =	sld [smem:$0x3FBB]  }
0x3d: {  	_ =	shalt  }
0x3e: {  	_ =	shalt  }
0x3f: {  	_ =	shalt  }
0x40: {  	_ =	shalt  }
0x41: {  	_ =	shalt  }
0x42: {  	_ =	shalt  }
0x43: {  	_ =	shalt  }
0x44: {  	_ =	shalt  }
0x45: {  	_ =	shalt  }
0x46: {  	_ =	shalt  }
0x47: {  	_ =	shalt  }
0x48: {  	_ =	shalt  }
0x49: {  	_ =	shalt  }
0x4a: {  	_ =	shalt  }
0x4b: {  	_ =	shalt  }
0x4c: {  	_ =	shalt  }
0x4d: {  	_ =	shalt  }
0x4e: {  	_ =	shalt  }
0x4f: {  	_ =	shalt  }
0x50: {  	_ =	shalt  }
0x51: {  	_ =	shalt  }
0x52: {  	_ =	shalt  }
0x53: {  	_ =	shalt  }
0x54: {  	_ =	shalt  }
0x55: {  	_ =	shalt  }
0x56: {  	_ =	shalt  }
0x57: {  	_ =	shalt  }
0x58: {  	_ =	shalt  }
0x59: {  	_ =	shalt  }
0x5a: {  	_ =	shalt  }
0x5b: {  	_ =	shalt  }
0x5c: {  	_ =	shalt  }
0x5d: {  	_ =	shalt  }
0x5e: {  	_ =	shalt  }
0x5f: {  	_ =	shalt  }
0x60: {  	_ =	shalt  }
0x61: {  	_ =	shalt  }
0x62: {  	_ =	shalt  }
0x63: {  	_ =	shalt  }
0x64: {  	_ =	shalt  }
0x65: {  	_ =	shalt  }
0x66: {  	_ =	shalt  }
0x67: {  	_ =	shalt  }
0x68: {  	_ =	shalt  }
0x69: {  	_ =	shalt  }
0x6a: {  	_ =	shalt  }
0x6b: {  	_ =	shalt  }
0x6c: {  	_ =	shalt  }
0x6d: {  	_ =	shalt  }
0x6e: {  	_ =	shalt  }
0x6f: {  	_ =	shalt  }
0x70: {  	_ =	shalt  }
0x71: {  	_ =	shalt  }
0x72: {  	_ =	shalt  }
0x73: {  	_ =	shalt  }
0x74: {  	_ =	shalt  }
0x75: {  	_ =	shalt  }
0x76: {  	_ =	shalt  }
0x77: {  	_ =	shalt  }
0x78: {  	_ =	shalt  }
0x79: {  	_ =	shalt  }
0x7a: {  	_ =	shalt  }
0x7b: {  	_ =	shalt  }
0x7c: {  	_ =	shalt  }
0x7d: {  	_ =	shalt  }
0x7e: {  	_ =	shalt  }
0x7f: {  	_ =	shalt  }
0x80: {  	_ =	shalt  }
0x81: {  	_ =	shalt  }
0x82: {  	_ =	shalt  }
0x83: {  	_ =	shalt  }
0x84: {  	_ =	shalt  }
0x85: {  	_ =	shalt  }
0x86: {  	_ =	shalt  }
0x87: {  	_ =	shalt  }
.Lfunc_end0:
.L_simem_size_0:
called_computation_lowered:
.L_overlay_start_0:
0x88: {  	s2 =	sld [smem:$0x3FD9]  }
0x89: {  	s3 =	sld [smem:$0x3FFE];
	_ =	sdelay $0x1  }
0x8a: {  	s1 =	srdreg.scid  }
0x8b: {  	s0 =	sand.u32 $0x1, s1  }
0x8c: {  	s14 =	sshll.u32 s0, $0xA;
	s2 =	sadd.s32 s3, s2  }
0x8d: {  	s2 =	sadd.s32 s2, s14  }
0x8e: {  	[smem:$0x3FC7] =	sst s2  }
0x8f: {  	_ = 	snop  }
0x90: {  	s2 =	sld [smem:$0x3FD0];
	_ =	sdelay $0x2  }
0x91: {  	s15 =	simm.s32 $0xA;
	s4 =	simm.s32 $0x10  }
0x92: {  	[smem:s4], [sflag:s15] =	dma.local [hbm:s2], $0x1  }
0x93: {  	_ =	swait.eq [sflag:s15], $0x1  }
0x94: {  	[sflag:s15] =	ssyncset.done $0x0  }
0x95: {  	[sflag:s15] =	ssyncadd.s32 $0xFFFFFFFF  }
0x96: {  	s16 =	sld [smem:$0x10];
	(tm) =	ssettm $0x1  }
0x97: {  	s17 =	sld [smem:$0x3FFB];
	_ =	sdelay $0x3  }
0x98: {  	_ =	strace s17  }
0x99: {  	s3 =	sld [smem:$0x3FFC];
	_ =	sdelay $0x3  }
0x9a: {  	_ =	strace s3  }
0x9b: {  	s3 =	sld [smem:$0x3FFD];
	_ =	sdelay $0x3  }
0x9c: {  	_ =	strace s3  }
0x9d: {  	_ =	strace $0x8FFFFFFF  }
0x9e: {  	s18 =	sld [smem:$0x3FDB];
	_ =	sdelay $0x1  }
0x9f: {  	s19 =	simm.s32 $_scs_section_size  }
0xa0: {  	s5 =	simm.s32 $_size__tile_overlayer_lowered;
	s6 =	simm.s32 $_tile_overlayer_lowered  }
0xa1: {  	s22 =	simm.s32 $0x1BFF;
	s21 =	sshll.u32 s6, $0x1;
	s3 =	sadd.s32 s19, s18  }
0xa2: {  	s7 =	simm.s32 $0x0;
	s20 =	sshll.u32 s5, $0x1;
	s5 =	sadd.s32 s21, s3  }
0xa3: {  	[timem:s7], [sflag:s22] =	dma.local [hbm:s5], s20  }
0xa4: {  	_ =	swait.ge [sflag:s22], s20  }
0xa5: {  	s4 =	ssub.s32 $0x0, s20;
	[sflag:s22] =	ssyncset.done $0x0  }
0xa6: {  	[sflag:s22] =	ssyncadd.s32 s4;
	_ =	sdelay $0x1  }
0xa7: {  	s23 =	simm.s32 $0x1B8B  }
0xa8: {  	_ =	swait.ge [sflag:s23], $0x1  }
0xa9: {  	[sflag:s23] =	ssyncset.done $0x0  }
0xaa: {  	s25 =	simm.s32 $0x1B8E;
	s24 =	sld [smem:$0x3FFE];
	[sflag:s23] =	ssyncadd.s32 $0xFFFFFFFF  }
0xab: {  	s26 =	simm.s32 $execute0_lowered;
	[smem:$0x3FD2] =	sst s25  }
0xac: {  	s5 =	sshll.u32 s26, $0x1;
	_ =	strace $0x80000046;
	[dreg:$0x1] =	wrdreg $0xFFFFFFFF  }
0xad: {  	s28 =	simm.s32 $_size_execute0_lowered;
	s3 =	sadd.s32 s3, s5;
	[dreg:$0x0] =	wrdreg $0x0  }
0xae: {  	s5 =	sshll.u32 s28, $0x1;
	[dreg:$0x2] =	wrdreg s3  }
0xaf: {  	[dreg:$0x3] =	wrdreg s5  }
0xb0: {  	[dreg:$0x4] =	wrdreg $0xC0  }
0xb1: {  	_ =	task [dreg:s7], $0x5FFFF  }
0xb2: {  	[dreg:$0x1] =	wrdreg $0xFFFFFFFF  }
0xb3: {  	[dreg:$0x0] =	wrdreg $0x60  }
0xb4: {  	[dreg:$0x2] =	wrdreg s16  }
0xb5: {  	[dreg:$0x3] =	wrdreg s24  }
0xb6: {  	[dreg:$0x4] =	wrdreg $0x9  }
0xb7: {  	_ =	task.clear_ibuf [dreg:s7], $0x5FFFF;
	_ =	strace $0x90000046  }
0xb8: {  	s29 =	simm.s32 $0x9;
	_ =	strace $0x80000048  }
0xb9: {  	_ =	swait.ge [sflag:s29], $0x1  }
0xba: {  	[sflag:s29] =	ssyncadd.s32 $0xFFFFFFFF  }
0xbb: {  	_ =	strace $0x90000048  }
0xbc: {  	_ =	sfence  }
0xbd: {  	s30 =	sld [smem:$0x0];
	_ =	sdelay $0x2  }
0xbe: {  	s31 =	sshll.u32 s1, $0xD;
	s1 =	sshrl.u32 s1, $0x2  }
0xbf: {  	s3 =	sand.u32 $0x4000, s31;
	s1 =	sadd.s32 s1, s30  }
0xc0: {  	s0 =	sor.u32 s3, s0;
	s1 =	sshll.u32 s1, $0x11  }
0xc1: {  	s0 =	sor.u32 s1, s0  }
0xc2: {  	s0 =	sadd.s32 $0x8F2B, s0  }
0xc3: {  	[sflag:s0] =	ssyncadd.remote.s32 $0x1  }
0xc4: {  	_ =	sfence.sel $0xFFFF  }
0xc5: {  	[dreg:$0x0] =	wrdreg $0xFFFFFFFF;
	(pc) =	sbr.abs _section_cstart, $3  }
0xc6: {  	[dreg:$0x1] =	wrdreg $0xFFFFFFFF  }
0xc7: {  	_ =	task.clear_ibuf [dreg:s7], $0x2FFFF;
	_ =	strace $0x9FFFFFFF  }
0xc8: {  	(tm) =	ssettm $0x7FFFFFFF  }
0xc9: {  	_ =	shalt  }
tec
execute0_lowered:
.L_overlay_start_1:
0x0: {  	(tag) =	ssettag $0x1  }
0x1: {  	s4 =	rddreg [dreg:$0x0]  }
0x2: {  	s6 =	rddreg [dreg:$0x1];
	s2 =	simm.s32 $0x0;
	v1 =	vlaneseq.u32  }
0x3: {  	s1 =	srdreg.scid;
	[smem:$0x7FF] =	sst s2;
	v58 =	vadd.s32 $0xFFFFFFD4, v1  }
0x4: {  	s3 =	sand.u32 $0x1, s1;
	s1 =	rddreg [dreg:$0x2];
	v59 =	vadd.s32 $0xFFFFFFE4, v1;
	_ =	strace $0x80000047;
	[tilespmem:$0x1FFA0] =	vst v58  }
0x5: {  	v60 =	vadd.s32 $0xFFFFFFF4, v1;
	[tilespmem:$0x1FFB0] =	vst v59  }
0x6: {  	s0 =	stileid.u32;
	v61 =	vadd.s32 $0x4, v1;
	[tilespmem:$0x1FFC0] =	vst v60  }
0x7: {  	s26 =	sshll.u32 s0, $0x1;
	v2 =	vmul.u32 $0x3, v1;
	v62 =	vadd.s32 $0x14, v1;
	[tilespmem:$0x1FFD0] =	vst v61  }
0x8: {  	v63 =	vadd.s32 $0x24, v1;
	s5 =	sor.u32 s3, s26;
	[tilespmem:$0x1FFE0] =	vst v62  }
0x9: {  	[tilespmem:$0x1FFF0] =	vst v63;
	s7 =	sshll.u32 s5, $0x2;
	v53 =	vadd.s32 $0x6C, v2  }
0xa: {  	v54 =	vadd.s32 $0x3C, v2;
	s7 =	sand.u32 $0xC, s7;
	[tilespmem:$0x1FF50] =	vst v53  }
0xb: {  	v55 =	vadd.s32 $0xFFFFFFDC, v2;
	[tilespmem:$0x1FF60] =	vst v54;
	v0 =	vmov s7  }
0xc: {  	s10 =	simm.s32 $0xC480;
	s11 =	simm.s32 $0x0;
	v56 =	vadd.s32 $0xFFFFFFAC, v2;
	[tilespmem:$0x1FF70] =	vst v55;
	s8 =	sor.u32 $0x1, s7;
	v0 =	vbroadcast v0, $0x0  }
0xd: {  	s6 =	sadd.s32 $0x300800, s6;
	s30 =	sand.u32 $0xE, s0;
	s28 =	smul.u32 $0x1B000, s5;
	[tilespmem:$0x1FF80] =	vst v56;
	v50 =	vmov s8  }
0xe: {  	s3 =	ssub.s32 $0x2, s3;
	s5 =	smul.u32 $0x3600, s5;
	v57 =	vadd.s32 $0xFFFFFF7C, v2;
	s9 =	sor.u32 $0x2, s7;
	[tilespmem:$0x1FF10] =	vst v0;
	v0 =	vbroadcast v50, $0x0  }
0xf: {  	s29 =	sshrl.u32 s3, $0x1;
	[tilespmem:$0x1FF90] =	vst v57;
	s7 =	sor.u32 $0x3, s7;
	v51 =	vmov s9;
	s8 =	sshrl.u32 s28, $0x3  }
0x10: {  	v52 =	vmov s7;
	s9 =	ssub.s32 s3, s29;
	s3 =	sadd.s32 s4, s30;
	s4 =	sadd.s32 s6, s5;
	[tilespmem:$0x1FF20] =	vst v0;
	v0 =	vbroadcast v51, $0x0  }
0x11: {  	[tilespmem:$0x1FF40] =	vst v52;
	s31 =	sadd.s32 s6, s8;
	s8 =	smax.u32 s9, $0x1;
	s9 =	simm.s32 $0x1  }
0x12: {  	s5 =	sadd.s32 $0xD80, s31;
	s6 =	sadd.s32 $0x1B00, s31;
	s7 =	sadd.s32 $0x2880, s31;
	[tilespmem:$0x1FF30] =	vst v0  }
.LBB2_1:
0x13: {  	v0 =	vimm.f32 $0.0e+00  }
0x14: {  	[tilespmem:$0xC080] =	vst v0  }
0x15: {  	[tilespmem:$0xC090] =	vst v0  }
0x16: {  	[tilespmem:$0xC0A0] =	vst v0  }
0x17: {  	[tilespmem:$0xC0B0] =	vst v0  }
0x18: {  	[tilespmem:$0xC0C0] =	vst v0  }
0x19: {  	[tilespmem:$0xC0D0] =	vst v0  }
0x1a: {  	[tilespmem:$0xC0E0] =	vst v0  }
0x1b: {  	[tilespmem:$0xC0F0] =	vst v0  }
0x1c: {  	[tilespmem:s2], [sflag:$0x1] =	stream.linear.gather [hbm4b:s3+s2], $0x10, $0x38;
	[tilespmem:$0x13080] =	vst v63  }
0x1d: {  	_ =	swait.ge [sflag:s9], $0x10  }
0x1e: {  	v0 =	vld [tilespmem:$0x1FF10];
	_ =	sdelay $0x5  }
0x1f: {  	[sflag:s9] =	ssyncset.done $0x0  }
0x20: {  	[sflag:s9] =	ssyncadd.s32 $0xFFFFFFF0  }
0x21: {  	v0 =	vld.idx.msk [tilespmem:v0+s2+$0x0], $0xffff;
	_ =	sdelay $0x4  }
0x22: {  	v1 =	vshra.s32 v0, $0x1F;
	v2 =	vand.u32 $0x7F, v0  }
0x23: {  	vm0 =	vlt.s32 v0, $0x1;
	v1 =	vshrl.u32 v1, $0x19;
	vm1 =	vne.s32 v2, $0x0  }
0x24: {  	v5 =	vimm.s32 $0x0;
	v1 =	vadd.s32 v1, v0;
	vm0 =	vmand vm0, vm1  }
0x25: {  	v1 =	vshra.s32 v1, $0x7;
	v2 =	vsel vm0, $0xFFFFFFFF, v5  }
0x26: {  	v1 =	vadd.s32 v2, v1  }
0x27: {  	v0 =	vshll.u32 v0, $0x3;
	v2 =	vshll.u32 v1, $0xA  }
0x28: {  	v0 =	vsub.s32 v0, v2  }
0x29: {  	v2 =	vadd.s32 $0xFFFFFFD4, v0  }
0x2a: {  	vm0 =	vgt.s32 v2, $0x0  }
0x2b: {  	v2 =	vnsel vm0, $0x0, v2  }
0x2c: {  	v3 =	vmin.u32 v2, $0x3A0  }
0x2d: {  	v3 =	vmul.u32 $0x3, v3;
	_ =	sdelay $0x1  }
0x2e: {  	v4 =	vand.u32 $0x7F, v3  }
0x2f: {  	vm0 =	veq.s32 v2, $0x0;
	vm1 =	vne.s32 v4, $0x0  }
0x30: {  	vm0 =	vmand vm0, vm1  }
0x31: {  	v4 =	vld [tilespmem:$0x1FF90];
	v2 =	vsel vm0, $0xFFFFFFFF, v5  }
0x32: {  	v2 =	vshll.u32 v2, $0x7  }
0x33: {  	v2 =	vadd.s32 v3, v2  }
0x34: {  	v3 =	vmul.u32 $0x3, v0;
	v2 =	vand.u32 $0xFFFFFF80, v2  }
0x35: {  	vm0 =	vlt.s32 v2, $0xA00  }
0x36: {  	v4 =	vadd.s32 v4, v3;
	v2 =	vnsel vm0, $0xA00, v2  }
0x37: {  	v4 =	vsub.s32 v4, v2  }
0x38: {  	v7 =	vld [tilespmem:$0x1FFC0];
	v1 =	vshll.u32 v1, $0x3;
	vm0 =	vgt.s32 v4, $0x0  }
0x39: {  	v29 =	vadd.s32 $0xFFFFFFD4, v1;
	v1 =	vnsel vm0, $0x0, v4;
	v4 =	vld [tilespmem:$0x1FFA0]  }
0x3a: {  	v5 =	vld [tilespmem:$0x1FFB0]  }
0x3b: {  	v6 =	vld [tilespmem:$0x1FFD0];
	_ =	sdelay $0x1  }
0x3c: {  	v44 =	vadd.s32 v7, v0;
	v7 =	vld [tilespmem:$0x1FF60]  }
0x3d: {  	v31 =	vadd.s32 v4, v0;
	v4 =	vld [tilespmem:$0x1FF80]  }
0x3e: {  	v33 =	vadd.s32 v5, v0;
	v5 =	vld [tilespmem:$0x1FF70]  }
0x3f: {  	v28 =	vadd.s32 v6, v0  }
0x40: {  	v8 =	vld [tilespmem:$0x1FF50];
	v6 =	vmul.u32 $0x3, v28  }
0x41: {  	v7 =	vadd.s32 v7, v3  }
0x42: {  	v6 =	vsub.s32 v6, v2;
	v7 =	vsub.s32 v7, v2;
	v4 =	vadd.s32 v4, v3  }
0x43: {  	v1 =	vmin.u32 v1, $0x1FD;
	v5 =	vadd.s32 v5, v3;
	v4 =	vsub.s32 v4, v2  }
0x44: {  	v40 =	vshrl.u32 v1, $0x7;
	v5 =	vsub.s32 v5, v2;
	vm0 =	vgt.s32 v4, $0x0  }
0x45: {  	v3 =	vadd.s32 v8, v3;
	v4 =	vnsel vm0, $0x0, v4;
	vm0 =	vgt.s32 v5, $0x0  }
0x46: {  	v2 =	vsub.s32 v3, v2;
	v5 =	vnsel vm0, $0x0, v5;
	vm0 =	vgt.s32 v6, $0x0  }
0x47: {  	v4 =	vmin.u32 v4, $0x1FD;
	v5 =	vmin.u32 v5, $0x1FD;
	v6 =	vnsel vm0, $0x0, v6  }
0x48: {  	vm0 =	vgt.s32 v7, $0x0;
	v30 =	vshrl.u32 v4, $0x7;
	v3 =	vmin.u32 v6, $0x1FD  }
0x49: {  	v6 =	vnsel vm0, $0x0, v7;
	vm0 =	vgt.s32 v2, $0x0;
	v7 =	vld [tilespmem:$0x1FFE0];
	v35 =	vshrl.u32 v5, $0x7  }
0x4a: {  	s13 =	simm.s32 $0x4;
	v54 =	vmin.u32 v6, $0x1FD;
	v2 =	vnsel vm0, $0x0, v2;
	v6 =	vld [tilespmem:$0x1FFF0];
	v41 =	vshrl.u32 v3, $0x7  }
0x4b: {  	v60 =	vor.u32 s13, v35;
	v58 =	vmin.u32 v2, $0x1FD;
	v55 =	vadd.s32 $0x1, v54  }
0x4c: {  	v49 =	vshrl.u32 v54, $0x7;
	v56 =	vadd.s32 $0x2, v54;
	v50 =	vshrl.u32 v55, $0x7  }
0x4d: {  	v51 =	vshrl.u32 v56, $0x7;
	v59 =	vadd.s32 $0x1, v58;
	v11 =	vor.u32 s13, v49  }
0x4e: {  	v48 =	vshrl.u32 v59, $0x7;
	v12 =	vadd.s32 s13, v50;
	v13 =	vadd.s32 s13, v51  }
0x4f: {  	v38 =	vadd.s32 v7, v0;
	v53 =	vadd.s32 v6, v0;
	v0 =	vand.u32 $0x7F, v1  }
0x50: {  	v26 =	vcvt.s32.f32 v0;
	v0 =	vadd.s32 $0x1, v1;
	v1 =	vadd.s32 $0x2, v1  }
0x51: {  	v43 =	vshrl.u32 v0, $0x7;
	v0 =	vand.u32 $0x7F, v0;
	v45 =	vshrl.u32 v1, $0x7  }
0x52: {  	v27 =	vcvt.s32.f32 v0;
	v0 =	vand.u32 $0x7F, v1;
	v1 =	vadd.s32 $0x2, v4  }
0x53: {  	v24 =	vcvt.s32.f32 v0;
	v0 =	vand.u32 $0x7F, v4;
	v2 =	vand.u32 $0x7F, v1  }
0x54: {  	v34 =	vshrl.u32 v1, $0x7;
	v1 =	vadd.s32 $0x1, v5;
	v20 =	vcvt.s32.f32 v0  }
0x55: {  	v0 =	vadd.s32 $0x1, v4;
	v21 =	vcvt.s32.f32 v2;
	v2 =	vadd.s32 $0x2, v5  }
0x56: {  	v37 =	vshrl.u32 v1, $0x7;
	v32 =	vshrl.u32 v0, $0x7;
	v0 =	vand.u32 $0x7F, v0  }
0x57: {  	v39 =	vshrl.u32 v2, $0x7;
	v62 =	vadd.s32 s13, v37;
	v25 =	vcvt.s32.f32 v0  }
0x58: {  	v0 =	vand.u32 $0x7F, v5;
	v16 =	vadd.s32 s13, v32;
	v63 =	vadd.s32 s13, v39  }
0x59: {  	v22 =	vcvt.s32.f32 v0;
	v0 =	vand.u32 $0x7F, v1;
	v1 =	vadd.s32 $0x2, v3  }
0x5a: {  	v23 =	vcvt.s32.f32 v0;
	v0 =	vand.u32 $0x7F, v2;
	v46 =	vshrl.u32 v1, $0x7  }
0x5b: {  	v2 =	vadd.s32 s2, v29;
	v18 =	vcvt.s32.f32 v0;
	v0 =	vand.u32 $0x7F, v3  }
0x5c: {  	v4 =	vor.u32 v33, v2;
	v5 =	vor.u32 v44, v2;
	v6 =	vor.u32 v28, v2  }
0x5d: {  	v7 =	vor.u32 v38, v2;
	v17 =	vcvt.s32.f32 v0;
	v0 =	vadd.s32 $0x1, v3  }
0x5e: {  	v3 =	vor.u32 v31, v2;
	v2 =	vor.u32 v53, v2;
	vm8 =	vlt.u32 v4, $0x400  }
0x5f: {  	vm7 =	vlt.u32 v5, $0x400;
	vm6 =	vlt.u32 v6, $0x400;
	vm5 =	vlt.u32 v7, $0x400  }
0x60: {  	v6 =	vadd.s32 s13, v43;
	v7 =	vadd.s32 s13, v45;
	v42 =	vshrl.u32 v0, $0x7  }
0x61: {  	s12 =	simm.s32 $0x1;
	v0 =	vand.u32 $0x7F, v0;
	vm9 =	vlt.u32 v3, $0x400;
	vm4 =	vlt.u32 v2, $0x400  }
0x62: {  	v2 =	vadd.s32 s12, v29;
	v19 =	vcvt.s32.f32 v0;
	v0 =	vand.u32 $0x7F, v1  }
0x63: {  	v1 =	vadd.s32 $0x2, v58;
	v3 =	vor.u32 v31, v2;
	v4 =	vor.u32 v33, v2  }
0x64: {  	v5 =	vor.u32 v44, v2;
	v36 =	vor.u32 v53, v2;
	v15 =	vor.u32 v28, v2  }
0x65: {  	v2 =	vor.u32 v38, v2;
	v57 =	vshrl.u32 v1, $0x7;
	vm0 =	vlt.u32 v3, $0x400  }
0x66: {  	s28 =	simm.s32 $0x0;
	v3 =	vor.u32 s13, v40;
	vm10 =	vlt.u32 v36, $0x400;
	vm1 =	vlt.u32 v4, $0x400  }
0x67: {  	vm2 =	vlt.u32 v5, $0x400;
	vm11 =	vlt.u32 v15, $0x400;
	v5 =	vor.u32 s28, v43  }
0x68: {  	v3 =	vnsel vm0, $0x180, v3;
	v52 =	vadd.s32 s13, v57;
	v6 =	vnsel vm0, $0x180, v6  }
0x69: {  	v7 =	vnsel vm0, $0x180, v7;
	vm0 =	vlt.u32 v2, $0x400;
	v2 =	vor.u32 s13, v30  }
0x6a: {  	s14 =	simm.s32 $0x2;
	[tilespmem:$0x1FD60] =	vst v0;
	v15 =	vnsel vm1, $0x180, v16;
	v0 =	vnsel vm2, $0x180, v60;
	v62 =	vnsel vm2, $0x180, v62  }
0x6b: {  	[tilespmem:$0x1FD00] =	vst v28;
	v60 =	vadd.s32 s14, v29;
	v63 =	vnsel vm2, $0x180, v63;
	v5 =	vnsel vm9, $0x180, v5  }
0x6c: {  	[tilespmem:$0x1FD10] =	vst v30;
	v61 =	vnsel vm10, $0x180, v52;
	v52 =	vadd.s32 s13, v34;
	v2 =	vnsel vm1, $0x180, v2  }
0x6d: {  	[tilespmem:$0x1FD40] =	vst v35;
	v11 =	vnsel vm0, $0x180, v11;
	v16 =	vnsel vm1, $0x180, v52;
	v52 =	vor.u32 v31, v60  }
0x6e: {  	[tilespmem:$0x1FD30] =	vst v34;
	v12 =	vnsel vm0, $0x180, v12;
	vm3 =	vlt.u32 v52, $0x400;
	v52 =	vor.u32 v33, v60  }
0x6f: {  	[tilespmem:$0x1FD50] =	vst v37;
	v13 =	vnsel vm0, $0x180, v13;
	vm2 =	vlt.u32 v52, $0x400;
	v52 =	vor.u32 v44, v60  }
0x70: {  	[tilespmem:$0x1FD20] =	vst v32;
	vm1 =	vlt.u32 v52, $0x400;
	v52 =	vor.u32 v28, v60;
	v28 =	vadd.s32 s13, v48  }
0x71: {  	[tilespmem:$0x1FD80] =	vst v5;
	vm0 =	vlt.u32 v52, $0x400;
	v52 =	vnsel vm10, $0x180, v28;
	v28 =	vor.u32 s28, v45  }
0x72: {  	v32 =	vor.u32 s28, v32;
	v30 =	vor.u32 s28, v30;
	[tilespmem:$0x1FD70] =	vst v52;
	v5 =	vnsel vm9, $0x180, v28  }
0x73: {  	v52 =	vnsel vm8, $0x180, v32;
	[tilespmem:$0x1FD90] =	vst v5;
	v5 =	vnsel vm8, $0x180, v30;
	v30 =	vor.u32 s28, v34  }
0x74: {  	[tilespmem:$0x1FDA0] =	vst v52;
	v34 =	vor.u32 s28, v35;
	v32 =	vnsel vm8, $0x180, v30  }
0x75: {  	v35 =	vor.u32 s28, v37;
	v37 =	vnsel vm7, $0x180, v34;
	[tilespmem:$0x1FDB0] =	vst v32  }
0x76: {  	v8 =	vor.u32 s13, v41;
	v52 =	vnsel vm7, $0x180, v35;
	v30 =	vor.u32 s28, v39;
	[tilespmem:$0x1FDC0] =	vst v37  }
0x77: {  	v10 =	vadd.s32 s13, v46;
	v34 =	vor.u32 s28, v41;
	[tilespmem:$0x1FDD0] =	vst v52;
	v32 =	vnsel vm7, $0x180, v30  }
0x78: {  	v1 =	vand.u32 $0x7F, v1;
	v35 =	vor.u32 s28, v42;
	v37 =	vnsel vm6, $0x180, v34;
	[tilespmem:$0x1FDE0] =	vst v32  }
0x79: {  	v3 =	vcvt.s32.f32 v3;
	v52 =	vnsel vm6, $0x180, v35;
	v30 =	vor.u32 s28, v46;
	[tilespmem:$0x1FDF0] =	vst v37  }
0x7a: {  	v6 =	vcvt.s32.f32 v6;
	v34 =	vor.u32 s28, v49;
	[tilespmem:$0x1FE10] =	vst v52;
	v32 =	vnsel vm6, $0x180, v30  }
0x7b: {  	v7 =	vcvt.s32.f32 v7;
	v3 =	vadd.f32 v3, v26;
	v37 =	vnsel vm5, $0x180, v34;
	[tilespmem:$0x1FE20] =	vst v32  }
0x7c: {  	s12 =	simm.s32 $0x60;
	v36 =	vcvt.s32.f32 v1;
	v2 =	vcvt.s32.f32 v2;
	v1 =	vadd.f32 v6, v27;
	[tilespmem:$0x1FE40] =	vst v37  }
0x7d: {  	v9 =	vadd.s32 s13, v42;
	s29 =	sand.u32 $0x3FE0, s12;
	v6 =	vcvt.s32.f32 v61;
	v7 =	vadd.f32 v7, v24;
	v52 =	vld [tilespmem:$0x1FD60];
	[tilespmem:s10+$0x60] =	vst v3  }
0x7e: {  	v0 =	vcvt.s32.f32 v0;
	v2 =	vadd.f32 v2, v20;
	v3 =	vand.u32 $0x7F, v54;
	[tilespmem:s29+$0xE880] =	vst v1  }
0x7f: {  	v54 =	vcvt.s32.f32 v3;
	v1 =	vadd.f32 v6, v36;
	v3 =	vcvt.s32.f32 v15;
	[tilespmem:s29+$0x10C80] =	vst v7  }
0x80: {  	v9 =	vnsel vm11, $0x180, v9;
	v0 =	vadd.f32 v0, v22;
	v7 =	vcvt.s32.f32 v16;
	[tilespmem:s10+$0x70] =	vst v2  }
0x81: {  	v6 =	vand.u32 $0x7F, v55;
	[tilespmem:s10+$0x48B0] =	vst v1;
	v1 =	vadd.f32 v3, v25;
	v3 =	vcvt.s32.f32 v62  }
0x82: {  	v55 =	vcvt.s32.f32 v6;
	[tilespmem:s10+$0x80] =	vst v0;
	v0 =	vcvt.s32.f32 v9;
	v6 =	vadd.f32 v7, v21  }
0x83: {  	v8 =	vnsel vm11, $0x180, v8;
	[tilespmem:s10+$0x2470] =	vst v1;
	v1 =	vcvt.s32.f32 v63;
	v3 =	vadd.f32 v3, v23  }
0x84: {  	v10 =	vnsel vm11, $0x180, v10;
	v0 =	vadd.f32 v0, v19;
	[tilespmem:s10+$0x4870] =	vst v6;
	v6 =	vcvt.s32.f32 v8  }
0x85: {  	v52 =	vcvt.s32.f32 v52;
	v1 =	vadd.f32 v1, v18;
	[tilespmem:s10+$0x2480] =	vst v3;
	v3 =	vcvt.s32.f32 v10  }
0x86: {  	v47 =	vshrl.u32 v58, $0x7;
	v2 =	vand.u32 $0x7F, v56;
	[tilespmem:s10+$0x2490] =	vst v0;
	v6 =	vadd.f32 v6, v17  }
0x87: {  	v56 =	vcvt.s32.f32 v2;
	v2 =	vand.u32 $0x7F, v58;
	[tilespmem:s10+$0x4880] =	vst v1;
	v3 =	vadd.f32 v3, v52  }
0x88: {  	v58 =	vcvt.s32.f32 v2;
	v2 =	vand.u32 $0x7F, v59;
	v1 =	vcvt.s32.f32 v11;
	[tilespmem:s10+$0x90] =	vst v6  }
0x89: {  	v59 =	vcvt.s32.f32 v2;
	v2 =	vcvt.s32.f32 v12;
	[tilespmem:s10+$0x4890] =	vst v3  }
0x8a: {  	v1 =	vadd.f32 v1, v54;
	v3 =	vld [tilespmem:$0x1FD70]  }
0x8b: {  	v14 =	vor.u32 s13, v47;
	v2 =	vadd.f32 v2, v55;
	v6 =	vcvt.s32.f32 v13  }
0x8c: {  	v14 =	vnsel vm10, $0x180, v14;
	v7 =	vld [tilespmem:$0x1FD80];
	[tilespmem:s10+$0xA0] =	vst v1  }
0x8d: {  	v0 =	vcvt.s32.f32 v14;
	v6 =	vadd.f32 v6, v56;
	v1 =	vld [tilespmem:$0x1FD90];
	[tilespmem:s10+$0x24A0] =	vst v2  }
0x8e: {  	v2 =	vld [tilespmem:$0x1FDA0]  }
0x8f: {  	v4 =	vor.u32 s28, v40;
	v0 =	vadd.f32 v0, v58;
	v8 =	vld [tilespmem:$0x1FDB0];
	[tilespmem:s10+$0x48A0] =	vst v6;
	v3 =	vcvt.s32.f32 v3  }
0x90: {  	v4 =	vnsel vm9, $0x180, v4;
	v6 =	vld [tilespmem:$0x1FDC0]  }
0x91: {  	v4 =	vcvt.s32.f32 v4;
	v14 =	vld [tilespmem:$0x1FDD0];
	[tilespmem:s10+$0xB0] =	vst v0;
	v3 =	vadd.f32 v3, v59  }
0x92: {  	v0 =	vld [tilespmem:$0x1FDE0];
	[tilespmem:$0x1FE00] =	vst v26  }
0x93: {  	v4 =	vadd.f32 v4, v26;
	v15 =	vld [tilespmem:$0x1FDF0];
	[tilespmem:s10+$0x24B0] =	vst v3  }
0x94: {  	v7 =	vcvt.s32.f32 v7;
	v3 =	vld [tilespmem:$0x1FE10];
	[tilespmem:$0x1FE30] =	vst v27  }
0x95: {  	v16 =	vld [tilespmem:$0x1FE20];
	[tilespmem:s10+$0x0] =	vst v4  }
0x96: {  	s30 =	simm.s32 $0x0;
	v7 =	vadd.f32 v7, v27;
	[tilespmem:$0x1FE50] =	vst v24  }
0x97: {  	s13 =	sand.u32 $0x3FC0, s30;
	v1 =	vcvt.s32.f32 v1;
	[tilespmem:$0x1FE60] =	vst v20  }
0x98: {  	v4 =	vld [tilespmem:$0x1FE40];
	[tilespmem:s13+$0xE880] =	vst v7  }
0x99: {  	v1 =	vadd.f32 v1, v24;
	[tilespmem:$0x1FE70] =	vst v25  }
0x9a: {  	v5 =	vcvt.s32.f32 v5;
	[tilespmem:$0x1FE80] =	vst v21  }
0x9b: {  	v28 =	vor.u32 s28, v48;
	v35 =	vor.u32 s28, v50;
	[tilespmem:s13+$0x10C80] =	vst v1  }
0x9c: {  	v34 =	vor.u32 s28, v47;
	v5 =	vadd.f32 v5, v20;
	v32 =	vor.u32 s28, v51;
	[tilespmem:$0x1FE90] =	vst v22  }
0x9d: {  	v37 =	vnsel vm5, $0x180, v35;
	v35 =	vnsel vm5, $0x180, v32;
	v2 =	vcvt.s32.f32 v2;
	[tilespmem:$0x1FEA0] =	vst v23  }
0x9e: {  	v30 =	vor.u32 s28, v57;
	v34 =	vnsel vm4, $0x180, v34;
	v26 =	vcvt.s32.f32 v35;
	[tilespmem:s10+$0x10] =	vst v5  }
0x9f: {  	v30 =	vnsel vm4, $0x180, v30;
	v8 =	vcvt.s32.f32 v8;
	v2 =	vadd.f32 v2, v25;
	[tilespmem:$0x1FEB0] =	vst v18  }
0xa0: {  	v63 =	vadd.f32 v26, v56;
	v6 =	vcvt.s32.f32 v6;
	v9 =	vcvt.s32.f32 v14;
	[tilespmem:$0x1FEC0] =	vst v17  }
0xa1: {  	v0 =	vcvt.s32.f32 v0;
	v10 =	vcvt.s32.f32 v15;
	v8 =	vadd.f32 v8, v21;
	[tilespmem:s10+$0x2410] =	vst v2  }
0xa2: {  	v6 =	vadd.f32 v6, v22;
	v9 =	vadd.f32 v9, v23;
	v7 =	vcvt.s32.f32 v37;
	[tilespmem:$0x1FED0] =	vst v19  }
0xa3: {  	v32 =	vnsel vm4, $0x180, v28;
	v27 =	vadd.f32 v0, v18;
	v10 =	vadd.f32 v10, v17;
	[tilespmem:s10+$0x4810] =	vst v8  }
0xa4: {  	v3 =	vcvt.s32.f32 v3;
	v11 =	vcvt.s32.f32 v16;
	v0 =	vadd.f32 v7, v55;
	s13 =	simm.s32 $0xC;
	[tilespmem:s10+$0x20] =	vst v6  }
0xa5: {  	v7 =	vor.u32 s13, v40;
	v4 =	vcvt.s32.f32 v4;
	v5 =	vcvt.s32.f32 v34;
	[tilespmem:s10+$0x2420] =	vst v9  }
0xa6: {  	v34 =	vcvt.s32.f32 v32;
	v35 =	vadd.f32 v3, v19;
	v3 =	vcvt.s32.f32 v30;
	[tilespmem:$0x1FEE0] =	vst v36  }
0xa7: {  	v2 =	vadd.f32 v11, v52;
	v1 =	vadd.f32 v4, v54;
	v4 =	vor.u32 v38, v60;
	[tilespmem:$0x1FEF0] =	vst v29  }
0xa8: {  	s31 =	simm.s32 $0x3;
	v62 =	vadd.f32 v5, v58;
	v5 =	vor.u32 v53, v60;
	v61 =	vadd.f32 v34, v59;
	[tilespmem:s10+$0x4820] =	vst v27  }
0xa9: {  	v60 =	vadd.f32 v3, v36;
	v3 =	vadd.s32 s31, v29;
	vm5 =	vlt.u32 v4, $0x400;
	[tilespmem:$0x1FF00] =	vst v31  }
0xaa: {  	s18 =	simm.s32 $0x8;
	vm4 =	vlt.u32 v5, $0x400;
	v5 =	vor.u32 v33, v3;
	v6 =	vor.u32 v31, v3;
	[tilespmem:s10+$0x30] =	vst v10  }
0xab: {  	s16 =	simm.s32 $0x4;
	s15 =	simm.s32 $0xC480;
	s14 =	simm.s32 $0xC480;
	v4 =	vor.u32 v44, v3;
	v36 =	vmovc v33;
	vm6 =	vlt.u32 v6, $0x400;
	v6 =	vadd.s32 s13, v43;
	[tilespmem:s10+$0x2430] =	vst v35  }
.LBB2_2:
0xac: {  	v7 =	vnsel vm6, $0x180, v7;
	v8 =	vadd.s32 s13, v45  }
0xad: {  	v9 =	vadd.s32 s13, v57;
	v6 =	vnsel vm6, $0x180, v6;
	vm8 =	vlt.u32 v5, $0x400  }
0xae: {  	vm10 =	vlt.u32 v4, $0x400;
	v4 =	vor.u32 s18, v43;
	v10 =	vor.u32 s18, v42  }
0xaf: {  	v11 =	vor.u32 s18, v46;
	v12 =	vor.u32 s18, v49;
	v13 =	vor.u32 s18, v50  }
0xb0: {  	v14 =	vor.u32 s18, v51;
	v15 =	vor.u32 s18, v47;
	v16 =	vor.u32 s18, v48  }
0xb1: {  	v30 =	vor.u32 s13, v41;
	v32 =	vadd.s32 s13, v42;
	v22 =	vadd.s32 s13, v46  }
0xb2: {  	v23 =	vor.u32 s13, v49;
	v24 =	vadd.s32 s13, v50;
	v25 =	vadd.s32 s13, v51  }
0xb3: {  	v26 =	vor.u32 s13, v47;
	v27 =	vadd.s32 s13, v48;
	[tilespmem:s15+$0x4830] =	vst v2;
	v2 =	vcvt.s32.f32 v7  }
0xb4: {  	v7 =	vor.u32 v53, v3;
	[tilespmem:s15+$0x40] =	vst v1;
	v1 =	vcvt.s32.f32 v6;
	v6 =	vnsel vm6, $0x180, v8  }
0xb5: {  	v33 =	vld [tilespmem:$0x1FE00];
	v8 =	vor.u32 s18, v39;
	v4 =	vnsel vm3, $0x180, v4;
	v10 =	vnsel vm0, $0x180, v10  }
0xb6: {  	v34 =	vld [tilespmem:$0x1FE30];
	v11 =	vnsel vm0, $0x180, v11;
	v12 =	vnsel vm5, $0x180, v12;
	v13 =	vnsel vm5, $0x180, v13  }
0xb7: {  	v35 =	vld [tilespmem:$0x1FD00];
	v14 =	vnsel vm5, $0x180, v14;
	v15 =	vnsel vm4, $0x180, v15;
	v16 =	vnsel vm4, $0x180, v16  }
0xb8: {  	v17 =	vld [tilespmem:$0x1FD10];
	[tilespmem:s15+$0x4840] =	vst v63;
	vm6 =	vlt.u32 v7, $0x400;
	v4 =	vcvt.s32.f32 v4;
	v10 =	vcvt.s32.f32 v10  }
0xb9: {  	v18 =	vld [tilespmem:$0x1FD20];
	[tilespmem:s14+$0x4850] =	vst v60;
	v60 =	vor.u32 s18, v57;
	v11 =	vcvt.s32.f32 v11;
	v12 =	vcvt.s32.f32 v12  }
0xba: {  	v19 =	vld [tilespmem:$0x1FD30];
	v8 =	vnsel vm1, $0x180, v8;
	v13 =	vcvt.s32.f32 v13;
	v14 =	vcvt.s32.f32 v14  }
0xbb: {  	v21 =	vld [tilespmem:$0x1FD50];
	v15 =	vcvt.s32.f32 v15;
	v16 =	vcvt.s32.f32 v16;
	v26 =	vnsel vm6, $0x180, v26  }
0xbc: {  	v27 =	vnsel vm6, $0x180, v27;
	v60 =	vnsel vm4, $0x180, v60;
	v8 =	vcvt.s32.f32 v8  }
0xbd: {  	[tilespmem:s15+$0x2440] =	vst v0;
	v26 =	vcvt.s32.f32 v26;
	v0 =	vadd.f32 v2, v33;
	v2 =	vcvt.s32.f32 v6  }
0xbe: {  	v6 =	vnsel vm6, $0x180, v9;
	v1 =	vadd.f32 v1, v34;
	v7 =	vor.u32 v35, v3  }
0xbf: {  	v31 =	vld [tilespmem:$0x1FE50];
	[tilespmem:s14+$0x2450] =	vst v61;
	v5 =	vor.u32 s18, v18;
	v9 =	vor.u32 s18, v41;
	v61 =	vor.u32 s13, v17  }
0xc0: {  	[tilespmem:s14+$0x50] =	vst v62;
	v62 =	vadd.s32 s13, v18;
	v63 =	vadd.s32 s13, v19;
	v18 =	vadd.s32 s13, v21  }
0xc1: {  	v4 =	vadd.f32 v4, v34;
	v6 =	vcvt.s32.f32 v6;
	vm7 =	vlt.u32 v7, $0x400  }
0xc2: {  	v7 =	vor.u32 s18, v21;
	v61 =	vnsel vm8, $0x180, v61;
	v62 =	vnsel vm8, $0x180, v62  }
0xc3: {  	v37 =	vld [tilespmem:$0x1FEE0];
	s15 =	sadd.s32 $0xC0, s15;
	v63 =	vnsel vm8, $0x180, v63;
	v18 =	vnsel vm10, $0x180, v18;
	v5 =	vnsel vm2, $0x180, v5  }
0xc4: {  	v20 =	vld [tilespmem:$0x1FD40];
	v9 =	vnsel vm0, $0x180, v9;
	[tilespmem:s15+$0x60] =	vst v0;
	v0 =	vadd.f32 v2, v31;
	v2 =	vor.u32 v38, v3  }
0xc5: {  	v28 =	vld [tilespmem:$0x1FE60];
	v3 =	vor.u32 s18, v40;
	v21 =	vnsel vm7, $0x180, v32;
	v61 =	vcvt.s32.f32 v61  }
0xc6: {  	s12 =	sadd.s32 $0xC0, s12;
	v29 =	vld [tilespmem:$0x1FE80];
	v22 =	vnsel vm7, $0x180, v22;
	v62 =	vcvt.s32.f32 v62;
	v63 =	vcvt.s32.f32 v63  }
0xc7: {  	s19 =	sand.u32 $0x3FE0, s12;
	v7 =	vnsel vm1, $0x180, v7;
	v18 =	vcvt.s32.f32 v18;
	v5 =	vcvt.s32.f32 v5  }
0xc8: {  	v9 =	vcvt.s32.f32 v9;
	[tilespmem:s19+$0xE880] =	vst v1;
	v1 =	vadd.f32 v6, v37;
	vm9 =	vlt.u32 v2, $0x400  }
0xc9: {  	v32 =	vld [tilespmem:$0x1FE70];
	v2 =	vor.u32 s18, v17;
	v6 =	vor.u32 s18, v20;
	v17 =	vor.u32 s13, v20  }
0xca: {  	v3 =	vnsel vm3, $0x180, v3;
	v22 =	vcvt.s32.f32 v22;
	[tilespmem:s19+$0x10C80] =	vst v0;
	v61 =	vadd.f32 v61, v28  }
0xcb: {  	v20 =	vnsel vm7, $0x180, v30;
	v30 =	vadd.f32 v63, v29;
	v3 =	vcvt.s32.f32 v3;
	[tilespmem:s15+$0x48B0] =	vst v1  }
0xcc: {  	v21 =	vcvt.s32.f32 v21;
	v23 =	vnsel vm9, $0x180, v23;
	v22 =	vadd.f32 v22, v52;
	[tilespmem:s15+$0x70] =	vst v61  }
0xcd: {  	v25 =	vnsel vm9, $0x180, v25;
	v23 =	vcvt.s32.f32 v23;
	[tilespmem:s15+$0x4870] =	vst v30;
	v3 =	vadd.f32 v3, v33  }
0xce: {  	v0 =	vor.u32 s18, v45;
	v63 =	vld [tilespmem:$0x1FE90];
	v25 =	vcvt.s32.f32 v25;
	v62 =	vadd.f32 v62, v32;
	[tilespmem:s15+$0x4890] =	vst v22  }
0xcf: {  	v7 =	vcvt.s32.f32 v7;
	v0 =	vnsel vm3, $0x180, v0;
	v23 =	vadd.f32 v23, v54;
	[tilespmem:s15+$0x0] =	vst v3  }
0xd0: {  	v17 =	vnsel vm10, $0x180, v17;
	v0 =	vcvt.s32.f32 v0;
	v22 =	vadd.f32 v25, v56;
	[tilespmem:s15+$0x2470] =	vst v62  }
0xd1: {  	s17 =	sadd.s32 $0xFFFFFFA0, s12;
	v24 =	vnsel vm9, $0x180, v24;
	v2 =	vnsel vm2, $0x180, v2;
	v17 =	vcvt.s32.f32 v17;
	[tilespmem:s15+$0xA0] =	vst v23  }
0xd2: {  	s17 =	sand.u32 $0x3FC0, s17;
	v6 =	vnsel vm1, $0x180, v6;
	v1 =	vor.u32 s18, v19;
	v0 =	vadd.f32 v0, v31;
	[tilespmem:s15+$0x48A0] =	vst v22  }
0xd3: {  	v2 =	vcvt.s32.f32 v2;
	v1 =	vnsel vm2, $0x180, v1;
	v30 =	vld [tilespmem:$0x1FEA0];
	v17 =	vadd.f32 v17, v63;
	[tilespmem:s17+$0xE880] =	vst v4  }
0xd4: {  	v6 =	vcvt.s32.f32 v6;
	v61 =	vld [tilespmem:$0x1FEB0];
	v1 =	vcvt.s32.f32 v1;
	v23 =	vadd.f32 v26, v58;
	[tilespmem:s17+$0x10C80] =	vst v0  }
0xd5: {  	v19 =	vadd.s32 s13, v39;
	v2 =	vadd.f32 v2, v28;
	v3 =	vadd.f32 v5, v32;
	[tilespmem:s15+$0x80] =	vst v17  }
0xd6: {  	v19 =	vnsel vm10, $0x180, v19;
	v25 =	vld [tilespmem:$0x1FEF0];
	v5 =	vadd.f32 v1, v29;
	v4 =	vadd.f32 v6, v63;
	[tilespmem:s15+$0xB0] =	vst v23  }
0xd7: {  	v19 =	vcvt.s32.f32 v19;
	v28 =	vld [tilespmem:$0x1FF00];
	v1 =	vadd.f32 v12, v54;
	v63 =	vadd.f32 v14, v56;
	[tilespmem:s15+$0x10] =	vst v2  }
0xd8: {  	v20 =	vcvt.s32.f32 v20;
	v0 =	vadd.f32 v13, v55;
	v18 =	vadd.f32 v18, v30;
	[tilespmem:s15+$0x2410] =	vst v3  }
0xd9: {  	v62 =	vadd.f32 v19, v61;
	v19 =	vcvt.s32.f32 v27;
	v27 =	vld [tilespmem:$0x1FEC0];
	v6 =	vadd.f32 v7, v30;
	[tilespmem:s15+$0x4810] =	vst v5  }
0xda: {  	v24 =	vcvt.s32.f32 v24;
	v8 =	vadd.f32 v8, v61;
	v2 =	vadd.f32 v11, v52;
	[tilespmem:s15+$0x20] =	vst v4  }
0xdb: {  	v61 =	vadd.f32 v16, v59;
	v26 =	vadd.s32 s16, v25;
	[tilespmem:s15+$0x4880] =	vst v62;
	v62 =	vld [tilespmem:$0x1FED0];
	v17 =	vadd.f32 v19, v59  }
0xdc: {  	[tilespmem:s15+$0x2480] =	vst v18;
	v31 =	vor.u32 v28, v26;
	v33 =	vor.u32 v36, v26;
	v7 =	vor.u32 v44, v26  }
0xdd: {  	v34 =	vor.u32 v35, v26;
	v35 =	vor.u32 v38, v26;
	v3 =	vor.u32 v53, v26;
	[tilespmem:s15+$0x2420] =	vst v6  }
0xde: {  	[tilespmem:s15+$0x4820] =	vst v8;
	vm3 =	vlt.u32 v31, $0x400;
	vm2 =	vlt.u32 v33, $0x400;
	v18 =	vadd.f32 v20, v27  }
0xdf: {  	p0 =	slt.u32 s16, $0x5E;
	vm1 =	vlt.u32 v7, $0x400;
	vm0 =	vlt.u32 v34, $0x400;
	[tilespmem:s15+$0x24B0] =	vst v17;
	v9 =	vadd.f32 v9, v27  }
.Ltmp0:
0xe0: {  	s31 =	sadd.s32 $0x1, s16;
	s13 =	sadd.s32 $0x8, s13;
	vm5 =	vlt.u32 v35, $0x400;
	vm4 =	vlt.u32 v3, $0x400;
	v21 =	vadd.f32 v21, v62;
	[tilespmem:s15+$0x90] =	vst v18;
	(pc) =	sbr.rel @p0 .LBB2_2-.Ltmp0, $4  }
0xe1: {  	v3 =	vadd.s32 s31, v25;
	v7 =	vor.u32 s13, v40;
	v10 =	vadd.f32 v10, v62;
	[tilespmem:s15+$0x30] =	vst v9  }
0xe2: {  	v6 =	vor.u32 v28, v3;
	[tilespmem:s15+$0x2490] =	vst v21;
	v21 =	vadd.f32 v24, v55;
	v24 =	vcvt.s32.f32 v60  }
0xe3: {  	v5 =	vor.u32 v36, v3;
	v4 =	vor.u32 v44, v3;
	vm6 =	vlt.u32 v6, $0x400;
	[tilespmem:s15+$0x2430] =	vst v10  }
0xe4: {  	s14 =	smov.u32 s15;
	s18 =	sadd.s32 $0xFFFFFFFC, s13;
	s16 =	sadd.s32 $0x2, s16;
	v6 =	vadd.s32 s13, v43;
	v62 =	vadd.f32 v15, v58;
	[tilespmem:s15+$0x24A0] =	vst v21;
	v60 =	vadd.f32 v24, v37  }
0xe5: {  	v10 =	vor.u32 v53, v3;
	v53 =	vld [tilespmem:$0x1FE00]  }
0xe6: {  	v28 =	vld [tilespmem:$0x1FE30]  }
0xe7: {  	v33 =	vld [tilespmem:$0x1FD00]  }
0xe8: {  	v44 =	vld [tilespmem:$0x1FE50]  }
0xe9: {  	v35 =	vld [tilespmem:$0x1FEE0]  }
0xea: {  	v18 =	vld [tilespmem:$0x1FD10]  }
0xeb: {  	v19 =	vld [tilespmem:$0x1FD20]  }
0xec: {  	v20 =	vld [tilespmem:$0x1FD30]  }
0xed: {  	v21 =	vld [tilespmem:$0x1FD40]  }
0xee: {  	v22 =	vld [tilespmem:$0x1FD50];
	[tilespmem:s15+$0x4830] =	vst v2  }
0xef: {  	v7 =	vnsel vm6, $0x180, v7;
	v8 =	vadd.s32 s13, v45;
	[tilespmem:s15+$0x40] =	vst v1  }
0xf0: {  	v9 =	vadd.s32 s13, v57;
	v6 =	vnsel vm6, $0x180, v6;
	[tilespmem:s15+$0x2440] =	vst v0;
	v7 =	vcvt.s32.f32 v7  }
0xf1: {  	[tilespmem:s15+$0x4840] =	vst v63;
	v6 =	vcvt.s32.f32 v6;
	v8 =	vnsel vm6, $0x180, v8;
	vm6 =	vlt.u32 v10, $0x400  }
0xf2: {  	[tilespmem:s14+$0x50] =	vst v62;
	v8 =	vcvt.s32.f32 v8;
	v9 =	vnsel vm6, $0x180, v9;
	v7 =	vadd.f32 v7, v53  }
0xf3: {  	s16 =	sadd.s32 $0xC0, s12;
	s20 =	sadd.s32 $0xC0, s15;
	[tilespmem:s14+$0x2450] =	vst v61;
	v9 =	vcvt.s32.f32 v9;
	v6 =	vadd.f32 v6, v28  }
0xf4: {  	s21 =	sand.u32 $0x3FE0, s16;
	v8 =	vadd.f32 v8, v44;
	[tilespmem:s20+$0x60] =	vst v7  }
0xf5: {  	vm9 =	vlt.u32 v4, $0x400;
	v4 =	vadd.f32 v9, v35;
	[tilespmem:s21+$0xE880] =	vst v6  }
0xf6: {  	[tilespmem:s21+$0x10C80] =	vst v8  }
0xf7: {  	vm10 =	vlt.u32 v5, $0x400;
	[tilespmem:s20+$0x48B0] =	vst v4  }
0xf8: {  	v10 =	vor.u32 v33, v3;
	v0 =	vor.u32 s13, v18;
	v34 =	vadd.s32 s13, v20;
	v26 =	vld [tilespmem:$0x1FE60];
	[tilespmem:s14+$0x4850] =	vst v60  }
0xf9: {  	vm8 =	vlt.u32 v10, $0x400;
	v10 =	vor.u32 s18, v18;
	v18 =	vnsel vm10, $0x180, v34;
	v34 =	vld [tilespmem:$0x1FE70]  }
0xfa: {  	v1 =	vadd.s32 s13, v19;
	v0 =	vnsel vm10, $0x180, v0  }
0xfb: {  	v1 =	vnsel vm10, $0x180, v1;
	v0 =	vcvt.s32.f32 v0  }
0xfc: {  	v1 =	vcvt.s32.f32 v1  }
0xfd: {  	v0 =	vadd.f32 v0, v26  }
0xfe: {  	v1 =	vadd.f32 v1, v34  }
0xff: {  	[tilespmem:s20+$0x70] =	vst v0  }
0x100: {  	v27 =	vld [tilespmem:$0x1FE80];
	[tilespmem:s20+$0x2470] =	vst v1  }
0x101: {  	v30 =	vld [tilespmem:$0x1FE90]  }
0x102: {  	v36 =	vor.u32 s13, v21  }
0x103: {  	v11 =	vor.u32 s18, v19;
	v19 =	vnsel vm9, $0x180, v36;
	v18 =	vcvt.s32.f32 v18  }
0x104: {  	v19 =	vcvt.s32.f32 v19  }
0x105: {  	v5 =	vor.u32 s18, v40;
	v0 =	vadd.f32 v18, v27  }
0x106: {  	v15 =	vor.u32 s18, v39;
	v16 =	vor.u32 s18, v41;
	v1 =	vadd.f32 v19, v30  }
0x107: {  	v2 =	vor.u32 s18, v42;
	v17 =	vor.u32 s18, v46;
	v40 =	vor.u32 s18, v49;
	[tilespmem:s20+$0x4870] =	vst v0  }
0x108: {  	v31 =	vor.u32 s18, v47;
	v29 =	vor.u32 s18, v48;
	v39 =	vadd.s32 s13, v39;
	v32 =	vld [tilespmem:$0x1FEA0];
	[tilespmem:s20+$0x80] =	vst v1  }
0x109: {  	v9 =	vor.u32 s18, v43;
	v43 =	vor.u32 s18, v57;
	v37 =	vadd.s32 s13, v22;
	v57 =	vld [tilespmem:$0x1FEB0]  }
0x10a: {  	v23 =	vadd.s32 s13, v46;
	v12 =	vor.u32 s18, v20;
	v20 =	vnsel vm9, $0x180, v37  }
0x10b: {  	v13 =	vor.u32 s18, v21;
	v21 =	vnsel vm9, $0x180, v39;
	v20 =	vcvt.s32.f32 v20  }
0x10c: {  	v24 =	vor.u32 s13, v49;
	v5 =	vnsel vm3, $0x180, v5;
	v21 =	vcvt.s32.f32 v21  }
0x10d: {  	v25 =	vadd.s32 s13, v51;
	v5 =	vcvt.s32.f32 v5;
	v0 =	vadd.f32 v20, v32  }
0x10e: {  	v3 =	vor.u32 v38, v3;
	v14 =	vor.u32 s18, v22;
	v1 =	vadd.f32 v21, v57  }
0x10f: {  	v38 =	vor.u32 s18, v50;
	v33 =	vor.u32 s18, v51;
	v5 =	vadd.f32 v5, v53;
	[tilespmem:s20+$0x2480] =	vst v0  }
0x110: {  	vm7 =	vlt.u32 v3, $0x400;
	v3 =	vor.u32 s18, v45;
	v45 =	vor.u32 s13, v41;
	v61 =	vld [tilespmem:$0x1FEC0];
	[tilespmem:s20+$0x4880] =	vst v1  }
0x111: {  	v7 =	vadd.s32 s13, v42;
	v51 =	vnsel vm8, $0x180, v23;
	v3 =	vnsel vm3, $0x180, v3;
	v63 =	vld [tilespmem:$0x1FED0]  }
0x112: {  	v6 =	vadd.s32 s13, v50;
	v50 =	vnsel vm8, $0x180, v45;
	v3 =	vcvt.s32.f32 v3  }
0x113: {  	v8 =	vor.u32 s13, v47;
	v7 =	vnsel vm8, $0x180, v7;
	v18 =	vcvt.s32.f32 v50  }
0x114: {  	s22 =	sadd.s32 $0xFFFFFFA0, s16;
	v4 =	vadd.s32 s13, v48;
	v7 =	vcvt.s32.f32 v7;
	v3 =	vadd.f32 v3, v44  }
0x115: {  	s13 =	sand.u32 $0x3FC0, s22;
	v60 =	vnsel vm7, $0x180, v24;
	v19 =	vcvt.s32.f32 v51;
	[tilespmem:s20+$0x0] =	vst v5;
	v0 =	vadd.f32 v18, v61  }
0x116: {  	v6 =	vnsel vm7, $0x180, v6;
	v62 =	vcvt.s32.f32 v60;
	[tilespmem:s13+$0x10C80] =	vst v3;
	v1 =	vadd.f32 v7, v63  }
0x117: {  	v6 =	vcvt.s32.f32 v6;
	v7 =	vnsel vm7, $0x180, v25;
	[tilespmem:s20+$0x90] =	vst v0;
	v0 =	vadd.f32 v19, v52  }
0x118: {  	v8 =	vnsel vm6, $0x180, v8;
	v7 =	vcvt.s32.f32 v7;
	[tilespmem:s20+$0x2490] =	vst v1;
	v1 =	vadd.f32 v62, v54  }
0x119: {  	v4 =	vnsel vm6, $0x180, v4;
	v8 =	vcvt.s32.f32 v8;
	[tilespmem:s20+$0x4890] =	vst v0;
	v0 =	vadd.f32 v6, v55  }
0x11a: {  	v4 =	vcvt.s32.f32 v4;
	v6 =	vnsel vm3, $0x180, v9;
	[tilespmem:s20+$0xA0] =	vst v1;
	v1 =	vadd.f32 v7, v56  }
0x11b: {  	v5 =	vnsel vm1, $0x180, v13;
	v6 =	vcvt.s32.f32 v6;
	[tilespmem:s20+$0x24A0] =	vst v0;
	v0 =	vadd.f32 v8, v58  }
0x11c: {  	v5 =	vcvt.s32.f32 v5;
	v3 =	vnsel vm1, $0x180, v15;
	[tilespmem:s20+$0x48A0] =	vst v1;
	v1 =	vadd.f32 v4, v59  }
0x11d: {  	v3 =	vcvt.s32.f32 v3;
	v4 =	vnsel vm2, $0x180, v10;
	v6 =	vadd.f32 v6, v28;
	[tilespmem:s20+$0xB0] =	vst v0  }
0x11e: {  	v5 =	vadd.f32 v5, v30;
	v0 =	vnsel vm2, $0x180, v11;
	v4 =	vcvt.s32.f32 v4;
	[tilespmem:s20+$0x24B0] =	vst v1  }
0x11f: {  	v3 =	vadd.f32 v3, v57;
	v1 =	vnsel vm2, $0x180, v12;
	v0 =	vcvt.s32.f32 v0;
	[tilespmem:s13+$0xE880] =	vst v6  }
0x120: {  	v6 =	vnsel vm1, $0x180, v14;
	v1 =	vcvt.s32.f32 v1;
	v4 =	vadd.f32 v4, v26;
	[tilespmem:s20+$0x20] =	vst v5  }
0x121: {  	v6 =	vcvt.s32.f32 v6;
	v5 =	vnsel vm5, $0x180, v40;
	[tilespmem:s20+$0x4820] =	vst v3;
	v0 =	vadd.f32 v0, v34  }
0x122: {  	v5 =	vcvt.s32.f32 v5;
	v1 =	vadd.f32 v1, v27;
	[tilespmem:s20+$0x10] =	vst v4;
	v4 =	vnsel vm0, $0x180, v16  }
0x123: {  	[tilespmem:s20+$0x2410] =	vst v0;
	v0 =	vnsel vm0, $0x180, v2;
	v2 =	vcvt.s32.f32 v4;
	v4 =	vadd.f32 v6, v32  }
0x124: {  	v5 =	vadd.f32 v5, v54;
	[tilespmem:s20+$0x4810] =	vst v1;
	v1 =	vnsel vm0, $0x180, v17;
	v0 =	vcvt.s32.f32 v0  }
0x125: {  	v3 =	vnsel vm5, $0x180, v33;
	v1 =	vcvt.s32.f32 v1;
	v2 =	vadd.f32 v2, v61;
	[tilespmem:s20+$0x2420] =	vst v4  }
0x126: {  	v3 =	vcvt.s32.f32 v3;
	v4 =	vnsel vm5, $0x180, v38;
	[tilespmem:s20+$0x40] =	vst v5;
	v0 =	vadd.f32 v0, v63  }
0x127: {  	v4 =	vcvt.s32.f32 v4;
	v1 =	vadd.f32 v1, v52;
	[tilespmem:s20+$0x30] =	vst v2;
	v2 =	vnsel vm4, $0x180, v31  }
0x128: {  	v3 =	vadd.f32 v3, v56;
	[tilespmem:s20+$0x2430] =	vst v0;
	v0 =	vnsel vm4, $0x180, v29;
	v2 =	vcvt.s32.f32 v2  }
0x129: {  	v4 =	vadd.f32 v4, v55;
	[tilespmem:s20+$0x4830] =	vst v1;
	v1 =	vnsel vm4, $0x180, v43;
	v0 =	vcvt.s32.f32 v0  }
0x12a: {  	[tilespmem:s20+$0x4840] =	vst v3;
	v1 =	vcvt.s32.f32 v1;
	v2 =	vadd.f32 v2, v58  }
0x12b: {  	[tilespmem:s20+$0x2440] =	vst v4;
	v0 =	vadd.f32 v0, v59  }
0x12c: {  	v1 =	vadd.f32 v1, v35;
	[tilespmem:s20+$0x50] =	vst v2  }
0x12d: {  	[tilespmem:s20+$0x2450] =	vst v0  }
0x12e: {  	s23 =	simm.s32 $0x0;
	s12 =	simm.s32 $0xC480;
	[tilespmem:s20+$0x4850] =	vst v1  }
0x12f: {  	[hbm4b:s4+s23] =	stream.linear.scatter [tilespmem:s12], [sflag:$0x1], $0x6C00, $0x38;
	[tilespmem:$0x13080] =	vst v63  }
0x130: {  	_ =	swait.ge [sflag:s9], $0x6C00  }
0x131: {  	v0 =	vld [tilespmem:$0x1FF20];
	_ =	sdelay $0x5  }
0x132: {  	[sflag:s9] =	ssyncset.done $0x0  }
0x133: {  	[sflag:s9] =	ssyncadd.s32 $0xFFFF9400  }
0x134: {  	v0 =	vld.idx.msk [tilespmem:v0+s23+$0x0], $0xffff;
	_ =	sdelay $0x4  }
0x135: {  	v1 =	vshra.s32 v0, $0x1F;
	v2 =	vand.u32 $0x7F, v0  }
0x136: {  	vm0 =	vlt.s32 v0, $0x1;
	v1 =	vshrl.u32 v1, $0x19;
	vm1 =	vne.s32 v2, $0x0  }
0x137: {  	v5 =	vimm.s32 $0x0;
	v1 =	vadd.s32 v1, v0;
	vm0 =	vmand vm0, vm1  }
0x138: {  	v1 =	vshra.s32 v1, $0x7;
	v2 =	vsel vm0, $0xFFFFFFFF, v5  }
0x139: {  	v1 =	vadd.s32 v2, v1  }
0x13a: {  	v0 =	vshll.u32 v0, $0x3;
	v2 =	vshll.u32 v1, $0xA  }
0x13b: {  	v0 =	vsub.s32 v0, v2  }
0x13c: {  	v2 =	vadd.s32 $0xFFFFFFD4, v0  }
0x13d: {  	vm0 =	vgt.s32 v2, $0x0  }
0x13e: {  	v2 =	vnsel vm0, $0x0, v2  }
0x13f: {  	v3 =	vmin.u32 v2, $0x3A0  }
0x140: {  	v3 =	vmul.u32 $0x3, v3;
	_ =	sdelay $0x1  }
0x141: {  	v4 =	vand.u32 $0x7F, v3  }
0x142: {  	vm0 =	veq.s32 v2, $0x0;
	vm1 =	vne.s32 v4, $0x0  }
0x143: {  	vm0 =	vmand vm0, vm1  }
0x144: {  	v4 =	vld [tilespmem:$0x1FF90];
	v2 =	vsel vm0, $0xFFFFFFFF, v5  }
0x145: {  	v2 =	vshll.u32 v2, $0x7  }
0x146: {  	v2 =	vadd.s32 v3, v2  }
0x147: {  	v3 =	vmul.u32 $0x3, v0;
	v2 =	vand.u32 $0xFFFFFF80, v2  }
0x148: {  	vm0 =	vlt.s32 v2, $0xA00  }
0x149: {  	v4 =	vadd.s32 v4, v3;
	v2 =	vnsel vm0, $0xA00, v2  }
0x14a: {  	v7 =	vld [tilespmem:$0x1FFC0];
	v4 =	vsub.s32 v4, v2  }
0x14b: {  	v1 =	vshll.u32 v1, $0x3;
	v5 =	vld [tilespmem:$0x1FFB0];
	vm0 =	vgt.s32 v4, $0x0  }
0x14c: {  	v29 =	vadd.s32 $0xFFFFFFD4, v1;
	v1 =	vnsel vm0, $0x0, v4;
	v4 =	vld [tilespmem:$0x1FFA0]  }
0x14d: {  	v6 =	vld [tilespmem:$0x1FFD0];
	_ =	sdelay $0x1  }
0x14e: {  	v44 =	vadd.s32 v7, v0;
	v7 =	vld [tilespmem:$0x1FF60]  }
0x14f: {  	v33 =	vadd.s32 v5, v0;
	v5 =	vld [tilespmem:$0x1FF70]  }
0x150: {  	v31 =	vadd.s32 v4, v0;
	v4 =	vld [tilespmem:$0x1FF80]  }
0x151: {  	v28 =	vadd.s32 v6, v0  }
0x152: {  	s28 =	simm.s32 $0x2;
	v6 =	vmul.u32 $0x3, v28  }
0x153: {  	v8 =	vld [tilespmem:$0x1FF50];
	v60 =	vadd.s32 s28, v29;
	v7 =	vadd.s32 v7, v3  }
0x154: {  	v6 =	vsub.s32 v6, v2;
	v7 =	vsub.s32 v7, v2;
	v1 =	vmin.u32 v1, $0x1FD  }
0x155: {  	v5 =	vadd.s32 v5, v3;
	v40 =	vshrl.u32 v1, $0x7;
	v4 =	vadd.s32 v4, v3  }
0x156: {  	v5 =	vsub.s32 v5, v2;
	v63 =	vor.u32 v31, v60;
	v4 =	vsub.s32 v4, v2  }
0x157: {  	vm3 =	vlt.u32 v63, $0x400;
	v63 =	vor.u32 v33, v60;
	vm0 =	vgt.s32 v4, $0x0  }
0x158: {  	v3 =	vadd.s32 v8, v3;
	v4 =	vnsel vm0, $0x0, v4;
	vm0 =	vgt.s32 v5, $0x0  }
0x159: {  	v2 =	vsub.s32 v3, v2;
	v5 =	vnsel vm0, $0x0, v5;
	vm0 =	vgt.s32 v6, $0x0  }
0x15a: {  	v4 =	vmin.u32 v4, $0x1FD;
	v5 =	vmin.u32 v5, $0x1FD;
	v6 =	vnsel vm0, $0x0, v6  }
0x15b: {  	vm0 =	vgt.s32 v7, $0x0;
	v30 =	vshrl.u32 v4, $0x7;
	v3 =	vmin.u32 v6, $0x1FD  }
0x15c: {  	v6 =	vnsel vm0, $0x0, v7;
	vm0 =	vgt.s32 v2, $0x0;
	v7 =	vld [tilespmem:$0x1FFE0];
	v35 =	vshrl.u32 v5, $0x7  }
0x15d: {  	s25 =	simm.s32 $0x4;
	v54 =	vmin.u32 v6, $0x1FD;
	v2 =	vnsel vm0, $0x0, v2;
	v6 =	vld [tilespmem:$0x1FFF0];
	v41 =	vshrl.u32 v3, $0x7  }
0x15e: {  	v11 =	vor.u32 s25, v35;
	v58 =	vmin.u32 v2, $0x1FD;
	v49 =	vshrl.u32 v54, $0x7  }
0x15f: {  	v55 =	vadd.s32 $0x1, v54;
	v56 =	vadd.s32 $0x2, v54;
	v14 =	vor.u32 s25, v41  }
0x160: {  	v50 =	vshrl.u32 v55, $0x7;
	v51 =	vshrl.u32 v56, $0x7;
	v59 =	vadd.s32 $0x1, v58  }
0x161: {  	v36 =	vor.u32 s25, v49;
	v48 =	vshrl.u32 v59, $0x7;
	v52 =	vadd.s32 s25, v50  }
0x162: {  	v38 =	vadd.s32 v7, v0;
	v53 =	vadd.s32 v6, v0;
	v0 =	vand.u32 $0x7F, v1  }
0x163: {  	v61 =	vadd.s32 s25, v51;
	v26 =	vcvt.s32.f32 v0;
	v0 =	vadd.s32 $0x1, v1  }
0x164: {  	v1 =	vadd.s32 $0x2, v1;
	v43 =	vshrl.u32 v0, $0x7;
	v0 =	vand.u32 $0x7F, v0  }
0x165: {  	v45 =	vshrl.u32 v1, $0x7;
	v27 =	vcvt.s32.f32 v0;
	v0 =	vand.u32 $0x7F, v1  }
0x166: {  	v1 =	vadd.s32 $0x2, v4;
	v24 =	vcvt.s32.f32 v0;
	v0 =	vand.u32 $0x7F, v4  }
0x167: {  	v2 =	vand.u32 $0x7F, v1;
	v34 =	vshrl.u32 v1, $0x7;
	v1 =	vadd.s32 $0x1, v5  }
0x168: {  	v20 =	vcvt.s32.f32 v0;
	v0 =	vadd.s32 $0x1, v4;
	v21 =	vcvt.s32.f32 v2  }
0x169: {  	v2 =	vadd.s32 $0x2, v5;
	v37 =	vshrl.u32 v1, $0x7;
	v10 =	vadd.s32 s25, v34  }
0x16a: {  	v32 =	vshrl.u32 v0, $0x7;
	v0 =	vand.u32 $0x7F, v0;
	v39 =	vshrl.u32 v2, $0x7  }
0x16b: {  	s26 =	simm.s32 $0x0;
	v12 =	vadd.s32 s25, v37;
	v25 =	vcvt.s32.f32 v0;
	v0 =	vand.u32 $0x7F, v5  }
0x16c: {  	v9 =	vadd.s32 s25, v32;
	v13 =	vadd.s32 s25, v39;
	[tilespmem:$0x1FB10] =	vst v32;
	v32 =	vor.u32 s26, v32  }
0x16d: {  	v22 =	vcvt.s32.f32 v0;
	v0 =	vand.u32 $0x7F, v1;
	v1 =	vadd.s32 $0x2, v3  }
0x16e: {  	v23 =	vcvt.s32.f32 v0;
	v0 =	vand.u32 $0x7F, v2;
	v46 =	vshrl.u32 v1, $0x7  }
0x16f: {  	v2 =	vadd.s32 s23, v29;
	v18 =	vcvt.s32.f32 v0;
	v0 =	vand.u32 $0x7F, v3  }
0x170: {  	v4 =	vor.u32 v33, v2;
	v5 =	vor.u32 v44, v2;
	v6 =	vor.u32 v28, v2  }
0x171: {  	v7 =	vor.u32 v38, v2;
	v17 =	vcvt.s32.f32 v0;
	v0 =	vadd.s32 $0x1, v3  }
0x172: {  	v3 =	vor.u32 v31, v2;
	v2 =	vor.u32 v53, v2;
	vm8 =	vlt.u32 v4, $0x400  }
0x173: {  	vm7 =	vlt.u32 v5, $0x400;
	vm6 =	vlt.u32 v6, $0x400;
	vm5 =	vlt.u32 v7, $0x400  }
0x174: {  	v6 =	vadd.s32 s25, v43;
	v7 =	vadd.s32 s25, v45;
	v42 =	vshrl.u32 v0, $0x7  }
0x175: {  	s24 =	simm.s32 $0x1;
	v0 =	vand.u32 $0x7F, v0;
	vm14 =	vlt.u32 v3, $0x400;
	vm4 =	vlt.u32 v2, $0x400  }
0x176: {  	v2 =	vadd.s32 s24, v29;
	v19 =	vcvt.s32.f32 v0;
	v0 =	vand.u32 $0x7F, v1  }
0x177: {  	v1 =	vadd.s32 $0x2, v58;
	v3 =	vor.u32 v31, v2;
	v4 =	vor.u32 v33, v2  }
0x178: {  	v5 =	vor.u32 v44, v2;
	v8 =	vor.u32 v53, v2;
	v16 =	vor.u32 v28, v2  }
0x179: {  	[tilespmem:$0x1FAF0] =	vst v28;
	v2 =	vor.u32 v38, v2;
	v28 =	vor.u32 v28, v60;
	v57 =	vshrl.u32 v1, $0x7  }
0x17a: {  	vm0 =	vlt.u32 v3, $0x400;
	v3 =	vor.u32 s25, v40;
	vm15 =	vlt.u32 v8, $0x400  }
0x17b: {  	vm1 =	vlt.u32 v4, $0x400;
	vm2 =	vlt.u32 v5, $0x400;
	vm11 =	vlt.u32 v16, $0x400  }
0x17c: {  	v5 =	vor.u32 s26, v43;
	v16 =	vadd.s32 s25, v46;
	v1 =	vand.u32 $0x7F, v1  }
0x17d: {  	v3 =	vnsel vm0, $0x180, v3;
	v15 =	vadd.s32 s25, v57;
	v6 =	vnsel vm0, $0x180, v6  }
0x17e: {  	v7 =	vnsel vm0, $0x180, v7;
	vm0 =	vlt.u32 v2, $0x400;
	v2 =	vor.u32 s25, v30  }
0x17f: {  	v9 =	vnsel vm1, $0x180, v9;
	v10 =	vnsel vm1, $0x180, v10;
	v11 =	vnsel vm2, $0x180, v11  }
0x180: {  	[tilespmem:$0x1FB00] =	vst v30;
	v12 =	vnsel vm2, $0x180, v12;
	v13 =	vnsel vm2, $0x180, v13;
	v14 =	vnsel vm11, $0x180, v14  }
0x181: {  	[tilespmem:$0x1FB30] =	vst v35;
	v16 =	vnsel vm11, $0x180, v16;
	vm2 =	vlt.u32 v63, $0x400;
	v63 =	vor.u32 v44, v60  }
0x182: {  	[tilespmem:$0x1FB20] =	vst v34;
	v5 =	vnsel vm14, $0x180, v5;
	v30 =	vor.u32 s26, v30;
	v2 =	vnsel vm1, $0x180, v2  }
0x183: {  	[tilespmem:$0x1FB50] =	vst v0;
	v0 =	vnsel vm0, $0x180, v36;
	vm1 =	vlt.u32 v63, $0x400;
	v63 =	vnsel vm0, $0x180, v52  }
0x184: {  	[tilespmem:$0x1FB40] =	vst v37;
	v61 =	vnsel vm0, $0x180, v61;
	vm0 =	vlt.u32 v28, $0x400;
	v28 =	vadd.s32 s25, v48  }
0x185: {  	v3 =	vcvt.s32.f32 v3;
	[tilespmem:$0x1FB70] =	vst v5;
	v52 =	vnsel vm15, $0x180, v28;
	v28 =	vor.u32 s26, v45  }
0x186: {  	v8 =	vnsel vm15, $0x180, v15;
	v15 =	vadd.s32 s25, v42;
	[tilespmem:$0x1FB60] =	vst v52;
	v5 =	vnsel vm14, $0x180, v28  }
0x187: {  	v52 =	vnsel vm8, $0x180, v32;
	[tilespmem:$0x1FB80] =	vst v5;
	v5 =	vnsel vm8, $0x180, v30;
	v30 =	vor.u32 s26, v34  }
0x188: {  	v6 =	vcvt.s32.f32 v6;
	[tilespmem:$0x1FB90] =	vst v52;
	v34 =	vor.u32 s26, v35;
	v32 =	vnsel vm8, $0x180, v30  }
0x189: {  	v7 =	vcvt.s32.f32 v7;
	v35 =	vor.u32 s26, v37;
	v37 =	vnsel vm7, $0x180, v34;
	[tilespmem:$0x1FBA0] =	vst v32  }
0x18a: {  	v2 =	vcvt.s32.f32 v2;
	v52 =	vnsel vm7, $0x180, v35;
	v30 =	vor.u32 s26, v39;
	[tilespmem:$0x1FBB0] =	vst v37  }
0x18b: {  	v28 =	vor.u32 s26, v48;
	v34 =	vor.u32 s26, v41;
	[tilespmem:$0x1FBC0] =	vst v52;
	v32 =	vnsel vm7, $0x180, v30  }
0x18c: {  	v3 =	vadd.f32 v3, v26;
	v37 =	vnsel vm6, $0x180, v34;
	v30 =	vor.u32 s26, v46;
	[tilespmem:$0x1FBD0] =	vst v32  }
0x18d: {  	v35 =	vor.u32 s26, v42;
	v34 =	vor.u32 s26, v49;
	[tilespmem:$0x1FBE0] =	vst v37;
	v32 =	vnsel vm6, $0x180, v30  }
0x18e: {  	v52 =	vnsel vm6, $0x180, v35;
	v35 =	vor.u32 s26, v50;
	v37 =	vnsel vm5, $0x180, v34;
	[tilespmem:$0x1FC10] =	vst v32  }
0x18f: {  	v7 =	vadd.f32 v7, v24;
	[tilespmem:$0x1FC30] =	vst v37;
	v37 =	vnsel vm5, $0x180, v35;
	v32 =	vor.u32 s26, v51  }
0x190: {  	s13 =	simm.s32 $0x60;
	[tilespmem:$0x1FC00] =	vst v52;
	v35 =	vnsel vm5, $0x180, v32;
	v32 =	vnsel vm4, $0x180, v28;
	v28 =	vcvt.s32.f32 v1  }
0x191: {  	s29 =	sand.u32 $0x3FE0, s13;
	v52 =	vld [tilespmem:$0x1FB50];
	v1 =	vadd.f32 v6, v27;
	v6 =	vcvt.s32.f32 v8;
	[tilespmem:s12+$0x60] =	vst v3;
	v3 =	vand.u32 $0x7F, v54  }
0x192: {  	v2 =	vadd.f32 v2, v20;
	v54 =	vcvt.s32.f32 v3;
	v3 =	vcvt.s32.f32 v9;
	[tilespmem:s29+$0x10C80] =	vst v7  }
0x193: {  	v7 =	vcvt.s32.f32 v10;
	[tilespmem:s29+$0xE880] =	vst v1;
	v1 =	vadd.f32 v6, v28;
	v6 =	vand.u32 $0x7F, v55  }
0x194: {  	v55 =	vcvt.s32.f32 v6;
	v3 =	vadd.f32 v3, v25;
	[tilespmem:s12+$0x70] =	vst v2;
	v6 =	vcvt.s32.f32 v12  }
0x195: {  	v2 =	vand.u32 $0x7F, v56;
	v7 =	vadd.f32 v7, v21;
	[tilespmem:s12+$0x48B0] =	vst v1;
	v1 =	vcvt.s32.f32 v11  }
0x196: {  	v56 =	vcvt.s32.f32 v2;
	v2 =	vcvt.s32.f32 v13;
	[tilespmem:s12+$0x2470] =	vst v3;
	v6 =	vadd.f32 v6, v23  }
0x197: {  	v15 =	vnsel vm11, $0x180, v15;
	[tilespmem:s12+$0x4870] =	vst v7;
	v7 =	vcvt.s32.f32 v14;
	v1 =	vadd.f32 v1, v22  }
0x198: {  	v52 =	vcvt.s32.f32 v52;
	v2 =	vadd.f32 v2, v18;
	[tilespmem:s12+$0x2480] =	vst v6;
	v6 =	vcvt.s32.f32 v16  }
0x199: {  	v7 =	vadd.f32 v7, v17;
	[tilespmem:s12+$0x80] =	vst v1;
	v1 =	vcvt.s32.f32 v15  }
0x19a: {  	[tilespmem:s12+$0x4880] =	vst v2;
	v6 =	vadd.f32 v6, v52  }
0x19b: {  	[tilespmem:s12+$0x90] =	vst v7;
	v1 =	vadd.f32 v1, v19  }
0x19c: {  	v47 =	vshrl.u32 v58, $0x7;
	v0 =	vcvt.s32.f32 v0;
	[tilespmem:s12+$0x4890] =	vst v6  }
0x19d: {  	v62 =	vor.u32 s25, v47;
	v3 =	vand.u32 $0x7F, v58;
	v2 =	vcvt.s32.f32 v63;
	[tilespmem:s12+$0x2490] =	vst v1  }
0x19e: {  	v0 =	vadd.f32 v0, v54;
	v58 =	vcvt.s32.f32 v3;
	v3 =	vand.u32 $0x7F, v59;
	v6 =	vld [tilespmem:$0x1FB60]  }
0x19f: {  	v59 =	vcvt.s32.f32 v3;
	v3 =	vcvt.s32.f32 v61;
	v2 =	vadd.f32 v2, v55  }
0x1a0: {  	v62 =	vnsel vm15, $0x180, v62;
	v7 =	vld [tilespmem:$0x1FB70];
	[tilespmem:s12+$0xA0] =	vst v0  }
0x1a1: {  	v3 =	vadd.f32 v3, v56;
	v1 =	vcvt.s32.f32 v62;
	v0 =	vld [tilespmem:$0x1FB80];
	[tilespmem:s12+$0x24A0] =	vst v2  }
0x1a2: {  	v2 =	vld [tilespmem:$0x1FB90]  }
0x1a3: {  	v4 =	vor.u32 s26, v40;
	v1 =	vadd.f32 v1, v58;
	v8 =	vld [tilespmem:$0x1FBA0];
	[tilespmem:s12+$0x48A0] =	vst v3;
	v6 =	vcvt.s32.f32 v6  }
0x1a4: {  	v4 =	vnsel vm14, $0x180, v4;
	v3 =	vld [tilespmem:$0x1FBB0]  }
0x1a5: {  	v4 =	vcvt.s32.f32 v4;
	v15 =	vld [tilespmem:$0x1FBC0];
	[tilespmem:s12+$0xB0] =	vst v1;
	v6 =	vadd.f32 v6, v59  }
0x1a6: {  	v1 =	vld [tilespmem:$0x1FBD0];
	[tilespmem:$0x1FBF0] =	vst v26  }
0x1a7: {  	v4 =	vadd.f32 v4, v26;
	v16 =	vld [tilespmem:$0x1FBE0];
	[tilespmem:s12+$0x24B0] =	vst v6  }
0x1a8: {  	v7 =	vcvt.s32.f32 v7;
	v6 =	vld [tilespmem:$0x1FC00];
	[tilespmem:$0x1FC20] =	vst v27  }
0x1a9: {  	v26 =	vld [tilespmem:$0x1FC10];
	[tilespmem:s12+$0x0] =	vst v4  }
0x1aa: {  	s30 =	simm.s32 $0x0;
	v7 =	vadd.f32 v7, v27;
	[tilespmem:$0x1FC40] =	vst v24  }
0x1ab: {  	s14 =	sand.u32 $0x3FC0, s30;
	v0 =	vcvt.s32.f32 v0;
	[tilespmem:$0x1FC50] =	vst v20  }
0x1ac: {  	v4 =	vld [tilespmem:$0x1FC30];
	[tilespmem:s14+$0xE880] =	vst v7  }
0x1ad: {  	v0 =	vadd.f32 v0, v24;
	[tilespmem:$0x1FC60] =	vst v25  }
0x1ae: {  	v5 =	vcvt.s32.f32 v5;
	[tilespmem:$0x1FC70] =	vst v21  }
0x1af: {  	[tilespmem:s14+$0x10C80] =	vst v0  }
0x1b0: {  	v5 =	vadd.f32 v5, v20;
	[tilespmem:$0x1FC80] =	vst v22  }
0x1b1: {  	v34 =	vor.u32 s26, v47;
	v2 =	vcvt.s32.f32 v2;
	[tilespmem:$0x1FC90] =	vst v23  }
0x1b2: {  	v30 =	vor.u32 s26, v57;
	v34 =	vnsel vm4, $0x180, v34;
	[tilespmem:s12+$0x10] =	vst v5  }
0x1b3: {  	v35 =	vcvt.s32.f32 v35;
	v8 =	vcvt.s32.f32 v8;
	v2 =	vadd.f32 v2, v25;
	[tilespmem:$0x1FCA0] =	vst v18  }
0x1b4: {  	v30 =	vnsel vm4, $0x180, v30;
	v3 =	vcvt.s32.f32 v3;
	v9 =	vcvt.s32.f32 v15;
	[tilespmem:$0x1FCB0] =	vst v17  }
0x1b5: {  	v63 =	vadd.f32 v35, v56;
	v1 =	vcvt.s32.f32 v1;
	v8 =	vadd.f32 v8, v21;
	[tilespmem:s12+$0x2410] =	vst v2  }
0x1b6: {  	v10 =	vcvt.s32.f32 v16;
	v3 =	vadd.f32 v3, v22;
	v9 =	vadd.f32 v9, v23;
	[tilespmem:$0x1FCC0] =	vst v19  }
0x1b7: {  	v36 =	vadd.f32 v1, v18;
	v7 =	vcvt.s32.f32 v37;
	v37 =	vcvt.s32.f32 v32;
	[tilespmem:s12+$0x4810] =	vst v8  }
0x1b8: {  	v10 =	vadd.f32 v10, v17;
	v6 =	vcvt.s32.f32 v6;
	v11 =	vcvt.s32.f32 v26;
	[tilespmem:s12+$0x20] =	vst v3  }
0x1b9: {  	v0 =	vadd.f32 v7, v55;
	v61 =	vadd.f32 v37, v59;
	v4 =	vcvt.s32.f32 v4;
	[tilespmem:s12+$0x2420] =	vst v9  }
0x1ba: {  	v5 =	vcvt.s32.f32 v34;
	v6 =	vadd.f32 v6, v19;
	v2 =	vadd.f32 v11, v52;
	[tilespmem:$0x1FCD0] =	vst v28  }
0x1bb: {  	v1 =	vadd.f32 v4, v54;
	v4 =	vor.u32 v53, v60;
	v8 =	vcvt.s32.f32 v30;
	[tilespmem:$0x1FCE0] =	vst v29  }
0x1bc: {  	s31 =	simm.s32 $0x3;
	v62 =	vadd.f32 v5, v58;
	vm4 =	vlt.u32 v4, $0x400;
	v3 =	vor.u32 v38, v60;
	[tilespmem:s12+$0x4820] =	vst v36  }
0x1bd: {  	vm5 =	vlt.u32 v3, $0x400;
	v3 =	vadd.s32 s31, v29;
	v60 =	vadd.f32 v8, v28;
	[tilespmem:$0x1FCF0] =	vst v31  }
0x1be: {  	s14 =	simm.s32 $0xC;
	v7 =	vor.u32 v31, v3;
	v5 =	vor.u32 v33, v3;
	v4 =	vor.u32 v44, v3;
	[tilespmem:s12+$0x30] =	vst v10  }
0x1bf: {  	s15 =	simm.s32 $0xC480;
	s16 =	simm.s32 $0x4;
	s18 =	simm.s32 $0x8;
	v37 =	vmovc v33;
	vm6 =	vlt.u32 v7, $0x400;
	v7 =	vor.u32 s14, v40;
	[tilespmem:s12+$0x2430] =	vst v6;
	v6 =	vadd.s32 s14, v43  }
.LBB2_4:
0x1c0: {  	v7 =	vnsel vm6, $0x180, v7;
	v8 =	vadd.s32 s14, v45  }
0x1c1: {  	v9 =	vadd.s32 s14, v57;
	v6 =	vnsel vm6, $0x180, v6;
	vm8 =	vlt.u32 v5, $0x400  }
0x1c2: {  	vm10 =	vlt.u32 v4, $0x400;
	v4 =	vor.u32 s18, v43;
	v10 =	vor.u32 s18, v42  }
0x1c3: {  	v11 =	vor.u32 s18, v46;
	v12 =	vor.u32 s18, v49;
	v13 =	vor.u32 s18, v50  }
0x1c4: {  	v14 =	vor.u32 s18, v51;
	v15 =	vor.u32 s18, v47;
	v16 =	vor.u32 s18, v48  }
0x1c5: {  	v30 =	vor.u32 s14, v41;
	v32 =	vadd.s32 s14, v42;
	v22 =	vadd.s32 s14, v46  }
0x1c6: {  	v23 =	vor.u32 s14, v49;
	v24 =	vadd.s32 s14, v50;
	v25 =	vadd.s32 s14, v51  }
0x1c7: {  	v26 =	vor.u32 s14, v47;
	v27 =	vadd.s32 s14, v48;
	[tilespmem:s12+$0x4830] =	vst v2;
	v2 =	vcvt.s32.f32 v7  }
0x1c8: {  	v7 =	vor.u32 v53, v3;
	[tilespmem:s12+$0x40] =	vst v1;
	v1 =	vcvt.s32.f32 v6;
	v6 =	vnsel vm6, $0x180, v8  }
0x1c9: {  	v33 =	vld [tilespmem:$0x1FBF0];
	v8 =	vor.u32 s18, v39;
	v4 =	vnsel vm3, $0x180, v4;
	v10 =	vnsel vm0, $0x180, v10  }
0x1ca: {  	v34 =	vld [tilespmem:$0x1FC20];
	v11 =	vnsel vm0, $0x180, v11;
	v12 =	vnsel vm5, $0x180, v12;
	v13 =	vnsel vm5, $0x180, v13  }
0x1cb: {  	v35 =	vld [tilespmem:$0x1FAF0];
	v14 =	vnsel vm5, $0x180, v14;
	v15 =	vnsel vm4, $0x180, v15;
	v16 =	vnsel vm4, $0x180, v16  }
0x1cc: {  	v17 =	vld [tilespmem:$0x1FB00];
	[tilespmem:s12+$0x4840] =	vst v63;
	vm6 =	vlt.u32 v7, $0x400;
	v4 =	vcvt.s32.f32 v4;
	v10 =	vcvt.s32.f32 v10  }
0x1cd: {  	v18 =	vld [tilespmem:$0x1FB10];
	[tilespmem:s15+$0x4850] =	vst v60;
	v60 =	vor.u32 s18, v57;
	v11 =	vcvt.s32.f32 v11;
	v12 =	vcvt.s32.f32 v12  }
0x1ce: {  	v19 =	vld [tilespmem:$0x1FB20];
	v8 =	vnsel vm1, $0x180, v8;
	v13 =	vcvt.s32.f32 v13;
	v14 =	vcvt.s32.f32 v14  }
0x1cf: {  	v21 =	vld [tilespmem:$0x1FB40];
	v15 =	vcvt.s32.f32 v15;
	v16 =	vcvt.s32.f32 v16;
	v26 =	vnsel vm6, $0x180, v26  }
0x1d0: {  	v27 =	vnsel vm6, $0x180, v27;
	v60 =	vnsel vm4, $0x180, v60;
	v8 =	vcvt.s32.f32 v8  }
0x1d1: {  	[tilespmem:s12+$0x2440] =	vst v0;
	v26 =	vcvt.s32.f32 v26;
	v0 =	vadd.f32 v2, v33;
	v2 =	vcvt.s32.f32 v6  }
0x1d2: {  	v6 =	vnsel vm6, $0x180, v9;
	v1 =	vadd.f32 v1, v34;
	v7 =	vor.u32 v35, v3  }
0x1d3: {  	v31 =	vld [tilespmem:$0x1FC40];
	[tilespmem:s15+$0x2450] =	vst v61;
	v5 =	vor.u32 s18, v18;
	v9 =	vor.u32 s18, v41;
	v61 =	vor.u32 s14, v17  }
0x1d4: {  	[tilespmem:s15+$0x50] =	vst v62;
	v62 =	vadd.s32 s14, v18;
	v63 =	vadd.s32 s14, v19;
	v18 =	vadd.s32 s14, v21  }
0x1d5: {  	v4 =	vadd.f32 v4, v34;
	v6 =	vcvt.s32.f32 v6;
	vm7 =	vlt.u32 v7, $0x400  }
0x1d6: {  	v7 =	vor.u32 s18, v21;
	v61 =	vnsel vm8, $0x180, v61;
	v62 =	vnsel vm8, $0x180, v62  }
0x1d7: {  	v36 =	vld [tilespmem:$0x1FCD0];
	s12 =	sadd.s32 $0xC0, s12;
	v63 =	vnsel vm8, $0x180, v63;
	v18 =	vnsel vm10, $0x180, v18;
	v5 =	vnsel vm2, $0x180, v5  }
0x1d8: {  	v20 =	vld [tilespmem:$0x1FB30];
	v9 =	vnsel vm0, $0x180, v9;
	[tilespmem:s12+$0x60] =	vst v0;
	v0 =	vadd.f32 v2, v31;
	v2 =	vor.u32 v38, v3  }
0x1d9: {  	v28 =	vld [tilespmem:$0x1FC50];
	v3 =	vor.u32 s18, v40;
	v21 =	vnsel vm7, $0x180, v32;
	v61 =	vcvt.s32.f32 v61  }
0x1da: {  	s13 =	sadd.s32 $0xC0, s13;
	v29 =	vld [tilespmem:$0x1FC70];
	v22 =	vnsel vm7, $0x180, v22;
	v62 =	vcvt.s32.f32 v62;
	v63 =	vcvt.s32.f32 v63  }
0x1db: {  	s19 =	sand.u32 $0x3FE0, s13;
	v7 =	vnsel vm1, $0x180, v7;
	v18 =	vcvt.s32.f32 v18;
	v5 =	vcvt.s32.f32 v5  }
0x1dc: {  	v9 =	vcvt.s32.f32 v9;
	[tilespmem:s19+$0xE880] =	vst v1;
	v1 =	vadd.f32 v6, v36;
	vm9 =	vlt.u32 v2, $0x400  }
0x1dd: {  	v32 =	vld [tilespmem:$0x1FC60];
	v2 =	vor.u32 s18, v17;
	v6 =	vor.u32 s18, v20;
	v17 =	vor.u32 s14, v20  }
0x1de: {  	v3 =	vnsel vm3, $0x180, v3;
	v22 =	vcvt.s32.f32 v22;
	[tilespmem:s19+$0x10C80] =	vst v0;
	v61 =	vadd.f32 v61, v28  }
0x1df: {  	v20 =	vnsel vm7, $0x180, v30;
	v30 =	vadd.f32 v63, v29;
	v3 =	vcvt.s32.f32 v3;
	[tilespmem:s12+$0x48B0] =	vst v1  }
0x1e0: {  	v21 =	vcvt.s32.f32 v21;
	v23 =	vnsel vm9, $0x180, v23;
	v22 =	vadd.f32 v22, v52;
	[tilespmem:s12+$0x70] =	vst v61  }
0x1e1: {  	v25 =	vnsel vm9, $0x180, v25;
	v23 =	vcvt.s32.f32 v23;
	[tilespmem:s12+$0x4870] =	vst v30;
	v3 =	vadd.f32 v3, v33  }
0x1e2: {  	v0 =	vor.u32 s18, v45;
	v63 =	vld [tilespmem:$0x1FC80];
	v25 =	vcvt.s32.f32 v25;
	v62 =	vadd.f32 v62, v32;
	[tilespmem:s12+$0x4890] =	vst v22  }
0x1e3: {  	v7 =	vcvt.s32.f32 v7;
	v0 =	vnsel vm3, $0x180, v0;
	v23 =	vadd.f32 v23, v54;
	[tilespmem:s12+$0x0] =	vst v3  }
0x1e4: {  	v17 =	vnsel vm10, $0x180, v17;
	v0 =	vcvt.s32.f32 v0;
	v22 =	vadd.f32 v25, v56;
	[tilespmem:s12+$0x2470] =	vst v62  }
0x1e5: {  	s17 =	sadd.s32 $0xFFFFFFA0, s13;
	v24 =	vnsel vm9, $0x180, v24;
	v2 =	vnsel vm2, $0x180, v2;
	v17 =	vcvt.s32.f32 v17;
	[tilespmem:s12+$0xA0] =	vst v23  }
0x1e6: {  	s17 =	sand.u32 $0x3FC0, s17;
	v6 =	vnsel vm1, $0x180, v6;
	v1 =	vor.u32 s18, v19;
	v0 =	vadd.f32 v0, v31;
	[tilespmem:s12+$0x48A0] =	vst v22  }
0x1e7: {  	v2 =	vcvt.s32.f32 v2;
	v1 =	vnsel vm2, $0x180, v1;
	v30 =	vld [tilespmem:$0x1FC90];
	v17 =	vadd.f32 v17, v63;
	[tilespmem:s17+$0xE880] =	vst v4  }
0x1e8: {  	v6 =	vcvt.s32.f32 v6;
	v61 =	vld [tilespmem:$0x1FCA0];
	v1 =	vcvt.s32.f32 v1;
	v23 =	vadd.f32 v26, v58;
	[tilespmem:s17+$0x10C80] =	vst v0  }
0x1e9: {  	v19 =	vadd.s32 s14, v39;
	v2 =	vadd.f32 v2, v28;
	v3 =	vadd.f32 v5, v32;
	[tilespmem:s12+$0x80] =	vst v17  }
0x1ea: {  	v19 =	vnsel vm10, $0x180, v19;
	v25 =	vld [tilespmem:$0x1FCE0];
	v5 =	vadd.f32 v1, v29;
	v4 =	vadd.f32 v6, v63;
	[tilespmem:s12+$0xB0] =	vst v23  }
0x1eb: {  	v19 =	vcvt.s32.f32 v19;
	v28 =	vld [tilespmem:$0x1FCF0];
	v1 =	vadd.f32 v12, v54;
	v63 =	vadd.f32 v14, v56;
	[tilespmem:s12+$0x10] =	vst v2  }
0x1ec: {  	v20 =	vcvt.s32.f32 v20;
	v0 =	vadd.f32 v13, v55;
	v18 =	vadd.f32 v18, v30;
	[tilespmem:s12+$0x2410] =	vst v3  }
0x1ed: {  	v62 =	vadd.f32 v19, v61;
	v19 =	vcvt.s32.f32 v27;
	v27 =	vld [tilespmem:$0x1FCB0];
	v6 =	vadd.f32 v7, v30;
	[tilespmem:s12+$0x4810] =	vst v5  }
0x1ee: {  	v24 =	vcvt.s32.f32 v24;
	v8 =	vadd.f32 v8, v61;
	v2 =	vadd.f32 v11, v52;
	[tilespmem:s12+$0x20] =	vst v4  }
0x1ef: {  	v61 =	vadd.f32 v16, v59;
	v26 =	vadd.s32 s16, v25;
	[tilespmem:s12+$0x4880] =	vst v62;
	v62 =	vld [tilespmem:$0x1FCC0];
	v17 =	vadd.f32 v19, v59  }
0x1f0: {  	[tilespmem:s12+$0x2480] =	vst v18;
	v31 =	vor.u32 v28, v26;
	v33 =	vor.u32 v37, v26;
	v7 =	vor.u32 v44, v26  }
0x1f1: {  	v34 =	vor.u32 v35, v26;
	v35 =	vor.u32 v38, v26;
	v3 =	vor.u32 v53, v26;
	[tilespmem:s12+$0x2420] =	vst v6  }
0x1f2: {  	[tilespmem:s12+$0x4820] =	vst v8;
	vm3 =	vlt.u32 v31, $0x400;
	vm2 =	vlt.u32 v33, $0x400;
	v18 =	vadd.f32 v20, v27  }
0x1f3: {  	p0 =	slt.u32 s16, $0x5E;
	vm1 =	vlt.u32 v7, $0x400;
	vm0 =	vlt.u32 v34, $0x400;
	[tilespmem:s12+$0x24B0] =	vst v17;
	v9 =	vadd.f32 v9, v27  }
.Ltmp1:
0x1f4: {  	s31 =	sadd.s32 $0x1, s16;
	s14 =	sadd.s32 $0x8, s14;
	vm5 =	vlt.u32 v35, $0x400;
	vm4 =	vlt.u32 v3, $0x400;
	v21 =	vadd.f32 v21, v62;
	[tilespmem:s12+$0x90] =	vst v18;
	(pc) =	sbr.rel @p0 .LBB2_4-.Ltmp1, $4  }
0x1f5: {  	v3 =	vadd.s32 s31, v25;
	v7 =	vor.u32 s14, v40;
	v10 =	vadd.f32 v10, v62;
	[tilespmem:s12+$0x30] =	vst v9  }
0x1f6: {  	v6 =	vor.u32 v28, v3;
	[tilespmem:s12+$0x2490] =	vst v21;
	v21 =	vadd.f32 v24, v55;
	v24 =	vcvt.s32.f32 v60  }
0x1f7: {  	v5 =	vor.u32 v37, v3;
	v4 =	vor.u32 v44, v3;
	vm6 =	vlt.u32 v6, $0x400;
	[tilespmem:s12+$0x2430] =	vst v10  }
0x1f8: {  	s15 =	smov.u32 s12;
	s18 =	sadd.s32 $0xFFFFFFFC, s14;
	s16 =	sadd.s32 $0x2, s16;
	v6 =	vadd.s32 s14, v43;
	v62 =	vadd.f32 v15, v58;
	[tilespmem:s12+$0x24A0] =	vst v21;
	v60 =	vadd.f32 v24, v36  }
0x1f9: {  	v10 =	vor.u32 v53, v3;
	v53 =	vld [tilespmem:$0x1FBF0]  }
0x1fa: {  	v28 =	vld [tilespmem:$0x1FC20]  }
0x1fb: {  	v33 =	vld [tilespmem:$0x1FAF0]  }
0x1fc: {  	v44 =	vld [tilespmem:$0x1FC40]  }
0x1fd: {  	v35 =	vld [tilespmem:$0x1FCD0]  }
0x1fe: {  	v18 =	vld [tilespmem:$0x1FB00]  }
0x1ff: {  	v19 =	vld [tilespmem:$0x1FB10]  }
0x200: {  	v20 =	vld [tilespmem:$0x1FB20]  }
0x201: {  	v21 =	vld [tilespmem:$0x1FB30]  }
0x202: {  	v22 =	vld [tilespmem:$0x1FB40];
	[tilespmem:s12+$0x4830] =	vst v2  }
0x203: {  	v7 =	vnsel vm6, $0x180, v7;
	v8 =	vadd.s32 s14, v45;
	[tilespmem:s12+$0x40] =	vst v1  }
0x204: {  	v9 =	vadd.s32 s14, v57;
	v6 =	vnsel vm6, $0x180, v6;
	[tilespmem:s12+$0x2440] =	vst v0;
	v7 =	vcvt.s32.f32 v7  }
0x205: {  	[tilespmem:s12+$0x4840] =	vst v63;
	v6 =	vcvt.s32.f32 v6;
	v8 =	vnsel vm6, $0x180, v8;
	vm6 =	vlt.u32 v10, $0x400  }
0x206: {  	[tilespmem:s15+$0x50] =	vst v62;
	v8 =	vcvt.s32.f32 v8;
	v9 =	vnsel vm6, $0x180, v9;
	v7 =	vadd.f32 v7, v53  }
0x207: {  	s13 =	sadd.s32 $0xC0, s13;
	s22 =	sadd.s32 $0xC0, s12;
	[tilespmem:s15+$0x2450] =	vst v61;
	v9 =	vcvt.s32.f32 v9;
	v6 =	vadd.f32 v6, v28  }
0x208: {  	s16 =	sand.u32 $0x3FE0, s13;
	v8 =	vadd.f32 v8, v44;
	[tilespmem:s22+$0x60] =	vst v7  }
0x209: {  	vm9 =	vlt.u32 v4, $0x400;
	v4 =	vadd.f32 v9, v35;
	[tilespmem:s16+$0xE880] =	vst v6  }
0x20a: {  	[tilespmem:s16+$0x10C80] =	vst v8  }
0x20b: {  	vm10 =	vlt.u32 v5, $0x400;
	[tilespmem:s22+$0x48B0] =	vst v4  }
0x20c: {  	v10 =	vor.u32 v33, v3;
	v0 =	vor.u32 s14, v18;
	v34 =	vadd.s32 s14, v20;
	v26 =	vld [tilespmem:$0x1FC50];
	[tilespmem:s15+$0x4850] =	vst v60  }
0x20d: {  	vm8 =	vlt.u32 v10, $0x400;
	v10 =	vor.u32 s18, v18;
	v18 =	vnsel vm10, $0x180, v34;
	v34 =	vld [tilespmem:$0x1FC60]  }
0x20e: {  	v1 =	vadd.s32 s14, v19;
	v0 =	vnsel vm10, $0x180, v0  }
0x20f: {  	v1 =	vnsel vm10, $0x180, v1;
	v0 =	vcvt.s32.f32 v0  }
0x210: {  	v1 =	vcvt.s32.f32 v1  }
0x211: {  	v0 =	vadd.f32 v0, v26  }
0x212: {  	v1 =	vadd.f32 v1, v34  }
0x213: {  	[tilespmem:s22+$0x70] =	vst v0  }
0x214: {  	v27 =	vld [tilespmem:$0x1FC70];
	[tilespmem:s22+$0x2470] =	vst v1  }
0x215: {  	v30 =	vld [tilespmem:$0x1FC80]  }
0x216: {  	v36 =	vor.u32 s14, v21  }
0x217: {  	v11 =	vor.u32 s18, v19;
	v19 =	vnsel vm9, $0x180, v36;
	v18 =	vcvt.s32.f32 v18  }
0x218: {  	v19 =	vcvt.s32.f32 v19  }
0x219: {  	v5 =	vor.u32 s18, v40;
	v0 =	vadd.f32 v18, v27  }
0x21a: {  	v15 =	vor.u32 s18, v39;
	v16 =	vor.u32 s18, v41;
	v1 =	vadd.f32 v19, v30  }
0x21b: {  	v2 =	vor.u32 s18, v42;
	v17 =	vor.u32 s18, v46;
	v40 =	vor.u32 s18, v49;
	[tilespmem:s22+$0x4870] =	vst v0  }
0x21c: {  	v31 =	vor.u32 s18, v47;
	v29 =	vor.u32 s18, v48;
	v39 =	vadd.s32 s14, v39;
	v32 =	vld [tilespmem:$0x1FC90];
	[tilespmem:s22+$0x80] =	vst v1  }
0x21d: {  	v9 =	vor.u32 s18, v43;
	v43 =	vor.u32 s18, v57;
	v37 =	vadd.s32 s14, v22;
	v57 =	vld [tilespmem:$0x1FCA0]  }
0x21e: {  	v23 =	vadd.s32 s14, v46;
	v12 =	vor.u32 s18, v20;
	v20 =	vnsel vm9, $0x180, v37  }
0x21f: {  	v13 =	vor.u32 s18, v21;
	v21 =	vnsel vm9, $0x180, v39;
	v20 =	vcvt.s32.f32 v20  }
0x220: {  	v24 =	vor.u32 s14, v49;
	v5 =	vnsel vm3, $0x180, v5;
	v21 =	vcvt.s32.f32 v21  }
0x221: {  	v25 =	vadd.s32 s14, v51;
	v5 =	vcvt.s32.f32 v5;
	v0 =	vadd.f32 v20, v32  }
0x222: {  	v3 =	vor.u32 v38, v3;
	v14 =	vor.u32 s18, v22;
	v1 =	vadd.f32 v21, v57  }
0x223: {  	v38 =	vor.u32 s18, v50;
	v33 =	vor.u32 s18, v51;
	v5 =	vadd.f32 v5, v53;
	[tilespmem:s22+$0x2480] =	vst v0  }
0x224: {  	vm7 =	vlt.u32 v3, $0x400;
	v3 =	vor.u32 s18, v45;
	v45 =	vor.u32 s14, v41;
	v61 =	vld [tilespmem:$0x1FCB0];
	[tilespmem:s22+$0x4880] =	vst v1  }
0x225: {  	v7 =	vadd.s32 s14, v42;
	v51 =	vnsel vm8, $0x180, v23;
	v3 =	vnsel vm3, $0x180, v3;
	v63 =	vld [tilespmem:$0x1FCC0]  }
0x226: {  	v6 =	vadd.s32 s14, v50;
	v50 =	vnsel vm8, $0x180, v45;
	v3 =	vcvt.s32.f32 v3  }
0x227: {  	v8 =	vor.u32 s14, v47;
	v7 =	vnsel vm8, $0x180, v7;
	v18 =	vcvt.s32.f32 v50  }
0x228: {  	s13 =	sadd.s32 $0xFFFFFFA0, s13;
	v4 =	vadd.s32 s14, v48;
	v7 =	vcvt.s32.f32 v7;
	v3 =	vadd.f32 v3, v44  }
0x229: {  	s13 =	sand.u32 $0x3FC0, s13;
	v60 =	vnsel vm7, $0x180, v24;
	v19 =	vcvt.s32.f32 v51;
	[tilespmem:s22+$0x0] =	vst v5;
	v0 =	vadd.f32 v18, v61  }
0x22a: {  	v6 =	vnsel vm7, $0x180, v6;
	v62 =	vcvt.s32.f32 v60;
	[tilespmem:s13+$0x10C80] =	vst v3;
	v1 =	vadd.f32 v7, v63  }
0x22b: {  	v6 =	vcvt.s32.f32 v6;
	v7 =	vnsel vm7, $0x180, v25;
	[tilespmem:s22+$0x90] =	vst v0;
	v0 =	vadd.f32 v19, v52  }
0x22c: {  	v8 =	vnsel vm6, $0x180, v8;
	v7 =	vcvt.s32.f32 v7;
	[tilespmem:s22+$0x2490] =	vst v1;
	v1 =	vadd.f32 v62, v54  }
0x22d: {  	v4 =	vnsel vm6, $0x180, v4;
	v8 =	vcvt.s32.f32 v8;
	[tilespmem:s22+$0x4890] =	vst v0;
	v0 =	vadd.f32 v6, v55  }
0x22e: {  	v4 =	vcvt.s32.f32 v4;
	v6 =	vnsel vm3, $0x180, v9;
	[tilespmem:s22+$0xA0] =	vst v1;
	v1 =	vadd.f32 v7, v56  }
0x22f: {  	v5 =	vnsel vm1, $0x180, v13;
	v6 =	vcvt.s32.f32 v6;
	[tilespmem:s22+$0x24A0] =	vst v0;
	v0 =	vadd.f32 v8, v58  }
0x230: {  	v5 =	vcvt.s32.f32 v5;
	v3 =	vnsel vm1, $0x180, v15;
	[tilespmem:s22+$0x48A0] =	vst v1;
	v1 =	vadd.f32 v4, v59  }
0x231: {  	v3 =	vcvt.s32.f32 v3;
	v4 =	vnsel vm2, $0x180, v10;
	v6 =	vadd.f32 v6, v28;
	[tilespmem:s22+$0xB0] =	vst v0  }
0x232: {  	v5 =	vadd.f32 v5, v30;
	v0 =	vnsel vm2, $0x180, v11;
	v4 =	vcvt.s32.f32 v4;
	[tilespmem:s22+$0x24B0] =	vst v1  }
0x233: {  	v3 =	vadd.f32 v3, v57;
	v1 =	vnsel vm2, $0x180, v12;
	v0 =	vcvt.s32.f32 v0;
	[tilespmem:s13+$0xE880] =	vst v6  }
0x234: {  	v6 =	vnsel vm1, $0x180, v14;
	v1 =	vcvt.s32.f32 v1;
	v4 =	vadd.f32 v4, v26;
	[tilespmem:s22+$0x20] =	vst v5  }
0x235: {  	v6 =	vcvt.s32.f32 v6;
	v5 =	vnsel vm5, $0x180, v40;
	[tilespmem:s22+$0x4820] =	vst v3;
	v0 =	vadd.f32 v0, v34  }
0x236: {  	v5 =	vcvt.s32.f32 v5;
	v1 =	vadd.f32 v1, v27;
	[tilespmem:s22+$0x10] =	vst v4;
	v4 =	vnsel vm0, $0x180, v16  }
0x237: {  	[tilespmem:s22+$0x2410] =	vst v0;
	v0 =	vnsel vm0, $0x180, v2;
	v2 =	vcvt.s32.f32 v4;
	v4 =	vadd.f32 v6, v32  }
0x238: {  	v5 =	vadd.f32 v5, v54;
	[tilespmem:s22+$0x4810] =	vst v1;
	v1 =	vnsel vm0, $0x180, v17;
	v0 =	vcvt.s32.f32 v0  }
0x239: {  	v3 =	vnsel vm5, $0x180, v33;
	v1 =	vcvt.s32.f32 v1;
	v2 =	vadd.f32 v2, v61;
	[tilespmem:s22+$0x2420] =	vst v4  }
0x23a: {  	v3 =	vcvt.s32.f32 v3;
	v4 =	vnsel vm5, $0x180, v38;
	[tilespmem:s22+$0x40] =	vst v5;
	v0 =	vadd.f32 v0, v63  }
0x23b: {  	v4 =	vcvt.s32.f32 v4;
	v1 =	vadd.f32 v1, v52;
	[tilespmem:s22+$0x30] =	vst v2;
	v2 =	vnsel vm4, $0x180, v31  }
0x23c: {  	v3 =	vadd.f32 v3, v56;
	[tilespmem:s22+$0x2430] =	vst v0;
	v0 =	vnsel vm4, $0x180, v29;
	v2 =	vcvt.s32.f32 v2  }
0x23d: {  	v4 =	vadd.f32 v4, v55;
	[tilespmem:s22+$0x4830] =	vst v1;
	v1 =	vnsel vm4, $0x180, v43;
	v0 =	vcvt.s32.f32 v0  }
0x23e: {  	[tilespmem:s22+$0x4840] =	vst v3;
	v1 =	vcvt.s32.f32 v1;
	v2 =	vadd.f32 v2, v58  }
0x23f: {  	[tilespmem:s22+$0x2440] =	vst v4;
	v0 =	vadd.f32 v0, v59  }
0x240: {  	v1 =	vadd.f32 v1, v35;
	[tilespmem:s22+$0x50] =	vst v2  }
0x241: {  	[tilespmem:s22+$0x2450] =	vst v0  }
0x242: {  	s23 =	simm.s32 $0x0;
	s12 =	simm.s32 $0xC480;
	[tilespmem:s22+$0x4850] =	vst v1  }
0x243: {  	[hbm4b:s5+s23] =	stream.linear.scatter [tilespmem:s12], [sflag:$0x1], $0x6C00, $0x38;
	[tilespmem:$0x13080] =	vst v63  }
0x244: {  	_ =	swait.ge [sflag:s9], $0x6C00  }
0x245: {  	v0 =	vld [tilespmem:$0x1FF30];
	_ =	sdelay $0x5  }
0x246: {  	[sflag:s9] =	ssyncset.done $0x0  }
0x247: {  	[sflag:s9] =	ssyncadd.s32 $0xFFFF9400  }
0x248: {  	v0 =	vld.idx.msk [tilespmem:v0+s23+$0x0], $0xffff;
	_ =	sdelay $0x4  }
0x249: {  	v1 =	vshra.s32 v0, $0x1F;
	v2 =	vand.u32 $0x7F, v0  }
0x24a: {  	vm0 =	vlt.s32 v0, $0x1;
	v1 =	vshrl.u32 v1, $0x19;
	vm1 =	vne.s32 v2, $0x0  }
0x24b: {  	v5 =	vimm.s32 $0x0;
	v1 =	vadd.s32 v1, v0;
	vm0 =	vmand vm0, vm1  }
0x24c: {  	v1 =	vshra.s32 v1, $0x7;
	v2 =	vsel vm0, $0xFFFFFFFF, v5  }
0x24d: {  	v1 =	vadd.s32 v2, v1  }
0x24e: {  	v0 =	vshll.u32 v0, $0x3;
	v2 =	vshll.u32 v1, $0xA  }
0x24f: {  	v0 =	vsub.s32 v0, v2  }
0x250: {  	v2 =	vadd.s32 $0xFFFFFFD4, v0  }
0x251: {  	vm0 =	vgt.s32 v2, $0x0  }
0x252: {  	v2 =	vnsel vm0, $0x0, v2  }
0x253: {  	v3 =	vmin.u32 v2, $0x3A0  }
0x254: {  	v3 =	vmul.u32 $0x3, v3;
	_ =	sdelay $0x1  }
0x255: {  	v4 =	vand.u32 $0x7F, v3  }
0x256: {  	vm0 =	veq.s32 v2, $0x0;
	vm1 =	vne.s32 v4, $0x0  }
0x257: {  	vm0 =	vmand vm0, vm1  }
0x258: {  	v4 =	vld [tilespmem:$0x1FF90];
	v2 =	vsel vm0, $0xFFFFFFFF, v5  }
0x259: {  	v2 =	vshll.u32 v2, $0x7  }
0x25a: {  	v2 =	vadd.s32 v3, v2  }
0x25b: {  	v3 =	vmul.u32 $0x3, v0;
	v2 =	vand.u32 $0xFFFFFF80, v2  }
0x25c: {  	vm0 =	vlt.s32 v2, $0xA00  }
0x25d: {  	v4 =	vadd.s32 v4, v3;
	v2 =	vnsel vm0, $0xA00, v2  }
0x25e: {  	v7 =	vld [tilespmem:$0x1FFC0];
	v4 =	vsub.s32 v4, v2  }
0x25f: {  	v1 =	vshll.u32 v1, $0x3;
	v5 =	vld [tilespmem:$0x1FFB0];
	vm0 =	vgt.s32 v4, $0x0  }
0x260: {  	v29 =	vadd.s32 $0xFFFFFFD4, v1;
	v1 =	vnsel vm0, $0x0, v4;
	v4 =	vld [tilespmem:$0x1FFA0]  }
0x261: {  	v6 =	vld [tilespmem:$0x1FFD0];
	_ =	sdelay $0x1  }
0x262: {  	v44 =	vadd.s32 v7, v0;
	v7 =	vld [tilespmem:$0x1FF60]  }
0x263: {  	v33 =	vadd.s32 v5, v0;
	v5 =	vld [tilespmem:$0x1FF70]  }
0x264: {  	v31 =	vadd.s32 v4, v0;
	v4 =	vld [tilespmem:$0x1FF80]  }
0x265: {  	v28 =	vadd.s32 v6, v0  }
0x266: {  	s28 =	simm.s32 $0x2;
	v6 =	vmul.u32 $0x3, v28  }
0x267: {  	v8 =	vld [tilespmem:$0x1FF50];
	v60 =	vadd.s32 s28, v29;
	v7 =	vadd.s32 v7, v3  }
0x268: {  	v6 =	vsub.s32 v6, v2;
	v7 =	vsub.s32 v7, v2;
	v1 =	vmin.u32 v1, $0x1FD  }
0x269: {  	v5 =	vadd.s32 v5, v3;
	v40 =	vshrl.u32 v1, $0x7;
	v4 =	vadd.s32 v4, v3  }
0x26a: {  	v5 =	vsub.s32 v5, v2;
	v63 =	vor.u32 v31, v60;
	v4 =	vsub.s32 v4, v2  }
0x26b: {  	vm3 =	vlt.u32 v63, $0x400;
	v63 =	vor.u32 v33, v60;
	vm0 =	vgt.s32 v4, $0x0  }
0x26c: {  	v3 =	vadd.s32 v8, v3;
	v4 =	vnsel vm0, $0x0, v4;
	vm0 =	vgt.s32 v5, $0x0  }
0x26d: {  	v2 =	vsub.s32 v3, v2;
	v5 =	vnsel vm0, $0x0, v5;
	vm0 =	vgt.s32 v6, $0x0  }
0x26e: {  	v4 =	vmin.u32 v4, $0x1FD;
	v5 =	vmin.u32 v5, $0x1FD;
	v6 =	vnsel vm0, $0x0, v6  }
0x26f: {  	vm0 =	vgt.s32 v7, $0x0;
	v30 =	vshrl.u32 v4, $0x7;
	v3 =	vmin.u32 v6, $0x1FD  }
0x270: {  	v6 =	vnsel vm0, $0x0, v7;
	vm0 =	vgt.s32 v2, $0x0;
	v7 =	vld [tilespmem:$0x1FFE0];
	v35 =	vshrl.u32 v5, $0x7  }
0x271: {  	s25 =	simm.s32 $0x4;
	v54 =	vmin.u32 v6, $0x1FD;
	v2 =	vnsel vm0, $0x0, v2;
	v6 =	vld [tilespmem:$0x1FFF0];
	v41 =	vshrl.u32 v3, $0x7  }
0x272: {  	v11 =	vor.u32 s25, v35;
	v58 =	vmin.u32 v2, $0x1FD;
	v49 =	vshrl.u32 v54, $0x7  }
0x273: {  	v55 =	vadd.s32 $0x1, v54;
	v56 =	vadd.s32 $0x2, v54;
	v14 =	vor.u32 s25, v41  }
0x274: {  	v50 =	vshrl.u32 v55, $0x7;
	v51 =	vshrl.u32 v56, $0x7;
	v59 =	vadd.s32 $0x1, v58  }
0x275: {  	v36 =	vor.u32 s25, v49;
	v48 =	vshrl.u32 v59, $0x7;
	v52 =	vadd.s32 s25, v50  }
0x276: {  	v38 =	vadd.s32 v7, v0;
	v53 =	vadd.s32 v6, v0;
	v0 =	vand.u32 $0x7F, v1  }
0x277: {  	v61 =	vadd.s32 s25, v51;
	v26 =	vcvt.s32.f32 v0;
	v0 =	vadd.s32 $0x1, v1  }
0x278: {  	v1 =	vadd.s32 $0x2, v1;
	v43 =	vshrl.u32 v0, $0x7;
	v0 =	vand.u32 $0x7F, v0  }
0x279: {  	v45 =	vshrl.u32 v1, $0x7;
	v27 =	vcvt.s32.f32 v0;
	v0 =	vand.u32 $0x7F, v1  }
0x27a: {  	v1 =	vadd.s32 $0x2, v4;
	v24 =	vcvt.s32.f32 v0;
	v0 =	vand.u32 $0x7F, v4  }
0x27b: {  	v2 =	vand.u32 $0x7F, v1;
	v34 =	vshrl.u32 v1, $0x7;
	v1 =	vadd.s32 $0x1, v5  }
0x27c: {  	v20 =	vcvt.s32.f32 v0;
	v0 =	vadd.s32 $0x1, v4;
	v21 =	vcvt.s32.f32 v2  }
0x27d: {  	v2 =	vadd.s32 $0x2, v5;
	v37 =	vshrl.u32 v1, $0x7;
	v10 =	vadd.s32 s25, v34  }
0x27e: {  	v32 =	vshrl.u32 v0, $0x7;
	v0 =	vand.u32 $0x7F, v0;
	v39 =	vshrl.u32 v2, $0x7  }
0x27f: {  	s26 =	simm.s32 $0x0;
	v12 =	vadd.s32 s25, v37;
	v25 =	vcvt.s32.f32 v0;
	v0 =	vand.u32 $0x7F, v5  }
0x280: {  	v9 =	vadd.s32 s25, v32;
	v13 =	vadd.s32 s25, v39;
	[tilespmem:$0x1F900] =	vst v32;
	v32 =	vor.u32 s26, v32  }
0x281: {  	v22 =	vcvt.s32.f32 v0;
	v0 =	vand.u32 $0x7F, v1;
	v1 =	vadd.s32 $0x2, v3  }
0x282: {  	v23 =	vcvt.s32.f32 v0;
	v0 =	vand.u32 $0x7F, v2;
	v46 =	vshrl.u32 v1, $0x7  }
0x283: {  	v2 =	vadd.s32 s23, v29;
	v18 =	vcvt.s32.f32 v0;
	v0 =	vand.u32 $0x7F, v3  }
0x284: {  	v4 =	vor.u32 v33, v2;
	v5 =	vor.u32 v44, v2;
	v6 =	vor.u32 v28, v2  }
0x285: {  	v7 =	vor.u32 v38, v2;
	v17 =	vcvt.s32.f32 v0;
	v0 =	vadd.s32 $0x1, v3  }
0x286: {  	v3 =	vor.u32 v31, v2;
	v2 =	vor.u32 v53, v2;
	vm8 =	vlt.u32 v4, $0x400  }
0x287: {  	vm7 =	vlt.u32 v5, $0x400;
	vm6 =	vlt.u32 v6, $0x400;
	vm5 =	vlt.u32 v7, $0x400  }
0x288: {  	v6 =	vadd.s32 s25, v43;
	v7 =	vadd.s32 s25, v45;
	v42 =	vshrl.u32 v0, $0x7  }
0x289: {  	s24 =	simm.s32 $0x1;
	v0 =	vand.u32 $0x7F, v0;
	vm14 =	vlt.u32 v3, $0x400;
	vm4 =	vlt.u32 v2, $0x400  }
0x28a: {  	v2 =	vadd.s32 s24, v29;
	v19 =	vcvt.s32.f32 v0;
	v0 =	vand.u32 $0x7F, v1  }
0x28b: {  	v1 =	vadd.s32 $0x2, v58;
	v3 =	vor.u32 v31, v2;
	v4 =	vor.u32 v33, v2  }
0x28c: {  	v5 =	vor.u32 v44, v2;
	v8 =	vor.u32 v53, v2;
	v16 =	vor.u32 v28, v2  }
0x28d: {  	[tilespmem:$0x1F8E0] =	vst v28;
	v2 =	vor.u32 v38, v2;
	v28 =	vor.u32 v28, v60;
	v57 =	vshrl.u32 v1, $0x7  }
0x28e: {  	vm0 =	vlt.u32 v3, $0x400;
	v3 =	vor.u32 s25, v40;
	vm15 =	vlt.u32 v8, $0x400  }
0x28f: {  	vm1 =	vlt.u32 v4, $0x400;
	vm2 =	vlt.u32 v5, $0x400;
	vm11 =	vlt.u32 v16, $0x400  }
0x290: {  	v5 =	vor.u32 s26, v43;
	v16 =	vadd.s32 s25, v46;
	v1 =	vand.u32 $0x7F, v1  }
0x291: {  	v3 =	vnsel vm0, $0x180, v3;
	v15 =	vadd.s32 s25, v57;
	v6 =	vnsel vm0, $0x180, v6  }
0x292: {  	v7 =	vnsel vm0, $0x180, v7;
	vm0 =	vlt.u32 v2, $0x400;
	v2 =	vor.u32 s25, v30  }
0x293: {  	v9 =	vnsel vm1, $0x180, v9;
	v10 =	vnsel vm1, $0x180, v10;
	v11 =	vnsel vm2, $0x180, v11  }
0x294: {  	[tilespmem:$0x1F8F0] =	vst v30;
	v12 =	vnsel vm2, $0x180, v12;
	v13 =	vnsel vm2, $0x180, v13;
	v14 =	vnsel vm11, $0x180, v14  }
0x295: {  	[tilespmem:$0x1F920] =	vst v35;
	v16 =	vnsel vm11, $0x180, v16;
	vm2 =	vlt.u32 v63, $0x400;
	v63 =	vor.u32 v44, v60  }
0x296: {  	[tilespmem:$0x1F910] =	vst v34;
	v5 =	vnsel vm14, $0x180, v5;
	v30 =	vor.u32 s26, v30;
	v2 =	vnsel vm1, $0x180, v2  }
0x297: {  	[tilespmem:$0x1F940] =	vst v0;
	v0 =	vnsel vm0, $0x180, v36;
	vm1 =	vlt.u32 v63, $0x400;
	v63 =	vnsel vm0, $0x180, v52  }
0x298: {  	[tilespmem:$0x1F930] =	vst v37;
	v61 =	vnsel vm0, $0x180, v61;
	vm0 =	vlt.u32 v28, $0x400;
	v28 =	vadd.s32 s25, v48  }
0x299: {  	v3 =	vcvt.s32.f32 v3;
	[tilespmem:$0x1F960] =	vst v5;
	v52 =	vnsel vm15, $0x180, v28;
	v28 =	vor.u32 s26, v45  }
0x29a: {  	v8 =	vnsel vm15, $0x180, v15;
	v15 =	vadd.s32 s25, v42;
	[tilespmem:$0x1F950] =	vst v52;
	v5 =	vnsel vm14, $0x180, v28  }
0x29b: {  	v52 =	vnsel vm8, $0x180, v32;
	[tilespmem:$0x1F970] =	vst v5;
	v5 =	vnsel vm8, $0x180, v30;
	v30 =	vor.u32 s26, v34  }
0x29c: {  	v6 =	vcvt.s32.f32 v6;
	[tilespmem:$0x1F980] =	vst v52;
	v34 =	vor.u32 s26, v35;
	v32 =	vnsel vm8, $0x180, v30  }
0x29d: {  	v7 =	vcvt.s32.f32 v7;
	v35 =	vor.u32 s26, v37;
	v37 =	vnsel vm7, $0x180, v34;
	[tilespmem:$0x1F990] =	vst v32  }
0x29e: {  	v2 =	vcvt.s32.f32 v2;
	v52 =	vnsel vm7, $0x180, v35;
	v30 =	vor.u32 s26, v39;
	[tilespmem:$0x1F9A0] =	vst v37  }
0x29f: {  	v28 =	vor.u32 s26, v48;
	v34 =	vor.u32 s26, v41;
	[tilespmem:$0x1F9B0] =	vst v52;
	v32 =	vnsel vm7, $0x180, v30  }
0x2a0: {  	v3 =	vadd.f32 v3, v26;
	v37 =	vnsel vm6, $0x180, v34;
	v30 =	vor.u32 s26, v46;
	[tilespmem:$0x1F9C0] =	vst v32  }
0x2a1: {  	v35 =	vor.u32 s26, v42;
	v34 =	vor.u32 s26, v49;
	[tilespmem:$0x1F9D0] =	vst v37;
	v32 =	vnsel vm6, $0x180, v30  }
0x2a2: {  	v52 =	vnsel vm6, $0x180, v35;
	v35 =	vor.u32 s26, v50;
	v37 =	vnsel vm5, $0x180, v34;
	[tilespmem:$0x1FA00] =	vst v32  }
0x2a3: {  	v7 =	vadd.f32 v7, v24;
	[tilespmem:$0x1FA20] =	vst v37;
	v37 =	vnsel vm5, $0x180, v35;
	v32 =	vor.u32 s26, v51  }
0x2a4: {  	s13 =	simm.s32 $0x60;
	[tilespmem:$0x1F9F0] =	vst v52;
	v35 =	vnsel vm5, $0x180, v32;
	v32 =	vnsel vm4, $0x180, v28;
	v28 =	vcvt.s32.f32 v1  }
0x2a5: {  	s29 =	sand.u32 $0x3FE0, s13;
	v52 =	vld [tilespmem:$0x1F940];
	v1 =	vadd.f32 v6, v27;
	v6 =	vcvt.s32.f32 v8;
	[tilespmem:s12+$0x60] =	vst v3;
	v3 =	vand.u32 $0x7F, v54  }
0x2a6: {  	v2 =	vadd.f32 v2, v20;
	v54 =	vcvt.s32.f32 v3;
	v3 =	vcvt.s32.f32 v9;
	[tilespmem:s29+$0x10C80] =	vst v7  }
0x2a7: {  	v7 =	vcvt.s32.f32 v10;
	[tilespmem:s29+$0xE880] =	vst v1;
	v1 =	vadd.f32 v6, v28;
	v6 =	vand.u32 $0x7F, v55  }
0x2a8: {  	v55 =	vcvt.s32.f32 v6;
	v3 =	vadd.f32 v3, v25;
	[tilespmem:s12+$0x70] =	vst v2;
	v6 =	vcvt.s32.f32 v12  }
0x2a9: {  	v2 =	vand.u32 $0x7F, v56;
	v7 =	vadd.f32 v7, v21;
	[tilespmem:s12+$0x48B0] =	vst v1;
	v1 =	vcvt.s32.f32 v11  }
0x2aa: {  	v56 =	vcvt.s32.f32 v2;
	v2 =	vcvt.s32.f32 v13;
	[tilespmem:s12+$0x2470] =	vst v3;
	v6 =	vadd.f32 v6, v23  }
0x2ab: {  	v15 =	vnsel vm11, $0x180, v15;
	[tilespmem:s12+$0x4870] =	vst v7;
	v7 =	vcvt.s32.f32 v14;
	v1 =	vadd.f32 v1, v22  }
0x2ac: {  	v52 =	vcvt.s32.f32 v52;
	v2 =	vadd.f32 v2, v18;
	[tilespmem:s12+$0x2480] =	vst v6;
	v6 =	vcvt.s32.f32 v16  }
0x2ad: {  	v7 =	vadd.f32 v7, v17;
	[tilespmem:s12+$0x80] =	vst v1;
	v1 =	vcvt.s32.f32 v15  }
0x2ae: {  	[tilespmem:s12+$0x4880] =	vst v2;
	v6 =	vadd.f32 v6, v52  }
0x2af: {  	[tilespmem:s12+$0x90] =	vst v7;
	v1 =	vadd.f32 v1, v19  }
0x2b0: {  	v47 =	vshrl.u32 v58, $0x7;
	v0 =	vcvt.s32.f32 v0;
	[tilespmem:s12+$0x4890] =	vst v6  }
0x2b1: {  	v62 =	vor.u32 s25, v47;
	v3 =	vand.u32 $0x7F, v58;
	v2 =	vcvt.s32.f32 v63;
	[tilespmem:s12+$0x2490] =	vst v1  }
0x2b2: {  	v0 =	vadd.f32 v0, v54;
	v58 =	vcvt.s32.f32 v3;
	v3 =	vand.u32 $0x7F, v59;
	v6 =	vld [tilespmem:$0x1F950]  }
0x2b3: {  	v59 =	vcvt.s32.f32 v3;
	v3 =	vcvt.s32.f32 v61;
	v2 =	vadd.f32 v2, v55  }
0x2b4: {  	v62 =	vnsel vm15, $0x180, v62;
	v7 =	vld [tilespmem:$0x1F960];
	[tilespmem:s12+$0xA0] =	vst v0  }
0x2b5: {  	v3 =	vadd.f32 v3, v56;
	v1 =	vcvt.s32.f32 v62;
	v0 =	vld [tilespmem:$0x1F970];
	[tilespmem:s12+$0x24A0] =	vst v2  }
0x2b6: {  	v2 =	vld [tilespmem:$0x1F980]  }
0x2b7: {  	v4 =	vor.u32 s26, v40;
	v1 =	vadd.f32 v1, v58;
	v8 =	vld [tilespmem:$0x1F990];
	[tilespmem:s12+$0x48A0] =	vst v3;
	v6 =	vcvt.s32.f32 v6  }
0x2b8: {  	v4 =	vnsel vm14, $0x180, v4;
	v3 =	vld [tilespmem:$0x1F9A0]  }
0x2b9: {  	v4 =	vcvt.s32.f32 v4;
	v15 =	vld [tilespmem:$0x1F9B0];
	[tilespmem:s12+$0xB0] =	vst v1;
	v6 =	vadd.f32 v6, v59  }
0x2ba: {  	v1 =	vld [tilespmem:$0x1F9C0];
	[tilespmem:$0x1F9E0] =	vst v26  }
0x2bb: {  	v4 =	vadd.f32 v4, v26;
	v16 =	vld [tilespmem:$0x1F9D0];
	[tilespmem:s12+$0x24B0] =	vst v6  }
0x2bc: {  	v7 =	vcvt.s32.f32 v7;
	v6 =	vld [tilespmem:$0x1F9F0];
	[tilespmem:$0x1FA10] =	vst v27  }
0x2bd: {  	v26 =	vld [tilespmem:$0x1FA00];
	[tilespmem:s12+$0x0] =	vst v4  }
0x2be: {  	s30 =	simm.s32 $0x0;
	v7 =	vadd.f32 v7, v27;
	[tilespmem:$0x1FA30] =	vst v24  }
0x2bf: {  	s14 =	sand.u32 $0x3FC0, s30;
	v0 =	vcvt.s32.f32 v0;
	[tilespmem:$0x1FA40] =	vst v20  }
0x2c0: {  	v4 =	vld [tilespmem:$0x1FA20];
	[tilespmem:s14+$0xE880] =	vst v7  }
0x2c1: {  	v0 =	vadd.f32 v0, v24;
	[tilespmem:$0x1FA50] =	vst v25  }
0x2c2: {  	v5 =	vcvt.s32.f32 v5;
	[tilespmem:$0x1FA60] =	vst v21  }
0x2c3: {  	[tilespmem:s14+$0x10C80] =	vst v0  }
0x2c4: {  	v5 =	vadd.f32 v5, v20;
	[tilespmem:$0x1FA70] =	vst v22  }
0x2c5: {  	v34 =	vor.u32 s26, v47;
	v2 =	vcvt.s32.f32 v2;
	[tilespmem:$0x1FA80] =	vst v23  }
0x2c6: {  	v30 =	vor.u32 s26, v57;
	v34 =	vnsel vm4, $0x180, v34;
	[tilespmem:s12+$0x10] =	vst v5  }
0x2c7: {  	v35 =	vcvt.s32.f32 v35;
	v8 =	vcvt.s32.f32 v8;
	v2 =	vadd.f32 v2, v25;
	[tilespmem:$0x1FA90] =	vst v18  }
0x2c8: {  	v30 =	vnsel vm4, $0x180, v30;
	v3 =	vcvt.s32.f32 v3;
	v9 =	vcvt.s32.f32 v15;
	[tilespmem:$0x1FAA0] =	vst v17  }
0x2c9: {  	v63 =	vadd.f32 v35, v56;
	v1 =	vcvt.s32.f32 v1;
	v8 =	vadd.f32 v8, v21;
	[tilespmem:s12+$0x2410] =	vst v2  }
0x2ca: {  	v10 =	vcvt.s32.f32 v16;
	v3 =	vadd.f32 v3, v22;
	v9 =	vadd.f32 v9, v23;
	[tilespmem:$0x1FAB0] =	vst v19  }
0x2cb: {  	v36 =	vadd.f32 v1, v18;
	v7 =	vcvt.s32.f32 v37;
	v37 =	vcvt.s32.f32 v32;
	[tilespmem:s12+$0x4810] =	vst v8  }
0x2cc: {  	v10 =	vadd.f32 v10, v17;
	v6 =	vcvt.s32.f32 v6;
	v11 =	vcvt.s32.f32 v26;
	[tilespmem:s12+$0x20] =	vst v3  }
0x2cd: {  	v0 =	vadd.f32 v7, v55;
	v61 =	vadd.f32 v37, v59;
	v4 =	vcvt.s32.f32 v4;
	[tilespmem:s12+$0x2420] =	vst v9  }
0x2ce: {  	v5 =	vcvt.s32.f32 v34;
	v6 =	vadd.f32 v6, v19;
	v2 =	vadd.f32 v11, v52;
	[tilespmem:$0x1FAC0] =	vst v28  }
0x2cf: {  	v1 =	vadd.f32 v4, v54;
	v4 =	vor.u32 v53, v60;
	v8 =	vcvt.s32.f32 v30;
	[tilespmem:$0x1FAD0] =	vst v29  }
0x2d0: {  	s31 =	simm.s32 $0x3;
	v62 =	vadd.f32 v5, v58;
	vm4 =	vlt.u32 v4, $0x400;
	v3 =	vor.u32 v38, v60;
	[tilespmem:s12+$0x4820] =	vst v36  }
0x2d1: {  	vm5 =	vlt.u32 v3, $0x400;
	v3 =	vadd.s32 s31, v29;
	v60 =	vadd.f32 v8, v28;
	[tilespmem:$0x1FAE0] =	vst v31  }
0x2d2: {  	s14 =	simm.s32 $0xC;
	v7 =	vor.u32 v31, v3;
	v5 =	vor.u32 v33, v3;
	v4 =	vor.u32 v44, v3;
	[tilespmem:s12+$0x30] =	vst v10  }
0x2d3: {  	s18 =	simm.s32 $0x8;
	s16 =	simm.s32 $0x4;
	s15 =	simm.s32 $0xC480;
	v37 =	vmovc v33;
	vm6 =	vlt.u32 v7, $0x400;
	v7 =	vor.u32 s14, v40;
	[tilespmem:s12+$0x2430] =	vst v6;
	v6 =	vadd.s32 s14, v43  }
.LBB2_6:
0x2d4: {  	v7 =	vnsel vm6, $0x180, v7;
	v8 =	vadd.s32 s14, v45  }
0x2d5: {  	v9 =	vadd.s32 s14, v57;
	v6 =	vnsel vm6, $0x180, v6;
	vm8 =	vlt.u32 v5, $0x400  }
0x2d6: {  	vm10 =	vlt.u32 v4, $0x400;
	v4 =	vor.u32 s18, v43;
	v10 =	vor.u32 s18, v42  }
0x2d7: {  	v11 =	vor.u32 s18, v46;
	v12 =	vor.u32 s18, v49;
	v13 =	vor.u32 s18, v50  }
0x2d8: {  	v14 =	vor.u32 s18, v51;
	v15 =	vor.u32 s18, v47;
	v16 =	vor.u32 s18, v48  }
0x2d9: {  	v30 =	vor.u32 s14, v41;
	v32 =	vadd.s32 s14, v42;
	v22 =	vadd.s32 s14, v46  }
0x2da: {  	v23 =	vor.u32 s14, v49;
	v24 =	vadd.s32 s14, v50;
	v25 =	vadd.s32 s14, v51  }
0x2db: {  	v26 =	vor.u32 s14, v47;
	v27 =	vadd.s32 s14, v48;
	[tilespmem:s12+$0x4830] =	vst v2;
	v2 =	vcvt.s32.f32 v7  }
0x2dc: {  	v7 =	vor.u32 v53, v3;
	[tilespmem:s12+$0x40] =	vst v1;
	v1 =	vcvt.s32.f32 v6;
	v6 =	vnsel vm6, $0x180, v8  }
0x2dd: {  	v33 =	vld [tilespmem:$0x1F9E0];
	v8 =	vor.u32 s18, v39;
	v4 =	vnsel vm3, $0x180, v4;
	v10 =	vnsel vm0, $0x180, v10  }
0x2de: {  	v34 =	vld [tilespmem:$0x1FA10];
	v11 =	vnsel vm0, $0x180, v11;
	v12 =	vnsel vm5, $0x180, v12;
	v13 =	vnsel vm5, $0x180, v13  }
0x2df: {  	v35 =	vld [tilespmem:$0x1F8E0];
	v14 =	vnsel vm5, $0x180, v14;
	v15 =	vnsel vm4, $0x180, v15;
	v16 =	vnsel vm4, $0x180, v16  }
0x2e0: {  	v17 =	vld [tilespmem:$0x1F8F0];
	[tilespmem:s12+$0x4840] =	vst v63;
	vm6 =	vlt.u32 v7, $0x400;
	v4 =	vcvt.s32.f32 v4;
	v10 =	vcvt.s32.f32 v10  }
0x2e1: {  	v18 =	vld [tilespmem:$0x1F900];
	[tilespmem:s15+$0x4850] =	vst v60;
	v60 =	vor.u32 s18, v57;
	v11 =	vcvt.s32.f32 v11;
	v12 =	vcvt.s32.f32 v12  }
0x2e2: {  	v19 =	vld [tilespmem:$0x1F910];
	v8 =	vnsel vm1, $0x180, v8;
	v13 =	vcvt.s32.f32 v13;
	v14 =	vcvt.s32.f32 v14  }
0x2e3: {  	v21 =	vld [tilespmem:$0x1F930];
	v15 =	vcvt.s32.f32 v15;
	v16 =	vcvt.s32.f32 v16;
	v26 =	vnsel vm6, $0x180, v26  }
0x2e4: {  	v27 =	vnsel vm6, $0x180, v27;
	v60 =	vnsel vm4, $0x180, v60;
	v8 =	vcvt.s32.f32 v8  }
0x2e5: {  	[tilespmem:s12+$0x2440] =	vst v0;
	v26 =	vcvt.s32.f32 v26;
	v0 =	vadd.f32 v2, v33;
	v2 =	vcvt.s32.f32 v6  }
0x2e6: {  	v6 =	vnsel vm6, $0x180, v9;
	v1 =	vadd.f32 v1, v34;
	v7 =	vor.u32 v35, v3  }
0x2e7: {  	v31 =	vld [tilespmem:$0x1FA30];
	[tilespmem:s15+$0x2450] =	vst v61;
	v5 =	vor.u32 s18, v18;
	v9 =	vor.u32 s18, v41;
	v61 =	vor.u32 s14, v17  }
0x2e8: {  	[tilespmem:s15+$0x50] =	vst v62;
	v62 =	vadd.s32 s14, v18;
	v63 =	vadd.s32 s14, v19;
	v18 =	vadd.s32 s14, v21  }
0x2e9: {  	v4 =	vadd.f32 v4, v34;
	v6 =	vcvt.s32.f32 v6;
	vm7 =	vlt.u32 v7, $0x400  }
0x2ea: {  	v7 =	vor.u32 s18, v21;
	v61 =	vnsel vm8, $0x180, v61;
	v62 =	vnsel vm8, $0x180, v62  }
0x2eb: {  	v36 =	vld [tilespmem:$0x1FAC0];
	s12 =	sadd.s32 $0xC0, s12;
	v63 =	vnsel vm8, $0x180, v63;
	v18 =	vnsel vm10, $0x180, v18;
	v5 =	vnsel vm2, $0x180, v5  }
0x2ec: {  	v20 =	vld [tilespmem:$0x1F920];
	v9 =	vnsel vm0, $0x180, v9;
	[tilespmem:s12+$0x60] =	vst v0;
	v0 =	vadd.f32 v2, v31;
	v2 =	vor.u32 v38, v3  }
0x2ed: {  	v28 =	vld [tilespmem:$0x1FA40];
	v3 =	vor.u32 s18, v40;
	v21 =	vnsel vm7, $0x180, v32;
	v61 =	vcvt.s32.f32 v61  }
0x2ee: {  	s13 =	sadd.s32 $0xC0, s13;
	v29 =	vld [tilespmem:$0x1FA60];
	v22 =	vnsel vm7, $0x180, v22;
	v62 =	vcvt.s32.f32 v62;
	v63 =	vcvt.s32.f32 v63  }
0x2ef: {  	s19 =	sand.u32 $0x3FE0, s13;
	v7 =	vnsel vm1, $0x180, v7;
	v18 =	vcvt.s32.f32 v18;
	v5 =	vcvt.s32.f32 v5  }
0x2f0: {  	v9 =	vcvt.s32.f32 v9;
	[tilespmem:s19+$0xE880] =	vst v1;
	v1 =	vadd.f32 v6, v36;
	vm9 =	vlt.u32 v2, $0x400  }
0x2f1: {  	v32 =	vld [tilespmem:$0x1FA50];
	v2 =	vor.u32 s18, v17;
	v6 =	vor.u32 s18, v20;
	v17 =	vor.u32 s14, v20  }
0x2f2: {  	v3 =	vnsel vm3, $0x180, v3;
	v22 =	vcvt.s32.f32 v22;
	[tilespmem:s19+$0x10C80] =	vst v0;
	v61 =	vadd.f32 v61, v28  }
0x2f3: {  	v20 =	vnsel vm7, $0x180, v30;
	v30 =	vadd.f32 v63, v29;
	v3 =	vcvt.s32.f32 v3;
	[tilespmem:s12+$0x48B0] =	vst v1  }
0x2f4: {  	v21 =	vcvt.s32.f32 v21;
	v23 =	vnsel vm9, $0x180, v23;
	v22 =	vadd.f32 v22, v52;
	[tilespmem:s12+$0x70] =	vst v61  }
0x2f5: {  	v25 =	vnsel vm9, $0x180, v25;
	v23 =	vcvt.s32.f32 v23;
	[tilespmem:s12+$0x4870] =	vst v30;
	v3 =	vadd.f32 v3, v33  }
0x2f6: {  	v0 =	vor.u32 s18, v45;
	v63 =	vld [tilespmem:$0x1FA70];
	v25 =	vcvt.s32.f32 v25;
	v62 =	vadd.f32 v62, v32;
	[tilespmem:s12+$0x4890] =	vst v22  }
0x2f7: {  	v7 =	vcvt.s32.f32 v7;
	v0 =	vnsel vm3, $0x180, v0;
	v23 =	vadd.f32 v23, v54;
	[tilespmem:s12+$0x0] =	vst v3  }
0x2f8: {  	v17 =	vnsel vm10, $0x180, v17;
	v0 =	vcvt.s32.f32 v0;
	v22 =	vadd.f32 v25, v56;
	[tilespmem:s12+$0x2470] =	vst v62  }
0x2f9: {  	s17 =	sadd.s32 $0xFFFFFFA0, s13;
	v24 =	vnsel vm9, $0x180, v24;
	v2 =	vnsel vm2, $0x180, v2;
	v17 =	vcvt.s32.f32 v17;
	[tilespmem:s12+$0xA0] =	vst v23  }
0x2fa: {  	s17 =	sand.u32 $0x3FC0, s17;
	v6 =	vnsel vm1, $0x180, v6;
	v1 =	vor.u32 s18, v19;
	v0 =	vadd.f32 v0, v31;
	[tilespmem:s12+$0x48A0] =	vst v22  }
0x2fb: {  	v2 =	vcvt.s32.f32 v2;
	v1 =	vnsel vm2, $0x180, v1;
	v30 =	vld [tilespmem:$0x1FA80];
	v17 =	vadd.f32 v17, v63;
	[tilespmem:s17+$0xE880] =	vst v4  }
0x2fc: {  	v6 =	vcvt.s32.f32 v6;
	v61 =	vld [tilespmem:$0x1FA90];
	v1 =	vcvt.s32.f32 v1;
	v23 =	vadd.f32 v26, v58;
	[tilespmem:s17+$0x10C80] =	vst v0  }
0x2fd: {  	v19 =	vadd.s32 s14, v39;
	v2 =	vadd.f32 v2, v28;
	v3 =	vadd.f32 v5, v32;
	[tilespmem:s12+$0x80] =	vst v17  }
0x2fe: {  	v19 =	vnsel vm10, $0x180, v19;
	v25 =	vld [tilespmem:$0x1FAD0];
	v5 =	vadd.f32 v1, v29;
	v4 =	vadd.f32 v6, v63;
	[tilespmem:s12+$0xB0] =	vst v23  }
0x2ff: {  	v19 =	vcvt.s32.f32 v19;
	v28 =	vld [tilespmem:$0x1FAE0];
	v1 =	vadd.f32 v12, v54;
	v63 =	vadd.f32 v14, v56;
	[tilespmem:s12+$0x10] =	vst v2  }
0x300: {  	v20 =	vcvt.s32.f32 v20;
	v0 =	vadd.f32 v13, v55;
	v18 =	vadd.f32 v18, v30;
	[tilespmem:s12+$0x2410] =	vst v3  }
0x301: {  	v62 =	vadd.f32 v19, v61;
	v19 =	vcvt.s32.f32 v27;
	v27 =	vld [tilespmem:$0x1FAA0];
	v6 =	vadd.f32 v7, v30;
	[tilespmem:s12+$0x4810] =	vst v5  }
0x302: {  	v24 =	vcvt.s32.f32 v24;
	v8 =	vadd.f32 v8, v61;
	v2 =	vadd.f32 v11, v52;
	[tilespmem:s12+$0x20] =	vst v4  }
0x303: {  	v61 =	vadd.f32 v16, v59;
	v26 =	vadd.s32 s16, v25;
	[tilespmem:s12+$0x4880] =	vst v62;
	v62 =	vld [tilespmem:$0x1FAB0];
	v17 =	vadd.f32 v19, v59  }
0x304: {  	[tilespmem:s12+$0x2480] =	vst v18;
	v31 =	vor.u32 v28, v26;
	v33 =	vor.u32 v37, v26;
	v7 =	vor.u32 v44, v26  }
0x305: {  	v34 =	vor.u32 v35, v26;
	v35 =	vor.u32 v38, v26;
	v3 =	vor.u32 v53, v26;
	[tilespmem:s12+$0x2420] =	vst v6  }
0x306: {  	[tilespmem:s12+$0x4820] =	vst v8;
	vm3 =	vlt.u32 v31, $0x400;
	vm2 =	vlt.u32 v33, $0x400;
	v18 =	vadd.f32 v20, v27  }
0x307: {  	p0 =	slt.u32 s16, $0x5E;
	vm1 =	vlt.u32 v7, $0x400;
	vm0 =	vlt.u32 v34, $0x400;
	[tilespmem:s12+$0x24B0] =	vst v17;
	v9 =	vadd.f32 v9, v27  }
.Ltmp2:
0x308: {  	s31 =	sadd.s32 $0x1, s16;
	s14 =	sadd.s32 $0x8, s14;
	vm5 =	vlt.u32 v35, $0x400;
	vm4 =	vlt.u32 v3, $0x400;
	v21 =	vadd.f32 v21, v62;
	[tilespmem:s12+$0x90] =	vst v18;
	(pc) =	sbr.rel @p0 .LBB2_6-.Ltmp2, $4  }
0x309: {  	v3 =	vadd.s32 s31, v25;
	v7 =	vor.u32 s14, v40;
	v10 =	vadd.f32 v10, v62;
	[tilespmem:s12+$0x30] =	vst v9  }
0x30a: {  	v6 =	vor.u32 v28, v3;
	[tilespmem:s12+$0x2490] =	vst v21;
	v21 =	vadd.f32 v24, v55;
	v24 =	vcvt.s32.f32 v60  }
0x30b: {  	v5 =	vor.u32 v37, v3;
	v4 =	vor.u32 v44, v3;
	vm6 =	vlt.u32 v6, $0x400;
	[tilespmem:s12+$0x2430] =	vst v10  }
0x30c: {  	s15 =	smov.u32 s12;
	s18 =	sadd.s32 $0xFFFFFFFC, s14;
	s16 =	sadd.s32 $0x2, s16;
	v6 =	vadd.s32 s14, v43;
	v62 =	vadd.f32 v15, v58;
	[tilespmem:s12+$0x24A0] =	vst v21;
	v60 =	vadd.f32 v24, v36  }
0x30d: {  	v10 =	vor.u32 v53, v3;
	v53 =	vld [tilespmem:$0x1F9E0]  }
0x30e: {  	v28 =	vld [tilespmem:$0x1FA10]  }
0x30f: {  	v33 =	vld [tilespmem:$0x1F8E0]  }
0x310: {  	v44 =	vld [tilespmem:$0x1FA30]  }
0x311: {  	v35 =	vld [tilespmem:$0x1FAC0]  }
0x312: {  	v18 =	vld [tilespmem:$0x1F8F0]  }
0x313: {  	v19 =	vld [tilespmem:$0x1F900]  }
0x314: {  	v20 =	vld [tilespmem:$0x1F910]  }
0x315: {  	v21 =	vld [tilespmem:$0x1F920]  }
0x316: {  	v22 =	vld [tilespmem:$0x1F930];
	[tilespmem:s12+$0x4830] =	vst v2  }
0x317: {  	v7 =	vnsel vm6, $0x180, v7;
	v8 =	vadd.s32 s14, v45;
	[tilespmem:s12+$0x40] =	vst v1  }
0x318: {  	v9 =	vadd.s32 s14, v57;
	v6 =	vnsel vm6, $0x180, v6;
	[tilespmem:s12+$0x2440] =	vst v0;
	v7 =	vcvt.s32.f32 v7  }
0x319: {  	[tilespmem:s12+$0x4840] =	vst v63;
	v6 =	vcvt.s32.f32 v6;
	v8 =	vnsel vm6, $0x180, v8;
	vm6 =	vlt.u32 v10, $0x400  }
0x31a: {  	[tilespmem:s15+$0x50] =	vst v62;
	v8 =	vcvt.s32.f32 v8;
	v9 =	vnsel vm6, $0x180, v9;
	v7 =	vadd.f32 v7, v53  }
0x31b: {  	s13 =	sadd.s32 $0xC0, s13;
	s22 =	sadd.s32 $0xC0, s12;
	[tilespmem:s15+$0x2450] =	vst v61;
	v9 =	vcvt.s32.f32 v9;
	v6 =	vadd.f32 v6, v28  }
0x31c: {  	s16 =	sand.u32 $0x3FE0, s13;
	v8 =	vadd.f32 v8, v44;
	[tilespmem:s22+$0x60] =	vst v7  }
0x31d: {  	vm9 =	vlt.u32 v4, $0x400;
	v4 =	vadd.f32 v9, v35;
	[tilespmem:s16+$0xE880] =	vst v6  }
0x31e: {  	[tilespmem:s16+$0x10C80] =	vst v8  }
0x31f: {  	vm10 =	vlt.u32 v5, $0x400;
	[tilespmem:s22+$0x48B0] =	vst v4  }
0x320: {  	v10 =	vor.u32 v33, v3;
	v0 =	vor.u32 s14, v18;
	v34 =	vadd.s32 s14, v20;
	v26 =	vld [tilespmem:$0x1FA40];
	[tilespmem:s15+$0x4850] =	vst v60  }
0x321: {  	vm8 =	vlt.u32 v10, $0x400;
	v10 =	vor.u32 s18, v18;
	v18 =	vnsel vm10, $0x180, v34;
	v34 =	vld [tilespmem:$0x1FA50]  }
0x322: {  	v1 =	vadd.s32 s14, v19;
	v0 =	vnsel vm10, $0x180, v0  }
0x323: {  	v1 =	vnsel vm10, $0x180, v1;
	v0 =	vcvt.s32.f32 v0  }
0x324: {  	v1 =	vcvt.s32.f32 v1  }
0x325: {  	v0 =	vadd.f32 v0, v26  }
0x326: {  	v1 =	vadd.f32 v1, v34  }
0x327: {  	[tilespmem:s22+$0x70] =	vst v0  }
0x328: {  	v27 =	vld [tilespmem:$0x1FA60];
	[tilespmem:s22+$0x2470] =	vst v1  }
0x329: {  	v30 =	vld [tilespmem:$0x1FA70]  }
0x32a: {  	v36 =	vor.u32 s14, v21  }
0x32b: {  	v11 =	vor.u32 s18, v19;
	v19 =	vnsel vm9, $0x180, v36;
	v18 =	vcvt.s32.f32 v18  }
0x32c: {  	v19 =	vcvt.s32.f32 v19  }
0x32d: {  	v5 =	vor.u32 s18, v40;
	v0 =	vadd.f32 v18, v27  }
0x32e: {  	v15 =	vor.u32 s18, v39;
	v16 =	vor.u32 s18, v41;
	v1 =	vadd.f32 v19, v30  }
0x32f: {  	v2 =	vor.u32 s18, v42;
	v17 =	vor.u32 s18, v46;
	v40 =	vor.u32 s18, v49;
	[tilespmem:s22+$0x4870] =	vst v0  }
0x330: {  	v31 =	vor.u32 s18, v47;
	v29 =	vor.u32 s18, v48;
	v39 =	vadd.s32 s14, v39;
	v32 =	vld [tilespmem:$0x1FA80];
	[tilespmem:s22+$0x80] =	vst v1  }
0x331: {  	v9 =	vor.u32 s18, v43;
	v43 =	vor.u32 s18, v57;
	v37 =	vadd.s32 s14, v22;
	v57 =	vld [tilespmem:$0x1FA90]  }
0x332: {  	v23 =	vadd.s32 s14, v46;
	v12 =	vor.u32 s18, v20;
	v20 =	vnsel vm9, $0x180, v37  }
0x333: {  	v13 =	vor.u32 s18, v21;
	v21 =	vnsel vm9, $0x180, v39;
	v20 =	vcvt.s32.f32 v20  }
0x334: {  	v24 =	vor.u32 s14, v49;
	v5 =	vnsel vm3, $0x180, v5;
	v21 =	vcvt.s32.f32 v21  }
0x335: {  	v25 =	vadd.s32 s14, v51;
	v5 =	vcvt.s32.f32 v5;
	v0 =	vadd.f32 v20, v32  }
0x336: {  	v3 =	vor.u32 v38, v3;
	v14 =	vor.u32 s18, v22;
	v1 =	vadd.f32 v21, v57  }
0x337: {  	v38 =	vor.u32 s18, v50;
	v33 =	vor.u32 s18, v51;
	v5 =	vadd.f32 v5, v53;
	[tilespmem:s22+$0x2480] =	vst v0  }
0x338: {  	vm7 =	vlt.u32 v3, $0x400;
	v3 =	vor.u32 s18, v45;
	v45 =	vor.u32 s14, v41;
	v61 =	vld [tilespmem:$0x1FAA0];
	[tilespmem:s22+$0x4880] =	vst v1  }
0x339: {  	v7 =	vadd.s32 s14, v42;
	v51 =	vnsel vm8, $0x180, v23;
	v3 =	vnsel vm3, $0x180, v3;
	v63 =	vld [tilespmem:$0x1FAB0]  }
0x33a: {  	v6 =	vadd.s32 s14, v50;
	v50 =	vnsel vm8, $0x180, v45;
	v3 =	vcvt.s32.f32 v3  }
0x33b: {  	v8 =	vor.u32 s14, v47;
	v7 =	vnsel vm8, $0x180, v7;
	v18 =	vcvt.s32.f32 v50  }
0x33c: {  	s13 =	sadd.s32 $0xFFFFFFA0, s13;
	v4 =	vadd.s32 s14, v48;
	v7 =	vcvt.s32.f32 v7;
	v3 =	vadd.f32 v3, v44  }
0x33d: {  	s13 =	sand.u32 $0x3FC0, s13;
	v60 =	vnsel vm7, $0x180, v24;
	v19 =	vcvt.s32.f32 v51;
	[tilespmem:s22+$0x0] =	vst v5;
	v0 =	vadd.f32 v18, v61  }
0x33e: {  	v6 =	vnsel vm7, $0x180, v6;
	v62 =	vcvt.s32.f32 v60;
	[tilespmem:s13+$0x10C80] =	vst v3;
	v1 =	vadd.f32 v7, v63  }
0x33f: {  	v6 =	vcvt.s32.f32 v6;
	v7 =	vnsel vm7, $0x180, v25;
	[tilespmem:s22+$0x90] =	vst v0;
	v0 =	vadd.f32 v19, v52  }
0x340: {  	v8 =	vnsel vm6, $0x180, v8;
	v7 =	vcvt.s32.f32 v7;
	[tilespmem:s22+$0x2490] =	vst v1;
	v1 =	vadd.f32 v62, v54  }
0x341: {  	v4 =	vnsel vm6, $0x180, v4;
	v8 =	vcvt.s32.f32 v8;
	[tilespmem:s22+$0x4890] =	vst v0;
	v0 =	vadd.f32 v6, v55  }
0x342: {  	v4 =	vcvt.s32.f32 v4;
	v6 =	vnsel vm3, $0x180, v9;
	[tilespmem:s22+$0xA0] =	vst v1;
	v1 =	vadd.f32 v7, v56  }
0x343: {  	v5 =	vnsel vm1, $0x180, v13;
	v6 =	vcvt.s32.f32 v6;
	[tilespmem:s22+$0x24A0] =	vst v0;
	v0 =	vadd.f32 v8, v58  }
0x344: {  	v5 =	vcvt.s32.f32 v5;
	v3 =	vnsel vm1, $0x180, v15;
	[tilespmem:s22+$0x48A0] =	vst v1;
	v1 =	vadd.f32 v4, v59  }
0x345: {  	v3 =	vcvt.s32.f32 v3;
	v4 =	vnsel vm2, $0x180, v10;
	v6 =	vadd.f32 v6, v28;
	[tilespmem:s22+$0xB0] =	vst v0  }
0x346: {  	v5 =	vadd.f32 v5, v30;
	v0 =	vnsel vm2, $0x180, v11;
	v4 =	vcvt.s32.f32 v4;
	[tilespmem:s22+$0x24B0] =	vst v1  }
0x347: {  	v3 =	vadd.f32 v3, v57;
	v1 =	vnsel vm2, $0x180, v12;
	v0 =	vcvt.s32.f32 v0;
	[tilespmem:s13+$0xE880] =	vst v6  }
0x348: {  	v6 =	vnsel vm1, $0x180, v14;
	v1 =	vcvt.s32.f32 v1;
	v4 =	vadd.f32 v4, v26;
	[tilespmem:s22+$0x20] =	vst v5  }
0x349: {  	v6 =	vcvt.s32.f32 v6;
	v5 =	vnsel vm5, $0x180, v40;
	[tilespmem:s22+$0x4820] =	vst v3;
	v0 =	vadd.f32 v0, v34  }
0x34a: {  	v5 =	vcvt.s32.f32 v5;
	v1 =	vadd.f32 v1, v27;
	[tilespmem:s22+$0x10] =	vst v4;
	v4 =	vnsel vm0, $0x180, v16  }
0x34b: {  	[tilespmem:s22+$0x2410] =	vst v0;
	v0 =	vnsel vm0, $0x180, v2;
	v2 =	vcvt.s32.f32 v4;
	v4 =	vadd.f32 v6, v32  }
0x34c: {  	v5 =	vadd.f32 v5, v54;
	[tilespmem:s22+$0x4810] =	vst v1;
	v1 =	vnsel vm0, $0x180, v17;
	v0 =	vcvt.s32.f32 v0  }
0x34d: {  	v3 =	vnsel vm5, $0x180, v33;
	v1 =	vcvt.s32.f32 v1;
	v2 =	vadd.f32 v2, v61;
	[tilespmem:s22+$0x2420] =	vst v4  }
0x34e: {  	v3 =	vcvt.s32.f32 v3;
	v4 =	vnsel vm5, $0x180, v38;
	[tilespmem:s22+$0x40] =	vst v5;
	v0 =	vadd.f32 v0, v63  }
0x34f: {  	v4 =	vcvt.s32.f32 v4;
	v1 =	vadd.f32 v1, v52;
	[tilespmem:s22+$0x30] =	vst v2;
	v2 =	vnsel vm4, $0x180, v31  }
0x350: {  	v3 =	vadd.f32 v3, v56;
	[tilespmem:s22+$0x2430] =	vst v0;
	v0 =	vnsel vm4, $0x180, v29;
	v2 =	vcvt.s32.f32 v2  }
0x351: {  	v4 =	vadd.f32 v4, v55;
	[tilespmem:s22+$0x4830] =	vst v1;
	v1 =	vnsel vm4, $0x180, v43;
	v0 =	vcvt.s32.f32 v0  }
0x352: {  	[tilespmem:s22+$0x4840] =	vst v3;
	v1 =	vcvt.s32.f32 v1;
	v2 =	vadd.f32 v2, v58  }
0x353: {  	[tilespmem:s22+$0x2440] =	vst v4;
	v0 =	vadd.f32 v0, v59  }
0x354: {  	v1 =	vadd.f32 v1, v35;
	[tilespmem:s22+$0x50] =	vst v2  }
0x355: {  	[tilespmem:s22+$0x2450] =	vst v0  }
0x356: {  	s23 =	simm.s32 $0x0;
	s12 =	simm.s32 $0xC480;
	[tilespmem:s22+$0x4850] =	vst v1  }
0x357: {  	[hbm4b:s6+s23] =	stream.linear.scatter [tilespmem:s12], [sflag:$0x1], $0x6C00, $0x38;
	[tilespmem:$0x13080] =	vst v63  }
0x358: {  	_ =	swait.ge [sflag:s9], $0x6C00  }
0x359: {  	v0 =	vld [tilespmem:$0x1FF40];
	_ =	sdelay $0x5  }
0x35a: {  	[sflag:s9] =	ssyncset.done $0x0  }
0x35b: {  	[sflag:s9] =	ssyncadd.s32 $0xFFFF9400  }
0x35c: {  	v0 =	vld.idx.msk [tilespmem:v0+s23+$0x0], $0xffff;
	_ =	sdelay $0x4  }
0x35d: {  	v1 =	vshra.s32 v0, $0x1F;
	v2 =	vand.u32 $0x7F, v0  }
0x35e: {  	vm0 =	vlt.s32 v0, $0x1;
	v1 =	vshrl.u32 v1, $0x19;
	vm1 =	vne.s32 v2, $0x0  }
0x35f: {  	v5 =	vimm.s32 $0x0;
	v1 =	vadd.s32 v1, v0;
	vm0 =	vmand vm0, vm1  }
0x360: {  	v1 =	vshra.s32 v1, $0x7;
	v2 =	vsel vm0, $0xFFFFFFFF, v5  }
0x361: {  	v1 =	vadd.s32 v2, v1  }
0x362: {  	v0 =	vshll.u32 v0, $0x3;
	v2 =	vshll.u32 v1, $0xA  }
0x363: {  	v0 =	vsub.s32 v0, v2  }
0x364: {  	v2 =	vadd.s32 $0xFFFFFFD4, v0  }
0x365: {  	vm0 =	vgt.s32 v2, $0x0  }
0x366: {  	v2 =	vnsel vm0, $0x0, v2  }
0x367: {  	v3 =	vmin.u32 v2, $0x3A0  }
0x368: {  	v3 =	vmul.u32 $0x3, v3;
	_ =	sdelay $0x1  }
0x369: {  	v4 =	vand.u32 $0x7F, v3  }
0x36a: {  	vm0 =	veq.s32 v2, $0x0;
	vm1 =	vne.s32 v4, $0x0  }
0x36b: {  	vm0 =	vmand vm0, vm1  }
0x36c: {  	v4 =	vld [tilespmem:$0x1FF90];
	v2 =	vsel vm0, $0xFFFFFFFF, v5  }
0x36d: {  	v2 =	vshll.u32 v2, $0x7  }
0x36e: {  	v2 =	vadd.s32 v3, v2  }
0x36f: {  	v3 =	vmul.u32 $0x3, v0;
	v2 =	vand.u32 $0xFFFFFF80, v2  }
0x370: {  	vm0 =	vlt.s32 v2, $0xA00  }
0x371: {  	v6 =	vld [tilespmem:$0x1FFD0];
	v4 =	vadd.s32 v4, v3;
	v2 =	vnsel vm0, $0xA00, v2  }
0x372: {  	v7 =	vld [tilespmem:$0x1FFC0];
	v4 =	vsub.s32 v4, v2  }
0x373: {  	v1 =	vshll.u32 v1, $0x3;
	v5 =	vld [tilespmem:$0x1FFB0];
	vm0 =	vgt.s32 v4, $0x0  }
0x374: {  	v29 =	vadd.s32 $0xFFFFFFD4, v1;
	v1 =	vnsel vm0, $0x0, v4;
	v4 =	vld [tilespmem:$0x1FFA0];
	_ =	sdelay $0x2  }
0x375: {  	v49 =	vadd.s32 v7, v0;
	v7 =	vld [tilespmem:$0x1FF60]  }
0x376: {  	v34 =	vadd.s32 v5, v0;
	v5 =	vld [tilespmem:$0x1FF70]  }
0x377: {  	v28 =	vadd.s32 v6, v0;
	v31 =	vadd.s32 v4, v0;
	v4 =	vld [tilespmem:$0x1FF80]  }
0x378: {  	v6 =	vmul.u32 $0x3, v28  }
0x379: {  	s28 =	simm.s32 $0x2;
	v8 =	vld [tilespmem:$0x1FF50]  }
0x37a: {  	v60 =	vadd.s32 s28, v29;
	v7 =	vadd.s32 v7, v3;
	v6 =	vsub.s32 v6, v2  }
0x37b: {  	v7 =	vsub.s32 v7, v2;
	v1 =	vmin.u32 v1, $0x1FD;
	v5 =	vadd.s32 v5, v3  }
0x37c: {  	v42 =	vshrl.u32 v1, $0x7;
	v63 =	vor.u32 v31, v60;
	v4 =	vadd.s32 v4, v3  }
0x37d: {  	v5 =	vsub.s32 v5, v2;
	vm3 =	vlt.u32 v63, $0x400;
	v4 =	vsub.s32 v4, v2  }
0x37e: {  	v63 =	vor.u32 v34, v60;
	v3 =	vadd.s32 v8, v3;
	vm0 =	vgt.s32 v4, $0x0  }
0x37f: {  	v2 =	vsub.s32 v3, v2;
	v4 =	vnsel vm0, $0x0, v4;
	vm0 =	vgt.s32 v5, $0x0  }
0x380: {  	v4 =	vmin.u32 v4, $0x1FD;
	v5 =	vnsel vm0, $0x0, v5;
	vm0 =	vgt.s32 v6, $0x0  }
0x381: {  	v5 =	vmin.u32 v5, $0x1FD;
	v6 =	vnsel vm0, $0x0, v6;
	vm0 =	vgt.s32 v7, $0x0  }
0x382: {  	v32 =	vshrl.u32 v4, $0x7;
	v3 =	vmin.u32 v6, $0x1FD;
	v6 =	vnsel vm0, $0x0, v7  }
0x383: {  	s25 =	simm.s32 $0x4;
	vm0 =	vgt.s32 v2, $0x0;
	v7 =	vld [tilespmem:$0x1FFE0];
	v30 =	vshrl.u32 v5, $0x7;
	v54 =	vmin.u32 v6, $0x1FD  }
0x384: {  	v2 =	vnsel vm0, $0x0, v2;
	v6 =	vld [tilespmem:$0x1FFF0];
	v37 =	vshrl.u32 v3, $0x7;
	v11 =	vor.u32 s25, v30  }
0x385: {  	v58 =	vmin.u32 v2, $0x1FD;
	v45 =	vshrl.u32 v54, $0x7;
	v56 =	vadd.s32 $0x1, v54  }
0x386: {  	v57 =	vadd.s32 $0x2, v54;
	v14 =	vor.u32 s25, v37;
	v47 =	vshrl.u32 v56, $0x7  }
0x387: {  	v48 =	vshrl.u32 v57, $0x7;
	v59 =	vadd.s32 $0x1, v58;
	v38 =	vor.u32 s25, v45  }
0x388: {  	v50 =	vshrl.u32 v59, $0x7;
	v52 =	vadd.s32 s25, v47;
	v61 =	vadd.s32 s25, v48  }
0x389: {  	v40 =	vadd.s32 v7, v0;
	v53 =	vadd.s32 v6, v0;
	v0 =	vand.u32 $0x7F, v1  }
0x38a: {  	v26 =	vcvt.s32.f32 v0;
	v0 =	vadd.s32 $0x1, v1;
	v1 =	vadd.s32 $0x2, v1  }
0x38b: {  	v46 =	vshrl.u32 v0, $0x7;
	v0 =	vand.u32 $0x7F, v0;
	v51 =	vshrl.u32 v1, $0x7  }
0x38c: {  	v27 =	vcvt.s32.f32 v0;
	v0 =	vand.u32 $0x7F, v1;
	v1 =	vadd.s32 $0x2, v4  }
0x38d: {  	v24 =	vcvt.s32.f32 v0;
	v0 =	vand.u32 $0x7F, v4;
	v2 =	vand.u32 $0x7F, v1  }
0x38e: {  	v41 =	vshrl.u32 v1, $0x7;
	v1 =	vadd.s32 $0x1, v5;
	v20 =	vcvt.s32.f32 v0  }
0x38f: {  	v0 =	vadd.s32 $0x1, v4;
	v21 =	vcvt.s32.f32 v2;
	v2 =	vadd.s32 $0x2, v5  }
0x390: {  	v33 =	vshrl.u32 v1, $0x7;
	v10 =	vadd.s32 s25, v41;
	v36 =	vshrl.u32 v0, $0x7  }
0x391: {  	v0 =	vand.u32 $0x7F, v0;
	v35 =	vshrl.u32 v2, $0x7;
	v12 =	vadd.s32 s25, v33  }
0x392: {  	v25 =	vcvt.s32.f32 v0;
	v0 =	vand.u32 $0x7F, v5;
	v9 =	vadd.s32 s25, v36  }
0x393: {  	s26 =	simm.s32 $0x0;
	v13 =	vadd.s32 s25, v35;
	v22 =	vcvt.s32.f32 v0;
	v0 =	vand.u32 $0x7F, v1  }
0x394: {  	[tilespmem:$0x1F710] =	vst v36;
	v36 =	vor.u32 s26, v36;
	v1 =	vadd.s32 $0x2, v3;
	v23 =	vcvt.s32.f32 v0  }
0x395: {  	v0 =	vand.u32 $0x7F, v2;
	v43 =	vshrl.u32 v1, $0x7;
	v2 =	vadd.s32 s23, v29  }
0x396: {  	v18 =	vcvt.s32.f32 v0;
	v0 =	vand.u32 $0x7F, v3;
	v4 =	vor.u32 v34, v2  }
0x397: {  	v5 =	vor.u32 v49, v2;
	v6 =	vor.u32 v28, v2;
	v7 =	vor.u32 v40, v2  }
0x398: {  	v17 =	vcvt.s32.f32 v0;
	v0 =	vadd.s32 $0x1, v3;
	v3 =	vor.u32 v31, v2  }
0x399: {  	v2 =	vor.u32 v53, v2;
	vm8 =	vlt.u32 v4, $0x400;
	vm7 =	vlt.u32 v5, $0x400  }
0x39a: {  	vm6 =	vlt.u32 v6, $0x400;
	vm5 =	vlt.u32 v7, $0x400;
	v6 =	vadd.s32 s25, v46  }
0x39b: {  	s24 =	simm.s32 $0x1;
	v7 =	vadd.s32 s25, v51;
	v39 =	vshrl.u32 v0, $0x7;
	v0 =	vand.u32 $0x7F, v0  }
0x39c: {  	vm14 =	vlt.u32 v3, $0x400;
	vm4 =	vlt.u32 v2, $0x400;
	v2 =	vadd.s32 s24, v29  }
0x39d: {  	v19 =	vcvt.s32.f32 v0;
	v0 =	vand.u32 $0x7F, v1;
	v1 =	vadd.s32 $0x2, v58  }
0x39e: {  	v3 =	vor.u32 v31, v2;
	v4 =	vor.u32 v34, v2;
	v5 =	vor.u32 v49, v2  }
0x39f: {  	v8 =	vor.u32 v53, v2;
	v16 =	vor.u32 v28, v2;
	v2 =	vor.u32 v40, v2  }
0x3a0: {  	[tilespmem:$0x1F6F0] =	vst v28;
	v28 =	vor.u32 v28, v60;
	v55 =	vshrl.u32 v1, $0x7;
	vm0 =	vlt.u32 v3, $0x400  }
0x3a1: {  	v3 =	vor.u32 s25, v42;
	vm15 =	vlt.u32 v8, $0x400;
	vm1 =	vlt.u32 v4, $0x400  }
0x3a2: {  	vm2 =	vlt.u32 v5, $0x400;
	vm11 =	vlt.u32 v16, $0x400;
	v5 =	vor.u32 s26, v46  }
0x3a3: {  	v16 =	vadd.s32 s25, v43;
	v3 =	vnsel vm0, $0x180, v3;
	v6 =	vnsel vm0, $0x180, v6  }
0x3a4: {  	[tilespmem:$0x1F700] =	vst v32;
	v7 =	vnsel vm0, $0x180, v7;
	vm0 =	vlt.u32 v2, $0x400;
	v2 =	vor.u32 s25, v32  }
0x3a5: {  	[tilespmem:$0x1F720] =	vst v30;
	v9 =	vnsel vm1, $0x180, v9;
	v10 =	vnsel vm1, $0x180, v10;
	v11 =	vnsel vm2, $0x180, v11  }
0x3a6: {  	[tilespmem:$0x1F750] =	vst v37;
	v12 =	vnsel vm2, $0x180, v12;
	v13 =	vnsel vm2, $0x180, v13;
	vm2 =	vlt.u32 v63, $0x400  }
0x3a7: {  	[tilespmem:$0x1F730] =	vst v33;
	v63 =	vor.u32 v49, v60;
	v5 =	vnsel vm14, $0x180, v5;
	v2 =	vnsel vm1, $0x180, v2  }
0x3a8: {  	[tilespmem:$0x1F760] =	vst v0;
	v0 =	vnsel vm0, $0x180, v38;
	vm1 =	vlt.u32 v63, $0x400;
	v63 =	vnsel vm0, $0x180, v52  }
0x3a9: {  	[tilespmem:$0x1F740] =	vst v35;
	v61 =	vnsel vm0, $0x180, v61;
	vm0 =	vlt.u32 v28, $0x400;
	v28 =	vadd.s32 s25, v50  }
0x3aa: {  	v1 =	vand.u32 $0x7F, v1;
	[tilespmem:$0x1F780] =	vst v5;
	v52 =	vnsel vm15, $0x180, v28;
	v28 =	vor.u32 s26, v51  }
0x3ab: {  	v15 =	vadd.s32 s25, v55;
	v32 =	vor.u32 s26, v32;
	[tilespmem:$0x1F770] =	vst v52;
	v5 =	vnsel vm14, $0x180, v28  }
0x3ac: {  	v52 =	vnsel vm8, $0x180, v36;
	[tilespmem:$0x1F790] =	vst v5;
	v5 =	vnsel vm8, $0x180, v32;
	v32 =	vor.u32 s26, v41  }
0x3ad: {  	v14 =	vnsel vm11, $0x180, v14;
	[tilespmem:$0x1F7A0] =	vst v52;
	v52 =	vnsel vm8, $0x180, v32;
	v32 =	vor.u32 s26, v30  }
0x3ae: {  	v16 =	vnsel vm11, $0x180, v16;
	v36 =	vor.u32 s26, v33;
	[tilespmem:$0x1F7B0] =	vst v52;
	v38 =	vnsel vm7, $0x180, v32  }
0x3af: {  	v3 =	vcvt.s32.f32 v3;
	v52 =	vnsel vm7, $0x180, v36;
	v32 =	vor.u32 s26, v35;
	[tilespmem:$0x1F7C0] =	vst v38  }
0x3b0: {  	v8 =	vnsel vm15, $0x180, v15;
	v35 =	vor.u32 s26, v37;
	[tilespmem:$0x1F7D0] =	vst v52;
	v33 =	vnsel vm7, $0x180, v32  }
0x3b1: {  	v15 =	vadd.s32 s25, v39;
	v38 =	vnsel vm6, $0x180, v35;
	v32 =	vor.u32 s26, v43;
	[tilespmem:$0x1F7E0] =	vst v33  }
0x3b2: {  	v6 =	vcvt.s32.f32 v6;
	v35 =	vor.u32 s26, v45;
	[tilespmem:$0x1F7F0] =	vst v38;
	v33 =	vnsel vm6, $0x180, v32  }
0x3b3: {  	v7 =	vcvt.s32.f32 v7;
	v3 =	vadd.f32 v3, v26;
	v38 =	vnsel vm5, $0x180, v35;
	[tilespmem:$0x1F810] =	vst v33  }
0x3b4: {  	s13 =	simm.s32 $0x60;
	v2 =	vcvt.s32.f32 v2;
	[tilespmem:$0x1F830] =	vst v38;
	v38 =	vcvt.s32.f32 v1;
	v1 =	vadd.f32 v6, v27  }
0x3b5: {  	s29 =	sand.u32 $0x3FE0, s13;
	v7 =	vadd.f32 v7, v24;
	v52 =	vld [tilespmem:$0x1F760];
	v6 =	vcvt.s32.f32 v8;
	[tilespmem:s12+$0x60] =	vst v3;
	v3 =	vand.u32 $0x7F, v54  }
0x3b6: {  	v2 =	vadd.f32 v2, v20;
	[tilespmem:s29+$0xE880] =	vst v1;
	v54 =	vcvt.s32.f32 v3;
	v3 =	vcvt.s32.f32 v9  }
0x3b7: {  	v1 =	vadd.f32 v6, v38;
	[tilespmem:s29+$0x10C80] =	vst v7;
	v6 =	vand.u32 $0x7F, v56;
	v7 =	vcvt.s32.f32 v10  }
0x3b8: {  	v56 =	vcvt.s32.f32 v6;
	[tilespmem:s12+$0x70] =	vst v2;
	v6 =	vcvt.s32.f32 v12;
	v3 =	vadd.f32 v3, v25  }
0x3b9: {  	v2 =	vand.u32 $0x7F, v57;
	[tilespmem:s12+$0x48B0] =	vst v1;
	v1 =	vcvt.s32.f32 v11;
	v7 =	vadd.f32 v7, v21  }
0x3ba: {  	v57 =	vcvt.s32.f32 v2;
	v2 =	vcvt.s32.f32 v13;
	v6 =	vadd.f32 v6, v23;
	[tilespmem:s12+$0x2470] =	vst v3  }
0x3bb: {  	v15 =	vnsel vm11, $0x180, v15;
	v1 =	vadd.f32 v1, v22;
	[tilespmem:s12+$0x4870] =	vst v7;
	v7 =	vcvt.s32.f32 v14  }
0x3bc: {  	v52 =	vcvt.s32.f32 v52;
	v2 =	vadd.f32 v2, v18;
	[tilespmem:s12+$0x2480] =	vst v6;
	v6 =	vcvt.s32.f32 v16  }
0x3bd: {  	[tilespmem:s12+$0x80] =	vst v1;
	v1 =	vcvt.s32.f32 v15;
	v7 =	vadd.f32 v7, v17  }
0x3be: {  	[tilespmem:s12+$0x4880] =	vst v2;
	v6 =	vadd.f32 v6, v52  }
0x3bf: {  	v1 =	vadd.f32 v1, v19;
	[tilespmem:s12+$0x90] =	vst v7  }
0x3c0: {  	v44 =	vshrl.u32 v58, $0x7;
	v0 =	vcvt.s32.f32 v0;
	[tilespmem:s12+$0x4890] =	vst v6  }
0x3c1: {  	v62 =	vor.u32 s25, v44;
	v3 =	vand.u32 $0x7F, v58;
	v2 =	vcvt.s32.f32 v63;
	[tilespmem:s12+$0x2490] =	vst v1  }
0x3c2: {  	v0 =	vadd.f32 v0, v54;
	v58 =	vcvt.s32.f32 v3;
	v3 =	vand.u32 $0x7F, v59;
	v6 =	vld [tilespmem:$0x1F770]  }
0x3c3: {  	v59 =	vcvt.s32.f32 v3;
	v3 =	vcvt.s32.f32 v61;
	v2 =	vadd.f32 v2, v56  }
0x3c4: {  	v62 =	vnsel vm15, $0x180, v62;
	v7 =	vld [tilespmem:$0x1F780];
	[tilespmem:s12+$0xA0] =	vst v0  }
0x3c5: {  	v3 =	vadd.f32 v3, v57;
	v1 =	vcvt.s32.f32 v62;
	v0 =	vld [tilespmem:$0x1F790];
	[tilespmem:s12+$0x24A0] =	vst v2  }
0x3c6: {  	v2 =	vld [tilespmem:$0x1F7A0]  }
0x3c7: {  	v4 =	vor.u32 s26, v42;
	v1 =	vadd.f32 v1, v58;
	v8 =	vld [tilespmem:$0x1F7B0];
	[tilespmem:s12+$0x48A0] =	vst v3;
	v6 =	vcvt.s32.f32 v6  }
0x3c8: {  	v4 =	vnsel vm14, $0x180, v4;
	v3 =	vld [tilespmem:$0x1F7C0]  }
0x3c9: {  	v4 =	vcvt.s32.f32 v4;
	v15 =	vld [tilespmem:$0x1F7D0];
	[tilespmem:s12+$0xB0] =	vst v1;
	v6 =	vadd.f32 v6, v59  }
0x3ca: {  	v1 =	vld [tilespmem:$0x1F7E0];
	[tilespmem:$0x1F800] =	vst v26  }
0x3cb: {  	v4 =	vadd.f32 v4, v26;
	v16 =	vld [tilespmem:$0x1F7F0];
	[tilespmem:s12+$0x24B0] =	vst v6  }
0x3cc: {  	v28 =	vor.u32 s26, v50;
	v32 =	vor.u32 s26, v48;
	v7 =	vcvt.s32.f32 v7;
	[tilespmem:$0x1F820] =	vst v27  }
0x3cd: {  	v35 =	vnsel vm5, $0x180, v32;
	v32 =	vnsel vm4, $0x180, v28;
	v28 =	vld [tilespmem:$0x1F810];
	[tilespmem:s12+$0x0] =	vst v4  }
0x3ce: {  	s30 =	simm.s32 $0x0;
	v7 =	vadd.f32 v7, v27;
	[tilespmem:$0x1F840] =	vst v24  }
0x3cf: {  	s14 =	sand.u32 $0x3FC0, s30;
	v0 =	vcvt.s32.f32 v0;
	[tilespmem:$0x1F850] =	vst v20  }
0x3d0: {  	v4 =	vld [tilespmem:$0x1F830];
	[tilespmem:s14+$0xE880] =	vst v7  }
0x3d1: {  	v30 =	vor.u32 s26, v55;
	v0 =	vadd.f32 v0, v24;
	[tilespmem:$0x1F860] =	vst v25  }
0x3d2: {  	v5 =	vcvt.s32.f32 v5;
	v37 =	vor.u32 s26, v39;
	v36 =	vor.u32 s26, v47;
	[tilespmem:$0x1F870] =	vst v21  }
0x3d3: {  	v30 =	vnsel vm4, $0x180, v30;
	v37 =	vnsel vm6, $0x180, v37;
	v36 =	vnsel vm5, $0x180, v36;
	[tilespmem:s14+$0x10C80] =	vst v0  }
0x3d4: {  	v5 =	vadd.f32 v5, v20;
	v33 =	vor.u32 s26, v44;
	v35 =	vcvt.s32.f32 v35;
	[tilespmem:$0x1F880] =	vst v22  }
0x3d5: {  	v33 =	vnsel vm4, $0x180, v33;
	v2 =	vcvt.s32.f32 v2;
	v8 =	vcvt.s32.f32 v8;
	[tilespmem:$0x1F890] =	vst v23  }
0x3d6: {  	v63 =	vadd.f32 v35, v57;
	v3 =	vcvt.s32.f32 v3;
	v9 =	vcvt.s32.f32 v15;
	[tilespmem:s12+$0x10] =	vst v5  }
0x3d7: {  	v1 =	vcvt.s32.f32 v1;
	v10 =	vcvt.s32.f32 v16;
	v2 =	vadd.f32 v2, v25;
	[tilespmem:$0x1F8A0] =	vst v18  }
0x3d8: {  	v6 =	vcvt.s32.f32 v37;
	v8 =	vadd.f32 v8, v21;
	v3 =	vadd.f32 v3, v22;
	[tilespmem:$0x1F8B0] =	vst v17  }
0x3d9: {  	v37 =	vcvt.s32.f32 v32;
	v9 =	vadd.f32 v9, v23;
	v10 =	vadd.f32 v10, v17;
	[tilespmem:s12+$0x2410] =	vst v2  }
0x3da: {  	v6 =	vadd.f32 v6, v19;
	v7 =	vcvt.s32.f32 v36;
	v11 =	vcvt.s32.f32 v28;
	[tilespmem:$0x1F8C0] =	vst v19  }
0x3db: {  	v61 =	vadd.f32 v37, v59;
	v36 =	vadd.f32 v1, v18;
	v4 =	vcvt.s32.f32 v4;
	[tilespmem:s12+$0x4810] =	vst v8  }
0x3dc: {  	v0 =	vadd.f32 v7, v56;
	v5 =	vcvt.s32.f32 v33;
	v2 =	vadd.f32 v11, v52;
	[tilespmem:s12+$0x20] =	vst v3  }
0x3dd: {  	v1 =	vadd.f32 v4, v54;
	v4 =	vor.u32 v53, v60;
	v8 =	vcvt.s32.f32 v30;
	[tilespmem:s12+$0x2420] =	vst v9  }
0x3de: {  	s31 =	simm.s32 $0x3;
	v62 =	vadd.f32 v5, v58;
	vm4 =	vlt.u32 v4, $0x400;
	v3 =	vor.u32 v40, v60;
	[tilespmem:$0x1F8D0] =	vst v29  }
0x3df: {  	vm5 =	vlt.u32 v3, $0x400;
	v3 =	vadd.s32 s31, v29;
	v60 =	vadd.f32 v8, v38;
	[tilespmem:s12+$0x4820] =	vst v36  }
0x3e0: {  	s14 =	simm.s32 $0xC;
	v7 =	vor.u32 v31, v3;
	v5 =	vor.u32 v34, v3;
	[tilespmem:s12+$0x30] =	vst v10;
	v4 =	vor.u32 v49, v3  }
0x3e1: {  	s18 =	simm.s32 $0x8;
	s16 =	simm.s32 $0x4;
	s15 =	simm.s32 $0xC480;
	v37 =	vmovc v34;
	v36 =	vmovc v31;
	[tilespmem:s12+$0x2430] =	vst v6;
	v6 =	vadd.s32 s14, v46;
	vm6 =	vlt.u32 v7, $0x400;
	v7 =	vor.u32 s14, v42  }
.LBB2_8:
0x3e2: {  	v7 =	vnsel vm6, $0x180, v7;
	v8 =	vadd.s32 s14, v51  }
0x3e3: {  	v9 =	vadd.s32 s14, v55;
	v6 =	vnsel vm6, $0x180, v6;
	vm8 =	vlt.u32 v5, $0x400  }
0x3e4: {  	vm10 =	vlt.u32 v4, $0x400;
	v4 =	vor.u32 s18, v46;
	v10 =	vor.u32 s18, v39  }
0x3e5: {  	v11 =	vor.u32 s18, v43;
	v12 =	vor.u32 s18, v45;
	v13 =	vor.u32 s18, v47  }
0x3e6: {  	v14 =	vor.u32 s18, v48;
	v15 =	vor.u32 s18, v44;
	v16 =	vor.u32 s18, v50  }
0x3e7: {  	v30 =	vadd.s32 s14, v39;
	v32 =	vadd.s32 s14, v43;
	v23 =	vor.u32 s14, v45  }
0x3e8: {  	v24 =	vadd.s32 s14, v47;
	v25 =	vadd.s32 s14, v48;
	v26 =	vor.u32 s14, v44;
	[tilespmem:s12+$0x4830] =	vst v2  }
0x3e9: {  	v27 =	vadd.s32 s14, v50;
	v2 =	vcvt.s32.f32 v7;
	v7 =	vor.u32 v53, v3;
	[tilespmem:s12+$0x40] =	vst v1  }
0x3ea: {  	v33 =	vld [tilespmem:$0x1F800];
	v1 =	vcvt.s32.f32 v6;
	v6 =	vnsel vm6, $0x180, v8;
	[tilespmem:s12+$0x4840] =	vst v63;
	v63 =	vadd.s32 s14, v41  }
0x3eb: {  	v34 =	vld [tilespmem:$0x1F820];
	v4 =	vnsel vm3, $0x180, v4;
	v10 =	vnsel vm0, $0x180, v10;
	v11 =	vnsel vm0, $0x180, v11  }
0x3ec: {  	v35 =	vld [tilespmem:$0x1F6F0];
	v12 =	vnsel vm5, $0x180, v12;
	v13 =	vnsel vm5, $0x180, v13;
	v14 =	vnsel vm5, $0x180, v14  }
0x3ed: {  	v18 =	vld [tilespmem:$0x1F700];
	v15 =	vnsel vm4, $0x180, v15;
	v16 =	vnsel vm4, $0x180, v16;
	v4 =	vcvt.s32.f32 v4  }
0x3ee: {  	v21 =	vld [tilespmem:$0x1F710];
	vm6 =	vlt.u32 v7, $0x400;
	v10 =	vcvt.s32.f32 v10;
	v11 =	vcvt.s32.f32 v11  }
0x3ef: {  	v20 =	vld [tilespmem:$0x1F740];
	[tilespmem:s15+$0x4850] =	vst v60;
	v60 =	vor.u32 s18, v55;
	v12 =	vcvt.s32.f32 v12;
	v13 =	vcvt.s32.f32 v13  }
0x3f0: {  	v22 =	vld [tilespmem:$0x1F750];
	v63 =	vnsel vm8, $0x180, v63;
	v14 =	vcvt.s32.f32 v14;
	v15 =	vcvt.s32.f32 v15  }
0x3f1: {  	v16 =	vcvt.s32.f32 v16;
	v26 =	vnsel vm6, $0x180, v26;
	v27 =	vnsel vm6, $0x180, v27  }
0x3f2: {  	v19 =	vld [tilespmem:$0x1F730];
	v60 =	vnsel vm4, $0x180, v60;
	v63 =	vcvt.s32.f32 v63;
	v26 =	vcvt.s32.f32 v26  }
0x3f3: {  	[tilespmem:s12+$0x2440] =	vst v0;
	v0 =	vadd.f32 v2, v33;
	v2 =	vcvt.s32.f32 v6;
	v6 =	vnsel vm6, $0x180, v9  }
0x3f4: {  	v31 =	vld [tilespmem:$0x1F840];
	v1 =	vadd.f32 v1, v34;
	v7 =	vor.u32 v35, v3;
	v5 =	vor.u32 s18, v21  }
0x3f5: {  	[tilespmem:s15+$0x2450] =	vst v61;
	v8 =	vor.u32 s18, v20;
	v9 =	vor.u32 s18, v22;
	v61 =	vor.u32 s14, v18  }
0x3f6: {  	[tilespmem:s15+$0x50] =	vst v62;
	v62 =	vadd.s32 s14, v21;
	v4 =	vadd.f32 v4, v34;
	v6 =	vcvt.s32.f32 v6  }
0x3f7: {  	v29 =	vld [tilespmem:$0x1F870];
	vm7 =	vlt.u32 v7, $0x400;
	v7 =	vor.u32 s18, v19;
	v61 =	vnsel vm8, $0x180, v61  }
0x3f8: {  	s12 =	sadd.s32 $0xC0, s12;
	v62 =	vnsel vm8, $0x180, v62;
	v5 =	vnsel vm2, $0x180, v5;
	v8 =	vnsel vm1, $0x180, v8  }
0x3f9: {  	v17 =	vld [tilespmem:$0x1F720];
	v9 =	vnsel vm0, $0x180, v9;
	[tilespmem:s12+$0x60] =	vst v0;
	v0 =	vadd.f32 v2, v31;
	v2 =	vor.u32 v40, v3  }
0x3fa: {  	v3 =	vor.u32 s18, v42;
	v21 =	vnsel vm7, $0x180, v30;
	v61 =	vcvt.s32.f32 v61  }
0x3fb: {  	s13 =	sadd.s32 $0xC0, s13;
	v7 =	vnsel vm1, $0x180, v7;
	v62 =	vcvt.s32.f32 v62;
	v5 =	vcvt.s32.f32 v5  }
0x3fc: {  	v28 =	vld [tilespmem:$0x1F850];
	s19 =	sand.u32 $0x3FE0, s13;
	v30 =	vadd.f32 v63, v29;
	v8 =	vcvt.s32.f32 v8;
	v9 =	vcvt.s32.f32 v9  }
0x3fd: {  	[tilespmem:s19+$0xE880] =	vst v1;
	v1 =	vadd.f32 v6, v38;
	vm9 =	vlt.u32 v2, $0x400;
	v2 =	vor.u32 s18, v18  }
0x3fe: {  	v6 =	vor.u32 s18, v17;
	v17 =	vor.u32 s14, v17;
	v18 =	vadd.s32 s14, v19  }
0x3ff: {  	v63 =	vld [tilespmem:$0x1F880];
	v19 =	vadd.s32 s14, v20;
	v20 =	vor.u32 s14, v22;
	v22 =	vnsel vm7, $0x180, v32  }
0x400: {  	v3 =	vnsel vm3, $0x180, v3;
	v21 =	vcvt.s32.f32 v21;
	[tilespmem:s19+$0x10C80] =	vst v0;
	v22 =	vcvt.s32.f32 v22  }
0x401: {  	v17 =	vnsel vm10, $0x180, v17;
	v61 =	vadd.f32 v61, v28;
	v3 =	vcvt.s32.f32 v3;
	[tilespmem:s12+$0x48B0] =	vst v1  }
0x402: {  	v32 =	vld [tilespmem:$0x1F860];
	v23 =	vnsel vm9, $0x180, v23;
	v17 =	vcvt.s32.f32 v17;
	[tilespmem:s12+$0x4870] =	vst v30;
	v22 =	vadd.f32 v22, v52  }
0x403: {  	v7 =	vcvt.s32.f32 v7;
	v23 =	vcvt.s32.f32 v23;
	[tilespmem:s12+$0x70] =	vst v61;
	v3 =	vadd.f32 v3, v33  }
0x404: {  	v0 =	vor.u32 s18, v51;
	v18 =	vnsel vm10, $0x180, v18;
	v17 =	vadd.f32 v17, v63;
	[tilespmem:s12+$0x4890] =	vst v22  }
0x405: {  	v19 =	vnsel vm10, $0x180, v19;
	v25 =	vnsel vm9, $0x180, v25;
	v23 =	vadd.f32 v23, v54;
	[tilespmem:s12+$0x0] =	vst v3  }
0x406: {  	s17 =	sadd.s32 $0xFFFFFFA0, s13;
	v20 =	vnsel vm7, $0x180, v20;
	v0 =	vnsel vm3, $0x180, v0;
	v25 =	vcvt.s32.f32 v25;
	[tilespmem:s12+$0x80] =	vst v17  }
0x407: {  	s17 =	sand.u32 $0x3FC0, s17;
	v2 =	vnsel vm2, $0x180, v2;
	v0 =	vcvt.s32.f32 v0;
	v62 =	vadd.f32 v62, v32;
	[tilespmem:s12+$0xA0] =	vst v23  }
0x408: {  	v6 =	vnsel vm1, $0x180, v6;
	v1 =	vor.u32 s18, v41;
	v22 =	vadd.f32 v25, v57;
	[tilespmem:s17+$0xE880] =	vst v4  }
0x409: {  	v30 =	vld [tilespmem:$0x1F890];
	v2 =	vcvt.s32.f32 v2;
	v1 =	vnsel vm2, $0x180, v1;
	v0 =	vadd.f32 v0, v31;
	[tilespmem:s12+$0x2470] =	vst v62  }
0x40a: {  	v6 =	vcvt.s32.f32 v6;
	v61 =	vld [tilespmem:$0x1F8A0];
	v1 =	vcvt.s32.f32 v1;
	v23 =	vadd.f32 v26, v58;
	[tilespmem:s12+$0x48A0] =	vst v22  }
0x40b: {  	v24 =	vnsel vm9, $0x180, v24;
	v2 =	vadd.f32 v2, v28;
	v3 =	vadd.f32 v5, v32;
	[tilespmem:s17+$0x10C80] =	vst v0  }
0x40c: {  	v18 =	vcvt.s32.f32 v18;
	v25 =	vld [tilespmem:$0x1F8D0];
	v5 =	vadd.f32 v1, v29;
	v4 =	vadd.f32 v6, v63;
	[tilespmem:s12+$0xB0] =	vst v23  }
0x40d: {  	v19 =	vcvt.s32.f32 v19;
	v1 =	vadd.f32 v12, v54;
	v63 =	vadd.f32 v14, v57;
	[tilespmem:s12+$0x10] =	vst v2  }
0x40e: {  	v20 =	vcvt.s32.f32 v20;
	v18 =	vadd.f32 v18, v30;
	v6 =	vadd.f32 v7, v30;
	[tilespmem:s12+$0x2410] =	vst v3  }
0x40f: {  	v0 =	vadd.f32 v13, v56;
	v62 =	vadd.f32 v19, v61;
	v19 =	vcvt.s32.f32 v27;
	v27 =	vld [tilespmem:$0x1F8B0];
	[tilespmem:s12+$0x4810] =	vst v5  }
0x410: {  	v24 =	vcvt.s32.f32 v24;
	v8 =	vadd.f32 v8, v61;
	v2 =	vadd.f32 v11, v52;
	[tilespmem:s12+$0x20] =	vst v4  }
0x411: {  	v61 =	vadd.f32 v16, v59;
	[tilespmem:s12+$0x4880] =	vst v62;
	v62 =	vld [tilespmem:$0x1F8C0];
	v17 =	vadd.f32 v19, v59;
	v26 =	vadd.s32 s16, v25  }
0x412: {  	[tilespmem:s12+$0x2480] =	vst v18;
	v31 =	vor.u32 v36, v26;
	v33 =	vor.u32 v37, v26;
	v7 =	vor.u32 v49, v26  }
0x413: {  	[tilespmem:s12+$0x2420] =	vst v6;
	v34 =	vor.u32 v35, v26;
	v35 =	vor.u32 v40, v26;
	v3 =	vor.u32 v53, v26  }
0x414: {  	[tilespmem:s12+$0x4820] =	vst v8;
	vm3 =	vlt.u32 v31, $0x400;
	vm2 =	vlt.u32 v33, $0x400;
	v18 =	vadd.f32 v20, v27  }
0x415: {  	p0 =	slt.u32 s16, $0x5E;
	[tilespmem:s12+$0x24B0] =	vst v17;
	vm1 =	vlt.u32 v7, $0x400;
	vm0 =	vlt.u32 v34, $0x400;
	v9 =	vadd.f32 v9, v27  }
.Ltmp3:
0x416: {  	s31 =	sadd.s32 $0x1, s16;
	s14 =	sadd.s32 $0x8, s14;
	vm5 =	vlt.u32 v35, $0x400;
	vm4 =	vlt.u32 v3, $0x400;
	v21 =	vadd.f32 v21, v62;
	[tilespmem:s12+$0x90] =	vst v18;
	(pc) =	sbr.rel @p0 .LBB2_8-.Ltmp3, $4  }
0x417: {  	v3 =	vadd.s32 s31, v25;
	v7 =	vor.u32 s14, v42;
	v10 =	vadd.f32 v10, v62;
	[tilespmem:s12+$0x30] =	vst v9  }
0x418: {  	v6 =	vor.u32 v36, v3;
	[tilespmem:s12+$0x2490] =	vst v21;
	v21 =	vadd.f32 v24, v56;
	v24 =	vcvt.s32.f32 v60  }
0x419: {  	v5 =	vor.u32 v37, v3;
	v4 =	vor.u32 v49, v3;
	vm6 =	vlt.u32 v6, $0x400;
	[tilespmem:s12+$0x2430] =	vst v10  }
0x41a: {  	s15 =	smov.u32 s12;
	s18 =	sadd.s32 $0xFFFFFFFC, s14;
	s16 =	sadd.s32 $0x2, s16;
	v6 =	vadd.s32 s14, v46;
	v62 =	vadd.f32 v15, v58;
	[tilespmem:s12+$0x24A0] =	vst v21;
	v60 =	vadd.f32 v24, v38  }
0x41b: {  	v10 =	vor.u32 v53, v3;
	v53 =	vld [tilespmem:$0x1F800]  }
0x41c: {  	v28 =	vld [tilespmem:$0x1F820]  }
0x41d: {  	v35 =	vld [tilespmem:$0x1F6F0]  }
0x41e: {  	v49 =	vld [tilespmem:$0x1F840]  }
0x41f: {  	v18 =	vld [tilespmem:$0x1F700]  }
0x420: {  	v22 =	vld [tilespmem:$0x1F710]  }
0x421: {  	v19 =	vld [tilespmem:$0x1F720]  }
0x422: {  	v20 =	vld [tilespmem:$0x1F730]  }
0x423: {  	v21 =	vld [tilespmem:$0x1F740]  }
0x424: {  	v23 =	vld [tilespmem:$0x1F750];
	[tilespmem:s12+$0x4830] =	vst v2  }
0x425: {  	v7 =	vnsel vm6, $0x180, v7;
	v8 =	vadd.s32 s14, v51;
	[tilespmem:s12+$0x40] =	vst v1  }
0x426: {  	v9 =	vadd.s32 s14, v55;
	v6 =	vnsel vm6, $0x180, v6;
	[tilespmem:s12+$0x2440] =	vst v0;
	v7 =	vcvt.s32.f32 v7  }
0x427: {  	[tilespmem:s12+$0x4840] =	vst v63;
	v6 =	vcvt.s32.f32 v6;
	v8 =	vnsel vm6, $0x180, v8;
	vm15 =	vlt.u32 v10, $0x400  }
0x428: {  	[tilespmem:s15+$0x50] =	vst v62;
	v8 =	vcvt.s32.f32 v8;
	v9 =	vnsel vm15, $0x180, v9;
	v7 =	vadd.f32 v7, v53  }
0x429: {  	s13 =	sadd.s32 $0xC0, s13;
	s31 =	sadd.s32 $0xC0, s12;
	[tilespmem:s15+$0x2450] =	vst v61;
	v9 =	vcvt.s32.f32 v9;
	v6 =	vadd.f32 v6, v28  }
0x42a: {  	s16 =	sand.u32 $0x3FE0, s13;
	v8 =	vadd.f32 v8, v49;
	[tilespmem:s31+$0x60] =	vst v7  }
0x42b: {  	vm9 =	vlt.u32 v4, $0x400;
	v4 =	vadd.f32 v9, v38;
	[tilespmem:s16+$0xE880] =	vst v6  }
0x42c: {  	[tilespmem:s16+$0x10C80] =	vst v8  }
0x42d: {  	[tilespmem:s31+$0x48B0] =	vst v4  }
0x42e: {  	v26 =	vld [tilespmem:$0x1F850];
	[tilespmem:s15+$0x4850] =	vst v60  }
0x42f: {  	vm10 =	vlt.u32 v5, $0x400;
	v10 =	vor.u32 v35, v3;
	v37 =	vor.u32 s14, v18;
	v35 =	vld [tilespmem:$0x1F860]  }
0x430: {  	v5 =	vor.u32 s18, v42;
	v42 =	vadd.s32 s14, v22;
	v1 =	vnsel vm10, $0x180, v37  }
0x431: {  	v0 =	vnsel vm10, $0x180, v42;
	v1 =	vcvt.s32.f32 v1  }
0x432: {  	v36 =	vor.u32 v40, v3;
	v0 =	vcvt.s32.f32 v0  }
0x433: {  	v12 =	vor.u32 s18, v41;
	v2 =	vor.u32 s18, v39;
	v1 =	vadd.f32 v1, v26  }
0x434: {  	v17 =	vor.u32 s18, v43;
	v34 =	vor.u32 s18, v45;
	v0 =	vadd.f32 v0, v35  }
0x435: {  	v31 =	vor.u32 s18, v47;
	v40 =	vor.u32 s18, v48;
	v32 =	vor.u32 s18, v44;
	[tilespmem:s31+$0x70] =	vst v1  }
0x436: {  	v29 =	vor.u32 s18, v55;
	v63 =	vadd.s32 s14, v39;
	v9 =	vor.u32 s18, v46;
	v27 =	vld [tilespmem:$0x1F870];
	[tilespmem:s31+$0x2470] =	vst v0  }
0x437: {  	v13 =	vor.u32 s18, v19;
	v46 =	vadd.s32 s14, v41;
	v19 =	vor.u32 s14, v19;
	v30 =	vld [tilespmem:$0x1F880]  }
0x438: {  	vm8 =	vlt.u32 v10, $0x400;
	v10 =	vor.u32 s18, v18;
	v18 =	vnsel vm10, $0x180, v46  }
0x439: {  	v39 =	vor.u32 s14, v45;
	v19 =	vnsel vm9, $0x180, v19;
	v18 =	vcvt.s32.f32 v18  }
0x43a: {  	v24 =	vadd.s32 s14, v48;
	v25 =	vadd.s32 s14, v50;
	v19 =	vcvt.s32.f32 v19  }
0x43b: {  	vm7 =	vlt.u32 v36, $0x400;
	v37 =	vadd.s32 s14, v43;
	v43 =	vadd.f32 v18, v27  }
0x43c: {  	v36 =	vor.u32 s18, v50;
	v5 =	vnsel vm3, $0x180, v5;
	v45 =	vadd.f32 v19, v30  }
0x43d: {  	v5 =	vcvt.s32.f32 v5;
	v3 =	vor.u32 s18, v51;
	v11 =	vor.u32 s18, v22;
	[tilespmem:s31+$0x4870] =	vst v43  }
0x43e: {  	v14 =	vor.u32 s18, v20;
	v15 =	vor.u32 s18, v21;
	v16 =	vor.u32 s18, v23;
	v33 =	vld [tilespmem:$0x1F890];
	[tilespmem:s31+$0x80] =	vst v45  }
0x43f: {  	v51 =	vadd.s32 s14, v20;
	v55 =	vadd.s32 s14, v21;
	v62 =	vor.u32 s14, v23;
	v21 =	vld [tilespmem:$0x1F8A0]  }
0x440: {  	v41 =	vadd.s32 s14, v47;
	v22 =	vnsel vm15, $0x180, v25;
	v7 =	vnsel vm9, $0x180, v51  }
0x441: {  	v42 =	vor.u32 s14, v44;
	v20 =	vnsel vm9, $0x180, v55;
	v7 =	vcvt.s32.f32 v7  }
0x442: {  	v3 =	vnsel vm3, $0x180, v3;
	v20 =	vcvt.s32.f32 v20;
	v47 =	vnsel vm8, $0x180, v37  }
0x443: {  	v8 =	vnsel vm7, $0x180, v41;
	v46 =	vadd.f32 v7, v33;
	v7 =	vcvt.s32.f32 v47  }
0x444: {  	v8 =	vcvt.s32.f32 v8;
	v4 =	vnsel vm15, $0x180, v42;
	v48 =	vadd.f32 v20, v21  }
0x445: {  	v6 =	vnsel vm8, $0x180, v63;
	v4 =	vcvt.s32.f32 v4;
	[tilespmem:s31+$0x2480] =	vst v46;
	v63 =	vadd.f32 v7, v52  }
0x446: {  	v25 =	vnsel vm3, $0x180, v9;
	v3 =	vcvt.s32.f32 v3;
	v23 =	vadd.f32 v8, v56;
	v20 =	vld [tilespmem:$0x1F8B0];
	[tilespmem:s31+$0x4880] =	vst v48  }
0x447: {  	v50 =	vnsel vm7, $0x180, v39;
	v39 =	vcvt.s32.f32 v25;
	v37 =	vadd.f32 v4, v58;
	v60 =	vld [tilespmem:$0x1F8C0];
	[tilespmem:s31+$0x4890] =	vst v63  }
0x448: {  	v5 =	vadd.f32 v5, v53;
	v44 =	vnsel vm8, $0x180, v62;
	v3 =	vadd.f32 v3, v49;
	[tilespmem:s31+$0x24A0] =	vst v23  }
0x449: {  	s13 =	sadd.s32 $0xFFFFFFA0, s13;
	v4 =	vadd.f32 v39, v28;
	v43 =	vnsel vm2, $0x180, v11;
	v7 =	vcvt.s32.f32 v22;
	[tilespmem:s31+$0xB0] =	vst v37  }
0x44a: {  	s13 =	sand.u32 $0x3FC0, s13;
	v18 =	vcvt.s32.f32 v44;
	v44 =	vnsel vm2, $0x180, v12;
	v1 =	vcvt.s32.f32 v43;
	[tilespmem:s31+$0x0] =	vst v5  }
0x44b: {  	v0 =	vcvt.s32.f32 v44;
	v45 =	vnsel vm1, $0x180, v13;
	v41 =	vadd.f32 v7, v59;
	[tilespmem:s13+$0xE880] =	vst v4  }
0x44c: {  	v1 =	vadd.f32 v1, v35;
	v46 =	vnsel vm1, $0x180, v14;
	v5 =	vcvt.s32.f32 v45;
	[tilespmem:s13+$0x10C80] =	vst v3  }
0x44d: {  	v0 =	vadd.f32 v0, v27;
	v47 =	vnsel vm1, $0x180, v15;
	v4 =	vcvt.s32.f32 v46;
	[tilespmem:s31+$0x24B0] =	vst v41  }
0x44e: {  	v3 =	vcvt.s32.f32 v47;
	v5 =	vadd.f32 v5, v30;
	[tilespmem:s31+$0x2410] =	vst v1  }
0x44f: {  	[tilespmem:s31+$0x4810] =	vst v0;
	v4 =	vadd.f32 v4, v33  }
0x450: {  	v55 =	vcvt.s32.f32 v50;
	v48 =	vnsel vm0, $0x180, v16;
	v3 =	vadd.f32 v3, v21;
	[tilespmem:s31+$0x20] =	vst v5  }
0x451: {  	v50 =	vcvt.s32.f32 v48;
	v51 =	vadd.f32 v18, v20;
	[tilespmem:s31+$0x2420] =	vst v4  }
0x452: {  	v6 =	vcvt.s32.f32 v6;
	v49 =	vnsel vm0, $0x180, v2;
	v18 =	vadd.f32 v55, v54;
	[tilespmem:s31+$0x4820] =	vst v3  }
0x453: {  	v53 =	vnsel vm5, $0x180, v34;
	v1 =	vcvt.s32.f32 v49;
	v2 =	vadd.f32 v50, v20;
	[tilespmem:s31+$0x90] =	vst v51  }
0x454: {  	v62 =	vnsel vm7, $0x180, v24;
	v5 =	vcvt.s32.f32 v53;
	v61 =	vadd.f32 v6, v60;
	[tilespmem:s31+$0xA0] =	vst v18  }
0x455: {  	v55 =	vnsel vm5, $0x180, v31;
	v6 =	vcvt.s32.f32 v62;
	v1 =	vadd.f32 v1, v60;
	[tilespmem:s31+$0x30] =	vst v2  }
0x456: {  	v60 =	vnsel vm5, $0x180, v40;
	v4 =	vcvt.s32.f32 v55;
	v5 =	vadd.f32 v5, v54;
	[tilespmem:s31+$0x2490] =	vst v61  }
0x457: {  	v51 =	vnsel vm0, $0x180, v17;
	v3 =	vcvt.s32.f32 v60;
	v24 =	vadd.f32 v6, v57;
	[tilespmem:s31+$0x2430] =	vst v1  }
0x458: {  	v42 =	vnsel vm2, $0x180, v10;
	v0 =	vcvt.s32.f32 v51;
	v4 =	vadd.f32 v4, v56;
	[tilespmem:s31+$0x40] =	vst v5  }
0x459: {  	v62 =	vnsel vm4, $0x180, v36;
	v6 =	vcvt.s32.f32 v42;
	v3 =	vadd.f32 v3, v57;
	[tilespmem:s31+$0x48A0] =	vst v24  }
0x45a: {  	v61 =	vnsel vm4, $0x180, v32;
	v1 =	vcvt.s32.f32 v62;
	v0 =	vadd.f32 v0, v52;
	[tilespmem:s31+$0x2440] =	vst v4  }
0x45b: {  	v63 =	vnsel vm4, $0x180, v29;
	v2 =	vcvt.s32.f32 v61;
	v6 =	vadd.f32 v6, v26;
	[tilespmem:s31+$0x4840] =	vst v3  }
0x45c: {  	v1 =	vadd.f32 v1, v59;
	[tilespmem:s31+$0x4830] =	vst v0;
	v0 =	vcvt.s32.f32 v63  }
0x45d: {  	v2 =	vadd.f32 v2, v58;
	[tilespmem:s31+$0x10] =	vst v6  }
0x45e: {  	s11 =	sadd.s32 $0x1, s11;
	[tilespmem:s31+$0x2450] =	vst v1;
	v0 =	vadd.f32 v0, v38  }
0x45f: {  	p0 =	sne.s32 s11, s8;
	[tilespmem:s31+$0x50] =	vst v2  }
.Ltmp4:
0x460: {  	[tilespmem:s31+$0x4850] =	vst v0;
	(pc) =	sbr.rel @p0 .LBB2_1-.Ltmp4, $4  }
0x461: {  	[hbm4b:s7+s2] =	stream.linear.scatter [tilespmem:s10], [sflag:$0x1], $0x6C00, $0x38;
	[tilespmem:$0x13080] =	vst v63  }
0x462: {  	_ =	swait.ge [sflag:s9], $0x6C00  }
0x463: {  	[sflag:s9] =	ssyncset.done $0x0  }
0x464: {  	[sflag:s9] =	ssyncadd.s32 $0xFFFF9400  }
0x465: {  	_ =	sfence.sel $0x180000  }
0x466: {  	[bflag:$0x0] =	sbarrier.arrive $0xFFFF  }
0x467: {  	p0 =	sne.s32 s0, $0x0;
	_ =	strace $0x90000047  }
0x468: {  	s0 =	sadd.s32 @!p0 $0x100000, s1;
	[bflag:$0x2] =	sbarrier.arrive $0xFFFF  }
0x469: {  	[sflag:s0] =	ssyncadd.tile.s32 @!p0 $0x1;
	_ =	shalt  }
.Lfunc_end2:
_tile_overlayer_lowered:
.L_overlay_start_2:
0x46a: {  	(tag) =	ssettag $0x2  }
0x46b: {  	s0 =	rddreg [dreg:$0x0];
	s2 =	stileid.u32  }
0x46c: {  	s1 =	rddreg [dreg:$0x1];
	p0 =	sne.s32 s2, $0x0  }
0x46d: {  	s3 =	rddreg [dreg:$0x2];
	[bflag:$0x3] =	sbarrier.arrive $0xFFFF;
	s2 =	simm.s32 @!p0 $0x1C01  }
0x46e: {  	[timem:s3], [sflag:s2] =	dma.local @!p0 [hbm:s0], s1  }
0x46f: {  	s0 =	simm.s32 @!p0 $0x1  }
0x470: {  	_ =	swait.ge @!p0 [sflag:s0], s1  }
0x471: {  	s1 =	ssub.s32 @!p0 $0x0, s1;
	[sflag:s0] =	ssyncset.done @!p0 $0x0  }
0x472: {  	[sflag:s0] =	ssyncadd.s32 @!p0 s1  }
0x473: {  	[bflag:$0x3] =	sbarrier.arrive $0xFFFF  }
0x474: {  	_ =	shalt  }

</sc_bundles>
